<compile_context>
chip_gen: v7x
topology: tpu7x:2x2x1
jax: 0.10.2.dev20260603
libtpu: 0.0.44.dev20260713+nightly
codegen_flags: <defaults>
</compile_context>

<pallas_src>
import functools

import jax
import jax.numpy as jnp
from jax import lax
from jax.experimental import pallas as pl
from jax.experimental.pallas import tpu as pltpu
from jax.experimental.pallas import tpu_sc as plsc

B, N, D = 1024, 77, 768
NUM_NAMES = 1000
PLACEHOLDER_TOKEN = 265

_NC, _NS = 2, 16
_NW = _NC * _NS
_RPW = B // _NW
_L = 16
_OFFS = (0, 16, 32, 48, 61)

_GDN = lax.GatherDimensionNumbers(
    offset_dims=(), collapsed_slice_dims=(0,), start_index_map=(0,)
)


def _rot(v, s):
    perm = ((lax.iota(jnp.int32, _L) + s) % _L).reshape(_L, 1)
    return lax.gather(
        v, perm, _GDN, slice_sizes=(1,),
        mode=lax.GatherScatterMode.PROMISE_IN_BOUNDS,
    )


def _sc_body(tok_ref, name_ref, params_ref, g_out, c_out, idx_v, col_v,
             rows_v, tokv, sem):
    wid = lax.axis_index("s") * _NC + lax.axis_index("c")
    base = wid * _RPW

    pltpu.sync_copy(name_ref.at[pl.ds(base, _RPW)], idx_v)
    pltpu.async_copy(params_ref.at[idx_v], rows_v, sem).wait()
    pltpu.sync_copy(rows_v, g_out.at[pl.ds(base, _RPW)])

    pltpu.sync_copy(tok_ref.at[pl.ds(base, _RPW)], tokv)

    lanes = lax.iota(jnp.int32, _L)
    for g in range(_RPW // _L):
        merged = jnp.zeros((_L,), jnp.int32)
        for q in range(_L):
            r = g * _L + q
            col = jnp.zeros((_L,), jnp.int32)
            for off in _OFFS:
                m = tokv[r, pl.ds(off, _L)] == PLACEHOLDER_TOKEN
                if off == 61:
                    m = jnp.logical_and(m, lanes >= 3)
                col = col + jnp.where(m, off + lanes, 0)
            for s in (8, 4, 2, 1):
                col = col + _rot(col, s)
            merged = jnp.where(lanes == q, col, merged)
        col_v[pl.ds(g * _L, _L)] = merged
    pltpu.sync_copy(col_v, c_out.at[pl.ds(base, _RPW)])


@functools.cache
def _sc_gather_cols():
    return pl.kernel(
        _sc_body,
        out_type=(
            jax.ShapeDtypeStruct((B, D), jnp.float32),
            jax.ShapeDtypeStruct((B,), jnp.int32),
        ),
        mesh=plsc.VectorSubcoreMesh(core_axis_name="c", subcore_axis_name="s"),
        scratch_types=[
            pltpu.VMEM((_RPW,), jnp.int32),
            pltpu.VMEM((_RPW,), jnp.int32),
            pltpu.VMEM((_RPW, D), jnp.float32),
            pltpu.VMEM((_RPW, N), jnp.int32),
            pltpu.SemaphoreType.DMA,
        ],
    )


_CHUNK = 256


def _tc_scatter_body(c_ref, g_ref, g_hbm, emb_ref, out_ref, sem):
    def chunk(ci, _):
        def row(i, _):
            col = c_ref[i]
            pltpu.make_async_copy(
                g_ref.at[pl.ds(i, 1)],
                out_ref.at[col, pl.ds(i, 1)],
                sem,
            ).start()
            return 0

        lax.fori_loop(ci * _CHUNK, (ci + 1) * _CHUNK, row, 0)
        pltpu.make_async_copy(
            g_hbm.at[pl.ds(0, _CHUNK)], g_ref.at[pl.ds(0, _CHUNK)], sem
        ).wait()
        return 0

    lax.fori_loop(0, B // _CHUNK, chunk, 0)


def _tc_scatter(cols, gathered, embedded_text):
    return pl.pallas_call(
        _tc_scatter_body,
        in_specs=[
            pl.BlockSpec(memory_space=pltpu.SMEM),
            pl.BlockSpec(memory_space=pltpu.VMEM),
            pl.BlockSpec(memory_space=pl.ANY),
            pl.BlockSpec(memory_space=pl.ANY),
        ],
        out_specs=pl.BlockSpec(memory_space=pl.ANY),
        out_shape=jax.ShapeDtypeStruct((N, B, D), jnp.float32),
        scratch_shapes=[pltpu.SemaphoreType.DMA],
        input_output_aliases={3: 0},
    )(cols, gathered, gathered, embedded_text)


def kernel(tokenized_text, embedded_text, name, params):
    params2d = params.reshape(NUM_NAMES, D)
    gathered, cols = _sc_gather_cols()(tokenized_text, name, params2d)
    zero = jnp.minimum(name[0], 0).astype(jnp.float32)
    emb_t = jnp.transpose(embedded_text, (1, 0, 2)) + zero
    out_t = _tc_scatter(cols, gathered, emb_t)
    return jnp.transpose(out_t, (1, 0, 2))

# --- scband reference (transcript-rebuilt; emitter-appended) ---
"""Pipeline reference for scband-embedding-manager-77481210019911 (READ-ONLY COPY).

The authoritative reference and input builder live on the scoring server;
editing this copy changes nothing except your own understanding.
"""

import jax, jax.numpy as jnp
import numpy as np

B, N, D = 1024, 77, 768
NUM_NAMES = 1000
PLACEHOLDER_TOKEN = 265
VOCAB = 49408


def setup_inputs(seed: int = 0) -> dict:
    key = jax.random.key(seed)
    k1, k2, k3, k4, k5 = jax.random.split(key, 5)
    # random tokens, strictly above the placeholder token id so no accidental matches
    tokenized_text = jax.random.randint(k1, (B, N), PLACEHOLDER_TOKEN + 1, VOCAB, dtype=jnp.int32)
    # insert exactly one placeholder token per row at a random column
    cols = jax.random.randint(k2, (B,), 1, N - 1, dtype=jnp.int32)
    tokenized_text = tokenized_text.at[jnp.arange(B), cols].set(PLACEHOLDER_TOKEN)
    embedded_text = jax.random.normal(k3, (B, N, D), dtype=jnp.float32)
    # per-sample 'name' -> which learned per-name parameter vector to use
    name = jax.random.randint(k4, (B,), 0, NUM_NAMES, dtype=jnp.int32)
    # string_to_param_dict materialized as a table [NUM_NAMES, num_vectors_per_token=1, D]
    params = jax.random.normal(k5, (NUM_NAMES, 1, D), dtype=jnp.float32) * 0.02
    return {"tokenized_text": tokenized_text, "embedded_text": embedded_text, "name": name, "params": params}


def reference(tokenized_text, embedded_text, name, params):
    # EmbeddingManager.forward, max_vectors_per_token == 1 branch:
    #   placeholder_embedding = stack([string_to_param_dict[i] for i in name])  -> gather
    #   placeholder_idx = where(tokenized_text == placeholder_token)
    #   embedded_text[placeholder_idx] = placeholder_embedding                 -> scatter overwrite
    placeholder_embedding = jnp.take(params, name, axis=0)[:, 0, :]  # [B, D]
    mask = tokenized_text == PLACEHOLDER_TOKEN
    cols = jnp.argmax(mask, axis=1)  # exactly one match per row
    rows = jnp.arange(tokenized_text.shape[0])
    new_embedded_text = embedded_text.at[rows, cols].set(placeholder_embedding)
    return new_embedded_text

if __name__ == "__main__":
    import jax
    _d = setup_inputs()
    print(jax.jit(kernel)(*tuple(_d.values())))

</pallas_src>

<mosaic_0001>
#map = affine_map<(d0, d1) -> (0, 0)>
#map1 = affine_map<(d0, d1) -> (0)>
module attributes {stable_mosaic.version = 14 : i64} {
  func.func @_sc_body(%arg0: i32, %arg1: i32, %arg2: memref<1024x77xi32, #tpu.memory_space<hbm>>, %arg3: memref<1024xi32, #tpu.memory_space<hbm>>, %arg4: memref<1000x768xf32, #tpu.memory_space<hbm>>, %arg5: memref<1024x768xf32, #tpu.memory_space<hbm>>, %arg6: memref<1024xi32, #tpu.memory_space<hbm>>, %arg7: memref<32xi32, #tpu.memory_space<vmem>>, %arg8: memref<32xi32, #tpu.memory_space<vmem>>, %arg9: memref<32x768xf32, #tpu.memory_space<vmem>>, %arg10: memref<32x77xi32, #tpu.memory_space<vmem>>, %arg11: memref<!tpu.dma_semaphore, #tpu.memory_space<semaphore_mem>>) attributes {dimension_semantics = [#tpu.dimension_semantics<core_parallel>, #tpu.dimension_semantics<subcore_parallel>], iteration_bounds = array<i64: 2, 16>, scalar_prefetch = 0 : i64, scratch_operands = 5 : i64, tpu.core_type = #tpu.core_type<sc_vector_subcore>, window_params = [{transform_indices = #map}, {transform_indices = #map1}, {transform_indices = #map}, {transform_indices = #map}, {transform_indices = #map1}]} {
    %mul3A = arith.constant 2 : i32
    %mul3A_0 = arith.muli %arg1, %mul3A : i32
    %add3A = arith.addi %mul3A_0, %arg0 : i32
    %mul3A_1 = arith.constant 32 : i32
    %mul3A_2 = arith.muli %add3A, %mul3A_1 : i32
    "tpu.region"() ({
      %run_scoped3A = tpu.sem_alloc : memref<!tpu.dma_semaphore, #tpu.memory_space<semaphore_mem>>
      %dma_start3A_6566 = tpu.memref_slice %arg3[%mul3A_2] : memref<1024xi32, #tpu.memory_space<hbm>> -> memref<32xi32, #tpu.memory_space<hbm>>
      %dma_start3A_6567 = tpu.memref_slice %arg3[%mul3A_2] : memref<1024xi32, #tpu.memory_space<hbm>> -> memref<32xi32, #tpu.memory_space<hbm>>
      tpu.enqueue_dma source(%dma_start3A_6567 : memref<32xi32, #tpu.memory_space<hbm>>) target(%arg7 : memref<32xi32, #tpu.memory_space<vmem>>) target_semaphore(%run_scoped3A : memref<!tpu.dma_semaphore, #tpu.memory_space<semaphore_mem>>)
      %dma_wait3A_6568 = tpu.memref_slice %arg3[%mul3A_2] : memref<1024xi32, #tpu.memory_space<hbm>> -> memref<32xi32, #tpu.memory_space<hbm>>
      %dma_wait3A_6569 = tpu.memref_slice %arg3[%mul3A_2] : memref<1024xi32, #tpu.memory_space<hbm>> -> memref<32xi32, #tpu.memory_space<hbm>>
      tpu.wait_dma2 semaphore(%run_scoped3A : memref<!tpu.dma_semaphore, #tpu.memory_space<semaphore_mem>>) src(%dma_wait3A_6569 : memref<32xi32, #tpu.memory_space<hbm>>) dst(%arg7 : memref<32xi32, #tpu.memory_space<vmem>>)
      tpu.yield
    }) : () -> ()
    %dma_start3A = arith.constant 0 : i32
    %dma_start3A_3 = arith.constant 0 : i32
    %dma_start3A_4 = tpu.memref_slice %arg4[%dma_start3A, %dma_start3A_3] : memref<1000x768xf32, #tpu.memory_space<hbm>> -> memref<1000x768xf32, #tpu.memory_space<hbm>>
    tpu.enqueue_indirect_dma source(%dma_start3A_4 : memref<1000x768xf32, #tpu.memory_space<hbm>>) target(%arg9 : memref<32x768xf32, #tpu.memory_space<vmem>>) offsets(%arg7 : memref<32xi32, #tpu.memory_space<vmem>>) semaphore(%arg11 : memref<!tpu.dma_semaphore, #tpu.memory_space<semaphore_mem>>)
    %dma_wait3A = arith.constant 0 : i32
    %dma_wait3A_5 = arith.constant 0 : i32
    %dma_wait3A_6 = tpu.memref_slice %arg4[%dma_wait3A, %dma_wait3A_5] : memref<1000x768xf32, #tpu.memory_space<hbm>> -> memref<1000x768xf32, #tpu.memory_space<hbm>>
    tpu.wait_indirect_dma semaphore(%arg11 : memref<!tpu.dma_semaphore, #tpu.memory_space<semaphore_mem>>) src(%dma_wait3A_6 : memref<1000x768xf32, #tpu.memory_space<hbm>>) dst(%arg9 : memref<32x768xf32, #tpu.memory_space<vmem>>)
    "tpu.region"() ({
      %run_scoped3A = tpu.sem_alloc : memref<!tpu.dma_semaphore, #tpu.memory_space<semaphore_mem>>
      %dma_start3A_6566 = arith.constant 0 : i32
      %dma_start3A_6567 = tpu.memref_slice %arg5[%mul3A_2, %dma_start3A_6566] : memref<1024x768xf32, #tpu.memory_space<hbm>> -> memref<32x768xf32, #tpu.memory_space<hbm>>
      %dma_start3A_6568 = arith.constant 0 : i32
      %dma_start3A_6569 = tpu.memref_slice %arg5[%mul3A_2, %dma_start3A_6568] : memref<1024x768xf32, #tpu.memory_space<hbm>> -> memref<32x768xf32, #tpu.memory_space<hbm>>
      tpu.enqueue_dma source(%arg9 : memref<32x768xf32, #tpu.memory_space<vmem>>) target(%dma_start3A_6569 : memref<32x768xf32, #tpu.memory_space<hbm>>) target_semaphore(%run_scoped3A : memref<!tpu.dma_semaphore, #tpu.memory_space<semaphore_mem>>)
      %dma_wait3A_6570 = arith.constant 0 : i32
      %dma_wait3A_6571 = tpu.memref_slice %arg5[%mul3A_2, %dma_wait3A_6570] : memref<1024x768xf32, #tpu.memory_space<hbm>> -> memref<32x768xf32, #tpu.memory_space<hbm>>
      %dma_wait3A_6572 = arith.constant 0 : i32
      %dma_wait3A_6573 = tpu.memref_slice %arg5[%mul3A_2, %dma_wait3A_6572] : memref<1024x768xf32, #tpu.memory_space<hbm>> -> memref<32x768xf32, #tpu.memory_space<hbm>>
      tpu.wait_dma2 semaphore(%run_scoped3A : memref<!tpu.dma_semaphore, #tpu.memory_space<semaphore_mem>>) src(%arg9 : memref<32x768xf32, #tpu.memory_space<vmem>>) dst(%dma_wait3A_6573 : memref<32x768xf32, #tpu.memory_space<hbm>>)
      tpu.yield
    }) : () -> ()
    "tpu.region"() ({
      %run_scoped3A = tpu.sem_alloc : memref<!tpu.dma_semaphore, #tpu.memory_space<semaphore_mem>>
      %dma_start3A_6566 = arith.constant 0 : i32
      %dma_start3A_6567 = tpu.memref_slice %arg2[%mul3A_2, %dma_start3A_6566] : memref<1024x77xi32, #tpu.memory_space<hbm>> -> memref<32x77xi32, #tpu.memory_space<hbm>>
      %dma_start3A_6568 = arith.constant 0 : i32
      %dma_start3A_6569 = tpu.memref_slice %arg2[%mul3A_2, %dma_start3A_6568] : memref<1024x77xi32, #tpu.memory_space<hbm>> -> memref<32x77xi32, #tpu.memory_space<hbm>>
      tpu.enqueue_dma source(%dma_start3A_6569 : memref<32x77xi32, #tpu.memory_space<hbm>>) target(%arg10 : memref<32x77xi32, #tpu.memory_space<vmem>>) target_semaphore(%run_scoped3A : memref<!tpu.dma_semaphore, #tpu.memory_space<semaphore_mem>>)
      %dma_wait3A_6570 = arith.constant 0 : i32
      %dma_wait3A_6571 = tpu.memref_slice %arg2[%mul3A_2, %dma_wait3A_6570] : memref<1024x77xi32, #tpu.memory_space<hbm>> -> memref<32x77xi32, #tpu.memory_space<hbm>>
      %dma_wait3A_6572 = arith.constant 0 : i32
      %dma_wait3A_6573 = tpu.memref_slice %arg2[%mul3A_2, %dma_wait3A_6572] : memref<1024x77xi32, #tpu.memory_space<hbm>> -> memref<32x77xi32, #tpu.memory_space<hbm>>
      tpu.wait_dma2 semaphore(%run_scoped3A : memref<!tpu.dma_semaphore, #tpu.memory_space<semaphore_mem>>) src(%dma_wait3A_6573 : memref<32x77xi32, #tpu.memory_space<hbm>>) dst(%arg10 : memref<32x77xi32, #tpu.memory_space<vmem>>)
      tpu.yield
    }) : () -> ()
    %iota3A = tpu.iota {dimensions = array<i32: 0>} : vector<16xi32>
    %broadcast_in_dim3A = arith.constant 0 : i32
    %broadcast_in_dim3A_7 = vector.broadcast %broadcast_in_dim3A : i32 to vector<16xi32>
    %broadcast_in_dim3A_8 = arith.constant 0 : i32
    %broadcast_in_dim3A_9 = vector.broadcast %broadcast_in_dim3A_8 : i32 to vector<16xi32>
    %get3A = arith.constant 0 : i32
    %get3A_10 = arith.index_cast %get3A : i32 to index
    %get3A_11 = arith.constant 0 : index
    %get3A_12 = tpu.vector_load %arg10[%get3A_10, %get3A_11] {strides = array<i32>} : memref<32x77xi32, #tpu.memory_space<vmem>>, vector<1x16xi32>,
    %get3A_13 = vector.shape_cast %get3A_12 : vector<1x16xi32> to vector<16xi32>
    %eq3A = arith.constant 265 : i32
    %eq3A_14 = vector.broadcast %eq3A : i32 to vector<16xi32>
    %eq3A_15 = arith.cmpi eq, %get3A_13, %eq3A_14 : vector<16xi32>
    %add3A_16 = arith.constant 0 : i32
    %add3A_17 = vector.broadcast %add3A_16 : i32 to vector<16xi32>
    %add3A_18 = arith.addi %add3A_17, %iota3A : vector<16xi32>
    %jit3A = arith.constant 0 : i32
    %broadcast_in_dim3A_19 = vector.broadcast %jit3A : i32 to vector<16xi32>
    %select_n3A = arith.select %eq3A_15, %add3A_18, %broadcast_in_dim3A_19 : vector<16xi1>, vector<16xi32>
    %add3A_20 = arith.addi %broadcast_in_dim3A_9, %select_n3A : vector<16xi32>
    %get3A_21 = arith.constant 0 : i32
    %get3A_22 = arith.index_cast %get3A_21 : i32 to index
    %get3A_23 = arith.constant 16 : index
    %get3A_24 = tpu.vector_load %arg10[%get3A_22, %get3A_23] {strides = array<i32>} : memref<32x77xi32, #tpu.memory_space<vmem>>, vector<1x16xi32>,
    %get3A_25 = vector.shape_cast %get3A_24 : vector<1x16xi32> to vector<16xi32>
    %eq3A_26 = arith.constant 265 : i32
    %eq3A_27 = vector.broadcast %eq3A_26 : i32 to vector<16xi32>
    %eq3A_28 = arith.cmpi eq, %get3A_25, %eq3A_27 : vector<16xi32>
    %add3A_29 = arith.constant 16 : i32
    %add3A_30 = vector.broadcast %add3A_29 : i32 to vector<16xi32>
    %add3A_31 = arith.addi %add3A_30, %iota3A : vector<16xi32>
    %jit3A_32 = arith.constant 0 : i32
    %broadcast_in_dim3A_33 = vector.broadcast %jit3A_32 : i32 to vector<16xi32>
    %select_n3A_34 = arith.select %eq3A_28, %add3A_31, %broadcast_in_dim3A_33 : vector<16xi1>, vector<16xi32>
    %add3A_35 = arith.addi %add3A_20, %select_n3A_34 : vector<16xi32>
    %get3A_36 = arith.constant 0 : i32
    %get3A_37 = arith.index_cast %get3A_36 : i32 to index
    %get3A_38 = arith.constant 32 : index
    %get3A_39 = tpu.vector_load %arg10[%get3A_37, %get3A_38] {strides = array<i32>} : memref<32x77xi32, #tpu.memory_space<vmem>>, vector<1x16xi32>,
    %get3A_40 = vector.shape_cast %get3A_39 : vector<1x16xi32> to vector<16xi32>
    %eq3A_41 = arith.constant 265 : i32
    %eq3A_42 = vector.broadcast %eq3A_41 : i32 to vector<16xi32>
    %eq3A_43 = arith.cmpi eq, %get3A_40, %eq3A_42 : vector<16xi32>
    %add3A_44 = arith.constant 32 : i32
    %add3A_45 = vector.broadcast %add3A_44 : i32 to vector<16xi32>
    %add3A_46 = arith.addi %add3A_45, %iota3A : vector<16xi32>
    %jit3A_47 = arith.constant 0 : i32
    %broadcast_in_dim3A_48 = vector.broadcast %jit3A_47 : i32 to vector<16xi32>
    %select_n3A_49 = arith.select %eq3A_43, %add3A_46, %broadcast_in_dim3A_48 : vector<16xi1>, vector<16xi32>
    %add3A_50 = arith.addi %add3A_35, %select_n3A_49 : vector<16xi32>
    %get3A_51 = arith.constant 0 : i32
    %get3A_52 = arith.index_cast %get3A_51 : i32 to index
    %get3A_53 = arith.constant 48 : index
    %get3A_54 = tpu.vector_load %arg10[%get3A_52, %get3A_53] {strides = array<i32>} : memref<32x77xi32, #tpu.memory_space<vmem>>, vector<1x16xi32>,
    %get3A_55 = vector.shape_cast %get3A_54 : vector<1x16xi32> to vector<16xi32>
    %eq3A_56 = arith.constant 265 : i32
    %eq3A_57 = vector.broadcast %eq3A_56 : i32 to vector<16xi32>
    %eq3A_58 = arith.cmpi eq, %get3A_55, %eq3A_57 : vector<16xi32>
    %add3A_59 = arith.constant 48 : i32
    %add3A_60 = vector.broadcast %add3A_59 : i32 to vector<16xi32>
    %add3A_61 = arith.addi %add3A_60, %iota3A : vector<16xi32>
    %jit3A_62 = arith.constant 0 : i32
    %broadcast_in_dim3A_63 = vector.broadcast %jit3A_62 : i32 to vector<16xi32>
    %select_n3A_64 = arith.select %eq3A_58, %add3A_61, %broadcast_in_dim3A_63 : vector<16xi1>, vector<16xi32>
    %add3A_65 = arith.addi %add3A_50, %select_n3A_64 : vector<16xi32>
    %get3A_66 = arith.constant 0 : i32
    %get3A_67 = arith.index_cast %get3A_66 : i32 to index
    %get3A_68 = arith.constant 61 : index
    %get3A_69 = tpu.vector_load %arg10[%get3A_67, %get3A_68] {strides = array<i32>} : memref<32x77xi32, #tpu.memory_space<vmem>>, vector<1x16xi32>,
    %get3A_70 = vector.shape_cast %get3A_69 : vector<1x16xi32> to vector<16xi32>
    %eq3A_71 = arith.constant 265 : i32
    %eq3A_72 = vector.broadcast %eq3A_71 : i32 to vector<16xi32>
    %eq3A_73 = arith.cmpi eq, %get3A_70, %eq3A_72 : vector<16xi32>
    %ge3A = arith.constant 3 : i32
    %ge3A_74 = vector.broadcast %ge3A : i32 to vector<16xi32>
    %ge3A_75 = arith.cmpi sge, %iota3A, %ge3A_74 : vector<16xi32>
    %and3A = arith.andi %eq3A_73, %ge3A_75 : vector<16xi1>
    %add3A_76 = arith.constant 61 : i32
    %add3A_77 = vector.broadcast %add3A_76 : i32 to vector<16xi32>
    %add3A_78 = arith.addi %add3A_77, %iota3A : vector<16xi32>
    %jit3A_79 = arith.constant 0 : i32
    %broadcast_in_dim3A_80 = vector.broadcast %jit3A_79 : i32 to vector<16xi32>
    %select_n3A_81 = arith.select %and3A, %add3A_78, %broadcast_in_dim3A_80 : vector<16xi1>, vector<16xi32>
    %add3A_82 = arith.addi %add3A_65, %select_n3A_81 : vector<16xi32>
    %iota3A_83 = tpu.iota {dimensions = array<i32: 0>} : vector<16xi32>
    %add3A_84 = arith.constant 8 : i32
    %add3A_85 = vector.broadcast %add3A_84 : i32 to vector<16xi32>
    %add3A_86 = arith.addi %iota3A_83, %add3A_85 : vector<16xi32>
    %jit3A_87 = arith.constant 16 : i32
    %eq3A_88 = arith.constant 0 : i32
    %eq3A_89 = arith.cmpi eq, %jit3A_87, %eq3A_88 : i32
    %jit3A_90 = arith.constant 1 : i32
    %select_n3A_91 = arith.select %eq3A_89, %jit3A_90, %jit3A_87 : i32
    %rem3A = vector.broadcast %select_n3A_91 : i32 to vector<16xi32>
    %rem3A_92 = arith.remsi %add3A_86, %rem3A : vector<16xi32>
    %ne3A = arith.constant 0 : i32
    %ne3A_93 = vector.broadcast %ne3A : i32 to vector<16xi32>
    %ne3A_94 = arith.cmpi ne, %rem3A_92, %ne3A_93 : vector<16xi32>
    %lt3A = arith.constant 0 : i32
    %lt3A_95 = vector.broadcast %lt3A : i32 to vector<16xi32>
    %lt3A_96 = arith.cmpi slt, %rem3A_92, %lt3A_95 : vector<16xi32>
    %lt3A_97 = arith.constant 0 : i32
    %lt3A_98 = arith.cmpi slt, %select_n3A_91, %lt3A_97 : i32
    %ne3A_99 = vector.broadcast %lt3A_98 : i1 to vector<16xi1>
    %ne3A_100 = vector.broadcast %ne3A_99 : vector<16xi1> to vector<16xi1>
    %ne3A_101 = arith.xori %lt3A_96, %ne3A_100 : vector<16xi1>
    %and3A_102 = arith.andi %ne3A_101, %ne3A_94 : vector<16xi1>
    %add3A_103 = vector.broadcast %select_n3A_91 : i32 to vector<16xi32>
    %add3A_104 = arith.addi %rem3A_92, %add3A_103 : vector<16xi32>
    %select_n3A_105 = arith.select %and3A_102, %add3A_104, %rem3A_92 : vector<16xi1>, vector<16xi32>
    %reshape3A = vector.shape_cast %select_n3A_105 : vector<16xi32> to vector<16x1xi32>
    %gather3A = vector.shape_cast %reshape3A : vector<16x1xi32> to vector<16xi32>
    %gather3A_106 = tpu.dynamic_gather %add3A_82[%gather3A] in [0] : vector<16xi32>, vector<16xi32> -> vector<16xi32>
    %add3A_107 = arith.addi %add3A_82, %gather3A_106 : vector<16xi32>
    %iota3A_108 = tpu.iota {dimensions = array<i32: 0>} : vector<16xi32>
    %add3A_109 = arith.constant 4 : i32
    %add3A_110 = vector.broadcast %add3A_109 : i32 to vector<16xi32>
    %add3A_111 = arith.addi %iota3A_108, %add3A_110 : vector<16xi32>
    %jit3A_112 = arith.constant 16 : i32
    %eq3A_113 = arith.constant 0 : i32
    %eq3A_114 = arith.cmpi eq, %jit3A_112, %eq3A_113 : i32
    %jit3A_115 = arith.constant 1 : i32
    %select_n3A_116 = arith.select %eq3A_114, %jit3A_115, %jit3A_112 : i32
    %rem3A_117 = vector.broadcast %select_n3A_116 : i32 to vector<16xi32>
    %rem3A_118 = arith.remsi %add3A_111, %rem3A_117 : vector<16xi32>
    %ne3A_119 = arith.constant 0 : i32
    %ne3A_120 = vector.broadcast %ne3A_119 : i32 to vector<16xi32>
    %ne3A_121 = arith.cmpi ne, %rem3A_118, %ne3A_120 : vector<16xi32>
    %lt3A_122 = arith.constant 0 : i32
    %lt3A_123 = vector.broadcast %lt3A_122 : i32 to vector<16xi32>
    %lt3A_124 = arith.cmpi slt, %rem3A_118, %lt3A_123 : vector<16xi32>
    %lt3A_125 = arith.constant 0 : i32
    %lt3A_126 = arith.cmpi slt, %select_n3A_116, %lt3A_125 : i32
    %ne3A_127 = vector.broadcast %lt3A_126 : i1 to vector<16xi1>
    %ne3A_128 = vector.broadcast %ne3A_127 : vector<16xi1> to vector<16xi1>
    %ne3A_129 = arith.xori %lt3A_124, %ne3A_128 : vector<16xi1>
    %and3A_130 = arith.andi %ne3A_129, %ne3A_121 : vector<16xi1>
    %add3A_131 = vector.broadcast %select_n3A_116 : i32 to vector<16xi32>
    %add3A_132 = arith.addi %rem3A_118, %add3A_131 : vector<16xi32>
    %select_n3A_133 = arith.select %and3A_130, %add3A_132, %rem3A_118 : vector<16xi1>, vector<16xi32>
    %reshape3A_134 = vector.shape_cast %select_n3A_133 : vector<16xi32> to vector<16x1xi32>
    %gather3A_135 = vector.shape_cast %reshape3A_134 : vector<16x1xi32> to vector<16xi32>
    %gather3A_136 = tpu.dynamic_gather %add3A_107[%gather3A_135] in [0] : vector<16xi32>, vector<16xi32> -> vector<16xi32>
    %add3A_137 = arith.addi %add3A_107, %gather3A_136 : vector<16xi32>
    %iota3A_138 = tpu.iota {dimensions = array<i32: 0>} : vector<16xi32>
    %add3A_139 = arith.constant 2 : i32
    %add3A_140 = vector.broadcast %add3A_139 : i32 to vector<16xi32>
    %add3A_141 = arith.addi %iota3A_138, %add3A_140 : vector<16xi32>
    %jit3A_142 = arith.constant 16 : i32
    %eq3A_143 = arith.constant 0 : i32
    %eq3A_144 = arith.cmpi eq, %jit3A_142, %eq3A_143 : i32
    %jit3A_145 = arith.constant 1 : i32
    %select_n3A_146 = arith.select %eq3A_144, %jit3A_145, %jit3A_142 : i32
    %rem3A_147 = vector.broadcast %select_n3A_146 : i32 to vector<16xi32>
    %rem3A_148 = arith.remsi %add3A_141, %rem3A_147 : vector<16xi32>
    %ne3A_149 = arith.constant 0 : i32
    %ne3A_150 = vector.broadcast %ne3A_149 : i32 to vector<16xi32>
    %ne3A_151 = arith.cmpi ne, %rem3A_148, %ne3A_150 : vector<16xi32>
    %lt3A_152 = arith.constant 0 : i32
    %lt3A_153 = vector.broadcast %lt3A_152 : i32 to vector<16xi32>
    %lt3A_154 = arith.cmpi slt, %rem3A_148, %lt3A_153 : vector<16xi32>
    %lt3A_155 = arith.constant 0 : i32
    %lt3A_156 = arith.cmpi slt, %select_n3A_146, %lt3A_155 : i32
    %ne3A_157 = vector.broadcast %lt3A_156 : i1 to vector<16xi1>
    %ne3A_158 = vector.broadcast %ne3A_157 : vector<16xi1> to vector<16xi1>
    %ne3A_159 = arith.xori %lt3A_154, %ne3A_158 : vector<16xi1>
    %and3A_160 = arith.andi %ne3A_159, %ne3A_151 : vector<16xi1>
    %add3A_161 = vector.broadcast %select_n3A_146 : i32 to vector<16xi32>
    %add3A_162 = arith.addi %rem3A_148, %add3A_161 : vector<16xi32>
    %select_n3A_163 = arith.select %and3A_160, %add3A_162, %rem3A_148 : vector<16xi1>, vector<16xi32>
    %reshape3A_164 = vector.shape_cast %select_n3A_163 : vector<16xi32> to vector<16x1xi32>
    %gather3A_165 = vector.shape_cast %reshape3A_164 : vector<16x1xi32> to vector<16xi32>
    %gather3A_166 = tpu.dynamic_gather %add3A_137[%gather3A_165] in [0] : vector<16xi32>, vector<16xi32> -> vector<16xi32>
    %add3A_167 = arith.addi %add3A_137, %gather3A_166 : vector<16xi32>
    %iota3A_168 = tpu.iota {dimensions = array<i32: 0>} : vector<16xi32>
    %add3A_169 = arith.constant 1 : i32
    %add3A_170 = vector.broadcast %add3A_169 : i32 to vector<16xi32>
    %add3A_171 = arith.addi %iota3A_168, %add3A_170 : vector<16xi32>
    %jit3A_172 = arith.constant 16 : i32
    %eq3A_173 = arith.constant 0 : i32
    %eq3A_174 = arith.cmpi eq, %jit3A_172, %eq3A_173 : i32
    %jit3A_175 = arith.constant 1 : i32
    %select_n3A_176 = arith.select %eq3A_174, %jit3A_175, %jit3A_172 : i32
    %rem3A_177 = vector.broadcast %select_n3A_176 : i32 to vector<16xi32>
    %rem3A_178 = arith.remsi %add3A_171, %rem3A_177 : vector<16xi32>
    %ne3A_179 = arith.constant 0 : i32
    %ne3A_180 = vector.broadcast %ne3A_179 : i32 to vector<16xi32>
    %ne3A_181 = arith.cmpi ne, %rem3A_178, %ne3A_180 : vector<16xi32>
    %lt3A_182 = arith.constant 0 : i32
    %lt3A_183 = vector.broadcast %lt3A_182 : i32 to vector<16xi32>
    %lt3A_184 = arith.cmpi slt, %rem3A_178, %lt3A_183 : vector<16xi32>
    %lt3A_185 = arith.constant 0 : i32
    %lt3A_186 = arith.cmpi slt, %select_n3A_176, %lt3A_185 : i32
    %ne3A_187 = vector.broadcast %lt3A_186 : i1 to vector<16xi1>
    %ne3A_188 = vector.broadcast %ne3A_187 : vector<16xi1> to vector<16xi1>
    %ne3A_189 = arith.xori %lt3A_184, %ne3A_188 : vector<16xi1>
    %and3A_190 = arith.andi %ne3A_189, %ne3A_181 : vector<16xi1>
    %add3A_191 = vector.broadcast %select_n3A_176 : i32 to vector<16xi32>
    %add3A_192 = arith.addi %rem3A_178, %add3A_191 : vector<16xi32>
    %select_n3A_193 = arith.select %and3A_190, %add3A_192, %rem3A_178 : vector<16xi1>, vector<16xi32>
    %reshape3A_194 = vector.shape_cast %select_n3A_193 : vector<16xi32> to vector<16x1xi32>
    %gather3A_195 = vector.shape_cast %reshape3A_194 : vector<16x1xi32> to vector<16xi32>
    %gather3A_196 = tpu.dynamic_gather %add3A_167[%gather3A_195] in [0] : vector<16xi32>, vector<16xi32> -> vector<16xi32>
    %add3A_197 = arith.addi %add3A_167, %gather3A_196 : vector<16xi32>
    %eq3A_198 = arith.constant 0 : i32
    %eq3A_199 = vector.broadcast %eq3A_198 : i32 to vector<16xi32>
    %eq3A_200 = arith.cmpi eq, %iota3A, %eq3A_199 : vector<16xi32>
    %select_n3A_201 = arith.select %eq3A_200, %add3A_197, %broadcast_in_dim3A_7 : vector<16xi1>, vector<16xi32>
    %broadcast_in_dim3A_202 = arith.constant 0 : i32
    %broadcast_in_dim3A_203 = vector.broadcast %broadcast_in_dim3A_202 : i32 to vector<16xi32>
    %get3A_204 = arith.constant 1 : i32
    %get3A_205 = arith.index_cast %get3A_204 : i32 to index
    %get3A_206 = arith.constant 0 : index
    %get3A_207 = tpu.vector_load %arg10[%get3A_205, %get3A_206] {strides = array<i32>} : memref<32x77xi32, #tpu.memory_space<vmem>>, vector<1x16xi32>,
    %get3A_208 = vector.shape_cast %get3A_207 : vector<1x16xi32> to vector<16xi32>
    %eq3A_209 = arith.constant 265 : i32
    %eq3A_210 = vector.broadcast %eq3A_209 : i32 to vector<16xi32>
    %eq3A_211 = arith.cmpi eq, %get3A_208, %eq3A_210 : vector<16xi32>
    %add3A_212 = arith.constant 0 : i32
    %add3A_213 = vector.broadcast %add3A_212 : i32 to vector<16xi32>
    %add3A_214 = arith.addi %add3A_213, %iota3A : vector<16xi32>
    %jit3A_215 = arith.constant 0 : i32
    %broadcast_in_dim3A_216 = vector.broadcast %jit3A_215 : i32 to vector<16xi32>
    %select_n3A_217 = arith.select %eq3A_211, %add3A_214, %broadcast_in_dim3A_216 : vector<16xi1>, vector<16xi32>
    %add3A_218 = arith.addi %broadcast_in_dim3A_203, %select_n3A_217 : vector<16xi32>
    %get3A_219 = arith.constant 1 : i32
    %get3A_220 = arith.index_cast %get3A_219 : i32 to index
    %get3A_221 = arith.constant 16 : index
    %get3A_222 = tpu.vector_load %arg10[%get3A_220, %get3A_221] {strides = array<i32>} : memref<32x77xi32, #tpu.memory_space<vmem>>, vector<1x16xi32>,
    %get3A_223 = vector.shape_cast %get3A_222 : vector<1x16xi32> to vector<16xi32>
    %eq3A_224 = arith.constant 265 : i32
    %eq3A_225 = vector.broadcast %eq3A_224 : i32 to vector<16xi32>
    %eq3A_226 = arith.cmpi eq, %get3A_223, %eq3A_225 : vector<16xi32>
    %add3A_227 = arith.constant 16 : i32
    %add3A_228 = vector.broadcast %add3A_227 : i32 to vector<16xi32>
    %add3A_229 = arith.addi %add3A_228, %iota3A : vector<16xi32>
    %jit3A_230 = arith.constant 0 : i32
    %broadcast_in_dim3A_231 = vector.broadcast %jit3A_230 : i32 to vector<16xi32>
    %select_n3A_232 = arith.select %eq3A_226, %add3A_229, %broadcast_in_dim3A_231 : vector<16xi1>, vector<16xi32>
    %add3A_233 = arith.addi %add3A_218, %select_n3A_232 : vector<16xi32>
    %get3A_234 = arith.constant 1 : i32
    %get3A_235 = arith.index_cast %get3A_234 : i32 to index
    %get3A_236 = arith.constant 32 : index
    %get3A_237 = tpu.vector_load %arg10[%get3A_235, %get3A_236] {strides = array<i32>} : memref<32x77xi32, #tpu.memory_space<vmem>>, vector<1x16xi32>,
    %get3A_238 = vector.shape_cast %get3A_237 : vector<1x16xi32> to vector<16xi32>
    %eq3A_239 = arith.constant 265 : i32
    %eq3A_240 = vector.broadcast %eq3A_239 : i32 to vector<16xi32>
    %eq3A_241 = arith.cmpi eq, %get3A_238, %eq3A_240 : vector<16xi32>
    %add3A_242 = arith.constant 32 : i32
    %add3A_243 = vector.broadcast %add3A_242 : i32 to vector<16xi32>
    %add3A_244 = arith.addi %add3A_243, %iota3A : vector<16xi32>
    %jit3A_245 = arith.constant 0 : i32
    %broadcast_in_dim3A_246 = vector.broadcast %jit3A_245 : i32 to vector<16xi32>
    %select_n3A_247 = arith.select %eq3A_241, %add3A_244, %broadcast_in_dim3A_246 : vector<16xi1>, vector<16xi32>
    %add3A_248 = arith.addi %add3A_233, %select_n3A_247 : vector<16xi32>
    %get3A_249 = arith.constant 1 : i32
    %get3A_250 = arith.index_cast %get3A_249 : i32 to index
    %get3A_251 = arith.constant 48 : index
    %get3A_252 = tpu.vector_load %arg10[%get3A_250, %get3A_251] {strides = array<i32>} : memref<32x77xi32, #tpu.memory_space<vmem>>, vector<1x16xi32>,
    %get3A_253 = vector.shape_cast %get3A_252 : vector<1x16xi32> to vector<16xi32>
    %eq3A_254 = arith.constant 265 : i32
    %eq3A_255 = vector.broadcast %eq3A_254 : i32 to vector<16xi32>
    %eq3A_256 = arith.cmpi eq, %get3A_253, %eq3A_255 : vector<16xi32>
    %add3A_257 = arith.constant 48 : i32
    %add3A_258 = vector.broadcast %add3A_257 : i32 to vector<16xi32>
    %add3A_259 = arith.addi %add3A_258, %iota3A : vector<16xi32>
    %jit3A_260 = arith.constant 0 : i32
    %broadcast_in_dim3A_261 = vector.broadcast %jit3A_260 : i32 to vector<16xi32>
    %select_n3A_262 = arith.select %eq3A_256, %add3A_259, %broadcast_in_dim3A_261 : vector<16xi1>, vector<16xi32>
    %add3A_263 = arith.addi %add3A_248, %select_n3A_262 : vector<16xi32>
    %get3A_264 = arith.constant 1 : i32
    %get3A_265 = arith.index_cast %get3A_264 : i32 to index
    %get3A_266 = arith.constant 61 : index
    %get3A_267 = tpu.vector_load %arg10[%get3A_265, %get3A_266] {strides = array<i32>} : memref<32x77xi32, #tpu.memory_space<vmem>>, vector<1x16xi32>,
    %get3A_268 = vector.shape_cast %get3A_267 : vector<1x16xi32> to vector<16xi32>
    %eq3A_269 = arith.constant 265 : i32
    %eq3A_270 = vector.broadcast %eq3A_269 : i32 to vector<16xi32>
    %eq3A_271 = arith.cmpi eq, %get3A_268, %eq3A_270 : vector<16xi32>
    %ge3A_272 = arith.constant 3 : i32
    %ge3A_273 = vector.broadcast %ge3A_272 : i32 to vector<16xi32>
    %ge3A_274 = arith.cmpi sge, %iota3A, %ge3A_273 : vector<16xi32>
    %and3A_275 = arith.andi %eq3A_271, %ge3A_274 : vector<16xi1>
    %add3A_276 = arith.constant 61 : i32
    %add3A_277 = vector.broadcast %add3A_276 : i32 to vector<16xi32>
    %add3A_278 = arith.addi %add3A_277, %iota3A : vector<16xi32>
    %jit3A_279 = arith.constant 0 : i32
    %broadcast_in_dim3A_280 = vector.broadcast %jit3A_279 : i32 to vector<16xi32>
    %select_n3A_281 = arith.select %and3A_275, %add3A_278, %broadcast_in_dim3A_280 : vector<16xi1>, vector<16xi32>
    %add3A_282 = arith.addi %add3A_263, %select_n3A_281 : vector<16xi32>
    %iota3A_283 = tpu.iota {dimensions = array<i32: 0>} : vector<16xi32>
    %add3A_284 = arith.constant 8 : i32
    %add3A_285 = vector.broadcast %add3A_284 : i32 to vector<16xi32>
    %add3A_286 = arith.addi %iota3A_283, %add3A_285 : vector<16xi32>
    %jit3A_287 = arith.constant 16 : i32
    %eq3A_288 = arith.constant 0 : i32
    %eq3A_289 = arith.cmpi eq, %jit3A_287, %eq3A_288 : i32
    %jit3A_290 = arith.constant 1 : i32
    %select_n3A_291 = arith.select %eq3A_289, %jit3A_290, %jit3A_287 : i32
    %rem3A_292 = vector.broadcast %select_n3A_291 : i32 to vector<16xi32>
    %rem3A_293 = arith.remsi %add3A_286, %rem3A_292 : vector<16xi32>
    %ne3A_294 = arith.constant 0 : i32
    %ne3A_295 = vector.broadcast %ne3A_294 : i32 to vector<16xi32>
    %ne3A_296 = arith.cmpi ne, %rem3A_293, %ne3A_295 : vector<16xi32>
    %lt3A_297 = arith.constant 0 : i32
    %lt3A_298 = vector.broadcast %lt3A_297 : i32 to vector<16xi32>
    %lt3A_299 = arith.cmpi slt, %rem3A_293, %lt3A_298 : vector<16xi32>
    %lt3A_300 = arith.constant 0 : i32
    %lt3A_301 = arith.cmpi slt, %select_n3A_291, %lt3A_300 : i32
    %ne3A_302 = vector.broadcast %lt3A_301 : i1 to vector<16xi1>
    %ne3A_303 = vector.broadcast %ne3A_302 : vector<16xi1> to vector<16xi1>
    %ne3A_304 = arith.xori %lt3A_299, %ne3A_303 : vector<16xi1>
    %and3A_305 = arith.andi %ne3A_304, %ne3A_296 : vector<16xi1>
    %add3A_306 = vector.broadcast %select_n3A_291 : i32 to vector<16xi32>
    %add3A_307 = arith.addi %rem3A_293, %add3A_306 : vector<16xi32>
    %select_n3A_308 = arith.select %and3A_305, %add3A_307, %rem3A_293 : vector<16xi1>, vector<16xi32>
    %reshape3A_309 = vector.shape_cast %select_n3A_308 : vector<16xi32> to vector<16x1xi32>
    %gather3A_310 = vector.shape_cast %reshape3A_309 : vector<16x1xi32> to vector<16xi32>
    %gather3A_311 = tpu.dynamic_gather %add3A_282[%gather3A_310] in [0] : vector<16xi32>, vector<16xi32> -> vector<16xi32>
    %add3A_312 = arith.addi %add3A_282, %gather3A_311 : vector<16xi32>
    %iota3A_313 = tpu.iota {dimensions = array<i32: 0>} : vector<16xi32>
    %add3A_314 = arith.constant 4 : i32
    %add3A_315 = vector.broadcast %add3A_314 : i32 to vector<16xi32>
    %add3A_316 = arith.addi %iota3A_313, %add3A_315 : vector<16xi32>
    %jit3A_317 = arith.constant 16 : i32
    %eq3A_318 = arith.constant 0 : i32
    %eq3A_319 = arith.cmpi eq, %jit3A_317, %eq3A_318 : i32
    %jit3A_320 = arith.constant 1 : i32
    %select_n3A_321 = arith.select %eq3A_319, %jit3A_320, %jit3A_317 : i32
    %rem3A_322 = vector.broadcast %select_n3A_321 : i32 to vector<16xi32>
    %rem3A_323 = arith.remsi %add3A_316, %rem3A_322 : vector<16xi32>
    %ne3A_324 = arith.constant 0 : i32
    %ne3A_325 = vector.broadcast %ne3A_324 : i32 to vector<16xi32>
    %ne3A_326 = arith.cmpi ne, %rem3A_323, %ne3A_325 : vector<16xi32>
    %lt3A_327 = arith.constant 0 : i32
    %lt3A_328 = vector.broadcast %lt3A_327 : i32 to vector<16xi32>
    %lt3A_329 = arith.cmpi slt, %rem3A_323, %lt3A_328 : vector<16xi32>
    %lt3A_330 = arith.constant 0 : i32
    %lt3A_331 = arith.cmpi slt, %select_n3A_321, %lt3A_330 : i32
    %ne3A_332 = vector.broadcast %lt3A_331 : i1 to vector<16xi1>
    %ne3A_333 = vector.broadcast %ne3A_332 : vector<16xi1> to vector<16xi1>
    %ne3A_334 = arith.xori %lt3A_329, %ne3A_333 : vector<16xi1>
    %and3A_335 = arith.andi %ne3A_334, %ne3A_326 : vector<16xi1>
    %add3A_336 = vector.broadcast %select_n3A_321 : i32 to vector<16xi32>
    %add3A_337 = arith.addi %rem3A_323, %add3A_336 : vector<16xi32>
    %select_n3A_338 = arith.select %and3A_335, %add3A_337, %rem3A_323 : vector<16xi1>, vector<16xi32>
    %reshape3A_339 = vector.shape_cast %select_n3A_338 : vector<16xi32> to vector<16x1xi32>
    %gather3A_340 = vector.shape_cast %reshape3A_339 : vector<16x1xi32> to vector<16xi32>
    %gather3A_341 = tpu.dynamic_gather %add3A_312[%gather3A_340] in [0] : vector<16xi32>, vector<16xi32> -> vector<16xi32>
    %add3A_342 = arith.addi %add3A_312, %gather3A_341 : vector<16xi32>
    %iota3A_343 = tpu.iota {dimensions = array<i32: 0>} : vector<16xi32>
    %add3A_344 = arith.constant 2 : i32
    %add3A_345 = vector.broadcast %add3A_344 : i32 to vector<16xi32>
    %add3A_346 = arith.addi %iota3A_343, %add3A_345 : vector<16xi32>
    %jit3A_347 = arith.constant 16 : i32
    %eq3A_348 = arith.constant 0 : i32
    %eq3A_349 = arith.cmpi eq, %jit3A_347, %eq3A_348 : i32
    %jit3A_350 = arith.constant 1 : i32
    %select_n3A_351 = arith.select %eq3A_349, %jit3A_350, %jit3A_347 : i32
    %rem3A_352 = vector.broadcast %select_n3A_351 : i32 to vector<16xi32>
    %rem3A_353 = arith.remsi %add3A_346, %rem3A_352 : vector<16xi32>
    %ne3A_354 = arith.constant 0 : i32
    %ne3A_355 = vector.broadcast %ne3A_354 : i32 to vector<16xi32>
    %ne3A_356 = arith.cmpi ne, %rem3A_353, %ne3A_355 : vector<16xi32>
    %lt3A_357 = arith.constant 0 : i32
    %lt3A_358 = vector.broadcast %lt3A_357 : i32 to vector<16xi32>
    %lt3A_359 = arith.cmpi slt, %rem3A_353, %lt3A_358 : vector<16xi32>
    %lt3A_360 = arith.constant 0 : i32
    %lt3A_361 = arith.cmpi slt, %select_n3A_351, %lt3A_360 : i32
    %ne3A_362 = vector.broadcast %lt3A_361 : i1 to vector<16xi1>
    %ne3A_363 = vector.broadcast %ne3A_362 : vector<16xi1> to vector<16xi1>
    %ne3A_364 = arith.xori %lt3A_359, %ne3A_363 : vector<16xi1>
    %and3A_365 = arith.andi %ne3A_364, %ne3A_356 : vector<16xi1>
    %add3A_366 = vector.broadcast %select_n3A_351 : i32 to vector<16xi32>
    %add3A_367 = arith.addi %rem3A_353, %add3A_366 : vector<16xi32>
    %select_n3A_368 = arith.select %and3A_365, %add3A_367, %rem3A_353 : vector<16xi1>, vector<16xi32>
    %reshape3A_369 = vector.shape_cast %select_n3A_368 : vector<16xi32> to vector<16x1xi32>
    %gather3A_370 = vector.shape_cast %reshape3A_369 : vector<16x1xi32> to vector<16xi32>
    %gather3A_371 = tpu.dynamic_gather %add3A_342[%gather3A_370] in [0] : vector<16xi32>, vector<16xi32> -> vector<16xi32>
    %add3A_372 = arith.addi %add3A_342, %gather3A_371 : vector<16xi32>
    %iota3A_373 = tpu.iota {dimensions = array<i32: 0>} : vector<16xi32>
    %add3A_374 = arith.constant 1 : i32
    %add3A_375 = vector.broadcast %add3A_374 : i32 to vector<16xi32>
    %add3A_376 = arith.addi %iota3A_373, %add3A_375 : vector<16xi32>
    %jit3A_377 = arith.constant 16 : i32
    %eq3A_378 = arith.constant 0 : i32
    %eq3A_379 = arith.cmpi eq, %jit3A_377, %eq3A_378 : i32
    %jit3A_380 = arith.constant 1 : i32
    %select_n3A_381 = arith.select %eq3A_379, %jit3A_380, %jit3A_377 : i32
    %rem3A_382 = vector.broadcast %select_n3A_381 : i32 to vector<16xi32>
    %rem3A_383 = arith.remsi %add3A_376, %rem3A_382 : vector<16xi32>
    %ne3A_384 = arith.constant 0 : i32
    %ne3A_385 = vector.broadcast %ne3A_384 : i32 to vector<16xi32>
    %ne3A_386 = arith.cmpi ne, %rem3A_383, %ne3A_385 : vector<16xi32>
    %lt3A_387 = arith.constant 0 : i32
    %lt3A_388 = vector.broadcast %lt3A_387 : i32 to vector<16xi32>
    %lt3A_389 = arith.cmpi slt, %rem3A_383, %lt3A_388 : vector<16xi32>
    %lt3A_390 = arith.constant 0 : i32
    %lt3A_391 = arith.cmpi slt, %select_n3A_381, %lt3A_390 : i32
    %ne3A_392 = vector.broadcast %lt3A_391 : i1 to vector<16xi1>
    %ne3A_393 = vector.broadcast %ne3A_392 : vector<16xi1> to vector<16xi1>
    %ne3A_394 = arith.xori %lt3A_389, %ne3A_393 : vector<16xi1>
    %and3A_395 = arith.andi %ne3A_394, %ne3A_386 : vector<16xi1>
    %add3A_396 = vector.broadcast %select_n3A_381 : i32 to vector<16xi32>
    %add3A_397 = arith.addi %rem3A_383, %add3A_396 : vector<16xi32>
    %select_n3A_398 = arith.select %and3A_395, %add3A_397, %rem3A_383 : vector<16xi1>, vector<16xi32>
    %reshape3A_399 = vector.shape_cast %select_n3A_398 : vector<16xi32> to vector<16x1xi32>
    %gather3A_400 = vector.shape_cast %reshape3A_399 : vector<16x1xi32> to vector<16xi32>
    %gather3A_401 = tpu.dynamic_gather %add3A_372[%gather3A_400] in [0] : vector<16xi32>, vector<16xi32> -> vector<16xi32>
    %add3A_402 = arith.addi %add3A_372, %gather3A_401 : vector<16xi32>
    %eq3A_403 = arith.constant 1 : i32
    %eq3A_404 = vector.broadcast %eq3A_403 : i32 to vector<16xi32>
    %eq3A_405 = arith.cmpi eq, %iota3A, %eq3A_404 : vector<16xi32>
    %select_n3A_406 = arith.select %eq3A_405, %add3A_402, %select_n3A_201 : vector<16xi1>, vector<16xi32>
    %broadcast_in_dim3A_407 = arith.constant 0 : i32
    %broadcast_in_dim3A_408 = vector.broadcast %broadcast_in_dim3A_407 : i32 to vector<16xi32>
    %get3A_409 = arith.constant 2 : i32
    %get3A_410 = arith.index_cast %get3A_409 : i32 to index
    %get3A_411 = arith.constant 0 : index
    %get3A_412 = tpu.vector_load %arg10[%get3A_410, %get3A_411] {strides = array<i32>} : memref<32x77xi32, #tpu.memory_space<vmem>>, vector<1x16xi32>,
    %get3A_413 = vector.shape_cast %get3A_412 : vector<1x16xi32> to vector<16xi32>
    %eq3A_414 = arith.constant 265 : i32
    %eq3A_415 = vector.broadcast %eq3A_414 : i32 to vector<16xi32>
    %eq3A_416 = arith.cmpi eq, %get3A_413, %eq3A_415 : vector<16xi32>
    %add3A_417 = arith.constant 0 : i32
    %add3A_418 = vector.broadcast %add3A_417 : i32 to vector<16xi32>
    %add3A_419 = arith.addi %add3A_418, %iota3A : vector<16xi32>
    %jit3A_420 = arith.constant 0 : i32
    %broadcast_in_dim3A_421 = vector.broadcast %jit3A_420 : i32 to vector<16xi32>
    %select_n3A_422 = arith.select %eq3A_416, %add3A_419, %broadcast_in_dim3A_421 : vector<16xi1>, vector<16xi32>
    %add3A_423 = arith.addi %broadcast_in_dim3A_408, %select_n3A_422 : vector<16xi32>
    %get3A_424 = arith.constant 2 : i32
    %get3A_425 = arith.index_cast %get3A_424 : i32 to index
    %get3A_426 = arith.constant 16 : index
    %get3A_427 = tpu.vector_load %arg10[%get3A_425, %get3A_426] {strides = array<i32>} : memref<32x77xi32, #tpu.memory_space<vmem>>, vector<1x16xi32>,
    %get3A_428 = vector.shape_cast %get3A_427 : vector<1x16xi32> to vector<16xi32>
    %eq3A_429 = arith.constant 265 : i32
    %eq3A_430 = vector.broadcast %eq3A_429 : i32 to vector<16xi32>
    %eq3A_431 = arith.cmpi eq, %get3A_428, %eq3A_430 : vector<16xi32>
    %add3A_432 = arith.constant 16 : i32
    %add3A_433 = vector.broadcast %add3A_432 : i32 to vector<16xi32>
    %add3A_434 = arith.addi %add3A_433, %iota3A : vector<16xi32>
    %jit3A_435 = arith.constant 0 : i32
    %broadcast_in_dim3A_436 = vector.broadcast %jit3A_435 : i32 to vector<16xi32>
    %select_n3A_437 = arith.select %eq3A_431, %add3A_434, %broadcast_in_dim3A_436 : vector<16xi1>, vector<16xi32>
    %add3A_438 = arith.addi %add3A_423, %select_n3A_437 : vector<16xi32>
    %get3A_439 = arith.constant 2 : i32
    %get3A_440 = arith.index_cast %get3A_439 : i32 to index
    %get3A_441 = arith.constant 32 : index
    %get3A_442 = tpu.vector_load %arg10[%get3A_440, %get3A_441] {strides = array<i32>} : memref<32x77xi32, #tpu.memory_space<vmem>>, vector<1x16xi32>,
    %get3A_443 = vector.shape_cast %get3A_442 : vector<1x16xi32> to vector<16xi32>
    %eq3A_444 = arith.constant 265 : i32
    %eq3A_445 = vector.broadcast %eq3A_444 : i32 to vector<16xi32>
    %eq3A_446 = arith.cmpi eq, %get3A_443, %eq3A_445 : vector<16xi32>
    %add3A_447 = arith.constant 32 : i32
    %add3A_448 = vector.broadcast %add3A_447 : i32 to vector<16xi32>
    %add3A_449 = arith.addi %add3A_448, %iota3A : vector<16xi32>
    %jit3A_450 = arith.constant 0 : i32
    %broadcast_in_dim3A_451 = vector.broadcast %jit3A_450 : i32 to vector<16xi32>
    %select_n3A_452 = arith.select %eq3A_446, %add3A_449, %broadcast_in_dim3A_451 : vector<16xi1>, vector<16xi32>
    %add3A_453 = arith.addi %add3A_438, %select_n3A_452 : vector<16xi32>
    %get3A_454 = arith.constant 2 : i32
    %get3A_455 = arith.index_cast %get3A_454 : i32 to index
    %get3A_456 = arith.constant 48 : index
    %get3A_457 = tpu.vector_load %arg10[%get3A_455, %get3A_456] {strides = array<i32>} : memref<32x77xi32, #tpu.memory_space<vmem>>, vector<1x16xi32>,
    %get3A_458 = vector.shape_cast %get3A_457 : vector<1x16xi32> to vector<16xi32>
    %eq3A_459 = arith.constant 265 : i32
    %eq3A_460 = vector.broadcast %eq3A_459 : i32 to vector<16xi32>
    %eq3A_461 = arith.cmpi eq, %get3A_458, %eq3A_460 : vector<16xi32>
    %add3A_462 = arith.constant 48 : i32
    %add3A_463 = vector.broadcast %add3A_462 : i32 to vector<16xi32>
    %add3A_464 = arith.addi %add3A_463, %iota3A : vector<16xi32>
    %jit3A_465 = arith.constant 0 : i32
    %broadcast_in_dim3A_466 = vector.broadcast %jit3A_465 : i32 to vector<16xi32>
    %select_n3A_467 = arith.select %eq3A_461, %add3A_464, %broadcast_in_dim3A_466 : vector<16xi1>, vector<16xi32>
    %add3A_468 = arith.addi %add3A_453, %select_n3A_467 : vector<16xi32>
    %get3A_469 = arith.constant 2 : i32
    %get3A_470 = arith.index_cast %get3A_469 : i32 to index
    %get3A_471 = arith.constant 61 : index
    %get3A_472 = tpu.vector_load %arg10[%get3A_470, %get3A_471] {strides = array<i32>} : memref<32x77xi32, #tpu.memory_space<vmem>>, vector<1x16xi32>,
    %get3A_473 = vector.shape_cast %get3A_472 : vector<1x16xi32> to vector<16xi32>
    %eq3A_474 = arith.constant 265 : i32
    %eq3A_475 = vector.broadcast %eq3A_474 : i32 to vector<16xi32>
    %eq3A_476 = arith.cmpi eq, %get3A_473, %eq3A_475 : vector<16xi32>
    %ge3A_477 = arith.constant 3 : i32
    %ge3A_478 = vector.broadcast %ge3A_477 : i32 to vector<16xi32>
    %ge3A_479 = arith.cmpi sge, %iota3A, %ge3A_478 : vector<16xi32>
    %and3A_480 = arith.andi %eq3A_476, %ge3A_479 : vector<16xi1>
    %add3A_481 = arith.constant 61 : i32
    %add3A_482 = vector.broadcast %add3A_481 : i32 to vector<16xi32>
    %add3A_483 = arith.addi %add3A_482, %iota3A : vector<16xi32>
    %jit3A_484 = arith.constant 0 : i32
    %broadcast_in_dim3A_485 = vector.broadcast %jit3A_484 : i32 to vector<16xi32>
    %select_n3A_486 = arith.select %and3A_480, %add3A_483, %broadcast_in_dim3A_485 : vector<16xi1>, vector<16xi32>
    %add3A_487 = arith.addi %add3A_468, %select_n3A_486 : vector<16xi32>
    %iota3A_488 = tpu.iota {dimensions = array<i32: 0>} : vector<16xi32>
    %add3A_489 = arith.constant 8 : i32
    %add3A_490 = vector.broadcast %add3A_489 : i32 to vector<16xi32>
    %add3A_491 = arith.addi %iota3A_488, %add3A_490 : vector<16xi32>
    %jit3A_492 = arith.constant 16 : i32
    %eq3A_493 = arith.constant 0 : i32
    %eq3A_494 = arith.cmpi eq, %jit3A_492, %eq3A_493 : i32
    %jit3A_495 = arith.constant 1 : i32
    %select_n3A_496 = arith.select %eq3A_494, %jit3A_495, %jit3A_492 : i32
    %rem3A_497 = vector.broadcast %select_n3A_496 : i32 to vector<16xi32>
    %rem3A_498 = arith.remsi %add3A_491, %rem3A_497 : vector<16xi32>
    %ne3A_499 = arith.constant 0 : i32
    %ne3A_500 = vector.broadcast %ne3A_499 : i32 to vector<16xi32>
    %ne3A_501 = arith.cmpi ne, %rem3A_498, %ne3A_500 : vector<16xi32>
    %lt3A_502 = arith.constant 0 : i32
    %lt3A_503 = vector.broadcast %lt3A_502 : i32 to vector<16xi32>
    %lt3A_504 = arith.cmpi slt, %rem3A_498, %lt3A_503 : vector<16xi32>
    %lt3A_505 = arith.constant 0 : i32
    %lt3A_506 = arith.cmpi slt, %select_n3A_496, %lt3A_505 : i32
    %ne3A_507 = vector.broadcast %lt3A_506 : i1 to vector<16xi1>
    %ne3A_508 = vector.broadcast %ne3A_507 : vector<16xi1> to vector<16xi1>
    %ne3A_509 = arith.xori %lt3A_504, %ne3A_508 : vector<16xi1>
    %and3A_510 = arith.andi %ne3A_509, %ne3A_501 : vector<16xi1>
    %add3A_511 = vector.broadcast %select_n3A_496 : i32 to vector<16xi32>
    %add3A_512 = arith.addi %rem3A_498, %add3A_511 : vector<16xi32>
    %select_n3A_513 = arith.select %and3A_510, %add3A_512, %rem3A_498 : vector<16xi1>, vector<16xi32>
    %reshape3A_514 = vector.shape_cast %select_n3A_513 : vector<16xi32> to vector<16x1xi32>
    %gather3A_515 = vector.shape_cast %reshape3A_514 : vector<16x1xi32> to vector<16xi32>
    %gather3A_516 = tpu.dynamic_gather %add3A_487[%gather3A_515] in [0] : vector<16xi32>, vector<16xi32> -> vector<16xi32>
    %add3A_517 = arith.addi %add3A_487, %gather3A_516 : vector<16xi32>
    %iota3A_518 = tpu.iota {dimensions = array<i32: 0>} : vector<16xi32>
    %add3A_519 = arith.constant 4 : i32
    %add3A_520 = vector.broadcast %add3A_519 : i32 to vector<16xi32>
    %add3A_521 = arith.addi %iota3A_518, %add3A_520 : vector<16xi32>
    %jit3A_522 = arith.constant 16 : i32
    %eq3A_523 = arith.constant 0 : i32
    %eq3A_524 = arith.cmpi eq, %jit3A_522, %eq3A_523 : i32
    %jit3A_525 = arith.constant 1 : i32
    %select_n3A_526 = arith.select %eq3A_524, %jit3A_525, %jit3A_522 : i32
    %rem3A_527 = vector.broadcast %select_n3A_526 : i32 to vector<16xi32>
    %rem3A_528 = arith.remsi %add3A_521, %rem3A_527 : vector<16xi32>
    %ne3A_529 = arith.constant 0 : i32
    %ne3A_530 = vector.broadcast %ne3A_529 : i32 to vector<16xi32>
    %ne3A_531 = arith.cmpi ne, %rem3A_528, %ne3A_530 : vector<16xi32>
    %lt3A_532 = arith.constant 0 : i32
    %lt3A_533 = vector.broadcast %lt3A_532 : i32 to vector<16xi32>
    %lt3A_534 = arith.cmpi slt, %rem3A_528, %lt3A_533 : vector<16xi32>
    %lt3A_535 = arith.constant 0 : i32
    %lt3A_536 = arith.cmpi slt, %select_n3A_526, %lt3A_535 : i32
    %ne3A_537 = vector.broadcast %lt3A_536 : i1 to vector<16xi1>
    %ne3A_538 = vector.broadcast %ne3A_537 : vector<16xi1> to vector<16xi1>
    %ne3A_539 = arith.xori %lt3A_534, %ne3A_538 : vector<16xi1>
    %and3A_540 = arith.andi %ne3A_539, %ne3A_531 : vector<16xi1>
    %add3A_541 = vector.broadcast %select_n3A_526 : i32 to vector<16xi32>
    %add3A_542 = arith.addi %rem3A_528, %add3A_541 : vector<16xi32>
    %select_n3A_543 = arith.select %and3A_540, %add3A_542, %rem3A_528 : vector<16xi1>, vector<16xi32>
    %reshape3A_544 = vector.shape_cast %select_n3A_543 : vector<16xi32> to vector<16x1xi32>
    %gather3A_545 = vector.shape_cast %reshape3A_544 : vector<16x1xi32> to vector<16xi32>
    %gather3A_546 = tpu.dynamic_gather %add3A_517[%gather3A_545] in [0] : vector<16xi32>, vector<16xi32> -> vector<16xi32>
    %add3A_547 = arith.addi %add3A_517, %gather3A_546 : vector<16xi32>
    %iota3A_548 = tpu.iota {dimensions = array<i32: 0>} : vector<16xi32>
    %add3A_549 = arith.constant 2 : i32
    %add3A_550 = vector.broadcast %add3A_549 : i32 to vector<16xi32>
    %add3A_551 = arith.addi %iota3A_548, %add3A_550 : vector<16xi32>
    %jit3A_552 = arith.constant 16 : i32
    %eq3A_553 = arith.constant 0 : i32
    %eq3A_554 = arith.cmpi eq, %jit3A_552, %eq3A_553 : i32
    %jit3A_555 = arith.constant 1 : i32
    %select_n3A_556 = arith.select %eq3A_554, %jit3A_555, %jit3A_552 : i32
    %rem3A_557 = vector.broadcast %select_n3A_556 : i32 to vector<16xi32>
    %rem3A_558 = arith.remsi %add3A_551, %rem3A_557 : vector<16xi32>
    %ne3A_559 = arith.constant 0 : i32
    %ne3A_560 = vector.broadcast %ne3A_559 : i32 to vector<16xi32>
    %ne3A_561 = arith.cmpi ne, %rem3A_558, %ne3A_560 : vector<16xi32>
    %lt3A_562 = arith.constant 0 : i32
    %lt3A_563 = vector.broadcast %lt3A_562 : i32 to vector<16xi32>
    %lt3A_564 = arith.cmpi slt, %rem3A_558, %lt3A_563 : vector<16xi32>
    %lt3A_565 = arith.constant 0 : i32
    %lt3A_566 = arith.cmpi slt, %select_n3A_556, %lt3A_565 : i32
    %ne3A_567 = vector.broadcast %lt3A_566 : i1 to vector<16xi1>
    %ne3A_568 = vector.broadcast %ne3A_567 : vector<16xi1> to vector<16xi1>
    %ne3A_569 = arith.xori %lt3A_564, %ne3A_568 : vector<16xi1>
    %and3A_570 = arith.andi %ne3A_569, %ne3A_561 : vector<16xi1>
    %add3A_571 = vector.broadcast %select_n3A_556 : i32 to vector<16xi32>
    %add3A_572 = arith.addi %rem3A_558, %add3A_571 : vector<16xi32>
    %select_n3A_573 = arith.select %and3A_570, %add3A_572, %rem3A_558 : vector<16xi1>, vector<16xi32>
    %reshape3A_574 = vector.shape_cast %select_n3A_573 : vector<16xi32> to vector<16x1xi32>
    %gather3A_575 = vector.shape_cast %reshape3A_574 : vector<16x1xi32> to vector<16xi32>
    %gather3A_576 = tpu.dynamic_gather %add3A_547[%gather3A_575] in [0] : vector<16xi32>, vector<16xi32> -> vector<16xi32>
    %add3A_577 = arith.addi %add3A_547, %gather3A_576 : vector<16xi32>
    %iota3A_578 = tpu.iota {dimensions = array<i32: 0>} : vector<16xi32>
    %add3A_579 = arith.constant 1 : i32
    %add3A_580 = vector.broadcast %add3A_579 : i32 to vector<16xi32>
    %add3A_581 = arith.addi %iota3A_578, %add3A_580 : vector<16xi32>
    %jit3A_582 = arith.constant 16 : i32
    %eq3A_583 = arith.constant 0 : i32
    %eq3A_584 = arith.cmpi eq, %jit3A_582, %eq3A_583 : i32
    %jit3A_585 = arith.constant 1 : i32
    %select_n3A_586 = arith.select %eq3A_584, %jit3A_585, %jit3A_582 : i32
    %rem3A_587 = vector.broadcast %select_n3A_586 : i32 to vector<16xi32>
    %rem3A_588 = arith.remsi %add3A_581, %rem3A_587 : vector<16xi32>
    %ne3A_589 = arith.constant 0 : i32
    %ne3A_590 = vector.broadcast %ne3A_589 : i32 to vector<16xi32>
    %ne3A_591 = arith.cmpi ne, %rem3A_588, %ne3A_590 : vector<16xi32>
    %lt3A_592 = arith.constant 0 : i32
    %lt3A_593 = vector.broadcast %lt3A_592 : i32 to vector<16xi32>
    %lt3A_594 = arith.cmpi slt, %rem3A_588, %lt3A_593 : vector<16xi32>
    %lt3A_595 = arith.constant 0 : i32
    %lt3A_596 = arith.cmpi slt, %select_n3A_586, %lt3A_595 : i32
    %ne3A_597 = vector.broadcast %lt3A_596 : i1 to vector<16xi1>
    %ne3A_598 = vector.broadcast %ne3A_597 : vector<16xi1> to vector<16xi1>
    %ne3A_599 = arith.xori %lt3A_594, %ne3A_598 : vector<16xi1>
    %and3A_600 = arith.andi %ne3A_599, %ne3A_591 : vector<16xi1>
    %add3A_601 = vector.broadcast %select_n3A_586 : i32 to vector<16xi32>
    %add3A_602 = arith.addi %rem3A_588, %add3A_601 : vector<16xi32>
    %select_n3A_603 = arith.select %and3A_600, %add3A_602, %rem3A_588 : vector<16xi1>, vector<16xi32>
    %reshape3A_604 = vector.shape_cast %select_n3A_603 : vector<16xi32> to vector<16x1xi32>
    %gather3A_605 = vector.shape_cast %reshape3A_604 : vector<16x1xi32> to vector<16xi32>
    %gather3A_606 = tpu.dynamic_gather %add3A_577[%gather3A_605] in [0] : vector<16xi32>, vector<16xi32> -> vector<16xi32>
    %add3A_607 = arith.addi %add3A_577, %gather3A_606 : vector<16xi32>
    %eq3A_608 = arith.constant 2 : i32
    %eq3A_609 = vector.broadcast %eq3A_608 : i32 to vector<16xi32>
    %eq3A_610 = arith.cmpi eq, %iota3A, %eq3A_609 : vector<16xi32>
    %select_n3A_611 = arith.select %eq3A_610, %add3A_607, %select_n3A_406 : vector<16xi1>, vector<16xi32>
    %broadcast_in_dim3A_612 = arith.constant 0 : i32
    %broadcast_in_dim3A_613 = vector.broadcast %broadcast_in_dim3A_612 : i32 to vector<16xi32>
    %get3A_614 = arith.constant 3 : i32
    %get3A_615 = arith.index_cast %get3A_614 : i32 to index
    %get3A_616 = arith.constant 0 : index
    %get3A_617 = tpu.vector_load %arg10[%get3A_615, %get3A_616] {strides = array<i32>} : memref<32x77xi32, #tpu.memory_space<vmem>>, vector<1x16xi32>,
    %get3A_618 = vector.shape_cast %get3A_617 : vector<1x16xi32> to vector<16xi32>
    %eq3A_619 = arith.constant 265 : i32
    %eq3A_620 = vector.broadcast %eq3A_619 : i32 to vector<16xi32>
    %eq3A_621 = arith.cmpi eq, %get3A_618, %eq3A_620 : vector<16xi32>
    %add3A_622 = arith.constant 0 : i32
    %add3A_623 = vector.broadcast %add3A_622 : i32 to vector<16xi32>
    %add3A_624 = arith.addi %add3A_623, %iota3A : vector<16xi32>
    %jit3A_625 = arith.constant 0 : i32
    %broadcast_in_dim3A_626 = vector.broadcast %jit3A_625 : i32 to vector<16xi32>
    %select_n3A_627 = arith.select %eq3A_621, %add3A_624, %broadcast_in_dim3A_626 : vector<16xi1>, vector<16xi32>
    %add3A_628 = arith.addi %broadcast_in_dim3A_613, %select_n3A_627 : vector<16xi32>
    %get3A_629 = arith.constant 3 : i32
    %get3A_630 = arith.index_cast %get3A_629 : i32 to index
    %get3A_631 = arith.constant 16 : index
    %get3A_632 = tpu.vector_load %arg10[%get3A_630, %get3A_631] {strides = array<i32>} : memref<32x77xi32, #tpu.memory_space<vmem>>, vector<1x16xi32>,
    %get3A_633 = vector.shape_cast %get3A_632 : vector<1x16xi32> to vector<16xi32>
    %eq3A_634 = arith.constant 265 : i32
    %eq3A_635 = vector.broadcast %eq3A_634 : i32 to vector<16xi32>
    %eq3A_636 = arith.cmpi eq, %get3A_633, %eq3A_635 : vector<16xi32>
    %add3A_637 = arith.constant 16 : i32
    %add3A_638 = vector.broadcast %add3A_637 : i32 to vector<16xi32>
    %add3A_639 = arith.addi %add3A_638, %iota3A : vector<16xi32>
    %jit3A_640 = arith.constant 0 : i32
    %broadcast_in_dim3A_641 = vector.broadcast %jit3A_640 : i32 to vector<16xi32>
    %select_n3A_642 = arith.select %eq3A_636, %add3A_639, %broadcast_in_dim3A_641 : vector<16xi1>, vector<16xi32>
    %add3A_643 = arith.addi %add3A_628, %select_n3A_642 : vector<16xi32>
    %get3A_644 = arith.constant 3 : i32
    %get3A_645 = arith.index_cast %get3A_644 : i32 to index
    %get3A_646 = arith.constant 32 : index
    %get3A_647 = tpu.vector_load %arg10[%get3A_645, %get3A_646] {strides = array<i32>} : memref<32x77xi32, #tpu.memory_space<vmem>>, vector<1x16xi32>,
    %get3A_648 = vector.shape_cast %get3A_647 : vector<1x16xi32> to vector<16xi32>
    %eq3A_649 = arith.constant 265 : i32
    %eq3A_650 = vector.broadcast %eq3A_649 : i32 to vector<16xi32>
    %eq3A_651 = arith.cmpi eq, %get3A_648, %eq3A_650 : vector<16xi32>
    %add3A_652 = arith.constant 32 : i32
    %add3A_653 = vector.broadcast %add3A_652 : i32 to vector<16xi32>
    %add3A_654 = arith.addi %add3A_653, %iota3A : vector<16xi32>
    %jit3A_655 = arith.constant 0 : i32
    %broadcast_in_dim3A_656 = vector.broadcast %jit3A_655 : i32 to vector<16xi32>
    %select_n3A_657 = arith.select %eq3A_651, %add3A_654, %broadcast_in_dim3A_656 : vector<16xi1>, vector<16xi32>
    %add3A_658 = arith.addi %add3A_643, %select_n3A_657 : vector<16xi32>
    %get3A_659 = arith.constant 3 : i32
    %get3A_660 = arith.index_cast %get3A_659 : i32 to index
    %get3A_661 = arith.constant 48 : index
    %get3A_662 = tpu.vector_load %arg10[%get3A_660, %get3A_661] {strides = array<i32>} : memref<32x77xi32, #tpu.memory_space<vmem>>, vector<1x16xi32>,
    %get3A_663 = vector.shape_cast %get3A_662 : vector<1x16xi32> to vector<16xi32>
    %eq3A_664 = arith.constant 265 : i32
    %eq3A_665 = vector.broadcast %eq3A_664 : i32 to vector<16xi32>
    %eq3A_666 = arith.cmpi eq, %get3A_663, %eq3A_665 : vector<16xi32>
    %add3A_667 = arith.constant 48 : i32
    %add3A_668 = vector.broadcast %add3A_667 : i32 to vector<16xi32>
    %add3A_669 = arith.addi %add3A_668, %iota3A : vector<16xi32>
    %jit3A_670 = arith.constant 0 : i32
    %broadcast_in_dim3A_671 = vector.broadcast %jit3A_670 : i32 to vector<16xi32>
    %select_n3A_672 = arith.select %eq3A_666, %add3A_669, %broadcast_in_dim3A_671 : vector<16xi1>, vector<16xi32>
    %add3A_673 = arith.addi %add3A_658, %select_n3A_672 : vector<16xi32>
    %get3A_674 = arith.constant 3 : i32
    %get3A_675 = arith.index_cast %get3A_674 : i32 to index
    %get3A_676 = arith.constant 61 : index
    %get3A_677 = tpu.vector_load %arg10[%get3A_675, %get3A_676] {strides = array<i32>} : memref<32x77xi32, #tpu.memory_space<vmem>>, vector<1x16xi32>,
    %get3A_678 = vector.shape_cast %get3A_677 : vector<1x16xi32> to vector<16xi32>
    %eq3A_679 = arith.constant 265 : i32
    %eq3A_680 = vector.broadcast %eq3A_679 : i32 to vector<16xi32>
    %eq3A_681 = arith.cmpi eq, %get3A_678, %eq3A_680 : vector<16xi32>
    %ge3A_682 = arith.constant 3 : i32
    %ge3A_683 = vector.broadcast %ge3A_682 : i32 to vector<16xi32>
    %ge3A_684 = arith.cmpi sge, %iota3A, %ge3A_683 : vector<16xi32>
    %and3A_685 = arith.andi %eq3A_681, %ge3A_684 : vector<16xi1>
    %add3A_686 = arith.constant 61 : i32
    %add3A_687 = vector.broadcast %add3A_686 : i32 to vector<16xi32>
    %add3A_688 = arith.addi %add3A_687, %iota3A : vector<16xi32>
    %jit3A_689 = arith.constant 0 : i32
    %broadcast_in_dim3A_690 = vector.broadcast %jit3A_689 : i32 to vector<16xi32>
    %select_n3A_691 = arith.select %and3A_685, %add3A_688, %broadcast_in_dim3A_690 : vector<16xi1>, vector<16xi32>
    %add3A_692 = arith.addi %add3A_673, %select_n3A_691 : vector<16xi32>
    %iota3A_693 = tpu.iota {dimensions = array<i32: 0>} : vector<16xi32>
    %add3A_694 = arith.constant 8 : i32
    %add3A_695 = vector.broadcast %add3A_694 : i32 to vector<16xi32>
    %add3A_696 = arith.addi %iota3A_693, %add3A_695 : vector<16xi32>
    %jit3A_697 = arith.constant 16 : i32
    %eq3A_698 = arith.constant 0 : i32
    %eq3A_699 = arith.cmpi eq, %jit3A_697, %eq3A_698 : i32
    %jit3A_700 = arith.constant 1 : i32
    %select_n3A_701 = arith.select %eq3A_699, %jit3A_700, %jit3A_697 : i32
    %rem3A_702 = vector.broadcast %select_n3A_701 : i32 to vector<16xi32>
    %rem3A_703 = arith.remsi %add3A_696, %rem3A_702 : vector<16xi32>
    %ne3A_704 = arith.constant 0 : i32
    %ne3A_705 = vector.broadcast %ne3A_704 : i32 to vector<16xi32>
    %ne3A_706 = arith.cmpi ne, %rem3A_703, %ne3A_705 : vector<16xi32>
    %lt3A_707 = arith.constant 0 : i32
    %lt3A_708 = vector.broadcast %lt3A_707 : i32 to vector<16xi32>
    %lt3A_709 = arith.cmpi slt, %rem3A_703, %lt3A_708 : vector<16xi32>
    %lt3A_710 = arith.constant 0 : i32
    %lt3A_711 = arith.cmpi slt, %select_n3A_701, %lt3A_710 : i32
    %ne3A_712 = vector.broadcast %lt3A_711 : i1 to vector<16xi1>
    %ne3A_713 = vector.broadcast %ne3A_712 : vector<16xi1> to vector<16xi1>
    %ne3A_714 = arith.xori %lt3A_709, %ne3A_713 : vector<16xi1>
    %and3A_715 = arith.andi %ne3A_714, %ne3A_706 : vector<16xi1>
    %add3A_716 = vector.broadcast %select_n3A_701 : i32 to vector<16xi32>
    %add3A_717 = arith.addi %rem3A_703, %add3A_716 : vector<16xi32>
    %select_n3A_718 = arith.select %and3A_715, %add3A_717, %rem3A_703 : vector<16xi1>, vector<16xi32>
    %reshape3A_719 = vector.shape_cast %select_n3A_718 : vector<16xi32> to vector<16x1xi32>
    %gather3A_720 = vector.shape_cast %reshape3A_719 : vector<16x1xi32> to vector<16xi32>
    %gather3A_721 = tpu.dynamic_gather %add3A_692[%gather3A_720] in [0] : vector<16xi32>, vector<16xi32> -> vector<16xi32>
    %add3A_722 = arith.addi %add3A_692, %gather3A_721 : vector<16xi32>
    %iota3A_723 = tpu.iota {dimensions = array<i32: 0>} : vector<16xi32>
    %add3A_724 = arith.constant 4 : i32
    %add3A_725 = vector.broadcast %add3A_724 : i32 to vector<16xi32>
    %add3A_726 = arith.addi %iota3A_723, %add3A_725 : vector<16xi32>
    %jit3A_727 = arith.constant 16 : i32
    %eq3A_728 = arith.constant 0 : i32
    %eq3A_729 = arith.cmpi eq, %jit3A_727, %eq3A_728 : i32
    %jit3A_730 = arith.constant 1 : i32
    %select_n3A_731 = arith.select %eq3A_729, %jit3A_730, %jit3A_727 : i32
    %rem3A_732 = vector.broadcast %select_n3A_731 : i32 to vector<16xi32>
    %rem3A_733 = arith.remsi %add3A_726, %rem3A_732 : vector<16xi32>
    %ne3A_734 = arith.constant 0 : i32
    %ne3A_735 = vector.broadcast %ne3A_734 : i32 to vector<16xi32>
    %ne3A_736 = arith.cmpi ne, %rem3A_733, %ne3A_735 : vector<16xi32>
    %lt3A_737 = arith.constant 0 : i32
    %lt3A_738 = vector.broadcast %lt3A_737 : i32 to vector<16xi32>
    %lt3A_739 = arith.cmpi slt, %rem3A_733, %lt3A_738 : vector<16xi32>
    %lt3A_740 = arith.constant 0 : i32
    %lt3A_741 = arith.cmpi slt, %select_n3A_731, %lt3A_740 : i32
    %ne3A_742 = vector.broadcast %lt3A_741 : i1 to vector<16xi1>
    %ne3A_743 = vector.broadcast %ne3A_742 : vector<16xi1> to vector<16xi1>
    %ne3A_744 = arith.xori %lt3A_739, %ne3A_743 : vector<16xi1>
    %and3A_745 = arith.andi %ne3A_744, %ne3A_736 : vector<16xi1>
    %add3A_746 = vector.broadcast %select_n3A_731 : i32 to vector<16xi32>
    %add3A_747 = arith.addi %rem3A_733, %add3A_746 : vector<16xi32>
    %select_n3A_748 = arith.select %and3A_745, %add3A_747, %rem3A_733 : vector<16xi1>, vector<16xi32>
    %reshape3A_749 = vector.shape_cast %select_n3A_748 : vector<16xi32> to vector<16x1xi32>
    %gather3A_750 = vector.shape_cast %reshape3A_749 : vector<16x1xi32> to vector<16xi32>
    %gather3A_751 = tpu.dynamic_gather %add3A_722[%gather3A_750] in [0] : vector<16xi32>, vector<16xi32> -> vector<16xi32>
    %add3A_752 = arith.addi %add3A_722, %gather3A_751 : vector<16xi32>
    %iota3A_753 = tpu.iota {dimensions = array<i32: 0>} : vector<16xi32>
    %add3A_754 = arith.constant 2 : i32
    %add3A_755 = vector.broadcast %add3A_754 : i32 to vector<16xi32>
    %add3A_756 = arith.addi %iota3A_753, %add3A_755 : vector<16xi32>
    %jit3A_757 = arith.constant 16 : i32
    %eq3A_758 = arith.constant 0 : i32
    %eq3A_759 = arith.cmpi eq, %jit3A_757, %eq3A_758 : i32
    %jit3A_760 = arith.constant 1 : i32
    %select_n3A_761 = arith.select %eq3A_759, %jit3A_760, %jit3A_757 : i32
    %rem3A_762 = vector.broadcast %select_n3A_761 : i32 to vector<16xi32>
    %rem3A_763 = arith.remsi %add3A_756, %rem3A_762 : vector<16xi32>
    %ne3A_764 = arith.constant 0 : i32
    %ne3A_765 = vector.broadcast %ne3A_764 : i32 to vector<16xi32>
    %ne3A_766 = arith.cmpi ne, %rem3A_763, %ne3A_765 : vector<16xi32>
    %lt3A_767 = arith.constant 0 : i32
    %lt3A_768 = vector.broadcast %lt3A_767 : i32 to vector<16xi32>
    %lt3A_769 = arith.cmpi slt, %rem3A_763, %lt3A_768 : vector<16xi32>
    %lt3A_770 = arith.constant 0 : i32
    %lt3A_771 = arith.cmpi slt, %select_n3A_761, %lt3A_770 : i32
    %ne3A_772 = vector.broadcast %lt3A_771 : i1 to vector<16xi1>
    %ne3A_773 = vector.broadcast %ne3A_772 : vector<16xi1> to vector<16xi1>
    %ne3A_774 = arith.xori %lt3A_769, %ne3A_773 : vector<16xi1>
    %and3A_775 = arith.andi %ne3A_774, %ne3A_766 : vector<16xi1>
    %add3A_776 = vector.broadcast %select_n3A_761 : i32 to vector<16xi32>
    %add3A_777 = arith.addi %rem3A_763, %add3A_776 : vector<16xi32>
    %select_n3A_778 = arith.select %and3A_775, %add3A_777, %rem3A_763 : vector<16xi1>, vector<16xi32>
    %reshape3A_779 = vector.shape_cast %select_n3A_778 : vector<16xi32> to vector<16x1xi32>
    %gather3A_780 = vector.shape_cast %reshape3A_779 : vector<16x1xi32> to vector<16xi32>
    %gather3A_781 = tpu.dynamic_gather %add3A_752[%gather3A_780] in [0] : vector<16xi32>, vector<16xi32> -> vector<16xi32>
    %add3A_782 = arith.addi %add3A_752, %gather3A_781 : vector<16xi32>
    %iota3A_783 = tpu.iota {dimensions = array<i32: 0>} : vector<16xi32>
    %add3A_784 = arith.constant 1 : i32
    %add3A_785 = vector.broadcast %add3A_784 : i32 to vector<16xi32>
    %add3A_786 = arith.addi %iota3A_783, %add3A_785 : vector<16xi32>
    %jit3A_787 = arith.constant 16 : i32
    %eq3A_788 = arith.constant 0 : i32
    %eq3A_789 = arith.cmpi eq, %jit3A_787, %eq3A_788 : i32
    %jit3A_790 = arith.constant 1 : i32
    %select_n3A_791 = arith.select %eq3A_789, %jit3A_790, %jit3A_787 : i32
    %rem3A_792 = vector.broadcast %select_n3A_791 : i32 to vector<16xi32>
    %rem3A_793 = arith.remsi %add3A_786, %rem3A_792 : vector<16xi32>
    %ne3A_794 = arith.constant 0 : i32
    %ne3A_795 = vector.broadcast %ne3A_794 : i32 to vector<16xi32>
    %ne3A_796 = arith.cmpi ne, %rem3A_793, %ne3A_795 : vector<16xi32>
    %lt3A_797 = arith.constant 0 : i32
    %lt3A_798 = vector.broadcast %lt3A_797 : i32 to vector<16xi32>
    %lt3A_799 = arith.cmpi slt, %rem3A_793, %lt3A_798 : vector<16xi32>
    %lt3A_800 = arith.constant 0 : i32
    %lt3A_801 = arith.cmpi slt, %select_n3A_791, %lt3A_800 : i32
    %ne3A_802 = vector.broadcast %lt3A_801 : i1 to vector<16xi1>
    %ne3A_803 = vector.broadcast %ne3A_802 : vector<16xi1> to vector<16xi1>
    %ne3A_804 = arith.xori %lt3A_799, %ne3A_803 : vector<16xi1>
    %and3A_805 = arith.andi %ne3A_804, %ne3A_796 : vector<16xi1>
    %add3A_806 = vector.broadcast %select_n3A_791 : i32 to vector<16xi32>
    %add3A_807 = arith.addi %rem3A_793, %add3A_806 : vector<16xi32>
    %select_n3A_808 = arith.select %and3A_805, %add3A_807, %rem3A_793 : vector<16xi1>, vector<16xi32>
    %reshape3A_809 = vector.shape_cast %select_n3A_808 : vector<16xi32> to vector<16x1xi32>
    %gather3A_810 = vector.shape_cast %reshape3A_809 : vector<16x1xi32> to vector<16xi32>
    %gather3A_811 = tpu.dynamic_gather %add3A_782[%gather3A_810] in [0] : vector<16xi32>, vector<16xi32> -> vector<16xi32>
    %add3A_812 = arith.addi %add3A_782, %gather3A_811 : vector<16xi32>
    %eq3A_813 = arith.constant 3 : i32
    %eq3A_814 = vector.broadcast %eq3A_813 : i32 to vector<16xi32>
    %eq3A_815 = arith.cmpi eq, %iota3A, %eq3A_814 : vector<16xi32>
    %select_n3A_816 = arith.select %eq3A_815, %add3A_812, %select_n3A_611 : vector<16xi1>, vector<16xi32>
    %broadcast_in_dim3A_817 = arith.constant 0 : i32
    %broadcast_in_dim3A_818 = vector.broadcast %broadcast_in_dim3A_817 : i32 to vector<16xi32>
    %get3A_819 = arith.constant 4 : i32
    %get3A_820 = arith.index_cast %get3A_819 : i32 to index
    %get3A_821 = arith.constant 0 : index
    %get3A_822 = tpu.vector_load %arg10[%get3A_820, %get3A_821] {strides = array<i32>} : memref<32x77xi32, #tpu.memory_space<vmem>>, vector<1x16xi32>,
    %get3A_823 = vector.shape_cast %get3A_822 : vector<1x16xi32> to vector<16xi32>
    %eq3A_824 = arith.constant 265 : i32
    %eq3A_825 = vector.broadcast %eq3A_824 : i32 to vector<16xi32>
    %eq3A_826 = arith.cmpi eq, %get3A_823, %eq3A_825 : vector<16xi32>
    %add3A_827 = arith.constant 0 : i32
    %add3A_828 = vector.broadcast %add3A_827 : i32 to vector<16xi32>
    %add3A_829 = arith.addi %add3A_828, %iota3A : vector<16xi32>
    %jit3A_830 = arith.constant 0 : i32
    %broadcast_in_dim3A_831 = vector.broadcast %jit3A_830 : i32 to vector<16xi32>
    %select_n3A_832 = arith.select %eq3A_826, %add3A_829, %broadcast_in_dim3A_831 : vector<16xi1>, vector<16xi32>
    %add3A_833 = arith.addi %broadcast_in_dim3A_818, %select_n3A_832 : vector<16xi32>
    %get3A_834 = arith.constant 4 : i32
    %get3A_835 = arith.index_cast %get3A_834 : i32 to index
    %get3A_836 = arith.constant 16 : index
    %get3A_837 = tpu.vector_load %arg10[%get3A_835, %get3A_836] {strides = array<i32>} : memref<32x77xi32, #tpu.memory_space<vmem>>, vector<1x16xi32>,
    %get3A_838 = vector.shape_cast %get3A_837 : vector<1x16xi32> to vector<16xi32>
    %eq3A_839 = arith.constant 265 : i32
    %eq3A_840 = vector.broadcast %eq3A_839 : i32 to vector<16xi32>
    %eq3A_841 = arith.cmpi eq, %get3A_838, %eq3A_840 : vector<16xi32>
    %add3A_842 = arith.constant 16 : i32
    %add3A_843 = vector.broadcast %add3A_842 : i32 to vector<16xi32>
    %add3A_844 = arith.addi %add3A_843, %iota3A : vector<16xi32>
    %jit3A_845 = arith.constant 0 : i32
    %broadcast_in_dim3A_846 = vector.broadcast %jit3A_845 : i32 to vector<16xi32>
    %select_n3A_847 = arith.select %eq3A_841, %add3A_844, %broadcast_in_dim3A_846 : vector<16xi1>, vector<16xi32>
    %add3A_848 = arith.addi %add3A_833, %select_n3A_847 : vector<16xi32>
    %get3A_849 = arith.constant 4 : i32
    %get3A_850 = arith.index_cast %get3A_849 : i32 to index
    %get3A_851 = arith.constant 32 : index
    %get3A_852 = tpu.vector_load %arg10[%get3A_850, %get3A_851] {strides = array<i32>} : memref<32x77xi32, #tpu.memory_space<vmem>>, vector<1x16xi32>,
    %get3A_853 = vector.shape_cast %get3A_852 : vector<1x16xi32> to vector<16xi32>
    %eq3A_854 = arith.constant 265 : i32
    %eq3A_855 = vector.broadcast %eq3A_854 : i32 to vector<16xi32>
    %eq3A_856 = arith.cmpi eq, %get3A_853, %eq3A_855 : vector<16xi32>
    %add3A_857 = arith.constant 32 : i32
    %add3A_858 = vector.broadcast %add3A_857 : i32 to vector<16xi32>
    %add3A_859 = arith.addi %add3A_858, %iota3A : vector<16xi32>
    %jit3A_860 = arith.constant 0 : i32
    %broadcast_in_dim3A_861 = vector.broadcast %jit3A_860 : i32 to vector<16xi32>
    %select_n3A_862 = arith.select %eq3A_856, %add3A_859, %broadcast_in_dim3A_861 : vector<16xi1>, vector<16xi32>
    %add3A_863 = arith.addi %add3A_848, %select_n3A_862 : vector<16xi32>
    %get3A_864 = arith.constant 4 : i32
    %get3A_865 = arith.index_cast %get3A_864 : i32 to index
    %get3A_866 = arith.constant 48 : index
    %get3A_867 = tpu.vector_load %arg10[%get3A_865, %get3A_866] {strides = array<i32>} : memref<32x77xi32, #tpu.memory_space<vmem>>, vector<1x16xi32>,
    %get3A_868 = vector.shape_cast %get3A_867 : vector<1x16xi32> to vector<16xi32>
    %eq3A_869 = arith.constant 265 : i32
    %eq3A_870 = vector.broadcast %eq3A_869 : i32 to vector<16xi32>
    %eq3A_871 = arith.cmpi eq, %get3A_868, %eq3A_870 : vector<16xi32>
    %add3A_872 = arith.constant 48 : i32
    %add3A_873 = vector.broadcast %add3A_872 : i32 to vector<16xi32>
    %add3A_874 = arith.addi %add3A_873, %iota3A : vector<16xi32>
    %jit3A_875 = arith.constant 0 : i32
    %broadcast_in_dim3A_876 = vector.broadcast %jit3A_875 : i32 to vector<16xi32>
    %select_n3A_877 = arith.select %eq3A_871, %add3A_874, %broadcast_in_dim3A_876 : vector<16xi1>, vector<16xi32>
    %add3A_878 = arith.addi %add3A_863, %select_n3A_877 : vector<16xi32>
    %get3A_879 = arith.constant 4 : i32
    %get3A_880 = arith.index_cast %get3A_879 : i32 to index
    %get3A_881 = arith.constant 61 : index
    %get3A_882 = tpu.vector_load %arg10[%get3A_880, %get3A_881] {strides = array<i32>} : memref<32x77xi32, #tpu.memory_space<vmem>>, vector<1x16xi32>,
    %get3A_883 = vector.shape_cast %get3A_882 : vector<1x16xi32> to vector<16xi32>
    %eq3A_884 = arith.constant 265 : i32
    %eq3A_885 = vector.broadcast %eq3A_884 : i32 to vector<16xi32>
    %eq3A_886 = arith.cmpi eq, %get3A_883, %eq3A_885 : vector<16xi32>
    %ge3A_887 = arith.constant 3 : i32
    %ge3A_888 = vector.broadcast %ge3A_887 : i32 to vector<16xi32>
    %ge3A_889 = arith.cmpi sge, %iota3A, %ge3A_888 : vector<16xi32>
    %and3A_890 = arith.andi %eq3A_886, %ge3A_889 : vector<16xi1>
    %add3A_891 = arith.constant 61 : i32
    %add3A_892 = vector.broadcast %add3A_891 : i32 to vector<16xi32>
    %add3A_893 = arith.addi %add3A_892, %iota3A : vector<16xi32>
    %jit3A_894 = arith.constant 0 : i32
    %broadcast_in_dim3A_895 = vector.broadcast %jit3A_894 : i32 to vector<16xi32>
    %select_n3A_896 = arith.select %and3A_890, %add3A_893, %broadcast_in_dim3A_895 : vector<16xi1>, vector<16xi32>
    %add3A_897 = arith.addi %add3A_878, %select_n3A_896 : vector<16xi32>
    %iota3A_898 = tpu.iota {dimensions = array<i32: 0>} : vector<16xi32>
    %add3A_899 = arith.constant 8 : i32
    %add3A_900 = vector.broadcast %add3A_899 : i32 to vector<16xi32>
    %add3A_901 = arith.addi %iota3A_898, %add3A_900 : vector<16xi32>
    %jit3A_902 = arith.constant 16 : i32
    %eq3A_903 = arith.constant 0 : i32
    %eq3A_904 = arith.cmpi eq, %jit3A_902, %eq3A_903 : i32
    %jit3A_905 = arith.constant 1 : i32
    %select_n3A_906 = arith.select %eq3A_904, %jit3A_905, %jit3A_902 : i32
    %rem3A_907 = vector.broadcast %select_n3A_906 : i32 to vector<16xi32>
    %rem3A_908 = arith.remsi %add3A_901, %rem3A_907 : vector<16xi32>
    %ne3A_909 = arith.constant 0 : i32
    %ne3A_910 = vector.broadcast %ne3A_909 : i32 to vector<16xi32>
    %ne3A_911 = arith.cmpi ne, %rem3A_908, %ne3A_910 : vector<16xi32>
    %lt3A_912 = arith.constant 0 : i32
    %lt3A_913 = vector.broadcast %lt3A_912 : i32 to vector<16xi32>
    %lt3A_914 = arith.cmpi slt, %rem3A_908, %lt3A_913 : vector<16xi32>
    %lt3A_915 = arith.constant 0 : i32
    %lt3A_916 = arith.cmpi slt, %select_n3A_906, %lt3A_915 : i32
    %ne3A_917 = vector.broadcast %lt3A_916 : i1 to vector<16xi1>
    %ne3A_918 = vector.broadcast %ne3A_917 : vector<16xi1> to vector<16xi1>
    %ne3A_919 = arith.xori %lt3A_914, %ne3A_918 : vector<16xi1>
    %and3A_920 = arith.andi %ne3A_919, %ne3A_911 : vector<16xi1>
    %add3A_921 = vector.broadcast %select_n3A_906 : i32 to vector<16xi32>
    %add3A_922 = arith.addi %rem3A_908, %add3A_921 : vector<16xi32>
    %select_n3A_923 = arith.select %and3A_920, %add3A_922, %rem3A_908 : vector<16xi1>, vector<16xi32>
    %reshape3A_924 = vector.shape_cast %select_n3A_923 : vector<16xi32> to vector<16x1xi32>
    %gather3A_925 = vector.shape_cast %reshape3A_924 : vector<16x1xi32> to vector<16xi32>
    %gather3A_926 = tpu.dynamic_gather %add3A_897[%gather3A_925] in [0] : vector<16xi32>, vector<16xi32> -> vector<16xi32>
    %add3A_927 = arith.addi %add3A_897, %gather3A_926 : vector<16xi32>
    %iota3A_928 = tpu.iota {dimensions = array<i32: 0>} : vector<16xi32>
    %add3A_929 = arith.constant 4 : i32
    %add3A_930 = vector.broadcast %add3A_929 : i32 to vector<16xi32>
    %add3A_931 = arith.addi %iota3A_928, %add3A_930 : vector<16xi32>
    %jit3A_932 = arith.constant 16 : i32
    %eq3A_933 = arith.constant 0 : i32
    %eq3A_934 = arith.cmpi eq, %jit3A_932, %eq3A_933 : i32
    %jit3A_935 = arith.constant 1 : i32
    %select_n3A_936 = arith.select %eq3A_934, %jit3A_935, %jit3A_932 : i32
    %rem3A_937 = vector.broadcast %select_n3A_936 : i32 to vector<16xi32>
    %rem3A_938 = arith.remsi %add3A_931, %rem3A_937 : vector<16xi32>
    %ne3A_939 = arith.constant 0 : i32
    %ne3A_940 = vector.broadcast %ne3A_939 : i32 to vector<16xi32>
    %ne3A_941 = arith.cmpi ne, %rem3A_938, %ne3A_940 : vector<16xi32>
    %lt3A_942 = arith.constant 0 : i32
    %lt3A_943 = vector.broadcast %lt3A_942 : i32 to vector<16xi32>
    %lt3A_944 = arith.cmpi slt, %rem3A_938, %lt3A_943 : vector<16xi32>
    %lt3A_945 = arith.constant 0 : i32
    %lt3A_946 = arith.cmpi slt, %select_n3A_936, %lt3A_945 : i32
    %ne3A_947 = vector.broadcast %lt3A_946 : i1 to vector<16xi1>
    %ne3A_948 = vector.broadcast %ne3A_947 : vector<16xi1> to vector<16xi1>
    %ne3A_949 = arith.xori %lt3A_944, %ne3A_948 : vector<16xi1>
    %and3A_950 = arith.andi %ne3A_949, %ne3A_941 : vector<16xi1>
    %add3A_951 = vector.broadcast %select_n3A_936 : i32 to vector<16xi32>
    %add3A_952 = arith.addi %rem3A_938, %add3A_951 : vector<16xi32>
    %select_n3A_953 = arith.select %and3A_950, %add3A_952, %rem3A_938 : vector<16xi1>, vector<16xi32>
    %reshape3A_954 = vector.shape_cast %select_n3A_953 : vector<16xi32> to vector<16x1xi32>
    %gather3A_955 = vector.shape_cast %reshape3A_954 : vector<16x1xi32> to vector<16xi32>
    %gather3A_956 = tpu.dynamic_gather %add3A_927[%gather3A_955] in [0] : vector<16xi32>, vector<16xi32> -> vector<16xi32>
    %add3A_957 = arith.addi %add3A_927, %gather3A_956 : vector<16xi32>
    %iota3A_958 = tpu.iota {dimensions = array<i32: 0>} : vector<16xi32>
    %add3A_959 = arith.constant 2 : i32
    %add3A_960 = vector.broadcast %add3A_959 : i32 to vector<16xi32>
    %add3A_961 = arith.addi %iota3A_958, %add3A_960 : vector<16xi32>
    %jit3A_962 = arith.constant 16 : i32
    %eq3A_963 = arith.constant 0 : i32
    %eq3A_964 = arith.cmpi eq, %jit3A_962, %eq3A_963 : i32
    %jit3A_965 = arith.constant 1 : i32
    %select_n3A_966 = arith.select %eq3A_964, %jit3A_965, %jit3A_962 : i32
    %rem3A_967 = vector.broadcast %select_n3A_966 : i32 to vector<16xi32>
    %rem3A_968 = arith.remsi %add3A_961, %rem3A_967 : vector<16xi32>
    %ne3A_969 = arith.constant 0 : i32
    %ne3A_970 = vector.broadcast %ne3A_969 : i32 to vector<16xi32>
    %ne3A_971 = arith.cmpi ne, %rem3A_968, %ne3A_970 : vector<16xi32>
    %lt3A_972 = arith.constant 0 : i32
    %lt3A_973 = vector.broadcast %lt3A_972 : i32 to vector<16xi32>
    %lt3A_974 = arith.cmpi slt, %rem3A_968, %lt3A_973 : vector<16xi32>
    %lt3A_975 = arith.constant 0 : i32
    %lt3A_976 = arith.cmpi slt, %select_n3A_966, %lt3A_975 : i32
    %ne3A_977 = vector.broadcast %lt3A_976 : i1 to vector<16xi1>
    %ne3A_978 = vector.broadcast %ne3A_977 : vector<16xi1> to vector<16xi1>
    %ne3A_979 = arith.xori %lt3A_974, %ne3A_978 : vector<16xi1>
    %and3A_980 = arith.andi %ne3A_979, %ne3A_971 : vector<16xi1>
    %add3A_981 = vector.broadcast %select_n3A_966 : i32 to vector<16xi32>
    %add3A_982 = arith.addi %rem3A_968, %add3A_981 : vector<16xi32>
    %select_n3A_983 = arith.select %and3A_980, %add3A_982, %rem3A_968 : vector<16xi1>, vector<16xi32>
    %reshape3A_984 = vector.shape_cast %select_n3A_983 : vector<16xi32> to vector<16x1xi32>
    %gather3A_985 = vector.shape_cast %reshape3A_984 : vector<16x1xi32> to vector<16xi32>
    %gather3A_986 = tpu.dynamic_gather %add3A_957[%gather3A_985] in [0] : vector<16xi32>, vector<16xi32> -> vector<16xi32>
    %add3A_987 = arith.addi %add3A_957, %gather3A_986 : vector<16xi32>
    %iota3A_988 = tpu.iota {dimensions = array<i32: 0>} : vector<16xi32>
    %add3A_989 = arith.constant 1 : i32
    %add3A_990 = vector.broadcast %add3A_989 : i32 to vector<16xi32>
    %add3A_991 = arith.addi %iota3A_988, %add3A_990 : vector<16xi32>
    %jit3A_992 = arith.constant 16 : i32
    %eq3A_993 = arith.constant 0 : i32
    %eq3A_994 = arith.cmpi eq, %jit3A_992, %eq3A_993 : i32
    %jit3A_995 = arith.constant 1 : i32
    %select_n3A_996 = arith.select %eq3A_994, %jit3A_995, %jit3A_992 : i32
    %rem3A_997 = vector.broadcast %select_n3A_996 : i32 to vector<16xi32>
    %rem3A_998 = arith.remsi %add3A_991, %rem3A_997 : vector<16xi32>
    %ne3A_999 = arith.constant 0 : i32
    %ne3A_1000 = vector.broadcast %ne3A_999 : i32 to vector<16xi32>
    %ne3A_1001 = arith.cmpi ne, %rem3A_998, %ne3A_1000 : vector<16xi32>
    %lt3A_1002 = arith.constant 0 : i32
    %lt3A_1003 = vector.broadcast %lt3A_1002 : i32 to vector<16xi32>
    %lt3A_1004 = arith.cmpi slt, %rem3A_998, %lt3A_1003 : vector<16xi32>
    %lt3A_1005 = arith.constant 0 : i32
    %lt3A_1006 = arith.cmpi slt, %select_n3A_996, %lt3A_1005 : i32
    %ne3A_1007 = vector.broadcast %lt3A_1006 : i1 to vector<16xi1>
    %ne3A_1008 = vector.broadcast %ne3A_1007 : vector<16xi1> to vector<16xi1>
    %ne3A_1009 = arith.xori %lt3A_1004, %ne3A_1008 : vector<16xi1>
    %and3A_1010 = arith.andi %ne3A_1009, %ne3A_1001 : vector<16xi1>
    %add3A_1011 = vector.broadcast %select_n3A_996 : i32 to vector<16xi32>
    %add3A_1012 = arith.addi %rem3A_998, %add3A_1011 : vector<16xi32>
    %select_n3A_1013 = arith.select %and3A_1010, %add3A_1012, %rem3A_998 : vector<16xi1>, vector<16xi32>
    %reshape3A_1014 = vector.shape_cast %select_n3A_1013 : vector<16xi32> to vector<16x1xi32>
    %gather3A_1015 = vector.shape_cast %reshape3A_1014 : vector<16x1xi32> to vector<16xi32>
    %gather3A_1016 = tpu.dynamic_gather %add3A_987[%gather3A_1015] in [0] : vector<16xi32>, vector<16xi32> -> vector<16xi32>
    %add3A_1017 = arith.addi %add3A_987, %gather3A_1016 : vector<16xi32>
    %eq3A_1018 = arith.constant 4 : i32
    %eq3A_1019 = vector.broadcast %eq3A_1018 : i32 to vector<16xi32>
    %eq3A_1020 = arith.cmpi eq, %iota3A, %eq3A_1019 : vector<16xi32>
    %select_n3A_1021 = arith.select %eq3A_1020, %add3A_1017, %select_n3A_816 : vector<16xi1>, vector<16xi32>
    %broadcast_in_dim3A_1022 = arith.constant 0 : i32
    %broadcast_in_dim3A_1023 = vector.broadcast %broadcast_in_dim3A_1022 : i32 to vector<16xi32>
    %get3A_1024 = arith.constant 5 : i32
    %get3A_1025 = arith.index_cast %get3A_1024 : i32 to index
    %get3A_1026 = arith.constant 0 : index
    %get3A_1027 = tpu.vector_load %arg10[%get3A_1025, %get3A_1026] {strides = array<i32>} : memref<32x77xi32, #tpu.memory_space<vmem>>, vector<1x16xi32>,
    %get3A_1028 = vector.shape_cast %get3A_1027 : vector<1x16xi32> to vector<16xi32>
    %eq3A_1029 = arith.constant 265 : i32
    %eq3A_1030 = vector.broadcast %eq3A_1029 : i32 to vector<16xi32>
    %eq3A_1031 = arith.cmpi eq, %get3A_1028, %eq3A_1030 : vector<16xi32>
    %add3A_1032 = arith.constant 0 : i32
    %add3A_1033 = vector.broadcast %add3A_1032 : i32 to vector<16xi32>
    %add3A_1034 = arith.addi %add3A_1033, %iota3A : vector<16xi32>
    %jit3A_1035 = arith.constant 0 : i32
    %broadcast_in_dim3A_1036 = vector.broadcast %jit3A_1035 : i32 to vector<16xi32>
    %select_n3A_1037 = arith.select %eq3A_1031, %add3A_1034, %broadcast_in_dim3A_1036 : vector<16xi1>, vector<16xi32>
    %add3A_1038 = arith.addi %broadcast_in_dim3A_1023, %select_n3A_1037 : vector<16xi32>
    %get3A_1039 = arith.constant 5 : i32
    %get3A_1040 = arith.index_cast %get3A_1039 : i32 to index
    %get3A_1041 = arith.constant 16 : index
    %get3A_1042 = tpu.vector_load %arg10[%get3A_1040, %get3A_1041] {strides = array<i32>} : memref<32x77xi32, #tpu.memory_space<vmem>>, vector<1x16xi32>,
    %get3A_1043 = vector.shape_cast %get3A_1042 : vector<1x16xi32> to vector<16xi32>
    %eq3A_1044 = arith.constant 265 : i32
    %eq3A_1045 = vector.broadcast %eq3A_1044 : i32 to vector<16xi32>
    %eq3A_1046 = arith.cmpi eq, %get3A_1043, %eq3A_1045 : vector<16xi32>
    %add3A_1047 = arith.constant 16 : i32
    %add3A_1048 = vector.broadcast %add3A_1047 : i32 to vector<16xi32>
    %add3A_1049 = arith.addi %add3A_1048, %iota3A : vector<16xi32>
    %jit3A_1050 = arith.constant 0 : i32
    %broadcast_in_dim3A_1051 = vector.broadcast %jit3A_1050 : i32 to vector<16xi32>
    %select_n3A_1052 = arith.select %eq3A_1046, %add3A_1049, %broadcast_in_dim3A_1051 : vector<16xi1>, vector<16xi32>
    %add3A_1053 = arith.addi %add3A_1038, %select_n3A_1052 : vector<16xi32>
    %get3A_1054 = arith.constant 5 : i32
    %get3A_1055 = arith.index_cast %get3A_1054 : i32 to index
    %get3A_1056 = arith.constant 32 : index
    %get3A_1057 = tpu.vector_load %arg10[%get3A_1055, %get3A_1056] {strides = array<i32>} : memref<32x77xi32, #tpu.memory_space<vmem>>, vector<1x16xi32>,
    %get3A_1058 = vector.shape_cast %get3A_1057 : vector<1x16xi32> to vector<16xi32>
    %eq3A_1059 = arith.constant 265 : i32
    %eq3A_1060 = vector.broadcast %eq3A_1059 : i32 to vector<16xi32>
    %eq3A_1061 = arith.cmpi eq, %get3A_1058, %eq3A_1060 : vector<16xi32>
    %add3A_1062 = arith.constant 32 : i32
    %add3A_1063 = vector.broadcast %add3A_1062 : i32 to vector<16xi32>
    %add3A_1064 = arith.addi %add3A_1063, %iota3A : vector<16xi32>
    %jit3A_1065 = arith.constant 0 : i32
    %broadcast_in_dim3A_1066 = vector.broadcast %jit3A_1065 : i32 to vector<16xi32>
    %select_n3A_1067 = arith.select %eq3A_1061, %add3A_1064, %broadcast_in_dim3A_1066 : vector<16xi1>, vector<16xi32>
    %add3A_1068 = arith.addi %add3A_1053, %select_n3A_1067 : vector<16xi32>
    %get3A_1069 = arith.constant 5 : i32
    %get3A_1070 = arith.index_cast %get3A_1069 : i32 to index
    %get3A_1071 = arith.constant 48 : index
    %get3A_1072 = tpu.vector_load %arg10[%get3A_1070, %get3A_1071] {strides = array<i32>} : memref<32x77xi32, #tpu.memory_space<vmem>>, vector<1x16xi32>,
    %get3A_1073 = vector.shape_cast %get3A_1072 : vector<1x16xi32> to vector<16xi32>
    %eq3A_1074 = arith.constant 265 : i32
    %eq3A_1075 = vector.broadcast %eq3A_1074 : i32 to vector<16xi32>
    %eq3A_1076 = arith.cmpi eq, %get3A_1073, %eq3A_1075 : vector<16xi32>
    %add3A_1077 = arith.constant 48 : i32
    %add3A_1078 = vector.broadcast %add3A_1077 : i32 to vector<16xi32>
    %add3A_1079 = arith.addi %add3A_1078, %iota3A : vector<16xi32>
    %jit3A_1080 = arith.constant 0 : i32
    %broadcast_in_dim3A_1081 = vector.broadcast %jit3A_1080 : i32 to vector<16xi32>
    %select_n3A_1082 = arith.select %eq3A_1076, %add3A_1079, %broadcast_in_dim3A_1081 : vector<16xi1>, vector<16xi32>
    %add3A_1083 = arith.addi %add3A_1068, %select_n3A_1082 : vector<16xi32>
    %get3A_1084 = arith.constant 5 : i32
    %get3A_1085 = arith.index_cast %get3A_1084 : i32 to index
    %get3A_1086 = arith.constant 61 : index
    %get3A_1087 = tpu.vector_load %arg10[%get3A_1085, %get3A_1086] {strides = array<i32>} : memref<32x77xi32, #tpu.memory_space<vmem>>, vector<1x16xi32>,
    %get3A_1088 = vector.shape_cast %get3A_1087 : vector<1x16xi32> to vector<16xi32>
    %eq3A_1089 = arith.constant 265 : i32
    %eq3A_1090 = vector.broadcast %eq3A_1089 : i32 to vector<16xi32>
    %eq3A_1091 = arith.cmpi eq, %get3A_1088, %eq3A_1090 : vector<16xi32>
    %ge3A_1092 = arith.constant 3 : i32
    %ge3A_1093 = vector.broadcast %ge3A_1092 : i32 to vector<16xi32>
    %ge3A_1094 = arith.cmpi sge, %iota3A, %ge3A_1093 : vector<16xi32>
    %and3A_1095 = arith.andi %eq3A_1091, %ge3A_1094 : vector<16xi1>
    %add3A_1096 = arith.constant 61 : i32
    %add3A_1097 = vector.broadcast %add3A_1096 : i32 to vector<16xi32>
    %add3A_1098 = arith.addi %add3A_1097, %iota3A : vector<16xi32>
    %jit3A_1099 = arith.constant 0 : i32
    %broadcast_in_dim3A_1100 = vector.broadcast %jit3A_1099 : i32 to vector<16xi32>
    %select_n3A_1101 = arith.select %and3A_1095, %add3A_1098, %broadcast_in_dim3A_1100 : vector<16xi1>, vector<16xi32>
    %add3A_1102 = arith.addi %add3A_1083, %select_n3A_1101 : vector<16xi32>
    %iota3A_1103 = tpu.iota {dimensions = array<i32: 0>} : vector<16xi32>
    %add3A_1104 = arith.constant 8 : i32
    %add3A_1105 = vector.broadcast %add3A_1104 : i32 to vector<16xi32>
    %add3A_1106 = arith.addi %iota3A_1103, %add3A_1105 : vector<16xi32>
    %jit3A_1107 = arith.constant 16 : i32
    %eq3A_1108 = arith.constant 0 : i32
    %eq3A_1109 = arith.cmpi eq, %jit3A_1107, %eq3A_1108 : i32
    %jit3A_1110 = arith.constant 1 : i32
    %select_n3A_1111 = arith.select %eq3A_1109, %jit3A_1110, %jit3A_1107 : i32
    %rem3A_1112 = vector.broadcast %select_n3A_1111 : i32 to vector<16xi32>
    %rem3A_1113 = arith.remsi %add3A_1106, %rem3A_1112 : vector<16xi32>
    %ne3A_1114 = arith.constant 0 : i32
    %ne3A_1115 = vector.broadcast %ne3A_1114 : i32 to vector<16xi32>
    %ne3A_1116 = arith.cmpi ne, %rem3A_1113, %ne3A_1115 : vector<16xi32>
    %lt3A_1117 = arith.constant 0 : i32
    %lt3A_1118 = vector.broadcast %lt3A_1117 : i32 to vector<16xi32>
    %lt3A_1119 = arith.cmpi slt, %rem3A_1113, %lt3A_1118 : vector<16xi32>
    %lt3A_1120 = arith.constant 0 : i32
    %lt3A_1121 = arith.cmpi slt, %select_n3A_1111, %lt3A_1120 : i32
    %ne3A_1122 = vector.broadcast %lt3A_1121 : i1 to vector<16xi1>
    %ne3A_1123 = vector.broadcast %ne3A_1122 : vector<16xi1> to vector<16xi1>
    %ne3A_1124 = arith.xori %lt3A_1119, %ne3A_1123 : vector<16xi1>
    %and3A_1125 = arith.andi %ne3A_1124, %ne3A_1116 : vector<16xi1>
    %add3A_1126 = vector.broadcast %select_n3A_1111 : i32 to vector<16xi32>
    %add3A_1127 = arith.addi %rem3A_1113, %add3A_1126 : vector<16xi32>
    %select_n3A_1128 = arith.select %and3A_1125, %add3A_1127, %rem3A_1113 : vector<16xi1>, vector<16xi32>
    %reshape3A_1129 = vector.shape_cast %select_n3A_1128 : vector<16xi32> to vector<16x1xi32>
    %gather3A_1130 = vector.shape_cast %reshape3A_1129 : vector<16x1xi32> to vector<16xi32>
    %gather3A_1131 = tpu.dynamic_gather %add3A_1102[%gather3A_1130] in [0] : vector<16xi32>, vector<16xi32> -> vector<16xi32>
    %add3A_1132 = arith.addi %add3A_1102, %gather3A_1131 : vector<16xi32>
    %iota3A_1133 = tpu.iota {dimensions = array<i32: 0>} : vector<16xi32>
    %add3A_1134 = arith.constant 4 : i32
    %add3A_1135 = vector.broadcast %add3A_1134 : i32 to vector<16xi32>
    %add3A_1136 = arith.addi %iota3A_1133, %add3A_1135 : vector<16xi32>
    %jit3A_1137 = arith.constant 16 : i32
    %eq3A_1138 = arith.constant 0 : i32
    %eq3A_1139 = arith.cmpi eq, %jit3A_1137, %eq3A_1138 : i32
    %jit3A_1140 = arith.constant 1 : i32
    %select_n3A_1141 = arith.select %eq3A_1139, %jit3A_1140, %jit3A_1137 : i32
    %rem3A_1142 = vector.broadcast %select_n3A_1141 : i32 to vector<16xi32>
    %rem3A_1143 = arith.remsi %add3A_1136, %rem3A_1142 : vector<16xi32>
    %ne3A_1144 = arith.constant 0 : i32
    %ne3A_1145 = vector.broadcast %ne3A_1144 : i32 to vector<16xi32>
    %ne3A_1146 = arith.cmpi ne, %rem3A_1143, %ne3A_1145 : vector<16xi32>
    %lt3A_1147 = arith.constant 0 : i32
    %lt3A_1148 = vector.broadcast %lt3A_1147 : i32 to vector<16xi32>
    %lt3A_1149 = arith.cmpi slt, %rem3A_1143, %lt3A_1148 : vector<16xi32>
    %lt3A_1150 = arith.constant 0 : i32
    %lt3A_1151 = arith.cmpi slt, %select_n3A_1141, %lt3A_1150 : i32
    %ne3A_1152 = vector.broadcast %lt3A_1151 : i1 to vector<16xi1>
    %ne3A_1153 = vector.broadcast %ne3A_1152 : vector<16xi1> to vector<16xi1>
    %ne3A_1154 = arith.xori %lt3A_1149, %ne3A_1153 : vector<16xi1>
    %and3A_1155 = arith.andi %ne3A_1154, %ne3A_1146 : vector<16xi1>
    %add3A_1156 = vector.broadcast %select_n3A_1141 : i32 to vector<16xi32>
    %add3A_1157 = arith.addi %rem3A_1143, %add3A_1156 : vector<16xi32>
    %select_n3A_1158 = arith.select %and3A_1155, %add3A_1157, %rem3A_1143 : vector<16xi1>, vector<16xi32>
    %reshape3A_1159 = vector.shape_cast %select_n3A_1158 : vector<16xi32> to vector<16x1xi32>
    %gather3A_1160 = vector.shape_cast %reshape3A_1159 : vector<16x1xi32> to vector<16xi32>
    %gather3A_1161 = tpu.dynamic_gather %add3A_1132[%gather3A_1160] in [0] : vector<16xi32>, vector<16xi32> -> vector<16xi32>
    %add3A_1162 = arith.addi %add3A_1132, %gather3A_1161 : vector<16xi32>
    %iota3A_1163 = tpu.iota {dimensions = array<i32: 0>} : vector<16xi32>
    %add3A_1164 = arith.constant 2 : i32
    %add3A_1165 = vector.broadcast %add3A_1164 : i32 to vector<16xi32>
    %add3A_1166 = arith.addi %iota3A_1163, %add3A_1165 : vector<16xi32>
    %jit3A_1167 = arith.constant 16 : i32
    %eq3A_1168 = arith.constant 0 : i32
    %eq3A_1169 = arith.cmpi eq, %jit3A_1167, %eq3A_1168 : i32
    %jit3A_1170 = arith.constant 1 : i32
    %select_n3A_1171 = arith.select %eq3A_1169, %jit3A_1170, %jit3A_1167 : i32
    %rem3A_1172 = vector.broadcast %select_n3A_1171 : i32 to vector<16xi32>
    %rem3A_1173 = arith.remsi %add3A_1166, %rem3A_1172 : vector<16xi32>
    %ne3A_1174 = arith.constant 0 : i32
    %ne3A_1175 = vector.broadcast %ne3A_1174 : i32 to vector<16xi32>
    %ne3A_1176 = arith.cmpi ne, %rem3A_1173, %ne3A_1175 : vector<16xi32>
    %lt3A_1177 = arith.constant 0 : i32
    %lt3A_1178 = vector.broadcast %lt3A_1177 : i32 to vector<16xi32>
    %lt3A_1179 = arith.cmpi slt, %rem3A_1173, %lt3A_1178 : vector<16xi32>
    %lt3A_1180 = arith.constant 0 : i32
    %lt3A_1181 = arith.cmpi slt, %select_n3A_1171, %lt3A_1180 : i32
    %ne3A_1182 = vector.broadcast %lt3A_1181 : i1 to vector<16xi1>
    %ne3A_1183 = vector.broadcast %ne3A_1182 : vector<16xi1> to vector<16xi1>
    %ne3A_1184 = arith.xori %lt3A_1179, %ne3A_1183 : vector<16xi1>
    %and3A_1185 = arith.andi %ne3A_1184, %ne3A_1176 : vector<16xi1>
    %add3A_1186 = vector.broadcast %select_n3A_1171 : i32 to vector<16xi32>
    %add3A_1187 = arith.addi %rem3A_1173, %add3A_1186 : vector<16xi32>
    %select_n3A_1188 = arith.select %and3A_1185, %add3A_1187, %rem3A_1173 : vector<16xi1>, vector<16xi32>
    %reshape3A_1189 = vector.shape_cast %select_n3A_1188 : vector<16xi32> to vector<16x1xi32>
    %gather3A_1190 = vector.shape_cast %reshape3A_1189 : vector<16x1xi32> to vector<16xi32>
    %gather3A_1191 = tpu.dynamic_gather %add3A_1162[%gather3A_1190] in [0] : vector<16xi32>, vector<16xi32> -> vector<16xi32>
    %add3A_1192 = arith.addi %add3A_1162, %gather3A_1191 : vector<16xi32>
    %iota3A_1193 = tpu.iota {dimensions = array<i32: 0>} : vector<16xi32>
    %add3A_1194 = arith.constant 1 : i32
    %add3A_1195 = vector.broadcast %add3A_1194 : i32 to vector<16xi32>
    %add3A_1196 = arith.addi %iota3A_1193, %add3A_1195 : vector<16xi32>
    %jit3A_1197 = arith.constant 16 : i32
    %eq3A_1198 = arith.constant 0 : i32
    %eq3A_1199 = arith.cmpi eq, %jit3A_1197, %eq3A_1198 : i32
    %jit3A_1200 = arith.constant 1 : i32
    %select_n3A_1201 = arith.select %eq3A_1199, %jit3A_1200, %jit3A_1197 : i32
    %rem3A_1202 = vector.broadcast %select_n3A_1201 : i32 to vector<16xi32>
    %rem3A_1203 = arith.remsi %add3A_1196, %rem3A_1202 : vector<16xi32>
    %ne3A_1204 = arith.constant 0 : i32
    %ne3A_1205 = vector.broadcast %ne3A_1204 : i32 to vector<16xi32>
    %ne3A_1206 = arith.cmpi ne, %rem3A_1203, %ne3A_1205 : vector<16xi32>
    %lt3A_1207 = arith.constant 0 : i32
    %lt3A_1208 = vector.broadcast %lt3A_1207 : i32 to vector<16xi32>
    %lt3A_1209 = arith.cmpi slt, %rem3A_1203, %lt3A_1208 : vector<16xi32>
    %lt3A_1210 = arith.constant 0 : i32
    %lt3A_1211 = arith.cmpi slt, %select_n3A_1201, %lt3A_1210 : i32
    %ne3A_1212 = vector.broadcast %lt3A_1211 : i1 to vector<16xi1>
    %ne3A_1213 = vector.broadcast %ne3A_1212 : vector<16xi1> to vector<16xi1>
    %ne3A_1214 = arith.xori %lt3A_1209, %ne3A_1213 : vector<16xi1>
    %and3A_1215 = arith.andi %ne3A_1214, %ne3A_1206 : vector<16xi1>
    %add3A_1216 = vector.broadcast %select_n3A_1201 : i32 to vector<16xi32>
    %add3A_1217 = arith.addi %rem3A_1203, %add3A_1216 : vector<16xi32>
    %select_n3A_1218 = arith.select %and3A_1215, %add3A_1217, %rem3A_1203 : vector<16xi1>, vector<16xi32>
    %reshape3A_1219 = vector.shape_cast %select_n3A_1218 : vector<16xi32> to vector<16x1xi32>
    %gather3A_1220 = vector.shape_cast %reshape3A_1219 : vector<16x1xi32> to vector<16xi32>
    %gather3A_1221 = tpu.dynamic_gather %add3A_1192[%gather3A_1220] in [0] : vector<16xi32>, vector<16xi32> -> vector<16xi32>
    %add3A_1222 = arith.addi %add3A_1192, %gather3A_1221 : vector<16xi32>
    %eq3A_1223 = arith.constant 5 : i32
    %eq3A_1224 = vector.broadcast %eq3A_1223 : i32 to vector<16xi32>
    %eq3A_1225 = arith.cmpi eq, %iota3A, %eq3A_1224 : vector<16xi32>
    %select_n3A_1226 = arith.select %eq3A_1225, %add3A_1222, %select_n3A_1021 : vector<16xi1>, vector<16xi32>
    %broadcast_in_dim3A_1227 = arith.constant 0 : i32
    %broadcast_in_dim3A_1228 = vector.broadcast %broadcast_in_dim3A_1227 : i32 to vector<16xi32>
    %get3A_1229 = arith.constant 6 : i32
    %get3A_1230 = arith.index_cast %get3A_1229 : i32 to index
    %get3A_1231 = arith.constant 0 : index
    %get3A_1232 = tpu.vector_load %arg10[%get3A_1230, %get3A_1231] {strides = array<i32>} : memref<32x77xi32, #tpu.memory_space<vmem>>, vector<1x16xi32>,
    %get3A_1233 = vector.shape_cast %get3A_1232 : vector<1x16xi32> to vector<16xi32>
    %eq3A_1234 = arith.constant 265 : i32
    %eq3A_1235 = vector.broadcast %eq3A_1234 : i32 to vector<16xi32>
    %eq3A_1236 = arith.cmpi eq, %get3A_1233, %eq3A_1235 : vector<16xi32>
    %add3A_1237 = arith.constant 0 : i32
    %add3A_1238 = vector.broadcast %add3A_1237 : i32 to vector<16xi32>
    %add3A_1239 = arith.addi %add3A_1238, %iota3A : vector<16xi32>
    %jit3A_1240 = arith.constant 0 : i32
    %broadcast_in_dim3A_1241 = vector.broadcast %jit3A_1240 : i32 to vector<16xi32>
    %select_n3A_1242 = arith.select %eq3A_1236, %add3A_1239, %broadcast_in_dim3A_1241 : vector<16xi1>, vector<16xi32>
    %add3A_1243 = arith.addi %broadcast_in_dim3A_1228, %select_n3A_1242 : vector<16xi32>
    %get3A_1244 = arith.constant 6 : i32
    %get3A_1245 = arith.index_cast %get3A_1244 : i32 to index
    %get3A_1246 = arith.constant 16 : index
    %get3A_1247 = tpu.vector_load %arg10[%get3A_1245, %get3A_1246] {strides = array<i32>} : memref<32x77xi32, #tpu.memory_space<vmem>>, vector<1x16xi32>,
    %get3A_1248 = vector.shape_cast %get3A_1247 : vector<1x16xi32> to vector<16xi32>
    %eq3A_1249 = arith.constant 265 : i32
    %eq3A_1250 = vector.broadcast %eq3A_1249 : i32 to vector<16xi32>
    %eq3A_1251 = arith.cmpi eq, %get3A_1248, %eq3A_1250 : vector<16xi32>
    %add3A_1252 = arith.constant 16 : i32
    %add3A_1253 = vector.broadcast %add3A_1252 : i32 to vector<16xi32>
    %add3A_1254 = arith.addi %add3A_1253, %iota3A : vector<16xi32>
    %jit3A_1255 = arith.constant 0 : i32
    %broadcast_in_dim3A_1256 = vector.broadcast %jit3A_1255 : i32 to vector<16xi32>
    %select_n3A_1257 = arith.select %eq3A_1251, %add3A_1254, %broadcast_in_dim3A_1256 : vector<16xi1>, vector<16xi32>
    %add3A_1258 = arith.addi %add3A_1243, %select_n3A_1257 : vector<16xi32>
    %get3A_1259 = arith.constant 6 : i32
    %get3A_1260 = arith.index_cast %get3A_1259 : i32 to index
    %get3A_1261 = arith.constant 32 : index
    %get3A_1262 = tpu.vector_load %arg10[%get3A_1260, %get3A_1261] {strides = array<i32>} : memref<32x77xi32, #tpu.memory_space<vmem>>, vector<1x16xi32>,
    %get3A_1263 = vector.shape_cast %get3A_1262 : vector<1x16xi32> to vector<16xi32>
    %eq3A_1264 = arith.constant 265 : i32
    %eq3A_1265 = vector.broadcast %eq3A_1264 : i32 to vector<16xi32>
    %eq3A_1266 = arith.cmpi eq, %get3A_1263, %eq3A_1265 : vector<16xi32>
    %add3A_1267 = arith.constant 32 : i32
    %add3A_1268 = vector.broadcast %add3A_1267 : i32 to vector<16xi32>
    %add3A_1269 = arith.addi %add3A_1268, %iota3A : vector<16xi32>
    %jit3A_1270 = arith.constant 0 : i32
    %broadcast_in_dim3A_1271 = vector.broadcast %jit3A_1270 : i32 to vector<16xi32>
    %select_n3A_1272 = arith.select %eq3A_1266, %add3A_1269, %broadcast_in_dim3A_1271 : vector<16xi1>, vector<16xi32>
    %add3A_1273 = arith.addi %add3A_1258, %select_n3A_1272 : vector<16xi32>
    %get3A_1274 = arith.constant 6 : i32
    %get3A_1275 = arith.index_cast %get3A_1274 : i32 to index
    %get3A_1276 = arith.constant 48 : index
    %get3A_1277 = tpu.vector_load %arg10[%get3A_1275, %get3A_1276] {strides = array<i32>} : memref<32x77xi32, #tpu.memory_space<vmem>>, vector<1x16xi32>,
    %get3A_1278 = vector.shape_cast %get3A_1277 : vector<1x16xi32> to vector<16xi32>
    %eq3A_1279 = arith.constant 265 : i32
    %eq3A_1280 = vector.broadcast %eq3A_1279 : i32 to vector<16xi32>
    %eq3A_1281 = arith.cmpi eq, %get3A_1278, %eq3A_1280 : vector<16xi32>
    %add3A_1282 = arith.constant 48 : i32
    %add3A_1283 = vector.broadcast %add3A_1282 : i32 to vector<16xi32>
    %add3A_1284 = arith.addi %add3A_1283, %iota3A : vector<16xi32>
    %jit3A_1285 = arith.constant 0 : i32
    %broadcast_in_dim3A_1286 = vector.broadcast %jit3A_1285 : i32 to vector<16xi32>
    %select_n3A_1287 = arith.select %eq3A_1281, %add3A_1284, %broadcast_in_dim3A_1286 : vector<16xi1>, vector<16xi32>
    %add3A_1288 = arith.addi %add3A_1273, %select_n3A_1287 : vector<16xi32>
    %get3A_1289 = arith.constant 6 : i32
    %get3A_1290 = arith.index_cast %get3A_1289 : i32 to index
    %get3A_1291 = arith.constant 61 : index
    %get3A_1292 = tpu.vector_load %arg10[%get3A_1290, %get3A_1291] {strides = array<i32>} : memref<32x77xi32, #tpu.memory_space<vmem>>, vector<1x16xi32>,
    %get3A_1293 = vector.shape_cast %get3A_1292 : vector<1x16xi32> to vector<16xi32>
    %eq3A_1294 = arith.constant 265 : i32
    %eq3A_1295 = vector.broadcast %eq3A_1294 : i32 to vector<16xi32>
    %eq3A_1296 = arith.cmpi eq, %get3A_1293, %eq3A_1295 : vector<16xi32>
    %ge3A_1297 = arith.constant 3 : i32
    %ge3A_1298 = vector.broadcast %ge3A_1297 : i32 to vector<16xi32>
    %ge3A_1299 = arith.cmpi sge, %iota3A, %ge3A_1298 : vector<16xi32>
    %and3A_1300 = arith.andi %eq3A_1296, %ge3A_1299 : vector<16xi1>
    %add3A_1301 = arith.constant 61 : i32
    %add3A_1302 = vector.broadcast %add3A_1301 : i32 to vector<16xi32>
    %add3A_1303 = arith.addi %add3A_1302, %iota3A : vector<16xi32>
    %jit3A_1304 = arith.constant 0 : i32
    %broadcast_in_dim3A_1305 = vector.broadcast %jit3A_1304 : i32 to vector<16xi32>
    %select_n3A_1306 = arith.select %and3A_1300, %add3A_1303, %broadcast_in_dim3A_1305 : vector<16xi1>, vector<16xi32>
    %add3A_1307 = arith.addi %add3A_1288, %select_n3A_1306 : vector<16xi32>
    %iota3A_1308 = tpu.iota {dimensions = array<i32: 0>} : vector<16xi32>
    %add3A_1309 = arith.constant 8 : i32
    %add3A_1310 = vector.broadcast %add3A_1309 : i32 to vector<16xi32>
    %add3A_1311 = arith.addi %iota3A_1308, %add3A_1310 : vector<16xi32>
    %jit3A_1312 = arith.constant 16 : i32
    %eq3A_1313 = arith.constant 0 : i32
    %eq3A_1314 = arith.cmpi eq, %jit3A_1312, %eq3A_1313 : i32
    %jit3A_1315 = arith.constant 1 : i32
    %select_n3A_1316 = arith.select %eq3A_1314, %jit3A_1315, %jit3A_1312 : i32
    %rem3A_1317 = vector.broadcast %select_n3A_1316 : i32 to vector<16xi32>
    %rem3A_1318 = arith.remsi %add3A_1311, %rem3A_1317 : vector<16xi32>
    %ne3A_1319 = arith.constant 0 : i32
    %ne3A_1320 = vector.broadcast %ne3A_1319 : i32 to vector<16xi32>
    %ne3A_1321 = arith.cmpi ne, %rem3A_1318, %ne3A_1320 : vector<16xi32>
    %lt3A_1322 = arith.constant 0 : i32
    %lt3A_1323 = vector.broadcast %lt3A_1322 : i32 to vector<16xi32>
    %lt3A_1324 = arith.cmpi slt, %rem3A_1318, %lt3A_1323 : vector<16xi32>
    %lt3A_1325 = arith.constant 0 : i32
    %lt3A_1326 = arith.cmpi slt, %select_n3A_1316, %lt3A_1325 : i32
    %ne3A_1327 = vector.broadcast %lt3A_1326 : i1 to vector<16xi1>
    %ne3A_1328 = vector.broadcast %ne3A_1327 : vector<16xi1> to vector<16xi1>
    %ne3A_1329 = arith.xori %lt3A_1324, %ne3A_1328 : vector<16xi1>
    %and3A_1330 = arith.andi %ne3A_1329, %ne3A_1321 : vector<16xi1>
    %add3A_1331 = vector.broadcast %select_n3A_1316 : i32 to vector<16xi32>
    %add3A_1332 = arith.addi %rem3A_1318, %add3A_1331 : vector<16xi32>
    %select_n3A_1333 = arith.select %and3A_1330, %add3A_1332, %rem3A_1318 : vector<16xi1>, vector<16xi32>
    %reshape3A_1334 = vector.shape_cast %select_n3A_1333 : vector<16xi32> to vector<16x1xi32>
    %gather3A_1335 = vector.shape_cast %reshape3A_1334 : vector<16x1xi32> to vector<16xi32>
    %gather3A_1336 = tpu.dynamic_gather %add3A_1307[%gather3A_1335] in [0] : vector<16xi32>, vector<16xi32> -> vector<16xi32>
    %add3A_1337 = arith.addi %add3A_1307, %gather3A_1336 : vector<16xi32>
    %iota3A_1338 = tpu.iota {dimensions = array<i32: 0>} : vector<16xi32>
    %add3A_1339 = arith.constant 4 : i32
    %add3A_1340 = vector.broadcast %add3A_1339 : i32 to vector<16xi32>
    %add3A_1341 = arith.addi %iota3A_1338, %add3A_1340 : vector<16xi32>
    %jit3A_1342 = arith.constant 16 : i32
    %eq3A_1343 = arith.constant 0 : i32
    %eq3A_1344 = arith.cmpi eq, %jit3A_1342, %eq3A_1343 : i32
    %jit3A_1345 = arith.constant 1 : i32
    %select_n3A_1346 = arith.select %eq3A_1344, %jit3A_1345, %jit3A_1342 : i32
    %rem3A_1347 = vector.broadcast %select_n3A_1346 : i32 to vector<16xi32>
    %rem3A_1348 = arith.remsi %add3A_1341, %rem3A_1347 : vector<16xi32>
    %ne3A_1349 = arith.constant 0 : i32
    %ne3A_1350 = vector.broadcast %ne3A_1349 : i32 to vector<16xi32>
    %ne3A_1351 = arith.cmpi ne, %rem3A_1348, %ne3A_1350 : vector<16xi32>
    %lt3A_1352 = arith.constant 0 : i32
    %lt3A_1353 = vector.broadcast %lt3A_1352 : i32 to vector<16xi32>
    %lt3A_1354 = arith.cmpi slt, %rem3A_1348, %lt3A_1353 : vector<16xi32>
    %lt3A_1355 = arith.constant 0 : i32
    %lt3A_1356 = arith.cmpi slt, %select_n3A_1346, %lt3A_1355 : i32
    %ne3A_1357 = vector.broadcast %lt3A_1356 : i1 to vector<16xi1>
    %ne3A_1358 = vector.broadcast %ne3A_1357 : vector<16xi1> to vector<16xi1>
    %ne3A_1359 = arith.xori %lt3A_1354, %ne3A_1358 : vector<16xi1>
    %and3A_1360 = arith.andi %ne3A_1359, %ne3A_1351 : vector<16xi1>
    %add3A_1361 = vector.broadcast %select_n3A_1346 : i32 to vector<16xi32>
    %add3A_1362 = arith.addi %rem3A_1348, %add3A_1361 : vector<16xi32>
    %select_n3A_1363 = arith.select %and3A_1360, %add3A_1362, %rem3A_1348 : vector<16xi1>, vector<16xi32>
    %reshape3A_1364 = vector.shape_cast %select_n3A_1363 : vector<16xi32> to vector<16x1xi32>
    %gather3A_1365 = vector.shape_cast %reshape3A_1364 : vector<16x1xi32> to vector<16xi32>
    %gather3A_1366 = tpu.dynamic_gather %add3A_1337[%gather3A_1365] in [0] : vector<16xi32>, vector<16xi32> -> vector<16xi32>
    %add3A_1367 = arith.addi %add3A_1337, %gather3A_1366 : vector<16xi32>
    %iota3A_1368 = tpu.iota {dimensions = array<i32: 0>} : vector<16xi32>
    %add3A_1369 = arith.constant 2 : i32
    %add3A_1370 = vector.broadcast %add3A_1369 : i32 to vector<16xi32>
    %add3A_1371 = arith.addi %iota3A_1368, %add3A_1370 : vector<16xi32>
    %jit3A_1372 = arith.constant 16 : i32
    %eq3A_1373 = arith.constant 0 : i32
    %eq3A_1374 = arith.cmpi eq, %jit3A_1372, %eq3A_1373 : i32
    %jit3A_1375 = arith.constant 1 : i32
    %select_n3A_1376 = arith.select %eq3A_1374, %jit3A_1375, %jit3A_1372 : i32
    %rem3A_1377 = vector.broadcast %select_n3A_1376 : i32 to vector<16xi32>
    %rem3A_1378 = arith.remsi %add3A_1371, %rem3A_1377 : vector<16xi32>
    %ne3A_1379 = arith.constant 0 : i32
    %ne3A_1380 = vector.broadcast %ne3A_1379 : i32 to vector<16xi32>
    %ne3A_1381 = arith.cmpi ne, %rem3A_1378, %ne3A_1380 : vector<16xi32>
    %lt3A_1382 = arith.constant 0 : i32
    %lt3A_1383 = vector.broadcast %lt3A_1382 : i32 to vector<16xi32>
    %lt3A_1384 = arith.cmpi slt, %rem3A_1378, %lt3A_1383 : vector<16xi32>
    %lt3A_1385 = arith.constant 0 : i32
    %lt3A_1386 = arith.cmpi slt, %select_n3A_1376, %lt3A_1385 : i32
    %ne3A_1387 = vector.broadcast %lt3A_1386 : i1 to vector<16xi1>
    %ne3A_1388 = vector.broadcast %ne3A_1387 : vector<16xi1> to vector<16xi1>
    %ne3A_1389 = arith.xori %lt3A_1384, %ne3A_1388 : vector<16xi1>
    %and3A_1390 = arith.andi %ne3A_1389, %ne3A_1381 : vector<16xi1>
    %add3A_1391 = vector.broadcast %select_n3A_1376 : i32 to vector<16xi32>
    %add3A_1392 = arith.addi %rem3A_1378, %add3A_1391 : vector<16xi32>
    %select_n3A_1393 = arith.select %and3A_1390, %add3A_1392, %rem3A_1378 : vector<16xi1>, vector<16xi32>
    %reshape3A_1394 = vector.shape_cast %select_n3A_1393 : vector<16xi32> to vector<16x1xi32>
    %gather3A_1395 = vector.shape_cast %reshape3A_1394 : vector<16x1xi32> to vector<16xi32>
    %gather3A_1396 = tpu.dynamic_gather %add3A_1367[%gather3A_1395] in [0] : vector<16xi32>, vector<16xi32> -> vector<16xi32>
    %add3A_1397 = arith.addi %add3A_1367, %gather3A_1396 : vector<16xi32>
    %iota3A_1398 = tpu.iota {dimensions = array<i32: 0>} : vector<16xi32>
    %add3A_1399 = arith.constant 1 : i32
    %add3A_1400 = vector.broadcast %add3A_1399 : i32 to vector<16xi32>
    %add3A_1401 = arith.addi %iota3A_1398, %add3A_1400 : vector<16xi32>
    %jit3A_1402 = arith.constant 16 : i32
    %eq3A_1403 = arith.constant 0 : i32
    %eq3A_1404 = arith.cmpi eq, %jit3A_1402, %eq3A_1403 : i32
    %jit3A_1405 = arith.constant 1 : i32
    %select_n3A_1406 = arith.select %eq3A_1404, %jit3A_1405, %jit3A_1402 : i32
    %rem3A_1407 = vector.broadcast %select_n3A_1406 : i32 to vector<16xi32>
    %rem3A_1408 = arith.remsi %add3A_1401, %rem3A_1407 : vector<16xi32>
    %ne3A_1409 = arith.constant 0 : i32
    %ne3A_1410 = vector.broadcast %ne3A_1409 : i32 to vector<16xi32>
    %ne3A_1411 = arith.cmpi ne, %rem3A_1408, %ne3A_1410 : vector<16xi32>
    %lt3A_1412 = arith.constant 0 : i32
    %lt3A_1413 = vector.broadcast %lt3A_1412 : i32 to vector<16xi32>
    %lt3A_1414 = arith.cmpi slt, %rem3A_1408, %lt3A_1413 : vector<16xi32>
    %lt3A_1415 = arith.constant 0 : i32
    %lt3A_1416 = arith.cmpi slt, %select_n3A_1406, %lt3A_1415 : i32
    %ne3A_1417 = vector.broadcast %lt3A_1416 : i1 to vector<16xi1>
    %ne3A_1418 = vector.broadcast %ne3A_1417 : vector<16xi1> to vector<16xi1>
    %ne3A_1419 = arith.xori %lt3A_1414, %ne3A_1418 : vector<16xi1>
    %and3A_1420 = arith.andi %ne3A_1419, %ne3A_1411 : vector<16xi1>
    %add3A_1421 = vector.broadcast %select_n3A_1406 : i32 to vector<16xi32>
    %add3A_1422 = arith.addi %rem3A_1408, %add3A_1421 : vector<16xi32>
    %select_n3A_1423 = arith.select %and3A_1420, %add3A_1422, %rem3A_1408 : vector<16xi1>, vector<16xi32>
    %reshape3A_1424 = vector.shape_cast %select_n3A_1423 : vector<16xi32> to vector<16x1xi32>
    %gather3A_1425 = vector.shape_cast %reshape3A_1424 : vector<16x1xi32> to vector<16xi32>
    %gather3A_1426 = tpu.dynamic_gather %add3A_1397[%gather3A_1425] in [0] : vector<16xi32>, vector<16xi32> -> vector<16xi32>
    %add3A_1427 = arith.addi %add3A_1397, %gather3A_1426 : vector<16xi32>
    %eq3A_1428 = arith.constant 6 : i32
    %eq3A_1429 = vector.broadcast %eq3A_1428 : i32 to vector<16xi32>
    %eq3A_1430 = arith.cmpi eq, %iota3A, %eq3A_1429 : vector<16xi32>
    %select_n3A_1431 = arith.select %eq3A_1430, %add3A_1427, %select_n3A_1226 : vector<16xi1>, vector<16xi32>
    %broadcast_in_dim3A_1432 = arith.constant 0 : i32
    %broadcast_in_dim3A_1433 = vector.broadcast %broadcast_in_dim3A_1432 : i32 to vector<16xi32>
    %get3A_1434 = arith.constant 7 : i32
    %get3A_1435 = arith.index_cast %get3A_1434 : i32 to index
    %get3A_1436 = arith.constant 0 : index
    %get3A_1437 = tpu.vector_load %arg10[%get3A_1435, %get3A_1436] {strides = array<i32>} : memref<32x77xi32, #tpu.memory_space<vmem>>, vector<1x16xi32>,
    %get3A_1438 = vector.shape_cast %get3A_1437 : vector<1x16xi32> to vector<16xi32>
    %eq3A_1439 = arith.constant 265 : i32
    %eq3A_1440 = vector.broadcast %eq3A_1439 : i32 to vector<16xi32>
    %eq3A_1441 = arith.cmpi eq, %get3A_1438, %eq3A_1440 : vector<16xi32>
    %add3A_1442 = arith.constant 0 : i32
    %add3A_1443 = vector.broadcast %add3A_1442 : i32 to vector<16xi32>
    %add3A_1444 = arith.addi %add3A_1443, %iota3A : vector<16xi32>
    %jit3A_1445 = arith.constant 0 : i32
    %broadcast_in_dim3A_1446 = vector.broadcast %jit3A_1445 : i32 to vector<16xi32>
    %select_n3A_1447 = arith.select %eq3A_1441, %add3A_1444, %broadcast_in_dim3A_1446 : vector<16xi1>, vector<16xi32>
    %add3A_1448 = arith.addi %broadcast_in_dim3A_1433, %select_n3A_1447 : vector<16xi32>
    %get3A_1449 = arith.constant 7 : i32
    %get3A_1450 = arith.index_cast %get3A_1449 : i32 to index
    %get3A_1451 = arith.constant 16 : index
    %get3A_1452 = tpu.vector_load %arg10[%get3A_1450, %get3A_1451] {strides = array<i32>} : memref<32x77xi32, #tpu.memory_space<vmem>>, vector<1x16xi32>,
    %get3A_1453 = vector.shape_cast %get3A_1452 : vector<1x16xi32> to vector<16xi32>
    %eq3A_1454 = arith.constant 265 : i32
    %eq3A_1455 = vector.broadcast %eq3A_1454 : i32 to vector<16xi32>
    %eq3A_1456 = arith.cmpi eq, %get3A_1453, %eq3A_1455 : vector<16xi32>
    %add3A_1457 = arith.constant 16 : i32
    %add3A_1458 = vector.broadcast %add3A_1457 : i32 to vector<16xi32>
    %add3A_1459 = arith.addi %add3A_1458, %iota3A : vector<16xi32>
    %jit3A_1460 = arith.constant 0 : i32
    %broadcast_in_dim3A_1461 = vector.broadcast %jit3A_1460 : i32 to vector<16xi32>
    %select_n3A_1462 = arith.select %eq3A_1456, %add3A_1459, %broadcast_in_dim3A_1461 : vector<16xi1>, vector<16xi32>
    %add3A_1463 = arith.addi %add3A_1448, %select_n3A_1462 : vector<16xi32>
    %get3A_1464 = arith.constant 7 : i32
    %get3A_1465 = arith.index_cast %get3A_1464 : i32 to index
    %get3A_1466 = arith.constant 32 : index
    %get3A_1467 = tpu.vector_load %arg10[%get3A_1465, %get3A_1466] {strides = array<i32>} : memref<32x77xi32, #tpu.memory_space<vmem>>, vector<1x16xi32>,
    %get3A_1468 = vector.shape_cast %get3A_1467 : vector<1x16xi32> to vector<16xi32>
    %eq3A_1469 = arith.constant 265 : i32
    %eq3A_1470 = vector.broadcast %eq3A_1469 : i32 to vector<16xi32>
    %eq3A_1471 = arith.cmpi eq, %get3A_1468, %eq3A_1470 : vector<16xi32>
    %add3A_1472 = arith.constant 32 : i32
    %add3A_1473 = vector.broadcast %add3A_1472 : i32 to vector<16xi32>
    %add3A_1474 = arith.addi %add3A_1473, %iota3A : vector<16xi32>
    %jit3A_1475 = arith.constant 0 : i32
    %broadcast_in_dim3A_1476 = vector.broadcast %jit3A_1475 : i32 to vector<16xi32>
    %select_n3A_1477 = arith.select %eq3A_1471, %add3A_1474, %broadcast_in_dim3A_1476 : vector<16xi1>, vector<16xi32>
    %add3A_1478 = arith.addi %add3A_1463, %select_n3A_1477 : vector<16xi32>
    %get3A_1479 = arith.constant 7 : i32
    %get3A_1480 = arith.index_cast %get3A_1479 : i32 to index
    %get3A_1481 = arith.constant 48 : index
    %get3A_1482 = tpu.vector_load %arg10[%get3A_1480, %get3A_1481] {strides = array<i32>} : memref<32x77xi32, #tpu.memory_space<vmem>>, vector<1x16xi32>,
    %get3A_1483 = vector.shape_cast %get3A_1482 : vector<1x16xi32> to vector<16xi32>
    %eq3A_1484 = arith.constant 265 : i32
    %eq3A_1485 = vector.broadcast %eq3A_1484 : i32 to vector<16xi32>
    %eq3A_1486 = arith.cmpi eq, %get3A_1483, %eq3A_1485 : vector<16xi32>
    %add3A_1487 = arith.constant 48 : i32
    %add3A_1488 = vector.broadcast %add3A_1487 : i32 to vector<16xi32>
    %add3A_1489 = arith.addi %add3A_1488, %iota3A : vector<16xi32>
    %jit3A_1490 = arith.constant 0 : i32
    %broadcast_in_dim3A_1491 = vector.broadcast %jit3A_1490 : i32 to vector<16xi32>
    %select_n3A_1492 = arith.select %eq3A_1486, %add3A_1489, %broadcast_in_dim3A_1491 : vector<16xi1>, vector<16xi32>
    %add3A_1493 = arith.addi %add3A_1478, %select_n3A_1492 : vector<16xi32>
    %get3A_1494 = arith.constant 7 : i32
    %get3A_1495 = arith.index_cast %get3A_1494 : i32 to index
    %get3A_1496 = arith.constant 61 : index
    %get3A_1497 = tpu.vector_load %arg10[%get3A_1495, %get3A_1496] {strides = array<i32>} : memref<32x77xi32, #tpu.memory_space<vmem>>, vector<1x16xi32>,
    %get3A_1498 = vector.shape_cast %get3A_1497 : vector<1x16xi32> to vector<16xi32>
    %eq3A_1499 = arith.constant 265 : i32
    %eq3A_1500 = vector.broadcast %eq3A_1499 : i32 to vector<16xi32>
    %eq3A_1501 = arith.cmpi eq, %get3A_1498, %eq3A_1500 : vector<16xi32>
    %ge3A_1502 = arith.constant 3 : i32
    %ge3A_1503 = vector.broadcast %ge3A_1502 : i32 to vector<16xi32>
    %ge3A_1504 = arith.cmpi sge, %iota3A, %ge3A_1503 : vector<16xi32>
    %and3A_1505 = arith.andi %eq3A_1501, %ge3A_1504 : vector<16xi1>
    %add3A_1506 = arith.constant 61 : i32
    %add3A_1507 = vector.broadcast %add3A_1506 : i32 to vector<16xi32>
    %add3A_1508 = arith.addi %add3A_1507, %iota3A : vector<16xi32>
    %jit3A_1509 = arith.constant 0 : i32
    %broadcast_in_dim3A_1510 = vector.broadcast %jit3A_1509 : i32 to vector<16xi32>
    %select_n3A_1511 = arith.select %and3A_1505, %add3A_1508, %broadcast_in_dim3A_1510 : vector<16xi1>, vector<16xi32>
    %add3A_1512 = arith.addi %add3A_1493, %select_n3A_1511 : vector<16xi32>
    %iota3A_1513 = tpu.iota {dimensions = array<i32: 0>} : vector<16xi32>
    %add3A_1514 = arith.constant 8 : i32
    %add3A_1515 = vector.broadcast %add3A_1514 : i32 to vector<16xi32>
    %add3A_1516 = arith.addi %iota3A_1513, %add3A_1515 : vector<16xi32>
    %jit3A_1517 = arith.constant 16 : i32
    %eq3A_1518 = arith.constant 0 : i32
    %eq3A_1519 = arith.cmpi eq, %jit3A_1517, %eq3A_1518 : i32
    %jit3A_1520 = arith.constant 1 : i32
    %select_n3A_1521 = arith.select %eq3A_1519, %jit3A_1520, %jit3A_1517 : i32
    %rem3A_1522 = vector.broadcast %select_n3A_1521 : i32 to vector<16xi32>
    %rem3A_1523 = arith.remsi %add3A_1516, %rem3A_1522 : vector<16xi32>
    %ne3A_1524 = arith.constant 0 : i32
    %ne3A_1525 = vector.broadcast %ne3A_1524 : i32 to vector<16xi32>
    %ne3A_1526 = arith.cmpi ne, %rem3A_1523, %ne3A_1525 : vector<16xi32>
    %lt3A_1527 = arith.constant 0 : i32
    %lt3A_1528 = vector.broadcast %lt3A_1527 : i32 to vector<16xi32>
    %lt3A_1529 = arith.cmpi slt, %rem3A_1523, %lt3A_1528 : vector<16xi32>
    %lt3A_1530 = arith.constant 0 : i32
    %lt3A_1531 = arith.cmpi slt, %select_n3A_1521, %lt3A_1530 : i32
    %ne3A_1532 = vector.broadcast %lt3A_1531 : i1 to vector<16xi1>
    %ne3A_1533 = vector.broadcast %ne3A_1532 : vector<16xi1> to vector<16xi1>
    %ne3A_1534 = arith.xori %lt3A_1529, %ne3A_1533 : vector<16xi1>
    %and3A_1535 = arith.andi %ne3A_1534, %ne3A_1526 : vector<16xi1>
    %add3A_1536 = vector.broadcast %select_n3A_1521 : i32 to vector<16xi32>
    %add3A_1537 = arith.addi %rem3A_1523, %add3A_1536 : vector<16xi32>
    %select_n3A_1538 = arith.select %and3A_1535, %add3A_1537, %rem3A_1523 : vector<16xi1>, vector<16xi32>
    %reshape3A_1539 = vector.shape_cast %select_n3A_1538 : vector<16xi32> to vector<16x1xi32>
    %gather3A_1540 = vector.shape_cast %reshape3A_1539 : vector<16x1xi32> to vector<16xi32>
    %gather3A_1541 = tpu.dynamic_gather %add3A_1512[%gather3A_1540] in [0] : vector<16xi32>, vector<16xi32> -> vector<16xi32>
    %add3A_1542 = arith.addi %add3A_1512, %gather3A_1541 : vector<16xi32>
    %iota3A_1543 = tpu.iota {dimensions = array<i32: 0>} : vector<16xi32>
    %add3A_1544 = arith.constant 4 : i32
    %add3A_1545 = vector.broadcast %add3A_1544 : i32 to vector<16xi32>
    %add3A_1546 = arith.addi %iota3A_1543, %add3A_1545 : vector<16xi32>
    %jit3A_1547 = arith.constant 16 : i32
    %eq3A_1548 = arith.constant 0 : i32
    %eq3A_1549 = arith.cmpi eq, %jit3A_1547, %eq3A_1548 : i32
    %jit3A_1550 = arith.constant 1 : i32
    %select_n3A_1551 = arith.select %eq3A_1549, %jit3A_1550, %jit3A_1547 : i32
    %rem3A_1552 = vector.broadcast %select_n3A_1551 : i32 to vector<16xi32>
    %rem3A_1553 = arith.remsi %add3A_1546, %rem3A_1552 : vector<16xi32>
    %ne3A_1554 = arith.constant 0 : i32
    %ne3A_1555 = vector.broadcast %ne3A_1554 : i32 to vector<16xi32>
    %ne3A_1556 = arith.cmpi ne, %rem3A_1553, %ne3A_1555 : vector<16xi32>
    %lt3A_1557 = arith.constant 0 : i32
    %lt3A_1558 = vector.broadcast %lt3A_1557 : i32 to vector<16xi32>
    %lt3A_1559 = arith.cmpi slt, %rem3A_1553, %lt3A_1558 : vector<16xi32>
    %lt3A_1560 = arith.constant 0 : i32
    %lt3A_1561 = arith.cmpi slt, %select_n3A_1551, %lt3A_1560 : i32
    %ne3A_1562 = vector.broadcast %lt3A_1561 : i1 to vector<16xi1>
    %ne3A_1563 = vector.broadcast %ne3A_1562 : vector<16xi1> to vector<16xi1>
    %ne3A_1564 = arith.xori %lt3A_1559, %ne3A_1563 : vector<16xi1>
    %and3A_1565 = arith.andi %ne3A_1564, %ne3A_1556 : vector<16xi1>
    %add3A_1566 = vector.broadcast %select_n3A_1551 : i32 to vector<16xi32>
    %add3A_1567 = arith.addi %rem3A_1553, %add3A_1566 : vector<16xi32>
    %select_n3A_1568 = arith.select %and3A_1565, %add3A_1567, %rem3A_1553 : vector<16xi1>, vector<16xi32>
    %reshape3A_1569 = vector.shape_cast %select_n3A_1568 : vector<16xi32> to vector<16x1xi32>
    %gather3A_1570 = vector.shape_cast %reshape3A_1569 : vector<16x1xi32> to vector<16xi32>
    %gather3A_1571 = tpu.dynamic_gather %add3A_1542[%gather3A_1570] in [0] : vector<16xi32>, vector<16xi32> -> vector<16xi32>
    %add3A_1572 = arith.addi %add3A_1542, %gather3A_1571 : vector<16xi32>
    %iota3A_1573 = tpu.iota {dimensions = array<i32: 0>} : vector<16xi32>
    %add3A_1574 = arith.constant 2 : i32
    %add3A_1575 = vector.broadcast %add3A_1574 : i32 to vector<16xi32>
    %add3A_1576 = arith.addi %iota3A_1573, %add3A_1575 : vector<16xi32>
    %jit3A_1577 = arith.constant 16 : i32
    %eq3A_1578 = arith.constant 0 : i32
    %eq3A_1579 = arith.cmpi eq, %jit3A_1577, %eq3A_1578 : i32
    %jit3A_1580 = arith.constant 1 : i32
    %select_n3A_1581 = arith.select %eq3A_1579, %jit3A_1580, %jit3A_1577 : i32
    %rem3A_1582 = vector.broadcast %select_n3A_1581 : i32 to vector<16xi32>
    %rem3A_1583 = arith.remsi %add3A_1576, %rem3A_1582 : vector<16xi32>
    %ne3A_1584 = arith.constant 0 : i32
    %ne3A_1585 = vector.broadcast %ne3A_1584 : i32 to vector<16xi32>
    %ne3A_1586 = arith.cmpi ne, %rem3A_1583, %ne3A_1585 : vector<16xi32>
    %lt3A_1587 = arith.constant 0 : i32
    %lt3A_1588 = vector.broadcast %lt3A_1587 : i32 to vector<16xi32>
    %lt3A_1589 = arith.cmpi slt, %rem3A_1583, %lt3A_1588 : vector<16xi32>
    %lt3A_1590 = arith.constant 0 : i32
    %lt3A_1591 = arith.cmpi slt, %select_n3A_1581, %lt3A_1590 : i32
    %ne3A_1592 = vector.broadcast %lt3A_1591 : i1 to vector<16xi1>
    %ne3A_1593 = vector.broadcast %ne3A_1592 : vector<16xi1> to vector<16xi1>
    %ne3A_1594 = arith.xori %lt3A_1589, %ne3A_1593 : vector<16xi1>
    %and3A_1595 = arith.andi %ne3A_1594, %ne3A_1586 : vector<16xi1>
    %add3A_1596 = vector.broadcast %select_n3A_1581 : i32 to vector<16xi32>
    %add3A_1597 = arith.addi %rem3A_1583, %add3A_1596 : vector<16xi32>
    %select_n3A_1598 = arith.select %and3A_1595, %add3A_1597, %rem3A_1583 : vector<16xi1>, vector<16xi32>
    %reshape3A_1599 = vector.shape_cast %select_n3A_1598 : vector<16xi32> to vector<16x1xi32>
    %gather3A_1600 = vector.shape_cast %reshape3A_1599 : vector<16x1xi32> to vector<16xi32>
    %gather3A_1601 = tpu.dynamic_gather %add3A_1572[%gather3A_1600] in [0] : vector<16xi32>, vector<16xi32> -> vector<16xi32>
    %add3A_1602 = arith.addi %add3A_1572, %gather3A_1601 : vector<16xi32>
    %iota3A_1603 = tpu.iota {dimensions = array<i32: 0>} : vector<16xi32>
    %add3A_1604 = arith.constant 1 : i32
    %add3A_1605 = vector.broadcast %add3A_1604 : i32 to vector<16xi32>
    %add3A_1606 = arith.addi %iota3A_1603, %add3A_1605 : vector<16xi32>
    %jit3A_1607 = arith.constant 16 : i32
    %eq3A_1608 = arith.constant 0 : i32
    %eq3A_1609 = arith.cmpi eq, %jit3A_1607, %eq3A_1608 : i32
    %jit3A_1610 = arith.constant 1 : i32
    %select_n3A_1611 = arith.select %eq3A_1609, %jit3A_1610, %jit3A_1607 : i32
    %rem3A_1612 = vector.broadcast %select_n3A_1611 : i32 to vector<16xi32>
    %rem3A_1613 = arith.remsi %add3A_1606, %rem3A_1612 : vector<16xi32>
    %ne3A_1614 = arith.constant 0 : i32
    %ne3A_1615 = vector.broadcast %ne3A_1614 : i32 to vector<16xi32>
    %ne3A_1616 = arith.cmpi ne, %rem3A_1613, %ne3A_1615 : vector<16xi32>
    %lt3A_1617 = arith.constant 0 : i32
    %lt3A_1618 = vector.broadcast %lt3A_1617 : i32 to vector<16xi32>
    %lt3A_1619 = arith.cmpi slt, %rem3A_1613, %lt3A_1618 : vector<16xi32>
    %lt3A_1620 = arith.constant 0 : i32
    %lt3A_1621 = arith.cmpi slt, %select_n3A_1611, %lt3A_1620 : i32
    %ne3A_1622 = vector.broadcast %lt3A_1621 : i1 to vector<16xi1>
    %ne3A_1623 = vector.broadcast %ne3A_1622 : vector<16xi1> to vector<16xi1>
    %ne3A_1624 = arith.xori %lt3A_1619, %ne3A_1623 : vector<16xi1>
    %and3A_1625 = arith.andi %ne3A_1624, %ne3A_1616 : vector<16xi1>
    %add3A_1626 = vector.broadcast %select_n3A_1611 : i32 to vector<16xi32>
    %add3A_1627 = arith.addi %rem3A_1613, %add3A_1626 : vector<16xi32>
    %select_n3A_1628 = arith.select %and3A_1625, %add3A_1627, %rem3A_1613 : vector<16xi1>, vector<16xi32>
    %reshape3A_1629 = vector.shape_cast %select_n3A_1628 : vector<16xi32> to vector<16x1xi32>
    %gather3A_1630 = vector.shape_cast %reshape3A_1629 : vector<16x1xi32> to vector<16xi32>
    %gather3A_1631 = tpu.dynamic_gather %add3A_1602[%gather3A_1630] in [0] : vector<16xi32>, vector<16xi32> -> vector<16xi32>
    %add3A_1632 = arith.addi %add3A_1602, %gather3A_1631 : vector<16xi32>
    %eq3A_1633 = arith.constant 7 : i32
    %eq3A_1634 = vector.broadcast %eq3A_1633 : i32 to vector<16xi32>
    %eq3A_1635 = arith.cmpi eq, %iota3A, %eq3A_1634 : vector<16xi32>
    %select_n3A_1636 = arith.select %eq3A_1635, %add3A_1632, %select_n3A_1431 : vector<16xi1>, vector<16xi32>
    %broadcast_in_dim3A_1637 = arith.constant 0 : i32
    %broadcast_in_dim3A_1638 = vector.broadcast %broadcast_in_dim3A_1637 : i32 to vector<16xi32>
    %get3A_1639 = arith.constant 8 : i32
    %get3A_1640 = arith.index_cast %get3A_1639 : i32 to index
    %get3A_1641 = arith.constant 0 : index
    %get3A_1642 = tpu.vector_load %arg10[%get3A_1640, %get3A_1641] {strides = array<i32>} : memref<32x77xi32, #tpu.memory_space<vmem>>, vector<1x16xi32>,
    %get3A_1643 = vector.shape_cast %get3A_1642 : vector<1x16xi32> to vector<16xi32>
    %eq3A_1644 = arith.constant 265 : i32
    %eq3A_1645 = vector.broadcast %eq3A_1644 : i32 to vector<16xi32>
    %eq3A_1646 = arith.cmpi eq, %get3A_1643, %eq3A_1645 : vector<16xi32>
    %add3A_1647 = arith.constant 0 : i32
    %add3A_1648 = vector.broadcast %add3A_1647 : i32 to vector<16xi32>
    %add3A_1649 = arith.addi %add3A_1648, %iota3A : vector<16xi32>
    %jit3A_1650 = arith.constant 0 : i32
    %broadcast_in_dim3A_1651 = vector.broadcast %jit3A_1650 : i32 to vector<16xi32>
    %select_n3A_1652 = arith.select %eq3A_1646, %add3A_1649, %broadcast_in_dim3A_1651 : vector<16xi1>, vector<16xi32>
    %add3A_1653 = arith.addi %broadcast_in_dim3A_1638, %select_n3A_1652 : vector<16xi32>
    %get3A_1654 = arith.constant 8 : i32
    %get3A_1655 = arith.index_cast %get3A_1654 : i32 to index
    %get3A_1656 = arith.constant 16 : index
    %get3A_1657 = tpu.vector_load %arg10[%get3A_1655, %get3A_1656] {strides = array<i32>} : memref<32x77xi32, #tpu.memory_space<vmem>>, vector<1x16xi32>,
    %get3A_1658 = vector.shape_cast %get3A_1657 : vector<1x16xi32> to vector<16xi32>
    %eq3A_1659 = arith.constant 265 : i32
    %eq3A_1660 = vector.broadcast %eq3A_1659 : i32 to vector<16xi32>
    %eq3A_1661 = arith.cmpi eq, %get3A_1658, %eq3A_1660 : vector<16xi32>
    %add3A_1662 = arith.constant 16 : i32
    %add3A_1663 = vector.broadcast %add3A_1662 : i32 to vector<16xi32>
    %add3A_1664 = arith.addi %add3A_1663, %iota3A : vector<16xi32>
    %jit3A_1665 = arith.constant 0 : i32
    %broadcast_in_dim3A_1666 = vector.broadcast %jit3A_1665 : i32 to vector<16xi32>
    %select_n3A_1667 = arith.select %eq3A_1661, %add3A_1664, %broadcast_in_dim3A_1666 : vector<16xi1>, vector<16xi32>
    %add3A_1668 = arith.addi %add3A_1653, %select_n3A_1667 : vector<16xi32>
    %get3A_1669 = arith.constant 8 : i32
    %get3A_1670 = arith.index_cast %get3A_1669 : i32 to index
    %get3A_1671 = arith.constant 32 : index
    %get3A_1672 = tpu.vector_load %arg10[%get3A_1670, %get3A_1671] {strides = array<i32>} : memref<32x77xi32, #tpu.memory_space<vmem>>, vector<1x16xi32>,
    %get3A_1673 = vector.shape_cast %get3A_1672 : vector<1x16xi32> to vector<16xi32>
    %eq3A_1674 = arith.constant 265 : i32
    %eq3A_1675 = vector.broadcast %eq3A_1674 : i32 to vector<16xi32>
    %eq3A_1676 = arith.cmpi eq, %get3A_1673, %eq3A_1675 : vector<16xi32>
    %add3A_1677 = arith.constant 32 : i32
    %add3A_1678 = vector.broadcast %add3A_1677 : i32 to vector<16xi32>
    %add3A_1679 = arith.addi %add3A_1678, %iota3A : vector<16xi32>
    %jit3A_1680 = arith.constant 0 : i32
    %broadcast_in_dim3A_1681 = vector.broadcast %jit3A_1680 : i32 to vector<16xi32>
    %select_n3A_1682 = arith.select %eq3A_1676, %add3A_1679, %broadcast_in_dim3A_1681 : vector<16xi1>, vector<16xi32>
    %add3A_1683 = arith.addi %add3A_1668, %select_n3A_1682 : vector<16xi32>
    %get3A_1684 = arith.constant 8 : i32
    %get3A_1685 = arith.index_cast %get3A_1684 : i32 to index
    %get3A_1686 = arith.constant 48 : index
    %get3A_1687 = tpu.vector_load %arg10[%get3A_1685, %get3A_1686] {strides = array<i32>} : memref<32x77xi32, #tpu.memory_space<vmem>>, vector<1x16xi32>,
    %get3A_1688 = vector.shape_cast %get3A_1687 : vector<1x16xi32> to vector<16xi32>
    %eq3A_1689 = arith.constant 265 : i32
    %eq3A_1690 = vector.broadcast %eq3A_1689 : i32 to vector<16xi32>
    %eq3A_1691 = arith.cmpi eq, %get3A_1688, %eq3A_1690 : vector<16xi32>
    %add3A_1692 = arith.constant 48 : i32
    %add3A_1693 = vector.broadcast %add3A_1692 : i32 to vector<16xi32>
    %add3A_1694 = arith.addi %add3A_1693, %iota3A : vector<16xi32>
    %jit3A_1695 = arith.constant 0 : i32
    %broadcast_in_dim3A_1696 = vector.broadcast %jit3A_1695 : i32 to vector<16xi32>
    %select_n3A_1697 = arith.select %eq3A_1691, %add3A_1694, %broadcast_in_dim3A_1696 : vector<16xi1>, vector<16xi32>
    %add3A_1698 = arith.addi %add3A_1683, %select_n3A_1697 : vector<16xi32>
    %get3A_1699 = arith.constant 8 : i32
    %get3A_1700 = arith.index_cast %get3A_1699 : i32 to index
    %get3A_1701 = arith.constant 61 : index
    %get3A_1702 = tpu.vector_load %arg10[%get3A_1700, %get3A_1701] {strides = array<i32>} : memref<32x77xi32, #tpu.memory_space<vmem>>, vector<1x16xi32>,
    %get3A_1703 = vector.shape_cast %get3A_1702 : vector<1x16xi32> to vector<16xi32>
    %eq3A_1704 = arith.constant 265 : i32
    %eq3A_1705 = vector.broadcast %eq3A_1704 : i32 to vector<16xi32>
    %eq3A_1706 = arith.cmpi eq, %get3A_1703, %eq3A_1705 : vector<16xi32>
    %ge3A_1707 = arith.constant 3 : i32
    %ge3A_1708 = vector.broadcast %ge3A_1707 : i32 to vector<16xi32>
    %ge3A_1709 = arith.cmpi sge, %iota3A, %ge3A_1708 : vector<16xi32>
    %and3A_1710 = arith.andi %eq3A_1706, %ge3A_1709 : vector<16xi1>
    %add3A_1711 = arith.constant 61 : i32
    %add3A_1712 = vector.broadcast %add3A_1711 : i32 to vector<16xi32>
    %add3A_1713 = arith.addi %add3A_1712, %iota3A : vector<16xi32>
    %jit3A_1714 = arith.constant 0 : i32
    %broadcast_in_dim3A_1715 = vector.broadcast %jit3A_1714 : i32 to vector<16xi32>
    %select_n3A_1716 = arith.select %and3A_1710, %add3A_1713, %broadcast_in_dim3A_1715 : vector<16xi1>, vector<16xi32>
    %add3A_1717 = arith.addi %add3A_1698, %select_n3A_1716 : vector<16xi32>
    %iota3A_1718 = tpu.iota {dimensions = array<i32: 0>} : vector<16xi32>
    %add3A_1719 = arith.constant 8 : i32
    %add3A_1720 = vector.broadcast %add3A_1719 : i32 to vector<16xi32>
    %add3A_1721 = arith.addi %iota3A_1718, %add3A_1720 : vector<16xi32>
    %jit3A_1722 = arith.constant 16 : i32
    %eq3A_1723 = arith.constant 0 : i32
    %eq3A_1724 = arith.cmpi eq, %jit3A_1722, %eq3A_1723 : i32
    %jit3A_1725 = arith.constant 1 : i32
    %select_n3A_1726 = arith.select %eq3A_1724, %jit3A_1725, %jit3A_1722 : i32
    %rem3A_1727 = vector.broadcast %select_n3A_1726 : i32 to vector<16xi32>
    %rem3A_1728 = arith.remsi %add3A_1721, %rem3A_1727 : vector<16xi32>
    %ne3A_1729 = arith.constant 0 : i32
    %ne3A_1730 = vector.broadcast %ne3A_1729 : i32 to vector<16xi32>
    %ne3A_1731 = arith.cmpi ne, %rem3A_1728, %ne3A_1730 : vector<16xi32>
    %lt3A_1732 = arith.constant 0 : i32
    %lt3A_1733 = vector.broadcast %lt3A_1732 : i32 to vector<16xi32>
    %lt3A_1734 = arith.cmpi slt, %rem3A_1728, %lt3A_1733 : vector<16xi32>
    %lt3A_1735 = arith.constant 0 : i32
    %lt3A_1736 = arith.cmpi slt, %select_n3A_1726, %lt3A_1735 : i32
    %ne3A_1737 = vector.broadcast %lt3A_1736 : i1 to vector<16xi1>
    %ne3A_1738 = vector.broadcast %ne3A_1737 : vector<16xi1> to vector<16xi1>
    %ne3A_1739 = arith.xori %lt3A_1734, %ne3A_1738 : vector<16xi1>
    %and3A_1740 = arith.andi %ne3A_1739, %ne3A_1731 : vector<16xi1>
    %add3A_1741 = vector.broadcast %select_n3A_1726 : i32 to vector<16xi32>
    %add3A_1742 = arith.addi %rem3A_1728, %add3A_1741 : vector<16xi32>
    %select_n3A_1743 = arith.select %and3A_1740, %add3A_1742, %rem3A_1728 : vector<16xi1>, vector<16xi32>
    %reshape3A_1744 = vector.shape_cast %select_n3A_1743 : vector<16xi32> to vector<16x1xi32>
    %gather3A_1745 = vector.shape_cast %reshape3A_1744 : vector<16x1xi32> to vector<16xi32>
    %gather3A_1746 = tpu.dynamic_gather %add3A_1717[%gather3A_1745] in [0] : vector<16xi32>, vector<16xi32> -> vector<16xi32>
    %add3A_1747 = arith.addi %add3A_1717, %gather3A_1746 : vector<16xi32>
    %iota3A_1748 = tpu.iota {dimensions = array<i32: 0>} : vector<16xi32>
    %add3A_1749 = arith.constant 4 : i32
    %add3A_1750 = vector.broadcast %add3A_1749 : i32 to vector<16xi32>
    %add3A_1751 = arith.addi %iota3A_1748, %add3A_1750 : vector<16xi32>
    %jit3A_1752 = arith.constant 16 : i32
    %eq3A_1753 = arith.constant 0 : i32
    %eq3A_1754 = arith.cmpi eq, %jit3A_1752, %eq3A_1753 : i32
    %jit3A_1755 = arith.constant 1 : i32
    %select_n3A_1756 = arith.select %eq3A_1754, %jit3A_1755, %jit3A_1752 : i32
    %rem3A_1757 = vector.broadcast %select_n3A_1756 : i32 to vector<16xi32>
    %rem3A_1758 = arith.remsi %add3A_1751, %rem3A_1757 : vector<16xi32>
    %ne3A_1759 = arith.constant 0 : i32
    %ne3A_1760 = vector.broadcast %ne3A_1759 : i32 to vector<16xi32>
    %ne3A_1761 = arith.cmpi ne, %rem3A_1758, %ne3A_1760 : vector<16xi32>
    %lt3A_1762 = arith.constant 0 : i32
    %lt3A_1763 = vector.broadcast %lt3A_1762 : i32 to vector<16xi32>
    %lt3A_1764 = arith.cmpi slt, %rem3A_1758, %lt3A_1763 : vector<16xi32>
    %lt3A_1765 = arith.constant 0 : i32
    %lt3A_1766 = arith.cmpi slt, %select_n3A_1756, %lt3A_1765 : i32
    %ne3A_1767 = vector.broadcast %lt3A_1766 : i1 to vector<16xi1>
    %ne3A_1768 = vector.broadcast %ne3A_1767 : vector<16xi1> to vector<16xi1>
    %ne3A_1769 = arith.xori %lt3A_1764, %ne3A_1768 : vector<16xi1>
    %and3A_1770 = arith.andi %ne3A_1769, %ne3A_1761 : vector<16xi1>
    %add3A_1771 = vector.broadcast %select_n3A_1756 : i32 to vector<16xi32>
    %add3A_1772 = arith.addi %rem3A_1758, %add3A_1771 : vector<16xi32>
    %select_n3A_1773 = arith.select %and3A_1770, %add3A_1772, %rem3A_1758 : vector<16xi1>, vector<16xi32>
    %reshape3A_1774 = vector.shape_cast %select_n3A_1773 : vector<16xi32> to vector<16x1xi32>
    %gather3A_1775 = vector.shape_cast %reshape3A_1774 : vector<16x1xi32> to vector<16xi32>
    %gather3A_1776 = tpu.dynamic_gather %add3A_1747[%gather3A_1775] in [0] : vector<16xi32>, vector<16xi32> -> vector<16xi32>
    %add3A_1777 = arith.addi %add3A_1747, %gather3A_1776 : vector<16xi32>
    %iota3A_1778 = tpu.iota {dimensions = array<i32: 0>} : vector<16xi32>
    %add3A_1779 = arith.constant 2 : i32
    %add3A_1780 = vector.broadcast %add3A_1779 : i32 to vector<16xi32>
    %add3A_1781 = arith.addi %iota3A_1778, %add3A_1780 : vector<16xi32>
    %jit3A_1782 = arith.constant 16 : i32
    %eq3A_1783 = arith.constant 0 : i32
    %eq3A_1784 = arith.cmpi eq, %jit3A_1782, %eq3A_1783 : i32
    %jit3A_1785 = arith.constant 1 : i32
    %select_n3A_1786 = arith.select %eq3A_1784, %jit3A_1785, %jit3A_1782 : i32
    %rem3A_1787 = vector.broadcast %select_n3A_1786 : i32 to vector<16xi32>
    %rem3A_1788 = arith.remsi %add3A_1781, %rem3A_1787 : vector<16xi32>
    %ne3A_1789 = arith.constant 0 : i32
    %ne3A_1790 = vector.broadcast %ne3A_1789 : i32 to vector<16xi32>
    %ne3A_1791 = arith.cmpi ne, %rem3A_1788, %ne3A_1790 : vector<16xi32>
    %lt3A_1792 = arith.constant 0 : i32
    %lt3A_1793 = vector.broadcast %lt3A_1792 : i32 to vector<16xi32>
    %lt3A_1794 = arith.cmpi slt, %rem3A_1788, %lt3A_1793 : vector<16xi32>
    %lt3A_1795 = arith.constant 0 : i32
    %lt3A_1796 = arith.cmpi slt, %select_n3A_1786, %lt3A_1795 : i32
    %ne3A_1797 = vector.broadcast %lt3A_1796 : i1 to vector<16xi1>
    %ne3A_1798 = vector.broadcast %ne3A_1797 : vector<16xi1> to vector<16xi1>
    %ne3A_1799 = arith.xori %lt3A_1794, %ne3A_1798 : vector<16xi1>
    %and3A_1800 = arith.andi %ne3A_1799, %ne3A_1791 : vector<16xi1>
    %add3A_1801 = vector.broadcast %select_n3A_1786 : i32 to vector<16xi32>
    %add3A_1802 = arith.addi %rem3A_1788, %add3A_1801 : vector<16xi32>
    %select_n3A_1803 = arith.select %and3A_1800, %add3A_1802, %rem3A_1788 : vector<16xi1>, vector<16xi32>
    %reshape3A_1804 = vector.shape_cast %select_n3A_1803 : vector<16xi32> to vector<16x1xi32>
    %gather3A_1805 = vector.shape_cast %reshape3A_1804 : vector<16x1xi32> to vector<16xi32>
    %gather3A_1806 = tpu.dynamic_gather %add3A_1777[%gather3A_1805] in [0] : vector<16xi32>, vector<16xi32> -> vector<16xi32>
    %add3A_1807 = arith.addi %add3A_1777, %gather3A_1806 : vector<16xi32>
    %iota3A_1808 = tpu.iota {dimensions = array<i32: 0>} : vector<16xi32>
    %add3A_1809 = arith.constant 1 : i32
    %add3A_1810 = vector.broadcast %add3A_1809 : i32 to vector<16xi32>
    %add3A_1811 = arith.addi %iota3A_1808, %add3A_1810 : vector<16xi32>
    %jit3A_1812 = arith.constant 16 : i32
    %eq3A_1813 = arith.constant 0 : i32
    %eq3A_1814 = arith.cmpi eq, %jit3A_1812, %eq3A_1813 : i32
    %jit3A_1815 = arith.constant 1 : i32
    %select_n3A_1816 = arith.select %eq3A_1814, %jit3A_1815, %jit3A_1812 : i32
    %rem3A_1817 = vector.broadcast %select_n3A_1816 : i32 to vector<16xi32>
    %rem3A_1818 = arith.remsi %add3A_1811, %rem3A_1817 : vector<16xi32>
    %ne3A_1819 = arith.constant 0 : i32
    %ne3A_1820 = vector.broadcast %ne3A_1819 : i32 to vector<16xi32>
    %ne3A_1821 = arith.cmpi ne, %rem3A_1818, %ne3A_1820 : vector<16xi32>
    %lt3A_1822 = arith.constant 0 : i32
    %lt3A_1823 = vector.broadcast %lt3A_1822 : i32 to vector<16xi32>
    %lt3A_1824 = arith.cmpi slt, %rem3A_1818, %lt3A_1823 : vector<16xi32>
    %lt3A_1825 = arith.constant 0 : i32
    %lt3A_1826 = arith.cmpi slt, %select_n3A_1816, %lt3A_1825 : i32
    %ne3A_1827 = vector.broadcast %lt3A_1826 : i1 to vector<16xi1>
    %ne3A_1828 = vector.broadcast %ne3A_1827 : vector<16xi1> to vector<16xi1>
    %ne3A_1829 = arith.xori %lt3A_1824, %ne3A_1828 : vector<16xi1>
    %and3A_1830 = arith.andi %ne3A_1829, %ne3A_1821 : vector<16xi1>
    %add3A_1831 = vector.broadcast %select_n3A_1816 : i32 to vector<16xi32>
    %add3A_1832 = arith.addi %rem3A_1818, %add3A_1831 : vector<16xi32>
    %select_n3A_1833 = arith.select %and3A_1830, %add3A_1832, %rem3A_1818 : vector<16xi1>, vector<16xi32>
    %reshape3A_1834 = vector.shape_cast %select_n3A_1833 : vector<16xi32> to vector<16x1xi32>
    %gather3A_1835 = vector.shape_cast %reshape3A_1834 : vector<16x1xi32> to vector<16xi32>
    %gather3A_1836 = tpu.dynamic_gather %add3A_1807[%gather3A_1835] in [0] : vector<16xi32>, vector<16xi32> -> vector<16xi32>
    %add3A_1837 = arith.addi %add3A_1807, %gather3A_1836 : vector<16xi32>
    %eq3A_1838 = arith.constant 8 : i32
    %eq3A_1839 = vector.broadcast %eq3A_1838 : i32 to vector<16xi32>
    %eq3A_1840 = arith.cmpi eq, %iota3A, %eq3A_1839 : vector<16xi32>
    %select_n3A_1841 = arith.select %eq3A_1840, %add3A_1837, %select_n3A_1636 : vector<16xi1>, vector<16xi32>
    %broadcast_in_dim3A_1842 = arith.constant 0 : i32
    %broadcast_in_dim3A_1843 = vector.broadcast %broadcast_in_dim3A_1842 : i32 to vector<16xi32>
    %get3A_1844 = arith.constant 9 : i32
    %get3A_1845 = arith.index_cast %get3A_1844 : i32 to index
    %get3A_1846 = arith.constant 0 : index
    %get3A_1847 = tpu.vector_load %arg10[%get3A_1845, %get3A_1846] {strides = array<i32>} : memref<32x77xi32, #tpu.memory_space<vmem>>, vector<1x16xi32>,
    %get3A_1848 = vector.shape_cast %get3A_1847 : vector<1x16xi32> to vector<16xi32>
    %eq3A_1849 = arith.constant 265 : i32
    %eq3A_1850 = vector.broadcast %eq3A_1849 : i32 to vector<16xi32>
    %eq3A_1851 = arith.cmpi eq, %get3A_1848, %eq3A_1850 : vector<16xi32>
    %add3A_1852 = arith.constant 0 : i32
    %add3A_1853 = vector.broadcast %add3A_1852 : i32 to vector<16xi32>
    %add3A_1854 = arith.addi %add3A_1853, %iota3A : vector<16xi32>
    %jit3A_1855 = arith.constant 0 : i32
    %broadcast_in_dim3A_1856 = vector.broadcast %jit3A_1855 : i32 to vector<16xi32>
    %select_n3A_1857 = arith.select %eq3A_1851, %add3A_1854, %broadcast_in_dim3A_1856 : vector<16xi1>, vector<16xi32>
    %add3A_1858 = arith.addi %broadcast_in_dim3A_1843, %select_n3A_1857 : vector<16xi32>
    %get3A_1859 = arith.constant 9 : i32
    %get3A_1860 = arith.index_cast %get3A_1859 : i32 to index
    %get3A_1861 = arith.constant 16 : index
    %get3A_1862 = tpu.vector_load %arg10[%get3A_1860, %get3A_1861] {strides = array<i32>} : memref<32x77xi32, #tpu.memory_space<vmem>>, vector<1x16xi32>,
    %get3A_1863 = vector.shape_cast %get3A_1862 : vector<1x16xi32> to vector<16xi32>
    %eq3A_1864 = arith.constant 265 : i32
    %eq3A_1865 = vector.broadcast %eq3A_1864 : i32 to vector<16xi32>
    %eq3A_1866 = arith.cmpi eq, %get3A_1863, %eq3A_1865 : vector<16xi32>
    %add3A_1867 = arith.constant 16 : i32
    %add3A_1868 = vector.broadcast %add3A_1867 : i32 to vector<16xi32>
    %add3A_1869 = arith.addi %add3A_1868, %iota3A : vector<16xi32>
    %jit3A_1870 = arith.constant 0 : i32
    %broadcast_in_dim3A_1871 = vector.broadcast %jit3A_1870 : i32 to vector<16xi32>
    %select_n3A_1872 = arith.select %eq3A_1866, %add3A_1869, %broadcast_in_dim3A_1871 : vector<16xi1>, vector<16xi32>
    %add3A_1873 = arith.addi %add3A_1858, %select_n3A_1872 : vector<16xi32>
    %get3A_1874 = arith.constant 9 : i32
    %get3A_1875 = arith.index_cast %get3A_1874 : i32 to index
    %get3A_1876 = arith.constant 32 : index
    %get3A_1877 = tpu.vector_load %arg10[%get3A_1875, %get3A_1876] {strides = array<i32>} : memref<32x77xi32, #tpu.memory_space<vmem>>, vector<1x16xi32>,
    %get3A_1878 = vector.shape_cast %get3A_1877 : vector<1x16xi32> to vector<16xi32>
    %eq3A_1879 = arith.constant 265 : i32
    %eq3A_1880 = vector.broadcast %eq3A_1879 : i32 to vector<16xi32>
    %eq3A_1881 = arith.cmpi eq, %get3A_1878, %eq3A_1880 : vector<16xi32>
    %add3A_1882 = arith.constant 32 : i32
    %add3A_1883 = vector.broadcast %add3A_1882 : i32 to vector<16xi32>
    %add3A_1884 = arith.addi %add3A_1883, %iota3A : vector<16xi32>
    %jit3A_1885 = arith.constant 0 : i32
    %broadcast_in_dim3A_1886 = vector.broadcast %jit3A_1885 : i32 to vector<16xi32>
    %select_n3A_1887 = arith.select %eq3A_1881, %add3A_1884, %broadcast_in_dim3A_1886 : vector<16xi1>, vector<16xi32>
    %add3A_1888 = arith.addi %add3A_1873, %select_n3A_1887 : vector<16xi32>
    %get3A_1889 = arith.constant 9 : i32
    %get3A_1890 = arith.index_cast %get3A_1889 : i32 to index
    %get3A_1891 = arith.constant 48 : index
    %get3A_1892 = tpu.vector_load %arg10[%get3A_1890, %get3A_1891] {strides = array<i32>} : memref<32x77xi32, #tpu.memory_space<vmem>>, vector<1x16xi32>,
    %get3A_1893 = vector.shape_cast %get3A_1892 : vector<1x16xi32> to vector<16xi32>
    %eq3A_1894 = arith.constant 265 : i32
    %eq3A_1895 = vector.broadcast %eq3A_1894 : i32 to vector<16xi32>
    %eq3A_1896 = arith.cmpi eq, %get3A_1893, %eq3A_1895 : vector<16xi32>
    %add3A_1897 = arith.constant 48 : i32
    %add3A_1898 = vector.broadcast %add3A_1897 : i32 to vector<16xi32>
    %add3A_1899 = arith.addi %add3A_1898, %iota3A : vector<16xi32>
    %jit3A_1900 = arith.constant 0 : i32
    %broadcast_in_dim3A_1901 = vector.broadcast %jit3A_1900 : i32 to vector<16xi32>
    %select_n3A_1902 = arith.select %eq3A_1896, %add3A_1899, %broadcast_in_dim3A_1901 : vector<16xi1>, vector<16xi32>
    %add3A_1903 = arith.addi %add3A_1888, %select_n3A_1902 : vector<16xi32>
    %get3A_1904 = arith.constant 9 : i32
    %get3A_1905 = arith.index_cast %get3A_1904 : i32 to index
    %get3A_1906 = arith.constant 61 : index
    %get3A_1907 = tpu.vector_load %arg10[%get3A_1905, %get3A_1906] {strides = array<i32>} : memref<32x77xi32, #tpu.memory_space<vmem>>, vector<1x16xi32>,
    %get3A_1908 = vector.shape_cast %get3A_1907 : vector<1x16xi32> to vector<16xi32>
    %eq3A_1909 = arith.constant 265 : i32
    %eq3A_1910 = vector.broadcast %eq3A_1909 : i32 to vector<16xi32>
    %eq3A_1911 = arith.cmpi eq, %get3A_1908, %eq3A_1910 : vector<16xi32>
    %ge3A_1912 = arith.constant 3 : i32
    %ge3A_1913 = vector.broadcast %ge3A_1912 : i32 to vector<16xi32>
    %ge3A_1914 = arith.cmpi sge, %iota3A, %ge3A_1913 : vector<16xi32>
    %and3A_1915 = arith.andi %eq3A_1911, %ge3A_1914 : vector<16xi1>
    %add3A_1916 = arith.constant 61 : i32
    %add3A_1917 = vector.broadcast %add3A_1916 : i32 to vector<16xi32>
    %add3A_1918 = arith.addi %add3A_1917, %iota3A : vector<16xi32>
    %jit3A_1919 = arith.constant 0 : i32
    %broadcast_in_dim3A_1920 = vector.broadcast %jit3A_1919 : i32 to vector<16xi32>
    %select_n3A_1921 = arith.select %and3A_1915, %add3A_1918, %broadcast_in_dim3A_1920 : vector<16xi1>, vector<16xi32>
    %add3A_1922 = arith.addi %add3A_1903, %select_n3A_1921 : vector<16xi32>
    %iota3A_1923 = tpu.iota {dimensions = array<i32: 0>} : vector<16xi32>
    %add3A_1924 = arith.constant 8 : i32
    %add3A_1925 = vector.broadcast %add3A_1924 : i32 to vector<16xi32>
    %add3A_1926 = arith.addi %iota3A_1923, %add3A_1925 : vector<16xi32>
    %jit3A_1927 = arith.constant 16 : i32
    %eq3A_1928 = arith.constant 0 : i32
    %eq3A_1929 = arith.cmpi eq, %jit3A_1927, %eq3A_1928 : i32
    %jit3A_1930 = arith.constant 1 : i32
    %select_n3A_1931 = arith.select %eq3A_1929, %jit3A_1930, %jit3A_1927 : i32
    %rem3A_1932 = vector.broadcast %select_n3A_1931 : i32 to vector<16xi32>
    %rem3A_1933 = arith.remsi %add3A_1926, %rem3A_1932 : vector<16xi32>
    %ne3A_1934 = arith.constant 0 : i32
    %ne3A_1935 = vector.broadcast %ne3A_1934 : i32 to vector<16xi32>
    %ne3A_1936 = arith.cmpi ne, %rem3A_1933, %ne3A_1935 : vector<16xi32>
    %lt3A_1937 = arith.constant 0 : i32
    %lt3A_1938 = vector.broadcast %lt3A_1937 : i32 to vector<16xi32>
    %lt3A_1939 = arith.cmpi slt, %rem3A_1933, %lt3A_1938 : vector<16xi32>
    %lt3A_1940 = arith.constant 0 : i32
    %lt3A_1941 = arith.cmpi slt, %select_n3A_1931, %lt3A_1940 : i32
    %ne3A_1942 = vector.broadcast %lt3A_1941 : i1 to vector<16xi1>
    %ne3A_1943 = vector.broadcast %ne3A_1942 : vector<16xi1> to vector<16xi1>
    %ne3A_1944 = arith.xori %lt3A_1939, %ne3A_1943 : vector<16xi1>
    %and3A_1945 = arith.andi %ne3A_1944, %ne3A_1936 : vector<16xi1>
    %add3A_1946 = vector.broadcast %select_n3A_1931 : i32 to vector<16xi32>
    %add3A_1947 = arith.addi %rem3A_1933, %add3A_1946 : vector<16xi32>
    %select_n3A_1948 = arith.select %and3A_1945, %add3A_1947, %rem3A_1933 : vector<16xi1>, vector<16xi32>
    %reshape3A_1949 = vector.shape_cast %select_n3A_1948 : vector<16xi32> to vector<16x1xi32>
    %gather3A_1950 = vector.shape_cast %reshape3A_1949 : vector<16x1xi32> to vector<16xi32>
    %gather3A_1951 = tpu.dynamic_gather %add3A_1922[%gather3A_1950] in [0] : vector<16xi32>, vector<16xi32> -> vector<16xi32>
    %add3A_1952 = arith.addi %add3A_1922, %gather3A_1951 : vector<16xi32>
    %iota3A_1953 = tpu.iota {dimensions = array<i32: 0>} : vector<16xi32>
    %add3A_1954 = arith.constant 4 : i32
    %add3A_1955 = vector.broadcast %add3A_1954 : i32 to vector<16xi32>
    %add3A_1956 = arith.addi %iota3A_1953, %add3A_1955 : vector<16xi32>
    %jit3A_1957 = arith.constant 16 : i32
    %eq3A_1958 = arith.constant 0 : i32
    %eq3A_1959 = arith.cmpi eq, %jit3A_1957, %eq3A_1958 : i32
    %jit3A_1960 = arith.constant 1 : i32
    %select_n3A_1961 = arith.select %eq3A_1959, %jit3A_1960, %jit3A_1957 : i32
    %rem3A_1962 = vector.broadcast %select_n3A_1961 : i32 to vector<16xi32>
    %rem3A_1963 = arith.remsi %add3A_1956, %rem3A_1962 : vector<16xi32>
    %ne3A_1964 = arith.constant 0 : i32
    %ne3A_1965 = vector.broadcast %ne3A_1964 : i32 to vector<16xi32>
    %ne3A_1966 = arith.cmpi ne, %rem3A_1963, %ne3A_1965 : vector<16xi32>
    %lt3A_1967 = arith.constant 0 : i32
    %lt3A_1968 = vector.broadcast %lt3A_1967 : i32 to vector<16xi32>
    %lt3A_1969 = arith.cmpi slt, %rem3A_1963, %lt3A_1968 : vector<16xi32>
    %lt3A_1970 = arith.constant 0 : i32
    %lt3A_1971 = arith.cmpi slt, %select_n3A_1961, %lt3A_1970 : i32
    %ne3A_1972 = vector.broadcast %lt3A_1971 : i1 to vector<16xi1>
    %ne3A_1973 = vector.broadcast %ne3A_1972 : vector<16xi1> to vector<16xi1>
    %ne3A_1974 = arith.xori %lt3A_1969, %ne3A_1973 : vector<16xi1>
    %and3A_1975 = arith.andi %ne3A_1974, %ne3A_1966 : vector<16xi1>
    %add3A_1976 = vector.broadcast %select_n3A_1961 : i32 to vector<16xi32>
    %add3A_1977 = arith.addi %rem3A_1963, %add3A_1976 : vector<16xi32>
    %select_n3A_1978 = arith.select %and3A_1975, %add3A_1977, %rem3A_1963 : vector<16xi1>, vector<16xi32>
    %reshape3A_1979 = vector.shape_cast %select_n3A_1978 : vector<16xi32> to vector<16x1xi32>
    %gather3A_1980 = vector.shape_cast %reshape3A_1979 : vector<16x1xi32> to vector<16xi32>
    %gather3A_1981 = tpu.dynamic_gather %add3A_1952[%gather3A_1980] in [0] : vector<16xi32>, vector<16xi32> -> vector<16xi32>
    %add3A_1982 = arith.addi %add3A_1952, %gather3A_1981 : vector<16xi32>
    %iota3A_1983 = tpu.iota {dimensions = array<i32: 0>} : vector<16xi32>
    %add3A_1984 = arith.constant 2 : i32
    %add3A_1985 = vector.broadcast %add3A_1984 : i32 to vector<16xi32>
    %add3A_1986 = arith.addi %iota3A_1983, %add3A_1985 : vector<16xi32>
    %jit3A_1987 = arith.constant 16 : i32
    %eq3A_1988 = arith.constant 0 : i32
    %eq3A_1989 = arith.cmpi eq, %jit3A_1987, %eq3A_1988 : i32
    %jit3A_1990 = arith.constant 1 : i32
    %select_n3A_1991 = arith.select %eq3A_1989, %jit3A_1990, %jit3A_1987 : i32
    %rem3A_1992 = vector.broadcast %select_n3A_1991 : i32 to vector<16xi32>
    %rem3A_1993 = arith.remsi %add3A_1986, %rem3A_1992 : vector<16xi32>
    %ne3A_1994 = arith.constant 0 : i32
    %ne3A_1995 = vector.broadcast %ne3A_1994 : i32 to vector<16xi32>
    %ne3A_1996 = arith.cmpi ne, %rem3A_1993, %ne3A_1995 : vector<16xi32>
    %lt3A_1997 = arith.constant 0 : i32
    %lt3A_1998 = vector.broadcast %lt3A_1997 : i32 to vector<16xi32>
    %lt3A_1999 = arith.cmpi slt, %rem3A_1993, %lt3A_1998 : vector<16xi32>
    %lt3A_2000 = arith.constant 0 : i32
    %lt3A_2001 = arith.cmpi slt, %select_n3A_1991, %lt3A_2000 : i32
    %ne3A_2002 = vector.broadcast %lt3A_2001 : i1 to vector<16xi1>
    %ne3A_2003 = vector.broadcast %ne3A_2002 : vector<16xi1> to vector<16xi1>
    %ne3A_2004 = arith.xori %lt3A_1999, %ne3A_2003 : vector<16xi1>
    %and3A_2005 = arith.andi %ne3A_2004, %ne3A_1996 : vector<16xi1>
    %add3A_2006 = vector.broadcast %select_n3A_1991 : i32 to vector<16xi32>
    %add3A_2007 = arith.addi %rem3A_1993, %add3A_2006 : vector<16xi32>
    %select_n3A_2008 = arith.select %and3A_2005, %add3A_2007, %rem3A_1993 : vector<16xi1>, vector<16xi32>
    %reshape3A_2009 = vector.shape_cast %select_n3A_2008 : vector<16xi32> to vector<16x1xi32>
    %gather3A_2010 = vector.shape_cast %reshape3A_2009 : vector<16x1xi32> to vector<16xi32>
    %gather3A_2011 = tpu.dynamic_gather %add3A_1982[%gather3A_2010] in [0] : vector<16xi32>, vector<16xi32> -> vector<16xi32>
    %add3A_2012 = arith.addi %add3A_1982, %gather3A_2011 : vector<16xi32>
    %iota3A_2013 = tpu.iota {dimensions = array<i32: 0>} : vector<16xi32>
    %add3A_2014 = arith.constant 1 : i32
    %add3A_2015 = vector.broadcast %add3A_2014 : i32 to vector<16xi32>
    %add3A_2016 = arith.addi %iota3A_2013, %add3A_2015 : vector<16xi32>
    %jit3A_2017 = arith.constant 16 : i32
    %eq3A_2018 = arith.constant 0 : i32
    %eq3A_2019 = arith.cmpi eq, %jit3A_2017, %eq3A_2018 : i32
    %jit3A_2020 = arith.constant 1 : i32
    %select_n3A_2021 = arith.select %eq3A_2019, %jit3A_2020, %jit3A_2017 : i32
    %rem3A_2022 = vector.broadcast %select_n3A_2021 : i32 to vector<16xi32>
    %rem3A_2023 = arith.remsi %add3A_2016, %rem3A_2022 : vector<16xi32>
    %ne3A_2024 = arith.constant 0 : i32
    %ne3A_2025 = vector.broadcast %ne3A_2024 : i32 to vector<16xi32>
    %ne3A_2026 = arith.cmpi ne, %rem3A_2023, %ne3A_2025 : vector<16xi32>
    %lt3A_2027 = arith.constant 0 : i32
    %lt3A_2028 = vector.broadcast %lt3A_2027 : i32 to vector<16xi32>
    %lt3A_2029 = arith.cmpi slt, %rem3A_2023, %lt3A_2028 : vector<16xi32>
    %lt3A_2030 = arith.constant 0 : i32
    %lt3A_2031 = arith.cmpi slt, %select_n3A_2021, %lt3A_2030 : i32
    %ne3A_2032 = vector.broadcast %lt3A_2031 : i1 to vector<16xi1>
    %ne3A_2033 = vector.broadcast %ne3A_2032 : vector<16xi1> to vector<16xi1>
    %ne3A_2034 = arith.xori %lt3A_2029, %ne3A_2033 : vector<16xi1>
    %and3A_2035 = arith.andi %ne3A_2034, %ne3A_2026 : vector<16xi1>
    %add3A_2036 = vector.broadcast %select_n3A_2021 : i32 to vector<16xi32>
    %add3A_2037 = arith.addi %rem3A_2023, %add3A_2036 : vector<16xi32>
    %select_n3A_2038 = arith.select %and3A_2035, %add3A_2037, %rem3A_2023 : vector<16xi1>, vector<16xi32>
    %reshape3A_2039 = vector.shape_cast %select_n3A_2038 : vector<16xi32> to vector<16x1xi32>
    %gather3A_2040 = vector.shape_cast %reshape3A_2039 : vector<16x1xi32> to vector<16xi32>
    %gather3A_2041 = tpu.dynamic_gather %add3A_2012[%gather3A_2040] in [0] : vector<16xi32>, vector<16xi32> -> vector<16xi32>
    %add3A_2042 = arith.addi %add3A_2012, %gather3A_2041 : vector<16xi32>
    %eq3A_2043 = arith.constant 9 : i32
    %eq3A_2044 = vector.broadcast %eq3A_2043 : i32 to vector<16xi32>
    %eq3A_2045 = arith.cmpi eq, %iota3A, %eq3A_2044 : vector<16xi32>
    %select_n3A_2046 = arith.select %eq3A_2045, %add3A_2042, %select_n3A_1841 : vector<16xi1>, vector<16xi32>
    %broadcast_in_dim3A_2047 = arith.constant 0 : i32
    %broadcast_in_dim3A_2048 = vector.broadcast %broadcast_in_dim3A_2047 : i32 to vector<16xi32>
    %get3A_2049 = arith.constant 10 : i32
    %get3A_2050 = arith.index_cast %get3A_2049 : i32 to index
    %get3A_2051 = arith.constant 0 : index
    %get3A_2052 = tpu.vector_load %arg10[%get3A_2050, %get3A_2051] {strides = array<i32>} : memref<32x77xi32, #tpu.memory_space<vmem>>, vector<1x16xi32>,
    %get3A_2053 = vector.shape_cast %get3A_2052 : vector<1x16xi32> to vector<16xi32>
    %eq3A_2054 = arith.constant 265 : i32
    %eq3A_2055 = vector.broadcast %eq3A_2054 : i32 to vector<16xi32>
    %eq3A_2056 = arith.cmpi eq, %get3A_2053, %eq3A_2055 : vector<16xi32>
    %add3A_2057 = arith.constant 0 : i32
    %add3A_2058 = vector.broadcast %add3A_2057 : i32 to vector<16xi32>
    %add3A_2059 = arith.addi %add3A_2058, %iota3A : vector<16xi32>
    %jit3A_2060 = arith.constant 0 : i32
    %broadcast_in_dim3A_2061 = vector.broadcast %jit3A_2060 : i32 to vector<16xi32>
    %select_n3A_2062 = arith.select %eq3A_2056, %add3A_2059, %broadcast_in_dim3A_2061 : vector<16xi1>, vector<16xi32>
    %add3A_2063 = arith.addi %broadcast_in_dim3A_2048, %select_n3A_2062 : vector<16xi32>
    %get3A_2064 = arith.constant 10 : i32
    %get3A_2065 = arith.index_cast %get3A_2064 : i32 to index
    %get3A_2066 = arith.constant 16 : index
    %get3A_2067 = tpu.vector_load %arg10[%get3A_2065, %get3A_2066] {strides = array<i32>} : memref<32x77xi32, #tpu.memory_space<vmem>>, vector<1x16xi32>,
    %get3A_2068 = vector.shape_cast %get3A_2067 : vector<1x16xi32> to vector<16xi32>
    %eq3A_2069 = arith.constant 265 : i32
    %eq3A_2070 = vector.broadcast %eq3A_2069 : i32 to vector<16xi32>
    %eq3A_2071 = arith.cmpi eq, %get3A_2068, %eq3A_2070 : vector<16xi32>
    %add3A_2072 = arith.constant 16 : i32
    %add3A_2073 = vector.broadcast %add3A_2072 : i32 to vector<16xi32>
    %add3A_2074 = arith.addi %add3A_2073, %iota3A : vector<16xi32>
    %jit3A_2075 = arith.constant 0 : i32
    %broadcast_in_dim3A_2076 = vector.broadcast %jit3A_2075 : i32 to vector<16xi32>
    %select_n3A_2077 = arith.select %eq3A_2071, %add3A_2074, %broadcast_in_dim3A_2076 : vector<16xi1>, vector<16xi32>
    %add3A_2078 = arith.addi %add3A_2063, %select_n3A_2077 : vector<16xi32>
    %get3A_2079 = arith.constant 10 : i32
    %get3A_2080 = arith.index_cast %get3A_2079 : i32 to index
    %get3A_2081 = arith.constant 32 : index
    %get3A_2082 = tpu.vector_load %arg10[%get3A_2080, %get3A_2081] {strides = array<i32>} : memref<32x77xi32, #tpu.memory_space<vmem>>, vector<1x16xi32>,
    %get3A_2083 = vector.shape_cast %get3A_2082 : vector<1x16xi32> to vector<16xi32>
    %eq3A_2084 = arith.constant 265 : i32
    %eq3A_2085 = vector.broadcast %eq3A_2084 : i32 to vector<16xi32>
    %eq3A_2086 = arith.cmpi eq, %get3A_2083, %eq3A_2085 : vector<16xi32>
    %add3A_2087 = arith.constant 32 : i32
    %add3A_2088 = vector.broadcast %add3A_2087 : i32 to vector<16xi32>
    %add3A_2089 = arith.addi %add3A_2088, %iota3A : vector<16xi32>
    %jit3A_2090 = arith.constant 0 : i32
    %broadcast_in_dim3A_2091 = vector.broadcast %jit3A_2090 : i32 to vector<16xi32>
    %select_n3A_2092 = arith.select %eq3A_2086, %add3A_2089, %broadcast_in_dim3A_2091 : vector<16xi1>, vector<16xi32>
    %add3A_2093 = arith.addi %add3A_2078, %select_n3A_2092 : vector<16xi32>
    %get3A_2094 = arith.constant 10 : i32
    %get3A_2095 = arith.index_cast %get3A_2094 : i32 to index
    %get3A_2096 = arith.constant 48 : index
    %get3A_2097 = tpu.vector_load %arg10[%get3A_2095, %get3A_2096] {strides = array<i32>} : memref<32x77xi32, #tpu.memory_space<vmem>>, vector<1x16xi32>,
    %get3A_2098 = vector.shape_cast %get3A_2097 : vector<1x16xi32> to vector<16xi32>
    %eq3A_2099 = arith.constant 265 : i32
    %eq3A_2100 = vector.broadcast %eq3A_2099 : i32 to vector<16xi32>
    %eq3A_2101 = arith.cmpi eq, %get3A_2098, %eq3A_2100 : vector<16xi32>
    %add3A_2102 = arith.constant 48 : i32
    %add3A_2103 = vector.broadcast %add3A_2102 : i32 to vector<16xi32>
    %add3A_2104 = arith.addi %add3A_2103, %iota3A : vector<16xi32>
    %jit3A_2105 = arith.constant 0 : i32
    %broadcast_in_dim3A_2106 = vector.broadcast %jit3A_2105 : i32 to vector<16xi32>
    %select_n3A_2107 = arith.select %eq3A_2101, %add3A_2104, %broadcast_in_dim3A_2106 : vector<16xi1>, vector<16xi32>
    %add3A_2108 = arith.addi %add3A_2093, %select_n3A_2107 : vector<16xi32>
    %get3A_2109 = arith.constant 10 : i32
    %get3A_2110 = arith.index_cast %get3A_2109 : i32 to index
    %get3A_2111 = arith.constant 61 : index
    %get3A_2112 = tpu.vector_load %arg10[%get3A_2110, %get3A_2111] {strides = array<i32>} : memref<32x77xi32, #tpu.memory_space<vmem>>, vector<1x16xi32>,
    %get3A_2113 = vector.shape_cast %get3A_2112 : vector<1x16xi32> to vector<16xi32>
    %eq3A_2114 = arith.constant 265 : i32
    %eq3A_2115 = vector.broadcast %eq3A_2114 : i32 to vector<16xi32>
    %eq3A_2116 = arith.cmpi eq, %get3A_2113, %eq3A_2115 : vector<16xi32>
    %ge3A_2117 = arith.constant 3 : i32
    %ge3A_2118 = vector.broadcast %ge3A_2117 : i32 to vector<16xi32>
    %ge3A_2119 = arith.cmpi sge, %iota3A, %ge3A_2118 : vector<16xi32>
    %and3A_2120 = arith.andi %eq3A_2116, %ge3A_2119 : vector<16xi1>
    %add3A_2121 = arith.constant 61 : i32
    %add3A_2122 = vector.broadcast %add3A_2121 : i32 to vector<16xi32>
    %add3A_2123 = arith.addi %add3A_2122, %iota3A : vector<16xi32>
    %jit3A_2124 = arith.constant 0 : i32
    %broadcast_in_dim3A_2125 = vector.broadcast %jit3A_2124 : i32 to vector<16xi32>
    %select_n3A_2126 = arith.select %and3A_2120, %add3A_2123, %broadcast_in_dim3A_2125 : vector<16xi1>, vector<16xi32>
    %add3A_2127 = arith.addi %add3A_2108, %select_n3A_2126 : vector<16xi32>
    %iota3A_2128 = tpu.iota {dimensions = array<i32: 0>} : vector<16xi32>
    %add3A_2129 = arith.constant 8 : i32
    %add3A_2130 = vector.broadcast %add3A_2129 : i32 to vector<16xi32>
    %add3A_2131 = arith.addi %iota3A_2128, %add3A_2130 : vector<16xi32>
    %jit3A_2132 = arith.constant 16 : i32
    %eq3A_2133 = arith.constant 0 : i32
    %eq3A_2134 = arith.cmpi eq, %jit3A_2132, %eq3A_2133 : i32
    %jit3A_2135 = arith.constant 1 : i32
    %select_n3A_2136 = arith.select %eq3A_2134, %jit3A_2135, %jit3A_2132 : i32
    %rem3A_2137 = vector.broadcast %select_n3A_2136 : i32 to vector<16xi32>
    %rem3A_2138 = arith.remsi %add3A_2131, %rem3A_2137 : vector<16xi32>
    %ne3A_2139 = arith.constant 0 : i32
    %ne3A_2140 = vector.broadcast %ne3A_2139 : i32 to vector<16xi32>
    %ne3A_2141 = arith.cmpi ne, %rem3A_2138, %ne3A_2140 : vector<16xi32>
    %lt3A_2142 = arith.constant 0 : i32
    %lt3A_2143 = vector.broadcast %lt3A_2142 : i32 to vector<16xi32>
    %lt3A_2144 = arith.cmpi slt, %rem3A_2138, %lt3A_2143 : vector<16xi32>
    %lt3A_2145 = arith.constant 0 : i32
    %lt3A_2146 = arith.cmpi slt, %select_n3A_2136, %lt3A_2145 : i32
    %ne3A_2147 = vector.broadcast %lt3A_2146 : i1 to vector<16xi1>
    %ne3A_2148 = vector.broadcast %ne3A_2147 : vector<16xi1> to vector<16xi1>
    %ne3A_2149 = arith.xori %lt3A_2144, %ne3A_2148 : vector<16xi1>
    %and3A_2150 = arith.andi %ne3A_2149, %ne3A_2141 : vector<16xi1>
    %add3A_2151 = vector.broadcast %select_n3A_2136 : i32 to vector<16xi32>
    %add3A_2152 = arith.addi %rem3A_2138, %add3A_2151 : vector<16xi32>
    %select_n3A_2153 = arith.select %and3A_2150, %add3A_2152, %rem3A_2138 : vector<16xi1>, vector<16xi32>
    %reshape3A_2154 = vector.shape_cast %select_n3A_2153 : vector<16xi32> to vector<16x1xi32>
    %gather3A_2155 = vector.shape_cast %reshape3A_2154 : vector<16x1xi32> to vector<16xi32>
    %gather3A_2156 = tpu.dynamic_gather %add3A_2127[%gather3A_2155] in [0] : vector<16xi32>, vector<16xi32> -> vector<16xi32>
    %add3A_2157 = arith.addi %add3A_2127, %gather3A_2156 : vector<16xi32>
    %iota3A_2158 = tpu.iota {dimensions = array<i32: 0>} : vector<16xi32>
    %add3A_2159 = arith.constant 4 : i32
    %add3A_2160 = vector.broadcast %add3A_2159 : i32 to vector<16xi32>
    %add3A_2161 = arith.addi %iota3A_2158, %add3A_2160 : vector<16xi32>
    %jit3A_2162 = arith.constant 16 : i32
    %eq3A_2163 = arith.constant 0 : i32
    %eq3A_2164 = arith.cmpi eq, %jit3A_2162, %eq3A_2163 : i32
    %jit3A_2165 = arith.constant 1 : i32
    %select_n3A_2166 = arith.select %eq3A_2164, %jit3A_2165, %jit3A_2162 : i32
    %rem3A_2167 = vector.broadcast %select_n3A_2166 : i32 to vector<16xi32>
    %rem3A_2168 = arith.remsi %add3A_2161, %rem3A_2167 : vector<16xi32>
    %ne3A_2169 = arith.constant 0 : i32
    %ne3A_2170 = vector.broadcast %ne3A_2169 : i32 to vector<16xi32>
    %ne3A_2171 = arith.cmpi ne, %rem3A_2168, %ne3A_2170 : vector<16xi32>
    %lt3A_2172 = arith.constant 0 : i32
    %lt3A_2173 = vector.broadcast %lt3A_2172 : i32 to vector<16xi32>
    %lt3A_2174 = arith.cmpi slt, %rem3A_2168, %lt3A_2173 : vector<16xi32>
    %lt3A_2175 = arith.constant 0 : i32
    %lt3A_2176 = arith.cmpi slt, %select_n3A_2166, %lt3A_2175 : i32
    %ne3A_2177 = vector.broadcast %lt3A_2176 : i1 to vector<16xi1>
    %ne3A_2178 = vector.broadcast %ne3A_2177 : vector<16xi1> to vector<16xi1>
    %ne3A_2179 = arith.xori %lt3A_2174, %ne3A_2178 : vector<16xi1>
    %and3A_2180 = arith.andi %ne3A_2179, %ne3A_2171 : vector<16xi1>
    %add3A_2181 = vector.broadcast %select_n3A_2166 : i32 to vector<16xi32>
    %add3A_2182 = arith.addi %rem3A_2168, %add3A_2181 : vector<16xi32>
    %select_n3A_2183 = arith.select %and3A_2180, %add3A_2182, %rem3A_2168 : vector<16xi1>, vector<16xi32>
    %reshape3A_2184 = vector.shape_cast %select_n3A_2183 : vector<16xi32> to vector<16x1xi32>
    %gather3A_2185 = vector.shape_cast %reshape3A_2184 : vector<16x1xi32> to vector<16xi32>
    %gather3A_2186 = tpu.dynamic_gather %add3A_2157[%gather3A_2185] in [0] : vector<16xi32>, vector<16xi32> -> vector<16xi32>
    %add3A_2187 = arith.addi %add3A_2157, %gather3A_2186 : vector<16xi32>
    %iota3A_2188 = tpu.iota {dimensions = array<i32: 0>} : vector<16xi32>
    %add3A_2189 = arith.constant 2 : i32
    %add3A_2190 = vector.broadcast %add3A_2189 : i32 to vector<16xi32>
    %add3A_2191 = arith.addi %iota3A_2188, %add3A_2190 : vector<16xi32>
    %jit3A_2192 = arith.constant 16 : i32
    %eq3A_2193 = arith.constant 0 : i32
    %eq3A_2194 = arith.cmpi eq, %jit3A_2192, %eq3A_2193 : i32
    %jit3A_2195 = arith.constant 1 : i32
    %select_n3A_2196 = arith.select %eq3A_2194, %jit3A_2195, %jit3A_2192 : i32
    %rem3A_2197 = vector.broadcast %select_n3A_2196 : i32 to vector<16xi32>
    %rem3A_2198 = arith.remsi %add3A_2191, %rem3A_2197 : vector<16xi32>
    %ne3A_2199 = arith.constant 0 : i32
    %ne3A_2200 = vector.broadcast %ne3A_2199 : i32 to vector<16xi32>
    %ne3A_2201 = arith.cmpi ne, %rem3A_2198, %ne3A_2200 : vector<16xi32>
    %lt3A_2202 = arith.constant 0 : i32
    %lt3A_2203 = vector.broadcast %lt3A_2202 : i32 to vector<16xi32>
    %lt3A_2204 = arith.cmpi slt, %rem3A_2198, %lt3A_2203 : vector<16xi32>
    %lt3A_2205 = arith.constant 0 : i32
    %lt3A_2206 = arith.cmpi slt, %select_n3A_2196, %lt3A_2205 : i32
    %ne3A_2207 = vector.broadcast %lt3A_2206 : i1 to vector<16xi1>
    %ne3A_2208 = vector.broadcast %ne3A_2207 : vector<16xi1> to vector<16xi1>
    %ne3A_2209 = arith.xori %lt3A_2204, %ne3A_2208 : vector<16xi1>
    %and3A_2210 = arith.andi %ne3A_2209, %ne3A_2201 : vector<16xi1>
    %add3A_2211 = vector.broadcast %select_n3A_2196 : i32 to vector<16xi32>
    %add3A_2212 = arith.addi %rem3A_2198, %add3A_2211 : vector<16xi32>
    %select_n3A_2213 = arith.select %and3A_2210, %add3A_2212, %rem3A_2198 : vector<16xi1>, vector<16xi32>
    %reshape3A_2214 = vector.shape_cast %select_n3A_2213 : vector<16xi32> to vector<16x1xi32>
    %gather3A_2215 = vector.shape_cast %reshape3A_2214 : vector<16x1xi32> to vector<16xi32>
    %gather3A_2216 = tpu.dynamic_gather %add3A_2187[%gather3A_2215] in [0] : vector<16xi32>, vector<16xi32> -> vector<16xi32>
    %add3A_2217 = arith.addi %add3A_2187, %gather3A_2216 : vector<16xi32>
    %iota3A_2218 = tpu.iota {dimensions = array<i32: 0>} : vector<16xi32>
    %add3A_2219 = arith.constant 1 : i32
    %add3A_2220 = vector.broadcast %add3A_2219 : i32 to vector<16xi32>
    %add3A_2221 = arith.addi %iota3A_2218, %add3A_2220 : vector<16xi32>
    %jit3A_2222 = arith.constant 16 : i32
    %eq3A_2223 = arith.constant 0 : i32
    %eq3A_2224 = arith.cmpi eq, %jit3A_2222, %eq3A_2223 : i32
    %jit3A_2225 = arith.constant 1 : i32
    %select_n3A_2226 = arith.select %eq3A_2224, %jit3A_2225, %jit3A_2222 : i32
    %rem3A_2227 = vector.broadcast %select_n3A_2226 : i32 to vector<16xi32>
    %rem3A_2228 = arith.remsi %add3A_2221, %rem3A_2227 : vector<16xi32>
    %ne3A_2229 = arith.constant 0 : i32
    %ne3A_2230 = vector.broadcast %ne3A_2229 : i32 to vector<16xi32>
    %ne3A_2231 = arith.cmpi ne, %rem3A_2228, %ne3A_2230 : vector<16xi32>
    %lt3A_2232 = arith.constant 0 : i32
    %lt3A_2233 = vector.broadcast %lt3A_2232 : i32 to vector<16xi32>
    %lt3A_2234 = arith.cmpi slt, %rem3A_2228, %lt3A_2233 : vector<16xi32>
    %lt3A_2235 = arith.constant 0 : i32
    %lt3A_2236 = arith.cmpi slt, %select_n3A_2226, %lt3A_2235 : i32
    %ne3A_2237 = vector.broadcast %lt3A_2236 : i1 to vector<16xi1>
    %ne3A_2238 = vector.broadcast %ne3A_2237 : vector<16xi1> to vector<16xi1>
    %ne3A_2239 = arith.xori %lt3A_2234, %ne3A_2238 : vector<16xi1>
    %and3A_2240 = arith.andi %ne3A_2239, %ne3A_2231 : vector<16xi1>
    %add3A_2241 = vector.broadcast %select_n3A_2226 : i32 to vector<16xi32>
    %add3A_2242 = arith.addi %rem3A_2228, %add3A_2241 : vector<16xi32>
    %select_n3A_2243 = arith.select %and3A_2240, %add3A_2242, %rem3A_2228 : vector<16xi1>, vector<16xi32>
    %reshape3A_2244 = vector.shape_cast %select_n3A_2243 : vector<16xi32> to vector<16x1xi32>
    %gather3A_2245 = vector.shape_cast %reshape3A_2244 : vector<16x1xi32> to vector<16xi32>
    %gather3A_2246 = tpu.dynamic_gather %add3A_2217[%gather3A_2245] in [0] : vector<16xi32>, vector<16xi32> -> vector<16xi32>
    %add3A_2247 = arith.addi %add3A_2217, %gather3A_2246 : vector<16xi32>
    %eq3A_2248 = arith.constant 10 : i32
    %eq3A_2249 = vector.broadcast %eq3A_2248 : i32 to vector<16xi32>
    %eq3A_2250 = arith.cmpi eq, %iota3A, %eq3A_2249 : vector<16xi32>
    %select_n3A_2251 = arith.select %eq3A_2250, %add3A_2247, %select_n3A_2046 : vector<16xi1>, vector<16xi32>
    %broadcast_in_dim3A_2252 = arith.constant 0 : i32
    %broadcast_in_dim3A_2253 = vector.broadcast %broadcast_in_dim3A_2252 : i32 to vector<16xi32>
    %get3A_2254 = arith.constant 11 : i32
    %get3A_2255 = arith.index_cast %get3A_2254 : i32 to index
    %get3A_2256 = arith.constant 0 : index
    %get3A_2257 = tpu.vector_load %arg10[%get3A_2255, %get3A_2256] {strides = array<i32>} : memref<32x77xi32, #tpu.memory_space<vmem>>, vector<1x16xi32>,
    %get3A_2258 = vector.shape_cast %get3A_2257 : vector<1x16xi32> to vector<16xi32>
    %eq3A_2259 = arith.constant 265 : i32
    %eq3A_2260 = vector.broadcast %eq3A_2259 : i32 to vector<16xi32>
    %eq3A_2261 = arith.cmpi eq, %get3A_2258, %eq3A_2260 : vector<16xi32>
    %add3A_2262 = arith.constant 0 : i32
    %add3A_2263 = vector.broadcast %add3A_2262 : i32 to vector<16xi32>
    %add3A_2264 = arith.addi %add3A_2263, %iota3A : vector<16xi32>
    %jit3A_2265 = arith.constant 0 : i32
    %broadcast_in_dim3A_2266 = vector.broadcast %jit3A_2265 : i32 to vector<16xi32>
    %select_n3A_2267 = arith.select %eq3A_2261, %add3A_2264, %broadcast_in_dim3A_2266 : vector<16xi1>, vector<16xi32>
    %add3A_2268 = arith.addi %broadcast_in_dim3A_2253, %select_n3A_2267 : vector<16xi32>
    %get3A_2269 = arith.constant 11 : i32
    %get3A_2270 = arith.index_cast %get3A_2269 : i32 to index
    %get3A_2271 = arith.constant 16 : index
    %get3A_2272 = tpu.vector_load %arg10[%get3A_2270, %get3A_2271] {strides = array<i32>} : memref<32x77xi32, #tpu.memory_space<vmem>>, vector<1x16xi32>,
    %get3A_2273 = vector.shape_cast %get3A_2272 : vector<1x16xi32> to vector<16xi32>
    %eq3A_2274 = arith.constant 265 : i32
    %eq3A_2275 = vector.broadcast %eq3A_2274 : i32 to vector<16xi32>
    %eq3A_2276 = arith.cmpi eq, %get3A_2273, %eq3A_2275 : vector<16xi32>
    %add3A_2277 = arith.constant 16 : i32
    %add3A_2278 = vector.broadcast %add3A_2277 : i32 to vector<16xi32>
    %add3A_2279 = arith.addi %add3A_2278, %iota3A : vector<16xi32>
    %jit3A_2280 = arith.constant 0 : i32
    %broadcast_in_dim3A_2281 = vector.broadcast %jit3A_2280 : i32 to vector<16xi32>
    %select_n3A_2282 = arith.select %eq3A_2276, %add3A_2279, %broadcast_in_dim3A_2281 : vector<16xi1>, vector<16xi32>
    %add3A_2283 = arith.addi %add3A_2268, %select_n3A_2282 : vector<16xi32>
    %get3A_2284 = arith.constant 11 : i32
    %get3A_2285 = arith.index_cast %get3A_2284 : i32 to index
    %get3A_2286 = arith.constant 32 : index
    %get3A_2287 = tpu.vector_load %arg10[%get3A_2285, %get3A_2286] {strides = array<i32>} : memref<32x77xi32, #tpu.memory_space<vmem>>, vector<1x16xi32>,
    %get3A_2288 = vector.shape_cast %get3A_2287 : vector<1x16xi32> to vector<16xi32>
    %eq3A_2289 = arith.constant 265 : i32
    %eq3A_2290 = vector.broadcast %eq3A_2289 : i32 to vector<16xi32>
    %eq3A_2291 = arith.cmpi eq, %get3A_2288, %eq3A_2290 : vector<16xi32>
    %add3A_2292 = arith.constant 32 : i32
    %add3A_2293 = vector.broadcast %add3A_2292 : i32 to vector<16xi32>
    %add3A_2294 = arith.addi %add3A_2293, %iota3A : vector<16xi32>
    %jit3A_2295 = arith.constant 0 : i32
    %broadcast_in_dim3A_2296 = vector.broadcast %jit3A_2295 : i32 to vector<16xi32>
    %select_n3A_2297 = arith.select %eq3A_2291, %add3A_2294, %broadcast_in_dim3A_2296 : vector<16xi1>, vector<16xi32>
    %add3A_2298 = arith.addi %add3A_2283, %select_n3A_2297 : vector<16xi32>
    %get3A_2299 = arith.constant 11 : i32
    %get3A_2300 = arith.index_cast %get3A_2299 : i32 to index
    %get3A_2301 = arith.constant 48 : index
    %get3A_2302 = tpu.vector_load %arg10[%get3A_2300, %get3A_2301] {strides = array<i32>} : memref<32x77xi32, #tpu.memory_space<vmem>>, vector<1x16xi32>,
    %get3A_2303 = vector.shape_cast %get3A_2302 : vector<1x16xi32> to vector<16xi32>
    %eq3A_2304 = arith.constant 265 : i32
    %eq3A_2305 = vector.broadcast %eq3A_2304 : i32 to vector<16xi32>
    %eq3A_2306 = arith.cmpi eq, %get3A_2303, %eq3A_2305 : vector<16xi32>
    %add3A_2307 = arith.constant 48 : i32
    %add3A_2308 = vector.broadcast %add3A_2307 : i32 to vector<16xi32>
    %add3A_2309 = arith.addi %add3A_2308, %iota3A : vector<16xi32>
    %jit3A_2310 = arith.constant 0 : i32
    %broadcast_in_dim3A_2311 = vector.broadcast %jit3A_2310 : i32 to vector<16xi32>
    %select_n3A_2312 = arith.select %eq3A_2306, %add3A_2309, %broadcast_in_dim3A_2311 : vector<16xi1>, vector<16xi32>
    %add3A_2313 = arith.addi %add3A_2298, %select_n3A_2312 : vector<16xi32>
    %get3A_2314 = arith.constant 11 : i32
    %get3A_2315 = arith.index_cast %get3A_2314 : i32 to index
    %get3A_2316 = arith.constant 61 : index
    %get3A_2317 = tpu.vector_load %arg10[%get3A_2315, %get3A_2316] {strides = array<i32>} : memref<32x77xi32, #tpu.memory_space<vmem>>, vector<1x16xi32>,
    %get3A_2318 = vector.shape_cast %get3A_2317 : vector<1x16xi32> to vector<16xi32>
    %eq3A_2319 = arith.constant 265 : i32
    %eq3A_2320 = vector.broadcast %eq3A_2319 : i32 to vector<16xi32>
    %eq3A_2321 = arith.cmpi eq, %get3A_2318, %eq3A_2320 : vector<16xi32>
    %ge3A_2322 = arith.constant 3 : i32
    %ge3A_2323 = vector.broadcast %ge3A_2322 : i32 to vector<16xi32>
    %ge3A_2324 = arith.cmpi sge, %iota3A, %ge3A_2323 : vector<16xi32>
    %and3A_2325 = arith.andi %eq3A_2321, %ge3A_2324 : vector<16xi1>
    %add3A_2326 = arith.constant 61 : i32
    %add3A_2327 = vector.broadcast %add3A_2326 : i32 to vector<16xi32>
    %add3A_2328 = arith.addi %add3A_2327, %iota3A : vector<16xi32>
    %jit3A_2329 = arith.constant 0 : i32
    %broadcast_in_dim3A_2330 = vector.broadcast %jit3A_2329 : i32 to vector<16xi32>
    %select_n3A_2331 = arith.select %and3A_2325, %add3A_2328, %broadcast_in_dim3A_2330 : vector<16xi1>, vector<16xi32>
    %add3A_2332 = arith.addi %add3A_2313, %select_n3A_2331 : vector<16xi32>
    %iota3A_2333 = tpu.iota {dimensions = array<i32: 0>} : vector<16xi32>
    %add3A_2334 = arith.constant 8 : i32
    %add3A_2335 = vector.broadcast %add3A_2334 : i32 to vector<16xi32>
    %add3A_2336 = arith.addi %iota3A_2333, %add3A_2335 : vector<16xi32>
    %jit3A_2337 = arith.constant 16 : i32
    %eq3A_2338 = arith.constant 0 : i32
    %eq3A_2339 = arith.cmpi eq, %jit3A_2337, %eq3A_2338 : i32
    %jit3A_2340 = arith.constant 1 : i32
    %select_n3A_2341 = arith.select %eq3A_2339, %jit3A_2340, %jit3A_2337 : i32
    %rem3A_2342 = vector.broadcast %select_n3A_2341 : i32 to vector<16xi32>
    %rem3A_2343 = arith.remsi %add3A_2336, %rem3A_2342 : vector<16xi32>
    %ne3A_2344 = arith.constant 0 : i32
    %ne3A_2345 = vector.broadcast %ne3A_2344 : i32 to vector<16xi32>
    %ne3A_2346 = arith.cmpi ne, %rem3A_2343, %ne3A_2345 : vector<16xi32>
    %lt3A_2347 = arith.constant 0 : i32
    %lt3A_2348 = vector.broadcast %lt3A_2347 : i32 to vector<16xi32>
    %lt3A_2349 = arith.cmpi slt, %rem3A_2343, %lt3A_2348 : vector<16xi32>
    %lt3A_2350 = arith.constant 0 : i32
    %lt3A_2351 = arith.cmpi slt, %select_n3A_2341, %lt3A_2350 : i32
    %ne3A_2352 = vector.broadcast %lt3A_2351 : i1 to vector<16xi1>
    %ne3A_2353 = vector.broadcast %ne3A_2352 : vector<16xi1> to vector<16xi1>
    %ne3A_2354 = arith.xori %lt3A_2349, %ne3A_2353 : vector<16xi1>
    %and3A_2355 = arith.andi %ne3A_2354, %ne3A_2346 : vector<16xi1>
    %add3A_2356 = vector.broadcast %select_n3A_2341 : i32 to vector<16xi32>
    %add3A_2357 = arith.addi %rem3A_2343, %add3A_2356 : vector<16xi32>
    %select_n3A_2358 = arith.select %and3A_2355, %add3A_2357, %rem3A_2343 : vector<16xi1>, vector<16xi32>
    %reshape3A_2359 = vector.shape_cast %select_n3A_2358 : vector<16xi32> to vector<16x1xi32>
    %gather3A_2360 = vector.shape_cast %reshape3A_2359 : vector<16x1xi32> to vector<16xi32>
    %gather3A_2361 = tpu.dynamic_gather %add3A_2332[%gather3A_2360] in [0] : vector<16xi32>, vector<16xi32> -> vector<16xi32>
    %add3A_2362 = arith.addi %add3A_2332, %gather3A_2361 : vector<16xi32>
    %iota3A_2363 = tpu.iota {dimensions = array<i32: 0>} : vector<16xi32>
    %add3A_2364 = arith.constant 4 : i32
    %add3A_2365 = vector.broadcast %add3A_2364 : i32 to vector<16xi32>
    %add3A_2366 = arith.addi %iota3A_2363, %add3A_2365 : vector<16xi32>
    %jit3A_2367 = arith.constant 16 : i32
    %eq3A_2368 = arith.constant 0 : i32
    %eq3A_2369 = arith.cmpi eq, %jit3A_2367, %eq3A_2368 : i32
    %jit3A_2370 = arith.constant 1 : i32
    %select_n3A_2371 = arith.select %eq3A_2369, %jit3A_2370, %jit3A_2367 : i32
    %rem3A_2372 = vector.broadcast %select_n3A_2371 : i32 to vector<16xi32>
    %rem3A_2373 = arith.remsi %add3A_2366, %rem3A_2372 : vector<16xi32>
    %ne3A_2374 = arith.constant 0 : i32
    %ne3A_2375 = vector.broadcast %ne3A_2374 : i32 to vector<16xi32>
    %ne3A_2376 = arith.cmpi ne, %rem3A_2373, %ne3A_2375 : vector<16xi32>
    %lt3A_2377 = arith.constant 0 : i32
    %lt3A_2378 = vector.broadcast %lt3A_2377 : i32 to vector<16xi32>
    %lt3A_2379 = arith.cmpi slt, %rem3A_2373, %lt3A_2378 : vector<16xi32>
    %lt3A_2380 = arith.constant 0 : i32
    %lt3A_2381 = arith.cmpi slt, %select_n3A_2371, %lt3A_2380 : i32
    %ne3A_2382 = vector.broadcast %lt3A_2381 : i1 to vector<16xi1>
    %ne3A_2383 = vector.broadcast %ne3A_2382 : vector<16xi1> to vector<16xi1>
    %ne3A_2384 = arith.xori %lt3A_2379, %ne3A_2383 : vector<16xi1>
    %and3A_2385 = arith.andi %ne3A_2384, %ne3A_2376 : vector<16xi1>
    %add3A_2386 = vector.broadcast %select_n3A_2371 : i32 to vector<16xi32>
    %add3A_2387 = arith.addi %rem3A_2373, %add3A_2386 : vector<16xi32>
    %select_n3A_2388 = arith.select %and3A_2385, %add3A_2387, %rem3A_2373 : vector<16xi1>, vector<16xi32>
    %reshape3A_2389 = vector.shape_cast %select_n3A_2388 : vector<16xi32> to vector<16x1xi32>
    %gather3A_2390 = vector.shape_cast %reshape3A_2389 : vector<16x1xi32> to vector<16xi32>
    %gather3A_2391 = tpu.dynamic_gather %add3A_2362[%gather3A_2390] in [0] : vector<16xi32>, vector<16xi32> -> vector<16xi32>
    %add3A_2392 = arith.addi %add3A_2362, %gather3A_2391 : vector<16xi32>
    %iota3A_2393 = tpu.iota {dimensions = array<i32: 0>} : vector<16xi32>
    %add3A_2394 = arith.constant 2 : i32
    %add3A_2395 = vector.broadcast %add3A_2394 : i32 to vector<16xi32>
    %add3A_2396 = arith.addi %iota3A_2393, %add3A_2395 : vector<16xi32>
    %jit3A_2397 = arith.constant 16 : i32
    %eq3A_2398 = arith.constant 0 : i32
    %eq3A_2399 = arith.cmpi eq, %jit3A_2397, %eq3A_2398 : i32
    %jit3A_2400 = arith.constant 1 : i32
    %select_n3A_2401 = arith.select %eq3A_2399, %jit3A_2400, %jit3A_2397 : i32
    %rem3A_2402 = vector.broadcast %select_n3A_2401 : i32 to vector<16xi32>
    %rem3A_2403 = arith.remsi %add3A_2396, %rem3A_2402 : vector<16xi32>
    %ne3A_2404 = arith.constant 0 : i32
    %ne3A_2405 = vector.broadcast %ne3A_2404 : i32 to vector<16xi32>
    %ne3A_2406 = arith.cmpi ne, %rem3A_2403, %ne3A_2405 : vector<16xi32>
    %lt3A_2407 = arith.constant 0 : i32
    %lt3A_2408 = vector.broadcast %lt3A_2407 : i32 to vector<16xi32>
    %lt3A_2409 = arith.cmpi slt, %rem3A_2403, %lt3A_2408 : vector<16xi32>
    %lt3A_2410 = arith.constant 0 : i32
    %lt3A_2411 = arith.cmpi slt, %select_n3A_2401, %lt3A_2410 : i32
    %ne3A_2412 = vector.broadcast %lt3A_2411 : i1 to vector<16xi1>
    %ne3A_2413 = vector.broadcast %ne3A_2412 : vector<16xi1> to vector<16xi1>
    %ne3A_2414 = arith.xori %lt3A_2409, %ne3A_2413 : vector<16xi1>
    %and3A_2415 = arith.andi %ne3A_2414, %ne3A_2406 : vector<16xi1>
    %add3A_2416 = vector.broadcast %select_n3A_2401 : i32 to vector<16xi32>
    %add3A_2417 = arith.addi %rem3A_2403, %add3A_2416 : vector<16xi32>
    %select_n3A_2418 = arith.select %and3A_2415, %add3A_2417, %rem3A_2403 : vector<16xi1>, vector<16xi32>
    %reshape3A_2419 = vector.shape_cast %select_n3A_2418 : vector<16xi32> to vector<16x1xi32>
    %gather3A_2420 = vector.shape_cast %reshape3A_2419 : vector<16x1xi32> to vector<16xi32>
    %gather3A_2421 = tpu.dynamic_gather %add3A_2392[%gather3A_2420] in [0] : vector<16xi32>, vector<16xi32> -> vector<16xi32>
    %add3A_2422 = arith.addi %add3A_2392, %gather3A_2421 : vector<16xi32>
    %iota3A_2423 = tpu.iota {dimensions = array<i32: 0>} : vector<16xi32>
    %add3A_2424 = arith.constant 1 : i32
    %add3A_2425 = vector.broadcast %add3A_2424 : i32 to vector<16xi32>
    %add3A_2426 = arith.addi %iota3A_2423, %add3A_2425 : vector<16xi32>
    %jit3A_2427 = arith.constant 16 : i32
    %eq3A_2428 = arith.constant 0 : i32
    %eq3A_2429 = arith.cmpi eq, %jit3A_2427, %eq3A_2428 : i32
    %jit3A_2430 = arith.constant 1 : i32
    %select_n3A_2431 = arith.select %eq3A_2429, %jit3A_2430, %jit3A_2427 : i32
    %rem3A_2432 = vector.broadcast %select_n3A_2431 : i32 to vector<16xi32>
    %rem3A_2433 = arith.remsi %add3A_2426, %rem3A_2432 : vector<16xi32>
    %ne3A_2434 = arith.constant 0 : i32
    %ne3A_2435 = vector.broadcast %ne3A_2434 : i32 to vector<16xi32>
    %ne3A_2436 = arith.cmpi ne, %rem3A_2433, %ne3A_2435 : vector<16xi32>
    %lt3A_2437 = arith.constant 0 : i32
    %lt3A_2438 = vector.broadcast %lt3A_2437 : i32 to vector<16xi32>
    %lt3A_2439 = arith.cmpi slt, %rem3A_2433, %lt3A_2438 : vector<16xi32>
    %lt3A_2440 = arith.constant 0 : i32
    %lt3A_2441 = arith.cmpi slt, %select_n3A_2431, %lt3A_2440 : i32
    %ne3A_2442 = vector.broadcast %lt3A_2441 : i1 to vector<16xi1>
    %ne3A_2443 = vector.broadcast %ne3A_2442 : vector<16xi1> to vector<16xi1>
    %ne3A_2444 = arith.xori %lt3A_2439, %ne3A_2443 : vector<16xi1>
    %and3A_2445 = arith.andi %ne3A_2444, %ne3A_2436 : vector<16xi1>
    %add3A_2446 = vector.broadcast %select_n3A_2431 : i32 to vector<16xi32>
    %add3A_2447 = arith.addi %rem3A_2433, %add3A_2446 : vector<16xi32>
    %select_n3A_2448 = arith.select %and3A_2445, %add3A_2447, %rem3A_2433 : vector<16xi1>, vector<16xi32>
    %reshape3A_2449 = vector.shape_cast %select_n3A_2448 : vector<16xi32> to vector<16x1xi32>
    %gather3A_2450 = vector.shape_cast %reshape3A_2449 : vector<16x1xi32> to vector<16xi32>
    %gather3A_2451 = tpu.dynamic_gather %add3A_2422[%gather3A_2450] in [0] : vector<16xi32>, vector<16xi32> -> vector<16xi32>
    %add3A_2452 = arith.addi %add3A_2422, %gather3A_2451 : vector<16xi32>
    %eq3A_2453 = arith.constant 11 : i32
    %eq3A_2454 = vector.broadcast %eq3A_2453 : i32 to vector<16xi32>
    %eq3A_2455 = arith.cmpi eq, %iota3A, %eq3A_2454 : vector<16xi32>
    %select_n3A_2456 = arith.select %eq3A_2455, %add3A_2452, %select_n3A_2251 : vector<16xi1>, vector<16xi32>
    %broadcast_in_dim3A_2457 = arith.constant 0 : i32
    %broadcast_in_dim3A_2458 = vector.broadcast %broadcast_in_dim3A_2457 : i32 to vector<16xi32>
    %get3A_2459 = arith.constant 12 : i32
    %get3A_2460 = arith.index_cast %get3A_2459 : i32 to index
    %get3A_2461 = arith.constant 0 : index
    %get3A_2462 = tpu.vector_load %arg10[%get3A_2460, %get3A_2461] {strides = array<i32>} : memref<32x77xi32, #tpu.memory_space<vmem>>, vector<1x16xi32>,
    %get3A_2463 = vector.shape_cast %get3A_2462 : vector<1x16xi32> to vector<16xi32>
    %eq3A_2464 = arith.constant 265 : i32
    %eq3A_2465 = vector.broadcast %eq3A_2464 : i32 to vector<16xi32>
    %eq3A_2466 = arith.cmpi eq, %get3A_2463, %eq3A_2465 : vector<16xi32>
    %add3A_2467 = arith.constant 0 : i32
    %add3A_2468 = vector.broadcast %add3A_2467 : i32 to vector<16xi32>
    %add3A_2469 = arith.addi %add3A_2468, %iota3A : vector<16xi32>
    %jit3A_2470 = arith.constant 0 : i32
    %broadcast_in_dim3A_2471 = vector.broadcast %jit3A_2470 : i32 to vector<16xi32>
    %select_n3A_2472 = arith.select %eq3A_2466, %add3A_2469, %broadcast_in_dim3A_2471 : vector<16xi1>, vector<16xi32>
    %add3A_2473 = arith.addi %broadcast_in_dim3A_2458, %select_n3A_2472 : vector<16xi32>
    %get3A_2474 = arith.constant 12 : i32
    %get3A_2475 = arith.index_cast %get3A_2474 : i32 to index
    %get3A_2476 = arith.constant 16 : index
    %get3A_2477 = tpu.vector_load %arg10[%get3A_2475, %get3A_2476] {strides = array<i32>} : memref<32x77xi32, #tpu.memory_space<vmem>>, vector<1x16xi32>,
    %get3A_2478 = vector.shape_cast %get3A_2477 : vector<1x16xi32> to vector<16xi32>
    %eq3A_2479 = arith.constant 265 : i32
    %eq3A_2480 = vector.broadcast %eq3A_2479 : i32 to vector<16xi32>
    %eq3A_2481 = arith.cmpi eq, %get3A_2478, %eq3A_2480 : vector<16xi32>
    %add3A_2482 = arith.constant 16 : i32
    %add3A_2483 = vector.broadcast %add3A_2482 : i32 to vector<16xi32>
    %add3A_2484 = arith.addi %add3A_2483, %iota3A : vector<16xi32>
    %jit3A_2485 = arith.constant 0 : i32
    %broadcast_in_dim3A_2486 = vector.broadcast %jit3A_2485 : i32 to vector<16xi32>
    %select_n3A_2487 = arith.select %eq3A_2481, %add3A_2484, %broadcast_in_dim3A_2486 : vector<16xi1>, vector<16xi32>
    %add3A_2488 = arith.addi %add3A_2473, %select_n3A_2487 : vector<16xi32>
    %get3A_2489 = arith.constant 12 : i32
    %get3A_2490 = arith.index_cast %get3A_2489 : i32 to index
    %get3A_2491 = arith.constant 32 : index
    %get3A_2492 = tpu.vector_load %arg10[%get3A_2490, %get3A_2491] {strides = array<i32>} : memref<32x77xi32, #tpu.memory_space<vmem>>, vector<1x16xi32>,
    %get3A_2493 = vector.shape_cast %get3A_2492 : vector<1x16xi32> to vector<16xi32>
    %eq3A_2494 = arith.constant 265 : i32
    %eq3A_2495 = vector.broadcast %eq3A_2494 : i32 to vector<16xi32>
    %eq3A_2496 = arith.cmpi eq, %get3A_2493, %eq3A_2495 : vector<16xi32>
    %add3A_2497 = arith.constant 32 : i32
    %add3A_2498 = vector.broadcast %add3A_2497 : i32 to vector<16xi32>
    %add3A_2499 = arith.addi %add3A_2498, %iota3A : vector<16xi32>
    %jit3A_2500 = arith.constant 0 : i32
    %broadcast_in_dim3A_2501 = vector.broadcast %jit3A_2500 : i32 to vector<16xi32>
    %select_n3A_2502 = arith.select %eq3A_2496, %add3A_2499, %broadcast_in_dim3A_2501 : vector<16xi1>, vector<16xi32>
    %add3A_2503 = arith.addi %add3A_2488, %select_n3A_2502 : vector<16xi32>
    %get3A_2504 = arith.constant 12 : i32
    %get3A_2505 = arith.index_cast %get3A_2504 : i32 to index
    %get3A_2506 = arith.constant 48 : index
    %get3A_2507 = tpu.vector_load %arg10[%get3A_2505, %get3A_2506] {strides = array<i32>} : memref<32x77xi32, #tpu.memory_space<vmem>>, vector<1x16xi32>,
    %get3A_2508 = vector.shape_cast %get3A_2507 : vector<1x16xi32> to vector<16xi32>
    %eq3A_2509 = arith.constant 265 : i32
    %eq3A_2510 = vector.broadcast %eq3A_2509 : i32 to vector<16xi32>
    %eq3A_2511 = arith.cmpi eq, %get3A_2508, %eq3A_2510 : vector<16xi32>
    %add3A_2512 = arith.constant 48 : i32
    %add3A_2513 = vector.broadcast %add3A_2512 : i32 to vector<16xi32>
    %add3A_2514 = arith.addi %add3A_2513, %iota3A : vector<16xi32>
    %jit3A_2515 = arith.constant 0 : i32
    %broadcast_in_dim3A_2516 = vector.broadcast %jit3A_2515 : i32 to vector<16xi32>
    %select_n3A_2517 = arith.select %eq3A_2511, %add3A_2514, %broadcast_in_dim3A_2516 : vector<16xi1>, vector<16xi32>
    %add3A_2518 = arith.addi %add3A_2503, %select_n3A_2517 : vector<16xi32>
    %get3A_2519 = arith.constant 12 : i32
    %get3A_2520 = arith.index_cast %get3A_2519 : i32 to index
    %get3A_2521 = arith.constant 61 : index
    %get3A_2522 = tpu.vector_load %arg10[%get3A_2520, %get3A_2521] {strides = array<i32>} : memref<32x77xi32, #tpu.memory_space<vmem>>, vector<1x16xi32>,
    %get3A_2523 = vector.shape_cast %get3A_2522 : vector<1x16xi32> to vector<16xi32>
    %eq3A_2524 = arith.constant 265 : i32
    %eq3A_2525 = vector.broadcast %eq3A_2524 : i32 to vector<16xi32>
    %eq3A_2526 = arith.cmpi eq, %get3A_2523, %eq3A_2525 : vector<16xi32>
    %ge3A_2527 = arith.constant 3 : i32
    %ge3A_2528 = vector.broadcast %ge3A_2527 : i32 to vector<16xi32>
    %ge3A_2529 = arith.cmpi sge, %iota3A, %ge3A_2528 : vector<16xi32>
    %and3A_2530 = arith.andi %eq3A_2526, %ge3A_2529 : vector<16xi1>
    %add3A_2531 = arith.constant 61 : i32
    %add3A_2532 = vector.broadcast %add3A_2531 : i32 to vector<16xi32>
    %add3A_2533 = arith.addi %add3A_2532, %iota3A : vector<16xi32>
    %jit3A_2534 = arith.constant 0 : i32
    %broadcast_in_dim3A_2535 = vector.broadcast %jit3A_2534 : i32 to vector<16xi32>
    %select_n3A_2536 = arith.select %and3A_2530, %add3A_2533, %broadcast_in_dim3A_2535 : vector<16xi1>, vector<16xi32>
    %add3A_2537 = arith.addi %add3A_2518, %select_n3A_2536 : vector<16xi32>
    %iota3A_2538 = tpu.iota {dimensions = array<i32: 0>} : vector<16xi32>
    %add3A_2539 = arith.constant 8 : i32
    %add3A_2540 = vector.broadcast %add3A_2539 : i32 to vector<16xi32>
    %add3A_2541 = arith.addi %iota3A_2538, %add3A_2540 : vector<16xi32>
    %jit3A_2542 = arith.constant 16 : i32
    %eq3A_2543 = arith.constant 0 : i32
    %eq3A_2544 = arith.cmpi eq, %jit3A_2542, %eq3A_2543 : i32
    %jit3A_2545 = arith.constant 1 : i32
    %select_n3A_2546 = arith.select %eq3A_2544, %jit3A_2545, %jit3A_2542 : i32
    %rem3A_2547 = vector.broadcast %select_n3A_2546 : i32 to vector<16xi32>
    %rem3A_2548 = arith.remsi %add3A_2541, %rem3A_2547 : vector<16xi32>
    %ne3A_2549 = arith.constant 0 : i32
    %ne3A_2550 = vector.broadcast %ne3A_2549 : i32 to vector<16xi32>
    %ne3A_2551 = arith.cmpi ne, %rem3A_2548, %ne3A_2550 : vector<16xi32>
    %lt3A_2552 = arith.constant 0 : i32
    %lt3A_2553 = vector.broadcast %lt3A_2552 : i32 to vector<16xi32>
    %lt3A_2554 = arith.cmpi slt, %rem3A_2548, %lt3A_2553 : vector<16xi32>
    %lt3A_2555 = arith.constant 0 : i32
    %lt3A_2556 = arith.cmpi slt, %select_n3A_2546, %lt3A_2555 : i32
    %ne3A_2557 = vector.broadcast %lt3A_2556 : i1 to vector<16xi1>
    %ne3A_2558 = vector.broadcast %ne3A_2557 : vector<16xi1> to vector<16xi1>
    %ne3A_2559 = arith.xori %lt3A_2554, %ne3A_2558 : vector<16xi1>
    %and3A_2560 = arith.andi %ne3A_2559, %ne3A_2551 : vector<16xi1>
    %add3A_2561 = vector.broadcast %select_n3A_2546 : i32 to vector<16xi32>
    %add3A_2562 = arith.addi %rem3A_2548, %add3A_2561 : vector<16xi32>
    %select_n3A_2563 = arith.select %and3A_2560, %add3A_2562, %rem3A_2548 : vector<16xi1>, vector<16xi32>
    %reshape3A_2564 = vector.shape_cast %select_n3A_2563 : vector<16xi32> to vector<16x1xi32>
    %gather3A_2565 = vector.shape_cast %reshape3A_2564 : vector<16x1xi32> to vector<16xi32>
    %gather3A_2566 = tpu.dynamic_gather %add3A_2537[%gather3A_2565] in [0] : vector<16xi32>, vector<16xi32> -> vector<16xi32>
    %add3A_2567 = arith.addi %add3A_2537, %gather3A_2566 : vector<16xi32>
    %iota3A_2568 = tpu.iota {dimensions = array<i32: 0>} : vector<16xi32>
    %add3A_2569 = arith.constant 4 : i32
    %add3A_2570 = vector.broadcast %add3A_2569 : i32 to vector<16xi32>
    %add3A_2571 = arith.addi %iota3A_2568, %add3A_2570 : vector<16xi32>
    %jit3A_2572 = arith.constant 16 : i32
    %eq3A_2573 = arith.constant 0 : i32
    %eq3A_2574 = arith.cmpi eq, %jit3A_2572, %eq3A_2573 : i32
    %jit3A_2575 = arith.constant 1 : i32
    %select_n3A_2576 = arith.select %eq3A_2574, %jit3A_2575, %jit3A_2572 : i32
    %rem3A_2577 = vector.broadcast %select_n3A_2576 : i32 to vector<16xi32>
    %rem3A_2578 = arith.remsi %add3A_2571, %rem3A_2577 : vector<16xi32>
    %ne3A_2579 = arith.constant 0 : i32
    %ne3A_2580 = vector.broadcast %ne3A_2579 : i32 to vector<16xi32>
    %ne3A_2581 = arith.cmpi ne, %rem3A_2578, %ne3A_2580 : vector<16xi32>
    %lt3A_2582 = arith.constant 0 : i32
    %lt3A_2583 = vector.broadcast %lt3A_2582 : i32 to vector<16xi32>
    %lt3A_2584 = arith.cmpi slt, %rem3A_2578, %lt3A_2583 : vector<16xi32>
    %lt3A_2585 = arith.constant 0 : i32
    %lt3A_2586 = arith.cmpi slt, %select_n3A_2576, %lt3A_2585 : i32
    %ne3A_2587 = vector.broadcast %lt3A_2586 : i1 to vector<16xi1>
    %ne3A_2588 = vector.broadcast %ne3A_2587 : vector<16xi1> to vector<16xi1>
    %ne3A_2589 = arith.xori %lt3A_2584, %ne3A_2588 : vector<16xi1>
    %and3A_2590 = arith.andi %ne3A_2589, %ne3A_2581 : vector<16xi1>
    %add3A_2591 = vector.broadcast %select_n3A_2576 : i32 to vector<16xi32>
    %add3A_2592 = arith.addi %rem3A_2578, %add3A_2591 : vector<16xi32>
    %select_n3A_2593 = arith.select %and3A_2590, %add3A_2592, %rem3A_2578 : vector<16xi1>, vector<16xi32>
    %reshape3A_2594 = vector.shape_cast %select_n3A_2593 : vector<16xi32> to vector<16x1xi32>
    %gather3A_2595 = vector.shape_cast %reshape3A_2594 : vector<16x1xi32> to vector<16xi32>
    %gather3A_2596 = tpu.dynamic_gather %add3A_2567[%gather3A_2595] in [0] : vector<16xi32>, vector<16xi32> -> vector<16xi32>
    %add3A_2597 = arith.addi %add3A_2567, %gather3A_2596 : vector<16xi32>
    %iota3A_2598 = tpu.iota {dimensions = array<i32: 0>} : vector<16xi32>
    %add3A_2599 = arith.constant 2 : i32
    %add3A_2600 = vector.broadcast %add3A_2599 : i32 to vector<16xi32>
    %add3A_2601 = arith.addi %iota3A_2598, %add3A_2600 : vector<16xi32>
    %jit3A_2602 = arith.constant 16 : i32
    %eq3A_2603 = arith.constant 0 : i32
    %eq3A_2604 = arith.cmpi eq, %jit3A_2602, %eq3A_2603 : i32
    %jit3A_2605 = arith.constant 1 : i32
    %select_n3A_2606 = arith.select %eq3A_2604, %jit3A_2605, %jit3A_2602 : i32
    %rem3A_2607 = vector.broadcast %select_n3A_2606 : i32 to vector<16xi32>
    %rem3A_2608 = arith.remsi %add3A_2601, %rem3A_2607 : vector<16xi32>
    %ne3A_2609 = arith.constant 0 : i32
    %ne3A_2610 = vector.broadcast %ne3A_2609 : i32 to vector<16xi32>
    %ne3A_2611 = arith.cmpi ne, %rem3A_2608, %ne3A_2610 : vector<16xi32>
    %lt3A_2612 = arith.constant 0 : i32
    %lt3A_2613 = vector.broadcast %lt3A_2612 : i32 to vector<16xi32>
    %lt3A_2614 = arith.cmpi slt, %rem3A_2608, %lt3A_2613 : vector<16xi32>
    %lt3A_2615 = arith.constant 0 : i32
    %lt3A_2616 = arith.cmpi slt, %select_n3A_2606, %lt3A_2615 : i32
    %ne3A_2617 = vector.broadcast %lt3A_2616 : i1 to vector<16xi1>
    %ne3A_2618 = vector.broadcast %ne3A_2617 : vector<16xi1> to vector<16xi1>
    %ne3A_2619 = arith.xori %lt3A_2614, %ne3A_2618 : vector<16xi1>
    %and3A_2620 = arith.andi %ne3A_2619, %ne3A_2611 : vector<16xi1>
    %add3A_2621 = vector.broadcast %select_n3A_2606 : i32 to vector<16xi32>
    %add3A_2622 = arith.addi %rem3A_2608, %add3A_2621 : vector<16xi32>
    %select_n3A_2623 = arith.select %and3A_2620, %add3A_2622, %rem3A_2608 : vector<16xi1>, vector<16xi32>
    %reshape3A_2624 = vector.shape_cast %select_n3A_2623 : vector<16xi32> to vector<16x1xi32>
    %gather3A_2625 = vector.shape_cast %reshape3A_2624 : vector<16x1xi32> to vector<16xi32>
    %gather3A_2626 = tpu.dynamic_gather %add3A_2597[%gather3A_2625] in [0] : vector<16xi32>, vector<16xi32> -> vector<16xi32>
    %add3A_2627 = arith.addi %add3A_2597, %gather3A_2626 : vector<16xi32>
    %iota3A_2628 = tpu.iota {dimensions = array<i32: 0>} : vector<16xi32>
    %add3A_2629 = arith.constant 1 : i32
    %add3A_2630 = vector.broadcast %add3A_2629 : i32 to vector<16xi32>
    %add3A_2631 = arith.addi %iota3A_2628, %add3A_2630 : vector<16xi32>
    %jit3A_2632 = arith.constant 16 : i32
    %eq3A_2633 = arith.constant 0 : i32
    %eq3A_2634 = arith.cmpi eq, %jit3A_2632, %eq3A_2633 : i32
    %jit3A_2635 = arith.constant 1 : i32
    %select_n3A_2636 = arith.select %eq3A_2634, %jit3A_2635, %jit3A_2632 : i32
    %rem3A_2637 = vector.broadcast %select_n3A_2636 : i32 to vector<16xi32>
    %rem3A_2638 = arith.remsi %add3A_2631, %rem3A_2637 : vector<16xi32>
    %ne3A_2639 = arith.constant 0 : i32
    %ne3A_2640 = vector.broadcast %ne3A_2639 : i32 to vector<16xi32>
    %ne3A_2641 = arith.cmpi ne, %rem3A_2638, %ne3A_2640 : vector<16xi32>
    %lt3A_2642 = arith.constant 0 : i32
    %lt3A_2643 = vector.broadcast %lt3A_2642 : i32 to vector<16xi32>
    %lt3A_2644 = arith.cmpi slt, %rem3A_2638, %lt3A_2643 : vector<16xi32>
    %lt3A_2645 = arith.constant 0 : i32
    %lt3A_2646 = arith.cmpi slt, %select_n3A_2636, %lt3A_2645 : i32
    %ne3A_2647 = vector.broadcast %lt3A_2646 : i1 to vector<16xi1>
    %ne3A_2648 = vector.broadcast %ne3A_2647 : vector<16xi1> to vector<16xi1>
    %ne3A_2649 = arith.xori %lt3A_2644, %ne3A_2648 : vector<16xi1>
    %and3A_2650 = arith.andi %ne3A_2649, %ne3A_2641 : vector<16xi1>
    %add3A_2651 = vector.broadcast %select_n3A_2636 : i32 to vector<16xi32>
    %add3A_2652 = arith.addi %rem3A_2638, %add3A_2651 : vector<16xi32>
    %select_n3A_2653 = arith.select %and3A_2650, %add3A_2652, %rem3A_2638 : vector<16xi1>, vector<16xi32>
    %reshape3A_2654 = vector.shape_cast %select_n3A_2653 : vector<16xi32> to vector<16x1xi32>
    %gather3A_2655 = vector.shape_cast %reshape3A_2654 : vector<16x1xi32> to vector<16xi32>
    %gather3A_2656 = tpu.dynamic_gather %add3A_2627[%gather3A_2655] in [0] : vector<16xi32>, vector<16xi32> -> vector<16xi32>
    %add3A_2657 = arith.addi %add3A_2627, %gather3A_2656 : vector<16xi32>
    %eq3A_2658 = arith.constant 12 : i32
    %eq3A_2659 = vector.broadcast %eq3A_2658 : i32 to vector<16xi32>
    %eq3A_2660 = arith.cmpi eq, %iota3A, %eq3A_2659 : vector<16xi32>
    %select_n3A_2661 = arith.select %eq3A_2660, %add3A_2657, %select_n3A_2456 : vector<16xi1>, vector<16xi32>
    %broadcast_in_dim3A_2662 = arith.constant 0 : i32
    %broadcast_in_dim3A_2663 = vector.broadcast %broadcast_in_dim3A_2662 : i32 to vector<16xi32>
    %get3A_2664 = arith.constant 13 : i32
    %get3A_2665 = arith.index_cast %get3A_2664 : i32 to index
    %get3A_2666 = arith.constant 0 : index
    %get3A_2667 = tpu.vector_load %arg10[%get3A_2665, %get3A_2666] {strides = array<i32>} : memref<32x77xi32, #tpu.memory_space<vmem>>, vector<1x16xi32>,
    %get3A_2668 = vector.shape_cast %get3A_2667 : vector<1x16xi32> to vector<16xi32>
    %eq3A_2669 = arith.constant 265 : i32
    %eq3A_2670 = vector.broadcast %eq3A_2669 : i32 to vector<16xi32>
    %eq3A_2671 = arith.cmpi eq, %get3A_2668, %eq3A_2670 : vector<16xi32>
    %add3A_2672 = arith.constant 0 : i32
    %add3A_2673 = vector.broadcast %add3A_2672 : i32 to vector<16xi32>
    %add3A_2674 = arith.addi %add3A_2673, %iota3A : vector<16xi32>
    %jit3A_2675 = arith.constant 0 : i32
    %broadcast_in_dim3A_2676 = vector.broadcast %jit3A_2675 : i32 to vector<16xi32>
    %select_n3A_2677 = arith.select %eq3A_2671, %add3A_2674, %broadcast_in_dim3A_2676 : vector<16xi1>, vector<16xi32>
    %add3A_2678 = arith.addi %broadcast_in_dim3A_2663, %select_n3A_2677 : vector<16xi32>
    %get3A_2679 = arith.constant 13 : i32
    %get3A_2680 = arith.index_cast %get3A_2679 : i32 to index
    %get3A_2681 = arith.constant 16 : index
    %get3A_2682 = tpu.vector_load %arg10[%get3A_2680, %get3A_2681] {strides = array<i32>} : memref<32x77xi32, #tpu.memory_space<vmem>>, vector<1x16xi32>,
    %get3A_2683 = vector.shape_cast %get3A_2682 : vector<1x16xi32> to vector<16xi32>
    %eq3A_2684 = arith.constant 265 : i32
    %eq3A_2685 = vector.broadcast %eq3A_2684 : i32 to vector<16xi32>
    %eq3A_2686 = arith.cmpi eq, %get3A_2683, %eq3A_2685 : vector<16xi32>
    %add3A_2687 = arith.constant 16 : i32
    %add3A_2688 = vector.broadcast %add3A_2687 : i32 to vector<16xi32>
    %add3A_2689 = arith.addi %add3A_2688, %iota3A : vector<16xi32>
    %jit3A_2690 = arith.constant 0 : i32
    %broadcast_in_dim3A_2691 = vector.broadcast %jit3A_2690 : i32 to vector<16xi32>
    %select_n3A_2692 = arith.select %eq3A_2686, %add3A_2689, %broadcast_in_dim3A_2691 : vector<16xi1>, vector<16xi32>
    %add3A_2693 = arith.addi %add3A_2678, %select_n3A_2692 : vector<16xi32>
    %get3A_2694 = arith.constant 13 : i32
    %get3A_2695 = arith.index_cast %get3A_2694 : i32 to index
    %get3A_2696 = arith.constant 32 : index
    %get3A_2697 = tpu.vector_load %arg10[%get3A_2695, %get3A_2696] {strides = array<i32>} : memref<32x77xi32, #tpu.memory_space<vmem>>, vector<1x16xi32>,
    %get3A_2698 = vector.shape_cast %get3A_2697 : vector<1x16xi32> to vector<16xi32>
    %eq3A_2699 = arith.constant 265 : i32
    %eq3A_2700 = vector.broadcast %eq3A_2699 : i32 to vector<16xi32>
    %eq3A_2701 = arith.cmpi eq, %get3A_2698, %eq3A_2700 : vector<16xi32>
    %add3A_2702 = arith.constant 32 : i32
    %add3A_2703 = vector.broadcast %add3A_2702 : i32 to vector<16xi32>
    %add3A_2704 = arith.addi %add3A_2703, %iota3A : vector<16xi32>
    %jit3A_2705 = arith.constant 0 : i32
    %broadcast_in_dim3A_2706 = vector.broadcast %jit3A_2705 : i32 to vector<16xi32>
    %select_n3A_2707 = arith.select %eq3A_2701, %add3A_2704, %broadcast_in_dim3A_2706 : vector<16xi1>, vector<16xi32>
    %add3A_2708 = arith.addi %add3A_2693, %select_n3A_2707 : vector<16xi32>
    %get3A_2709 = arith.constant 13 : i32
    %get3A_2710 = arith.index_cast %get3A_2709 : i32 to index
    %get3A_2711 = arith.constant 48 : index
    %get3A_2712 = tpu.vector_load %arg10[%get3A_2710, %get3A_2711] {strides = array<i32>} : memref<32x77xi32, #tpu.memory_space<vmem>>, vector<1x16xi32>,
    %get3A_2713 = vector.shape_cast %get3A_2712 : vector<1x16xi32> to vector<16xi32>
    %eq3A_2714 = arith.constant 265 : i32
    %eq3A_2715 = vector.broadcast %eq3A_2714 : i32 to vector<16xi32>
    %eq3A_2716 = arith.cmpi eq, %get3A_2713, %eq3A_2715 : vector<16xi32>
    %add3A_2717 = arith.constant 48 : i32
    %add3A_2718 = vector.broadcast %add3A_2717 : i32 to vector<16xi32>
    %add3A_2719 = arith.addi %add3A_2718, %iota3A : vector<16xi32>
    %jit3A_2720 = arith.constant 0 : i32
    %broadcast_in_dim3A_2721 = vector.broadcast %jit3A_2720 : i32 to vector<16xi32>
    %select_n3A_2722 = arith.select %eq3A_2716, %add3A_2719, %broadcast_in_dim3A_2721 : vector<16xi1>, vector<16xi32>
    %add3A_2723 = arith.addi %add3A_2708, %select_n3A_2722 : vector<16xi32>
    %get3A_2724 = arith.constant 13 : i32
    %get3A_2725 = arith.index_cast %get3A_2724 : i32 to index
    %get3A_2726 = arith.constant 61 : index
    %get3A_2727 = tpu.vector_load %arg10[%get3A_2725, %get3A_2726] {strides = array<i32>} : memref<32x77xi32, #tpu.memory_space<vmem>>, vector<1x16xi32>,
    %get3A_2728 = vector.shape_cast %get3A_2727 : vector<1x16xi32> to vector<16xi32>
    %eq3A_2729 = arith.constant 265 : i32
    %eq3A_2730 = vector.broadcast %eq3A_2729 : i32 to vector<16xi32>
    %eq3A_2731 = arith.cmpi eq, %get3A_2728, %eq3A_2730 : vector<16xi32>
    %ge3A_2732 = arith.constant 3 : i32
    %ge3A_2733 = vector.broadcast %ge3A_2732 : i32 to vector<16xi32>
    %ge3A_2734 = arith.cmpi sge, %iota3A, %ge3A_2733 : vector<16xi32>
    %and3A_2735 = arith.andi %eq3A_2731, %ge3A_2734 : vector<16xi1>
    %add3A_2736 = arith.constant 61 : i32
    %add3A_2737 = vector.broadcast %add3A_2736 : i32 to vector<16xi32>
    %add3A_2738 = arith.addi %add3A_2737, %iota3A : vector<16xi32>
    %jit3A_2739 = arith.constant 0 : i32
    %broadcast_in_dim3A_2740 = vector.broadcast %jit3A_2739 : i32 to vector<16xi32>
    %select_n3A_2741 = arith.select %and3A_2735, %add3A_2738, %broadcast_in_dim3A_2740 : vector<16xi1>, vector<16xi32>
    %add3A_2742 = arith.addi %add3A_2723, %select_n3A_2741 : vector<16xi32>
    %iota3A_2743 = tpu.iota {dimensions = array<i32: 0>} : vector<16xi32>
    %add3A_2744 = arith.constant 8 : i32
    %add3A_2745 = vector.broadcast %add3A_2744 : i32 to vector<16xi32>
    %add3A_2746 = arith.addi %iota3A_2743, %add3A_2745 : vector<16xi32>
    %jit3A_2747 = arith.constant 16 : i32
    %eq3A_2748 = arith.constant 0 : i32
    %eq3A_2749 = arith.cmpi eq, %jit3A_2747, %eq3A_2748 : i32
    %jit3A_2750 = arith.constant 1 : i32
    %select_n3A_2751 = arith.select %eq3A_2749, %jit3A_2750, %jit3A_2747 : i32
    %rem3A_2752 = vector.broadcast %select_n3A_2751 : i32 to vector<16xi32>
    %rem3A_2753 = arith.remsi %add3A_2746, %rem3A_2752 : vector<16xi32>
    %ne3A_2754 = arith.constant 0 : i32
    %ne3A_2755 = vector.broadcast %ne3A_2754 : i32 to vector<16xi32>
    %ne3A_2756 = arith.cmpi ne, %rem3A_2753, %ne3A_2755 : vector<16xi32>
    %lt3A_2757 = arith.constant 0 : i32
    %lt3A_2758 = vector.broadcast %lt3A_2757 : i32 to vector<16xi32>
    %lt3A_2759 = arith.cmpi slt, %rem3A_2753, %lt3A_2758 : vector<16xi32>
    %lt3A_2760 = arith.constant 0 : i32
    %lt3A_2761 = arith.cmpi slt, %select_n3A_2751, %lt3A_2760 : i32
    %ne3A_2762 = vector.broadcast %lt3A_2761 : i1 to vector<16xi1>
    %ne3A_2763 = vector.broadcast %ne3A_2762 : vector<16xi1> to vector<16xi1>
    %ne3A_2764 = arith.xori %lt3A_2759, %ne3A_2763 : vector<16xi1>
    %and3A_2765 = arith.andi %ne3A_2764, %ne3A_2756 : vector<16xi1>
    %add3A_2766 = vector.broadcast %select_n3A_2751 : i32 to vector<16xi32>
    %add3A_2767 = arith.addi %rem3A_2753, %add3A_2766 : vector<16xi32>
    %select_n3A_2768 = arith.select %and3A_2765, %add3A_2767, %rem3A_2753 : vector<16xi1>, vector<16xi32>
    %reshape3A_2769 = vector.shape_cast %select_n3A_2768 : vector<16xi32> to vector<16x1xi32>
    %gather3A_2770 = vector.shape_cast %reshape3A_2769 : vector<16x1xi32> to vector<16xi32>
    %gather3A_2771 = tpu.dynamic_gather %add3A_2742[%gather3A_2770] in [0] : vector<16xi32>, vector<16xi32> -> vector<16xi32>
    %add3A_2772 = arith.addi %add3A_2742, %gather3A_2771 : vector<16xi32>
    %iota3A_2773 = tpu.iota {dimensions = array<i32: 0>} : vector<16xi32>
    %add3A_2774 = arith.constant 4 : i32
    %add3A_2775 = vector.broadcast %add3A_2774 : i32 to vector<16xi32>
    %add3A_2776 = arith.addi %iota3A_2773, %add3A_2775 : vector<16xi32>
    %jit3A_2777 = arith.constant 16 : i32
    %eq3A_2778 = arith.constant 0 : i32
    %eq3A_2779 = arith.cmpi eq, %jit3A_2777, %eq3A_2778 : i32
    %jit3A_2780 = arith.constant 1 : i32
    %select_n3A_2781 = arith.select %eq3A_2779, %jit3A_2780, %jit3A_2777 : i32
    %rem3A_2782 = vector.broadcast %select_n3A_2781 : i32 to vector<16xi32>
    %rem3A_2783 = arith.remsi %add3A_2776, %rem3A_2782 : vector<16xi32>
    %ne3A_2784 = arith.constant 0 : i32
    %ne3A_2785 = vector.broadcast %ne3A_2784 : i32 to vector<16xi32>
    %ne3A_2786 = arith.cmpi ne, %rem3A_2783, %ne3A_2785 : vector<16xi32>
    %lt3A_2787 = arith.constant 0 : i32
    %lt3A_2788 = vector.broadcast %lt3A_2787 : i32 to vector<16xi32>
    %lt3A_2789 = arith.cmpi slt, %rem3A_2783, %lt3A_2788 : vector<16xi32>
    %lt3A_2790 = arith.constant 0 : i32
    %lt3A_2791 = arith.cmpi slt, %select_n3A_2781, %lt3A_2790 : i32
    %ne3A_2792 = vector.broadcast %lt3A_2791 : i1 to vector<16xi1>
    %ne3A_2793 = vector.broadcast %ne3A_2792 : vector<16xi1> to vector<16xi1>
    %ne3A_2794 = arith.xori %lt3A_2789, %ne3A_2793 : vector<16xi1>
    %and3A_2795 = arith.andi %ne3A_2794, %ne3A_2786 : vector<16xi1>
    %add3A_2796 = vector.broadcast %select_n3A_2781 : i32 to vector<16xi32>
    %add3A_2797 = arith.addi %rem3A_2783, %add3A_2796 : vector<16xi32>
    %select_n3A_2798 = arith.select %and3A_2795, %add3A_2797, %rem3A_2783 : vector<16xi1>, vector<16xi32>
    %reshape3A_2799 = vector.shape_cast %select_n3A_2798 : vector<16xi32> to vector<16x1xi32>
    %gather3A_2800 = vector.shape_cast %reshape3A_2799 : vector<16x1xi32> to vector<16xi32>
    %gather3A_2801 = tpu.dynamic_gather %add3A_2772[%gather3A_2800] in [0] : vector<16xi32>, vector<16xi32> -> vector<16xi32>
    %add3A_2802 = arith.addi %add3A_2772, %gather3A_2801 : vector<16xi32>
    %iota3A_2803 = tpu.iota {dimensions = array<i32: 0>} : vector<16xi32>
    %add3A_2804 = arith.constant 2 : i32
    %add3A_2805 = vector.broadcast %add3A_2804 : i32 to vector<16xi32>
    %add3A_2806 = arith.addi %iota3A_2803, %add3A_2805 : vector<16xi32>
    %jit3A_2807 = arith.constant 16 : i32
    %eq3A_2808 = arith.constant 0 : i32
    %eq3A_2809 = arith.cmpi eq, %jit3A_2807, %eq3A_2808 : i32
    %jit3A_2810 = arith.constant 1 : i32
    %select_n3A_2811 = arith.select %eq3A_2809, %jit3A_2810, %jit3A_2807 : i32
    %rem3A_2812 = vector.broadcast %select_n3A_2811 : i32 to vector<16xi32>
    %rem3A_2813 = arith.remsi %add3A_2806, %rem3A_2812 : vector<16xi32>
    %ne3A_2814 = arith.constant 0 : i32
    %ne3A_2815 = vector.broadcast %ne3A_2814 : i32 to vector<16xi32>
    %ne3A_2816 = arith.cmpi ne, %rem3A_2813, %ne3A_2815 : vector<16xi32>
    %lt3A_2817 = arith.constant 0 : i32
    %lt3A_2818 = vector.broadcast %lt3A_2817 : i32 to vector<16xi32>
    %lt3A_2819 = arith.cmpi slt, %rem3A_2813, %lt3A_2818 : vector<16xi32>
    %lt3A_2820 = arith.constant 0 : i32
    %lt3A_2821 = arith.cmpi slt, %select_n3A_2811, %lt3A_2820 : i32
    %ne3A_2822 = vector.broadcast %lt3A_2821 : i1 to vector<16xi1>
    %ne3A_2823 = vector.broadcast %ne3A_2822 : vector<16xi1> to vector<16xi1>
    %ne3A_2824 = arith.xori %lt3A_2819, %ne3A_2823 : vector<16xi1>
    %and3A_2825 = arith.andi %ne3A_2824, %ne3A_2816 : vector<16xi1>
    %add3A_2826 = vector.broadcast %select_n3A_2811 : i32 to vector<16xi32>
    %add3A_2827 = arith.addi %rem3A_2813, %add3A_2826 : vector<16xi32>
    %select_n3A_2828 = arith.select %and3A_2825, %add3A_2827, %rem3A_2813 : vector<16xi1>, vector<16xi32>
    %reshape3A_2829 = vector.shape_cast %select_n3A_2828 : vector<16xi32> to vector<16x1xi32>
    %gather3A_2830 = vector.shape_cast %reshape3A_2829 : vector<16x1xi32> to vector<16xi32>
    %gather3A_2831 = tpu.dynamic_gather %add3A_2802[%gather3A_2830] in [0] : vector<16xi32>, vector<16xi32> -> vector<16xi32>
    %add3A_2832 = arith.addi %add3A_2802, %gather3A_2831 : vector<16xi32>
    %iota3A_2833 = tpu.iota {dimensions = array<i32: 0>} : vector<16xi32>
    %add3A_2834 = arith.constant 1 : i32
    %add3A_2835 = vector.broadcast %add3A_2834 : i32 to vector<16xi32>
    %add3A_2836 = arith.addi %iota3A_2833, %add3A_2835 : vector<16xi32>
    %jit3A_2837 = arith.constant 16 : i32
    %eq3A_2838 = arith.constant 0 : i32
    %eq3A_2839 = arith.cmpi eq, %jit3A_2837, %eq3A_2838 : i32
    %jit3A_2840 = arith.constant 1 : i32
    %select_n3A_2841 = arith.select %eq3A_2839, %jit3A_2840, %jit3A_2837 : i32
    %rem3A_2842 = vector.broadcast %select_n3A_2841 : i32 to vector<16xi32>
    %rem3A_2843 = arith.remsi %add3A_2836, %rem3A_2842 : vector<16xi32>
    %ne3A_2844 = arith.constant 0 : i32
    %ne3A_2845 = vector.broadcast %ne3A_2844 : i32 to vector<16xi32>
    %ne3A_2846 = arith.cmpi ne, %rem3A_2843, %ne3A_2845 : vector<16xi32>
    %lt3A_2847 = arith.constant 0 : i32
    %lt3A_2848 = vector.broadcast %lt3A_2847 : i32 to vector<16xi32>
    %lt3A_2849 = arith.cmpi slt, %rem3A_2843, %lt3A_2848 : vector<16xi32>
    %lt3A_2850 = arith.constant 0 : i32
    %lt3A_2851 = arith.cmpi slt, %select_n3A_2841, %lt3A_2850 : i32
    %ne3A_2852 = vector.broadcast %lt3A_2851 : i1 to vector<16xi1>
    %ne3A_2853 = vector.broadcast %ne3A_2852 : vector<16xi1> to vector<16xi1>
    %ne3A_2854 = arith.xori %lt3A_2849, %ne3A_2853 : vector<16xi1>
    %and3A_2855 = arith.andi %ne3A_2854, %ne3A_2846 : vector<16xi1>
    %add3A_2856 = vector.broadcast %select_n3A_2841 : i32 to vector<16xi32>
    %add3A_2857 = arith.addi %rem3A_2843, %add3A_2856 : vector<16xi32>
    %select_n3A_2858 = arith.select %and3A_2855, %add3A_2857, %rem3A_2843 : vector<16xi1>, vector<16xi32>
    %reshape3A_2859 = vector.shape_cast %select_n3A_2858 : vector<16xi32> to vector<16x1xi32>
    %gather3A_2860 = vector.shape_cast %reshape3A_2859 : vector<16x1xi32> to vector<16xi32>
    %gather3A_2861 = tpu.dynamic_gather %add3A_2832[%gather3A_2860] in [0] : vector<16xi32>, vector<16xi32> -> vector<16xi32>
    %add3A_2862 = arith.addi %add3A_2832, %gather3A_2861 : vector<16xi32>
    %eq3A_2863 = arith.constant 13 : i32
    %eq3A_2864 = vector.broadcast %eq3A_2863 : i32 to vector<16xi32>
    %eq3A_2865 = arith.cmpi eq, %iota3A, %eq3A_2864 : vector<16xi32>
    %select_n3A_2866 = arith.select %eq3A_2865, %add3A_2862, %select_n3A_2661 : vector<16xi1>, vector<16xi32>
    %broadcast_in_dim3A_2867 = arith.constant 0 : i32
    %broadcast_in_dim3A_2868 = vector.broadcast %broadcast_in_dim3A_2867 : i32 to vector<16xi32>
    %get3A_2869 = arith.constant 14 : i32
    %get3A_2870 = arith.index_cast %get3A_2869 : i32 to index
    %get3A_2871 = arith.constant 0 : index
    %get3A_2872 = tpu.vector_load %arg10[%get3A_2870, %get3A_2871] {strides = array<i32>} : memref<32x77xi32, #tpu.memory_space<vmem>>, vector<1x16xi32>,
    %get3A_2873 = vector.shape_cast %get3A_2872 : vector<1x16xi32> to vector<16xi32>
    %eq3A_2874 = arith.constant 265 : i32
    %eq3A_2875 = vector.broadcast %eq3A_2874 : i32 to vector<16xi32>
    %eq3A_2876 = arith.cmpi eq, %get3A_2873, %eq3A_2875 : vector<16xi32>
    %add3A_2877 = arith.constant 0 : i32
    %add3A_2878 = vector.broadcast %add3A_2877 : i32 to vector<16xi32>
    %add3A_2879 = arith.addi %add3A_2878, %iota3A : vector<16xi32>
    %jit3A_2880 = arith.constant 0 : i32
    %broadcast_in_dim3A_2881 = vector.broadcast %jit3A_2880 : i32 to vector<16xi32>
    %select_n3A_2882 = arith.select %eq3A_2876, %add3A_2879, %broadcast_in_dim3A_2881 : vector<16xi1>, vector<16xi32>
    %add3A_2883 = arith.addi %broadcast_in_dim3A_2868, %select_n3A_2882 : vector<16xi32>
    %get3A_2884 = arith.constant 14 : i32
    %get3A_2885 = arith.index_cast %get3A_2884 : i32 to index
    %get3A_2886 = arith.constant 16 : index
    %get3A_2887 = tpu.vector_load %arg10[%get3A_2885, %get3A_2886] {strides = array<i32>} : memref<32x77xi32, #tpu.memory_space<vmem>>, vector<1x16xi32>,
    %get3A_2888 = vector.shape_cast %get3A_2887 : vector<1x16xi32> to vector<16xi32>
    %eq3A_2889 = arith.constant 265 : i32
    %eq3A_2890 = vector.broadcast %eq3A_2889 : i32 to vector<16xi32>
    %eq3A_2891 = arith.cmpi eq, %get3A_2888, %eq3A_2890 : vector<16xi32>
    %add3A_2892 = arith.constant 16 : i32
    %add3A_2893 = vector.broadcast %add3A_2892 : i32 to vector<16xi32>
    %add3A_2894 = arith.addi %add3A_2893, %iota3A : vector<16xi32>
    %jit3A_2895 = arith.constant 0 : i32
    %broadcast_in_dim3A_2896 = vector.broadcast %jit3A_2895 : i32 to vector<16xi32>
    %select_n3A_2897 = arith.select %eq3A_2891, %add3A_2894, %broadcast_in_dim3A_2896 : vector<16xi1>, vector<16xi32>
    %add3A_2898 = arith.addi %add3A_2883, %select_n3A_2897 : vector<16xi32>
    %get3A_2899 = arith.constant 14 : i32
    %get3A_2900 = arith.index_cast %get3A_2899 : i32 to index
    %get3A_2901 = arith.constant 32 : index
    %get3A_2902 = tpu.vector_load %arg10[%get3A_2900, %get3A_2901] {strides = array<i32>} : memref<32x77xi32, #tpu.memory_space<vmem>>, vector<1x16xi32>,
    %get3A_2903 = vector.shape_cast %get3A_2902 : vector<1x16xi32> to vector<16xi32>
    %eq3A_2904 = arith.constant 265 : i32
    %eq3A_2905 = vector.broadcast %eq3A_2904 : i32 to vector<16xi32>
    %eq3A_2906 = arith.cmpi eq, %get3A_2903, %eq3A_2905 : vector<16xi32>
    %add3A_2907 = arith.constant 32 : i32
    %add3A_2908 = vector.broadcast %add3A_2907 : i32 to vector<16xi32>
    %add3A_2909 = arith.addi %add3A_2908, %iota3A : vector<16xi32>
    %jit3A_2910 = arith.constant 0 : i32
    %broadcast_in_dim3A_2911 = vector.broadcast %jit3A_2910 : i32 to vector<16xi32>
    %select_n3A_2912 = arith.select %eq3A_2906, %add3A_2909, %broadcast_in_dim3A_2911 : vector<16xi1>, vector<16xi32>
    %add3A_2913 = arith.addi %add3A_2898, %select_n3A_2912 : vector<16xi32>
    %get3A_2914 = arith.constant 14 : i32
    %get3A_2915 = arith.index_cast %get3A_2914 : i32 to index
    %get3A_2916 = arith.constant 48 : index
    %get3A_2917 = tpu.vector_load %arg10[%get3A_2915, %get3A_2916] {strides = array<i32>} : memref<32x77xi32, #tpu.memory_space<vmem>>, vector<1x16xi32>,
    %get3A_2918 = vector.shape_cast %get3A_2917 : vector<1x16xi32> to vector<16xi32>
    %eq3A_2919 = arith.constant 265 : i32
    %eq3A_2920 = vector.broadcast %eq3A_2919 : i32 to vector<16xi32>
    %eq3A_2921 = arith.cmpi eq, %get3A_2918, %eq3A_2920 : vector<16xi32>
    %add3A_2922 = arith.constant 48 : i32
    %add3A_2923 = vector.broadcast %add3A_2922 : i32 to vector<16xi32>
    %add3A_2924 = arith.addi %add3A_2923, %iota3A : vector<16xi32>
    %jit3A_2925 = arith.constant 0 : i32
    %broadcast_in_dim3A_2926 = vector.broadcast %jit3A_2925 : i32 to vector<16xi32>
    %select_n3A_2927 = arith.select %eq3A_2921, %add3A_2924, %broadcast_in_dim3A_2926 : vector<16xi1>, vector<16xi32>
    %add3A_2928 = arith.addi %add3A_2913, %select_n3A_2927 : vector<16xi32>
    %get3A_2929 = arith.constant 14 : i32
    %get3A_2930 = arith.index_cast %get3A_2929 : i32 to index
    %get3A_2931 = arith.constant 61 : index
    %get3A_2932 = tpu.vector_load %arg10[%get3A_2930, %get3A_2931] {strides = array<i32>} : memref<32x77xi32, #tpu.memory_space<vmem>>, vector<1x16xi32>,
    %get3A_2933 = vector.shape_cast %get3A_2932 : vector<1x16xi32> to vector<16xi32>
    %eq3A_2934 = arith.constant 265 : i32
    %eq3A_2935 = vector.broadcast %eq3A_2934 : i32 to vector<16xi32>
    %eq3A_2936 = arith.cmpi eq, %get3A_2933, %eq3A_2935 : vector<16xi32>
    %ge3A_2937 = arith.constant 3 : i32
    %ge3A_2938 = vector.broadcast %ge3A_2937 : i32 to vector<16xi32>
    %ge3A_2939 = arith.cmpi sge, %iota3A, %ge3A_2938 : vector<16xi32>
    %and3A_2940 = arith.andi %eq3A_2936, %ge3A_2939 : vector<16xi1>
    %add3A_2941 = arith.constant 61 : i32
    %add3A_2942 = vector.broadcast %add3A_2941 : i32 to vector<16xi32>
    %add3A_2943 = arith.addi %add3A_2942, %iota3A : vector<16xi32>
    %jit3A_2944 = arith.constant 0 : i32
    %broadcast_in_dim3A_2945 = vector.broadcast %jit3A_2944 : i32 to vector<16xi32>
    %select_n3A_2946 = arith.select %and3A_2940, %add3A_2943, %broadcast_in_dim3A_2945 : vector<16xi1>, vector<16xi32>
    %add3A_2947 = arith.addi %add3A_2928, %select_n3A_2946 : vector<16xi32>
    %iota3A_2948 = tpu.iota {dimensions = array<i32: 0>} : vector<16xi32>
    %add3A_2949 = arith.constant 8 : i32
    %add3A_2950 = vector.broadcast %add3A_2949 : i32 to vector<16xi32>
    %add3A_2951 = arith.addi %iota3A_2948, %add3A_2950 : vector<16xi32>
    %jit3A_2952 = arith.constant 16 : i32
    %eq3A_2953 = arith.constant 0 : i32
    %eq3A_2954 = arith.cmpi eq, %jit3A_2952, %eq3A_2953 : i32
    %jit3A_2955 = arith.constant 1 : i32
    %select_n3A_2956 = arith.select %eq3A_2954, %jit3A_2955, %jit3A_2952 : i32
    %rem3A_2957 = vector.broadcast %select_n3A_2956 : i32 to vector<16xi32>
    %rem3A_2958 = arith.remsi %add3A_2951, %rem3A_2957 : vector<16xi32>
    %ne3A_2959 = arith.constant 0 : i32
    %ne3A_2960 = vector.broadcast %ne3A_2959 : i32 to vector<16xi32>
    %ne3A_2961 = arith.cmpi ne, %rem3A_2958, %ne3A_2960 : vector<16xi32>
    %lt3A_2962 = arith.constant 0 : i32
    %lt3A_2963 = vector.broadcast %lt3A_2962 : i32 to vector<16xi32>
    %lt3A_2964 = arith.cmpi slt, %rem3A_2958, %lt3A_2963 : vector<16xi32>
    %lt3A_2965 = arith.constant 0 : i32
    %lt3A_2966 = arith.cmpi slt, %select_n3A_2956, %lt3A_2965 : i32
    %ne3A_2967 = vector.broadcast %lt3A_2966 : i1 to vector<16xi1>
    %ne3A_2968 = vector.broadcast %ne3A_2967 : vector<16xi1> to vector<16xi1>
    %ne3A_2969 = arith.xori %lt3A_2964, %ne3A_2968 : vector<16xi1>
    %and3A_2970 = arith.andi %ne3A_2969, %ne3A_2961 : vector<16xi1>
    %add3A_2971 = vector.broadcast %select_n3A_2956 : i32 to vector<16xi32>
    %add3A_2972 = arith.addi %rem3A_2958, %add3A_2971 : vector<16xi32>
    %select_n3A_2973 = arith.select %and3A_2970, %add3A_2972, %rem3A_2958 : vector<16xi1>, vector<16xi32>
    %reshape3A_2974 = vector.shape_cast %select_n3A_2973 : vector<16xi32> to vector<16x1xi32>
    %gather3A_2975 = vector.shape_cast %reshape3A_2974 : vector<16x1xi32> to vector<16xi32>
    %gather3A_2976 = tpu.dynamic_gather %add3A_2947[%gather3A_2975] in [0] : vector<16xi32>, vector<16xi32> -> vector<16xi32>
    %add3A_2977 = arith.addi %add3A_2947, %gather3A_2976 : vector<16xi32>
    %iota3A_2978 = tpu.iota {dimensions = array<i32: 0>} : vector<16xi32>
    %add3A_2979 = arith.constant 4 : i32
    %add3A_2980 = vector.broadcast %add3A_2979 : i32 to vector<16xi32>
    %add3A_2981 = arith.addi %iota3A_2978, %add3A_2980 : vector<16xi32>
    %jit3A_2982 = arith.constant 16 : i32
    %eq3A_2983 = arith.constant 0 : i32
    %eq3A_2984 = arith.cmpi eq, %jit3A_2982, %eq3A_2983 : i32
    %jit3A_2985 = arith.constant 1 : i32
    %select_n3A_2986 = arith.select %eq3A_2984, %jit3A_2985, %jit3A_2982 : i32
    %rem3A_2987 = vector.broadcast %select_n3A_2986 : i32 to vector<16xi32>
    %rem3A_2988 = arith.remsi %add3A_2981, %rem3A_2987 : vector<16xi32>
    %ne3A_2989 = arith.constant 0 : i32
    %ne3A_2990 = vector.broadcast %ne3A_2989 : i32 to vector<16xi32>
    %ne3A_2991 = arith.cmpi ne, %rem3A_2988, %ne3A_2990 : vector<16xi32>
    %lt3A_2992 = arith.constant 0 : i32
    %lt3A_2993 = vector.broadcast %lt3A_2992 : i32 to vector<16xi32>
    %lt3A_2994 = arith.cmpi slt, %rem3A_2988, %lt3A_2993 : vector<16xi32>
    %lt3A_2995 = arith.constant 0 : i32
    %lt3A_2996 = arith.cmpi slt, %select_n3A_2986, %lt3A_2995 : i32
    %ne3A_2997 = vector.broadcast %lt3A_2996 : i1 to vector<16xi1>
    %ne3A_2998 = vector.broadcast %ne3A_2997 : vector<16xi1> to vector<16xi1>
    %ne3A_2999 = arith.xori %lt3A_2994, %ne3A_2998 : vector<16xi1>
    %and3A_3000 = arith.andi %ne3A_2999, %ne3A_2991 : vector<16xi1>
    %add3A_3001 = vector.broadcast %select_n3A_2986 : i32 to vector<16xi32>
    %add3A_3002 = arith.addi %rem3A_2988, %add3A_3001 : vector<16xi32>
    %select_n3A_3003 = arith.select %and3A_3000, %add3A_3002, %rem3A_2988 : vector<16xi1>, vector<16xi32>
    %reshape3A_3004 = vector.shape_cast %select_n3A_3003 : vector<16xi32> to vector<16x1xi32>
    %gather3A_3005 = vector.shape_cast %reshape3A_3004 : vector<16x1xi32> to vector<16xi32>
    %gather3A_3006 = tpu.dynamic_gather %add3A_2977[%gather3A_3005] in [0] : vector<16xi32>, vector<16xi32> -> vector<16xi32>
    %add3A_3007 = arith.addi %add3A_2977, %gather3A_3006 : vector<16xi32>
    %iota3A_3008 = tpu.iota {dimensions = array<i32: 0>} : vector<16xi32>
    %add3A_3009 = arith.constant 2 : i32
    %add3A_3010 = vector.broadcast %add3A_3009 : i32 to vector<16xi32>
    %add3A_3011 = arith.addi %iota3A_3008, %add3A_3010 : vector<16xi32>
    %jit3A_3012 = arith.constant 16 : i32
    %eq3A_3013 = arith.constant 0 : i32
    %eq3A_3014 = arith.cmpi eq, %jit3A_3012, %eq3A_3013 : i32
    %jit3A_3015 = arith.constant 1 : i32
    %select_n3A_3016 = arith.select %eq3A_3014, %jit3A_3015, %jit3A_3012 : i32
    %rem3A_3017 = vector.broadcast %select_n3A_3016 : i32 to vector<16xi32>
    %rem3A_3018 = arith.remsi %add3A_3011, %rem3A_3017 : vector<16xi32>
    %ne3A_3019 = arith.constant 0 : i32
    %ne3A_3020 = vector.broadcast %ne3A_3019 : i32 to vector<16xi32>
    %ne3A_3021 = arith.cmpi ne, %rem3A_3018, %ne3A_3020 : vector<16xi32>
    %lt3A_3022 = arith.constant 0 : i32
    %lt3A_3023 = vector.broadcast %lt3A_3022 : i32 to vector<16xi32>
    %lt3A_3024 = arith.cmpi slt, %rem3A_3018, %lt3A_3023 : vector<16xi32>
    %lt3A_3025 = arith.constant 0 : i32
    %lt3A_3026 = arith.cmpi slt, %select_n3A_3016, %lt3A_3025 : i32
    %ne3A_3027 = vector.broadcast %lt3A_3026 : i1 to vector<16xi1>
    %ne3A_3028 = vector.broadcast %ne3A_3027 : vector<16xi1> to vector<16xi1>
    %ne3A_3029 = arith.xori %lt3A_3024, %ne3A_3028 : vector<16xi1>
    %and3A_3030 = arith.andi %ne3A_3029, %ne3A_3021 : vector<16xi1>
    %add3A_3031 = vector.broadcast %select_n3A_3016 : i32 to vector<16xi32>
    %add3A_3032 = arith.addi %rem3A_3018, %add3A_3031 : vector<16xi32>
    %select_n3A_3033 = arith.select %and3A_3030, %add3A_3032, %rem3A_3018 : vector<16xi1>, vector<16xi32>
    %reshape3A_3034 = vector.shape_cast %select_n3A_3033 : vector<16xi32> to vector<16x1xi32>
    %gather3A_3035 = vector.shape_cast %reshape3A_3034 : vector<16x1xi32> to vector<16xi32>
    %gather3A_3036 = tpu.dynamic_gather %add3A_3007[%gather3A_3035] in [0] : vector<16xi32>, vector<16xi32> -> vector<16xi32>
    %add3A_3037 = arith.addi %add3A_3007, %gather3A_3036 : vector<16xi32>
    %iota3A_3038 = tpu.iota {dimensions = array<i32: 0>} : vector<16xi32>
    %add3A_3039 = arith.constant 1 : i32
    %add3A_3040 = vector.broadcast %add3A_3039 : i32 to vector<16xi32>
    %add3A_3041 = arith.addi %iota3A_3038, %add3A_3040 : vector<16xi32>
    %jit3A_3042 = arith.constant 16 : i32
    %eq3A_3043 = arith.constant 0 : i32
    %eq3A_3044 = arith.cmpi eq, %jit3A_3042, %eq3A_3043 : i32
    %jit3A_3045 = arith.constant 1 : i32
    %select_n3A_3046 = arith.select %eq3A_3044, %jit3A_3045, %jit3A_3042 : i32
    %rem3A_3047 = vector.broadcast %select_n3A_3046 : i32 to vector<16xi32>
    %rem3A_3048 = arith.remsi %add3A_3041, %rem3A_3047 : vector<16xi32>
    %ne3A_3049 = arith.constant 0 : i32
    %ne3A_3050 = vector.broadcast %ne3A_3049 : i32 to vector<16xi32>
    %ne3A_3051 = arith.cmpi ne, %rem3A_3048, %ne3A_3050 : vector<16xi32>
    %lt3A_3052 = arith.constant 0 : i32
    %lt3A_3053 = vector.broadcast %lt3A_3052 : i32 to vector<16xi32>
    %lt3A_3054 = arith.cmpi slt, %rem3A_3048, %lt3A_3053 : vector<16xi32>
    %lt3A_3055 = arith.constant 0 : i32
    %lt3A_3056 = arith.cmpi slt, %select_n3A_3046, %lt3A_3055 : i32
    %ne3A_3057 = vector.broadcast %lt3A_3056 : i1 to vector<16xi1>
    %ne3A_3058 = vector.broadcast %ne3A_3057 : vector<16xi1> to vector<16xi1>
    %ne3A_3059 = arith.xori %lt3A_3054, %ne3A_3058 : vector<16xi1>
    %and3A_3060 = arith.andi %ne3A_3059, %ne3A_3051 : vector<16xi1>
    %add3A_3061 = vector.broadcast %select_n3A_3046 : i32 to vector<16xi32>
    %add3A_3062 = arith.addi %rem3A_3048, %add3A_3061 : vector<16xi32>
    %select_n3A_3063 = arith.select %and3A_3060, %add3A_3062, %rem3A_3048 : vector<16xi1>, vector<16xi32>
    %reshape3A_3064 = vector.shape_cast %select_n3A_3063 : vector<16xi32> to vector<16x1xi32>
    %gather3A_3065 = vector.shape_cast %reshape3A_3064 : vector<16x1xi32> to vector<16xi32>
    %gather3A_3066 = tpu.dynamic_gather %add3A_3037[%gather3A_3065] in [0] : vector<16xi32>, vector<16xi32> -> vector<16xi32>
    %add3A_3067 = arith.addi %add3A_3037, %gather3A_3066 : vector<16xi32>
    %eq3A_3068 = arith.constant 14 : i32
    %eq3A_3069 = vector.broadcast %eq3A_3068 : i32 to vector<16xi32>
    %eq3A_3070 = arith.cmpi eq, %iota3A, %eq3A_3069 : vector<16xi32>
    %select_n3A_3071 = arith.select %eq3A_3070, %add3A_3067, %select_n3A_2866 : vector<16xi1>, vector<16xi32>
    %broadcast_in_dim3A_3072 = arith.constant 0 : i32
    %broadcast_in_dim3A_3073 = vector.broadcast %broadcast_in_dim3A_3072 : i32 to vector<16xi32>
    %get3A_3074 = arith.constant 15 : i32
    %get3A_3075 = arith.index_cast %get3A_3074 : i32 to index
    %get3A_3076 = arith.constant 0 : index
    %get3A_3077 = tpu.vector_load %arg10[%get3A_3075, %get3A_3076] {strides = array<i32>} : memref<32x77xi32, #tpu.memory_space<vmem>>, vector<1x16xi32>,
    %get3A_3078 = vector.shape_cast %get3A_3077 : vector<1x16xi32> to vector<16xi32>
    %eq3A_3079 = arith.constant 265 : i32
    %eq3A_3080 = vector.broadcast %eq3A_3079 : i32 to vector<16xi32>
    %eq3A_3081 = arith.cmpi eq, %get3A_3078, %eq3A_3080 : vector<16xi32>
    %add3A_3082 = arith.constant 0 : i32
    %add3A_3083 = vector.broadcast %add3A_3082 : i32 to vector<16xi32>
    %add3A_3084 = arith.addi %add3A_3083, %iota3A : vector<16xi32>
    %jit3A_3085 = arith.constant 0 : i32
    %broadcast_in_dim3A_3086 = vector.broadcast %jit3A_3085 : i32 to vector<16xi32>
    %select_n3A_3087 = arith.select %eq3A_3081, %add3A_3084, %broadcast_in_dim3A_3086 : vector<16xi1>, vector<16xi32>
    %add3A_3088 = arith.addi %broadcast_in_dim3A_3073, %select_n3A_3087 : vector<16xi32>
    %get3A_3089 = arith.constant 15 : i32
    %get3A_3090 = arith.index_cast %get3A_3089 : i32 to index
    %get3A_3091 = arith.constant 16 : index
    %get3A_3092 = tpu.vector_load %arg10[%get3A_3090, %get3A_3091] {strides = array<i32>} : memref<32x77xi32, #tpu.memory_space<vmem>>, vector<1x16xi32>,
    %get3A_3093 = vector.shape_cast %get3A_3092 : vector<1x16xi32> to vector<16xi32>
    %eq3A_3094 = arith.constant 265 : i32
    %eq3A_3095 = vector.broadcast %eq3A_3094 : i32 to vector<16xi32>
    %eq3A_3096 = arith.cmpi eq, %get3A_3093, %eq3A_3095 : vector<16xi32>
    %add3A_3097 = arith.constant 16 : i32
    %add3A_3098 = vector.broadcast %add3A_3097 : i32 to vector<16xi32>
    %add3A_3099 = arith.addi %add3A_3098, %iota3A : vector<16xi32>
    %jit3A_3100 = arith.constant 0 : i32
    %broadcast_in_dim3A_3101 = vector.broadcast %jit3A_3100 : i32 to vector<16xi32>
    %select_n3A_3102 = arith.select %eq3A_3096, %add3A_3099, %broadcast_in_dim3A_3101 : vector<16xi1>, vector<16xi32>
    %add3A_3103 = arith.addi %add3A_3088, %select_n3A_3102 : vector<16xi32>
    %get3A_3104 = arith.constant 15 : i32
    %get3A_3105 = arith.index_cast %get3A_3104 : i32 to index
    %get3A_3106 = arith.constant 32 : index
    %get3A_3107 = tpu.vector_load %arg10[%get3A_3105, %get3A_3106] {strides = array<i32>} : memref<32x77xi32, #tpu.memory_space<vmem>>, vector<1x16xi32>,
    %get3A_3108 = vector.shape_cast %get3A_3107 : vector<1x16xi32> to vector<16xi32>
    %eq3A_3109 = arith.constant 265 : i32
    %eq3A_3110 = vector.broadcast %eq3A_3109 : i32 to vector<16xi32>
    %eq3A_3111 = arith.cmpi eq, %get3A_3108, %eq3A_3110 : vector<16xi32>
    %add3A_3112 = arith.constant 32 : i32
    %add3A_3113 = vector.broadcast %add3A_3112 : i32 to vector<16xi32>
    %add3A_3114 = arith.addi %add3A_3113, %iota3A : vector<16xi32>
    %jit3A_3115 = arith.constant 0 : i32
    %broadcast_in_dim3A_3116 = vector.broadcast %jit3A_3115 : i32 to vector<16xi32>
    %select_n3A_3117 = arith.select %eq3A_3111, %add3A_3114, %broadcast_in_dim3A_3116 : vector<16xi1>, vector<16xi32>
    %add3A_3118 = arith.addi %add3A_3103, %select_n3A_3117 : vector<16xi32>
    %get3A_3119 = arith.constant 15 : i32
    %get3A_3120 = arith.index_cast %get3A_3119 : i32 to index
    %get3A_3121 = arith.constant 48 : index
    %get3A_3122 = tpu.vector_load %arg10[%get3A_3120, %get3A_3121] {strides = array<i32>} : memref<32x77xi32, #tpu.memory_space<vmem>>, vector<1x16xi32>,
    %get3A_3123 = vector.shape_cast %get3A_3122 : vector<1x16xi32> to vector<16xi32>
    %eq3A_3124 = arith.constant 265 : i32
    %eq3A_3125 = vector.broadcast %eq3A_3124 : i32 to vector<16xi32>
    %eq3A_3126 = arith.cmpi eq, %get3A_3123, %eq3A_3125 : vector<16xi32>
    %add3A_3127 = arith.constant 48 : i32
    %add3A_3128 = vector.broadcast %add3A_3127 : i32 to vector<16xi32>
    %add3A_3129 = arith.addi %add3A_3128, %iota3A : vector<16xi32>
    %jit3A_3130 = arith.constant 0 : i32
    %broadcast_in_dim3A_3131 = vector.broadcast %jit3A_3130 : i32 to vector<16xi32>
    %select_n3A_3132 = arith.select %eq3A_3126, %add3A_3129, %broadcast_in_dim3A_3131 : vector<16xi1>, vector<16xi32>
    %add3A_3133 = arith.addi %add3A_3118, %select_n3A_3132 : vector<16xi32>
    %get3A_3134 = arith.constant 15 : i32
    %get3A_3135 = arith.index_cast %get3A_3134 : i32 to index
    %get3A_3136 = arith.constant 61 : index
    %get3A_3137 = tpu.vector_load %arg10[%get3A_3135, %get3A_3136] {strides = array<i32>} : memref<32x77xi32, #tpu.memory_space<vmem>>, vector<1x16xi32>,
    %get3A_3138 = vector.shape_cast %get3A_3137 : vector<1x16xi32> to vector<16xi32>
    %eq3A_3139 = arith.constant 265 : i32
    %eq3A_3140 = vector.broadcast %eq3A_3139 : i32 to vector<16xi32>
    %eq3A_3141 = arith.cmpi eq, %get3A_3138, %eq3A_3140 : vector<16xi32>
    %ge3A_3142 = arith.constant 3 : i32
    %ge3A_3143 = vector.broadcast %ge3A_3142 : i32 to vector<16xi32>
    %ge3A_3144 = arith.cmpi sge, %iota3A, %ge3A_3143 : vector<16xi32>
    %and3A_3145 = arith.andi %eq3A_3141, %ge3A_3144 : vector<16xi1>
    %add3A_3146 = arith.constant 61 : i32
    %add3A_3147 = vector.broadcast %add3A_3146 : i32 to vector<16xi32>
    %add3A_3148 = arith.addi %add3A_3147, %iota3A : vector<16xi32>
    %jit3A_3149 = arith.constant 0 : i32
    %broadcast_in_dim3A_3150 = vector.broadcast %jit3A_3149 : i32 to vector<16xi32>
    %select_n3A_3151 = arith.select %and3A_3145, %add3A_3148, %broadcast_in_dim3A_3150 : vector<16xi1>, vector<16xi32>
    %add3A_3152 = arith.addi %add3A_3133, %select_n3A_3151 : vector<16xi32>
    %iota3A_3153 = tpu.iota {dimensions = array<i32: 0>} : vector<16xi32>
    %add3A_3154 = arith.constant 8 : i32
    %add3A_3155 = vector.broadcast %add3A_3154 : i32 to vector<16xi32>
    %add3A_3156 = arith.addi %iota3A_3153, %add3A_3155 : vector<16xi32>
    %jit3A_3157 = arith.constant 16 : i32
    %eq3A_3158 = arith.constant 0 : i32
    %eq3A_3159 = arith.cmpi eq, %jit3A_3157, %eq3A_3158 : i32
    %jit3A_3160 = arith.constant 1 : i32
    %select_n3A_3161 = arith.select %eq3A_3159, %jit3A_3160, %jit3A_3157 : i32
    %rem3A_3162 = vector.broadcast %select_n3A_3161 : i32 to vector<16xi32>
    %rem3A_3163 = arith.remsi %add3A_3156, %rem3A_3162 : vector<16xi32>
    %ne3A_3164 = arith.constant 0 : i32
    %ne3A_3165 = vector.broadcast %ne3A_3164 : i32 to vector<16xi32>
    %ne3A_3166 = arith.cmpi ne, %rem3A_3163, %ne3A_3165 : vector<16xi32>
    %lt3A_3167 = arith.constant 0 : i32
    %lt3A_3168 = vector.broadcast %lt3A_3167 : i32 to vector<16xi32>
    %lt3A_3169 = arith.cmpi slt, %rem3A_3163, %lt3A_3168 : vector<16xi32>
    %lt3A_3170 = arith.constant 0 : i32
    %lt3A_3171 = arith.cmpi slt, %select_n3A_3161, %lt3A_3170 : i32
    %ne3A_3172 = vector.broadcast %lt3A_3171 : i1 to vector<16xi1>
    %ne3A_3173 = vector.broadcast %ne3A_3172 : vector<16xi1> to vector<16xi1>
    %ne3A_3174 = arith.xori %lt3A_3169, %ne3A_3173 : vector<16xi1>
    %and3A_3175 = arith.andi %ne3A_3174, %ne3A_3166 : vector<16xi1>
    %add3A_3176 = vector.broadcast %select_n3A_3161 : i32 to vector<16xi32>
    %add3A_3177 = arith.addi %rem3A_3163, %add3A_3176 : vector<16xi32>
    %select_n3A_3178 = arith.select %and3A_3175, %add3A_3177, %rem3A_3163 : vector<16xi1>, vector<16xi32>
    %reshape3A_3179 = vector.shape_cast %select_n3A_3178 : vector<16xi32> to vector<16x1xi32>
    %gather3A_3180 = vector.shape_cast %reshape3A_3179 : vector<16x1xi32> to vector<16xi32>
    %gather3A_3181 = tpu.dynamic_gather %add3A_3152[%gather3A_3180] in [0] : vector<16xi32>, vector<16xi32> -> vector<16xi32>
    %add3A_3182 = arith.addi %add3A_3152, %gather3A_3181 : vector<16xi32>
    %iota3A_3183 = tpu.iota {dimensions = array<i32: 0>} : vector<16xi32>
    %add3A_3184 = arith.constant 4 : i32
    %add3A_3185 = vector.broadcast %add3A_3184 : i32 to vector<16xi32>
    %add3A_3186 = arith.addi %iota3A_3183, %add3A_3185 : vector<16xi32>
    %jit3A_3187 = arith.constant 16 : i32
    %eq3A_3188 = arith.constant 0 : i32
    %eq3A_3189 = arith.cmpi eq, %jit3A_3187, %eq3A_3188 : i32
    %jit3A_3190 = arith.constant 1 : i32
    %select_n3A_3191 = arith.select %eq3A_3189, %jit3A_3190, %jit3A_3187 : i32
    %rem3A_3192 = vector.broadcast %select_n3A_3191 : i32 to vector<16xi32>
    %rem3A_3193 = arith.remsi %add3A_3186, %rem3A_3192 : vector<16xi32>
    %ne3A_3194 = arith.constant 0 : i32
    %ne3A_3195 = vector.broadcast %ne3A_3194 : i32 to vector<16xi32>
    %ne3A_3196 = arith.cmpi ne, %rem3A_3193, %ne3A_3195 : vector<16xi32>
    %lt3A_3197 = arith.constant 0 : i32
    %lt3A_3198 = vector.broadcast %lt3A_3197 : i32 to vector<16xi32>
    %lt3A_3199 = arith.cmpi slt, %rem3A_3193, %lt3A_3198 : vector<16xi32>
    %lt3A_3200 = arith.constant 0 : i32
    %lt3A_3201 = arith.cmpi slt, %select_n3A_3191, %lt3A_3200 : i32
    %ne3A_3202 = vector.broadcast %lt3A_3201 : i1 to vector<16xi1>
    %ne3A_3203 = vector.broadcast %ne3A_3202 : vector<16xi1> to vector<16xi1>
    %ne3A_3204 = arith.xori %lt3A_3199, %ne3A_3203 : vector<16xi1>
    %and3A_3205 = arith.andi %ne3A_3204, %ne3A_3196 : vector<16xi1>
    %add3A_3206 = vector.broadcast %select_n3A_3191 : i32 to vector<16xi32>
    %add3A_3207 = arith.addi %rem3A_3193, %add3A_3206 : vector<16xi32>
    %select_n3A_3208 = arith.select %and3A_3205, %add3A_3207, %rem3A_3193 : vector<16xi1>, vector<16xi32>
    %reshape3A_3209 = vector.shape_cast %select_n3A_3208 : vector<16xi32> to vector<16x1xi32>
    %gather3A_3210 = vector.shape_cast %reshape3A_3209 : vector<16x1xi32> to vector<16xi32>
    %gather3A_3211 = tpu.dynamic_gather %add3A_3182[%gather3A_3210] in [0] : vector<16xi32>, vector<16xi32> -> vector<16xi32>
    %add3A_3212 = arith.addi %add3A_3182, %gather3A_3211 : vector<16xi32>
    %iota3A_3213 = tpu.iota {dimensions = array<i32: 0>} : vector<16xi32>
    %add3A_3214 = arith.constant 2 : i32
    %add3A_3215 = vector.broadcast %add3A_3214 : i32 to vector<16xi32>
    %add3A_3216 = arith.addi %iota3A_3213, %add3A_3215 : vector<16xi32>
    %jit3A_3217 = arith.constant 16 : i32
    %eq3A_3218 = arith.constant 0 : i32
    %eq3A_3219 = arith.cmpi eq, %jit3A_3217, %eq3A_3218 : i32
    %jit3A_3220 = arith.constant 1 : i32
    %select_n3A_3221 = arith.select %eq3A_3219, %jit3A_3220, %jit3A_3217 : i32
    %rem3A_3222 = vector.broadcast %select_n3A_3221 : i32 to vector<16xi32>
    %rem3A_3223 = arith.remsi %add3A_3216, %rem3A_3222 : vector<16xi32>
    %ne3A_3224 = arith.constant 0 : i32
    %ne3A_3225 = vector.broadcast %ne3A_3224 : i32 to vector<16xi32>
    %ne3A_3226 = arith.cmpi ne, %rem3A_3223, %ne3A_3225 : vector<16xi32>
    %lt3A_3227 = arith.constant 0 : i32
    %lt3A_3228 = vector.broadcast %lt3A_3227 : i32 to vector<16xi32>
    %lt3A_3229 = arith.cmpi slt, %rem3A_3223, %lt3A_3228 : vector<16xi32>
    %lt3A_3230 = arith.constant 0 : i32
    %lt3A_3231 = arith.cmpi slt, %select_n3A_3221, %lt3A_3230 : i32
    %ne3A_3232 = vector.broadcast %lt3A_3231 : i1 to vector<16xi1>
    %ne3A_3233 = vector.broadcast %ne3A_3232 : vector<16xi1> to vector<16xi1>
    %ne3A_3234 = arith.xori %lt3A_3229, %ne3A_3233 : vector<16xi1>
    %and3A_3235 = arith.andi %ne3A_3234, %ne3A_3226 : vector<16xi1>
    %add3A_3236 = vector.broadcast %select_n3A_3221 : i32 to vector<16xi32>
    %add3A_3237 = arith.addi %rem3A_3223, %add3A_3236 : vector<16xi32>
    %select_n3A_3238 = arith.select %and3A_3235, %add3A_3237, %rem3A_3223 : vector<16xi1>, vector<16xi32>
    %reshape3A_3239 = vector.shape_cast %select_n3A_3238 : vector<16xi32> to vector<16x1xi32>
    %gather3A_3240 = vector.shape_cast %reshape3A_3239 : vector<16x1xi32> to vector<16xi32>
    %gather3A_3241 = tpu.dynamic_gather %add3A_3212[%gather3A_3240] in [0] : vector<16xi32>, vector<16xi32> -> vector<16xi32>
    %add3A_3242 = arith.addi %add3A_3212, %gather3A_3241 : vector<16xi32>
    %iota3A_3243 = tpu.iota {dimensions = array<i32: 0>} : vector<16xi32>
    %add3A_3244 = arith.constant 1 : i32
    %add3A_3245 = vector.broadcast %add3A_3244 : i32 to vector<16xi32>
    %add3A_3246 = arith.addi %iota3A_3243, %add3A_3245 : vector<16xi32>
    %jit3A_3247 = arith.constant 16 : i32
    %eq3A_3248 = arith.constant 0 : i32
    %eq3A_3249 = arith.cmpi eq, %jit3A_3247, %eq3A_3248 : i32
    %jit3A_3250 = arith.constant 1 : i32
    %select_n3A_3251 = arith.select %eq3A_3249, %jit3A_3250, %jit3A_3247 : i32
    %rem3A_3252 = vector.broadcast %select_n3A_3251 : i32 to vector<16xi32>
    %rem3A_3253 = arith.remsi %add3A_3246, %rem3A_3252 : vector<16xi32>
    %ne3A_3254 = arith.constant 0 : i32
    %ne3A_3255 = vector.broadcast %ne3A_3254 : i32 to vector<16xi32>
    %ne3A_3256 = arith.cmpi ne, %rem3A_3253, %ne3A_3255 : vector<16xi32>
    %lt3A_3257 = arith.constant 0 : i32
    %lt3A_3258 = vector.broadcast %lt3A_3257 : i32 to vector<16xi32>
    %lt3A_3259 = arith.cmpi slt, %rem3A_3253, %lt3A_3258 : vector<16xi32>
    %lt3A_3260 = arith.constant 0 : i32
    %lt3A_3261 = arith.cmpi slt, %select_n3A_3251, %lt3A_3260 : i32
    %ne3A_3262 = vector.broadcast %lt3A_3261 : i1 to vector<16xi1>
    %ne3A_3263 = vector.broadcast %ne3A_3262 : vector<16xi1> to vector<16xi1>
    %ne3A_3264 = arith.xori %lt3A_3259, %ne3A_3263 : vector<16xi1>
    %and3A_3265 = arith.andi %ne3A_3264, %ne3A_3256 : vector<16xi1>
    %add3A_3266 = vector.broadcast %select_n3A_3251 : i32 to vector<16xi32>
    %add3A_3267 = arith.addi %rem3A_3253, %add3A_3266 : vector<16xi32>
    %select_n3A_3268 = arith.select %and3A_3265, %add3A_3267, %rem3A_3253 : vector<16xi1>, vector<16xi32>
    %reshape3A_3269 = vector.shape_cast %select_n3A_3268 : vector<16xi32> to vector<16x1xi32>
    %gather3A_3270 = vector.shape_cast %reshape3A_3269 : vector<16x1xi32> to vector<16xi32>
    %gather3A_3271 = tpu.dynamic_gather %add3A_3242[%gather3A_3270] in [0] : vector<16xi32>, vector<16xi32> -> vector<16xi32>
    %add3A_3272 = arith.addi %add3A_3242, %gather3A_3271 : vector<16xi32>
    %eq3A_3273 = arith.constant 15 : i32
    %eq3A_3274 = vector.broadcast %eq3A_3273 : i32 to vector<16xi32>
    %eq3A_3275 = arith.cmpi eq, %iota3A, %eq3A_3274 : vector<16xi32>
    %select_n3A_3276 = arith.select %eq3A_3275, %add3A_3272, %select_n3A_3071 : vector<16xi1>, vector<16xi32>
    %swap3A = arith.constant 0 : index
    %swap3A_3277 = tpu.vector_load %arg8[%swap3A] {strides = array<i32>} : memref<32xi32, #tpu.memory_space<vmem>>, vector<16xi32>,
    %swap3A_3278 = vector.shape_cast %swap3A_3277 : vector<16xi32> to vector<16xi32>
    %swap3A_3279 = vector.shape_cast %select_n3A_3276 : vector<16xi32> to vector<16xi32>
    tpu.vector_store %arg8[%swap3A], %swap3A_3279 {strides = array<i32>} : memref<32xi32, #tpu.memory_space<vmem>>, vector<16xi32>,
    %broadcast_in_dim3A_3280 = arith.constant 0 : i32
    %broadcast_in_dim3A_3281 = vector.broadcast %broadcast_in_dim3A_3280 : i32 to vector<16xi32>
    %broadcast_in_dim3A_3282 = arith.constant 0 : i32
    %broadcast_in_dim3A_3283 = vector.broadcast %broadcast_in_dim3A_3282 : i32 to vector<16xi32>
    %get3A_3284 = arith.constant 16 : i32
    %get3A_3285 = arith.index_cast %get3A_3284 : i32 to index
    %get3A_3286 = arith.constant 0 : index
    %get3A_3287 = tpu.vector_load %arg10[%get3A_3285, %get3A_3286] {strides = array<i32>} : memref<32x77xi32, #tpu.memory_space<vmem>>, vector<1x16xi32>,
    %get3A_3288 = vector.shape_cast %get3A_3287 : vector<1x16xi32> to vector<16xi32>
    %eq3A_3289 = arith.constant 265 : i32
    %eq3A_3290 = vector.broadcast %eq3A_3289 : i32 to vector<16xi32>
    %eq3A_3291 = arith.cmpi eq, %get3A_3288, %eq3A_3290 : vector<16xi32>
    %add3A_3292 = arith.constant 0 : i32
    %add3A_3293 = vector.broadcast %add3A_3292 : i32 to vector<16xi32>
    %add3A_3294 = arith.addi %add3A_3293, %iota3A : vector<16xi32>
    %jit3A_3295 = arith.constant 0 : i32
    %broadcast_in_dim3A_3296 = vector.broadcast %jit3A_3295 : i32 to vector<16xi32>
    %select_n3A_3297 = arith.select %eq3A_3291, %add3A_3294, %broadcast_in_dim3A_3296 : vector<16xi1>, vector<16xi32>
    %add3A_3298 = arith.addi %broadcast_in_dim3A_3283, %select_n3A_3297 : vector<16xi32>
    %get3A_3299 = arith.constant 16 : i32
    %get3A_3300 = arith.index_cast %get3A_3299 : i32 to index
    %get3A_3301 = arith.constant 16 : index
    %get3A_3302 = tpu.vector_load %arg10[%get3A_3300, %get3A_3301] {strides = array<i32>} : memref<32x77xi32, #tpu.memory_space<vmem>>, vector<1x16xi32>,
    %get3A_3303 = vector.shape_cast %get3A_3302 : vector<1x16xi32> to vector<16xi32>
    %eq3A_3304 = arith.constant 265 : i32
    %eq3A_3305 = vector.broadcast %eq3A_3304 : i32 to vector<16xi32>
    %eq3A_3306 = arith.cmpi eq, %get3A_3303, %eq3A_3305 : vector<16xi32>
    %add3A_3307 = arith.constant 16 : i32
    %add3A_3308 = vector.broadcast %add3A_3307 : i32 to vector<16xi32>
    %add3A_3309 = arith.addi %add3A_3308, %iota3A : vector<16xi32>
    %jit3A_3310 = arith.constant 0 : i32
    %broadcast_in_dim3A_3311 = vector.broadcast %jit3A_3310 : i32 to vector<16xi32>
    %select_n3A_3312 = arith.select %eq3A_3306, %add3A_3309, %broadcast_in_dim3A_3311 : vector<16xi1>, vector<16xi32>
    %add3A_3313 = arith.addi %add3A_3298, %select_n3A_3312 : vector<16xi32>
    %get3A_3314 = arith.constant 16 : i32
    %get3A_3315 = arith.index_cast %get3A_3314 : i32 to index
    %get3A_3316 = arith.constant 32 : index
    %get3A_3317 = tpu.vector_load %arg10[%get3A_3315, %get3A_3316] {strides = array<i32>} : memref<32x77xi32, #tpu.memory_space<vmem>>, vector<1x16xi32>,
    %get3A_3318 = vector.shape_cast %get3A_3317 : vector<1x16xi32> to vector<16xi32>
    %eq3A_3319 = arith.constant 265 : i32
    %eq3A_3320 = vector.broadcast %eq3A_3319 : i32 to vector<16xi32>
    %eq3A_3321 = arith.cmpi eq, %get3A_3318, %eq3A_3320 : vector<16xi32>
    %add3A_3322 = arith.constant 32 : i32
    %add3A_3323 = vector.broadcast %add3A_3322 : i32 to vector<16xi32>
    %add3A_3324 = arith.addi %add3A_3323, %iota3A : vector<16xi32>
    %jit3A_3325 = arith.constant 0 : i32
    %broadcast_in_dim3A_3326 = vector.broadcast %jit3A_3325 : i32 to vector<16xi32>
    %select_n3A_3327 = arith.select %eq3A_3321, %add3A_3324, %broadcast_in_dim3A_3326 : vector<16xi1>, vector<16xi32>
    %add3A_3328 = arith.addi %add3A_3313, %select_n3A_3327 : vector<16xi32>
    %get3A_3329 = arith.constant 16 : i32
    %get3A_3330 = arith.index_cast %get3A_3329 : i32 to index
    %get3A_3331 = arith.constant 48 : index
    %get3A_3332 = tpu.vector_load %arg10[%get3A_3330, %get3A_3331] {strides = array<i32>} : memref<32x77xi32, #tpu.memory_space<vmem>>, vector<1x16xi32>,
    %get3A_3333 = vector.shape_cast %get3A_3332 : vector<1x16xi32> to vector<16xi32>
    %eq3A_3334 = arith.constant 265 : i32
    %eq3A_3335 = vector.broadcast %eq3A_3334 : i32 to vector<16xi32>
    %eq3A_3336 = arith.cmpi eq, %get3A_3333, %eq3A_3335 : vector<16xi32>
    %add3A_3337 = arith.constant 48 : i32
    %add3A_3338 = vector.broadcast %add3A_3337 : i32 to vector<16xi32>
    %add3A_3339 = arith.addi %add3A_3338, %iota3A : vector<16xi32>
    %jit3A_3340 = arith.constant 0 : i32
    %broadcast_in_dim3A_3341 = vector.broadcast %jit3A_3340 : i32 to vector<16xi32>
    %select_n3A_3342 = arith.select %eq3A_3336, %add3A_3339, %broadcast_in_dim3A_3341 : vector<16xi1>, vector<16xi32>
    %add3A_3343 = arith.addi %add3A_3328, %select_n3A_3342 : vector<16xi32>
    %get3A_3344 = arith.constant 16 : i32
    %get3A_3345 = arith.index_cast %get3A_3344 : i32 to index
    %get3A_3346 = arith.constant 61 : index
    %get3A_3347 = tpu.vector_load %arg10[%get3A_3345, %get3A_3346] {strides = array<i32>} : memref<32x77xi32, #tpu.memory_space<vmem>>, vector<1x16xi32>,
    %get3A_3348 = vector.shape_cast %get3A_3347 : vector<1x16xi32> to vector<16xi32>
    %eq3A_3349 = arith.constant 265 : i32
    %eq3A_3350 = vector.broadcast %eq3A_3349 : i32 to vector<16xi32>
    %eq3A_3351 = arith.cmpi eq, %get3A_3348, %eq3A_3350 : vector<16xi32>
    %ge3A_3352 = arith.constant 3 : i32
    %ge3A_3353 = vector.broadcast %ge3A_3352 : i32 to vector<16xi32>
    %ge3A_3354 = arith.cmpi sge, %iota3A, %ge3A_3353 : vector<16xi32>
    %and3A_3355 = arith.andi %eq3A_3351, %ge3A_3354 : vector<16xi1>
    %add3A_3356 = arith.constant 61 : i32
    %add3A_3357 = vector.broadcast %add3A_3356 : i32 to vector<16xi32>
    %add3A_3358 = arith.addi %add3A_3357, %iota3A : vector<16xi32>
    %jit3A_3359 = arith.constant 0 : i32
    %broadcast_in_dim3A_3360 = vector.broadcast %jit3A_3359 : i32 to vector<16xi32>
    %select_n3A_3361 = arith.select %and3A_3355, %add3A_3358, %broadcast_in_dim3A_3360 : vector<16xi1>, vector<16xi32>
    %add3A_3362 = arith.addi %add3A_3343, %select_n3A_3361 : vector<16xi32>
    %iota3A_3363 = tpu.iota {dimensions = array<i32: 0>} : vector<16xi32>
    %add3A_3364 = arith.constant 8 : i32
    %add3A_3365 = vector.broadcast %add3A_3364 : i32 to vector<16xi32>
    %add3A_3366 = arith.addi %iota3A_3363, %add3A_3365 : vector<16xi32>
    %jit3A_3367 = arith.constant 16 : i32
    %eq3A_3368 = arith.constant 0 : i32
    %eq3A_3369 = arith.cmpi eq, %jit3A_3367, %eq3A_3368 : i32
    %jit3A_3370 = arith.constant 1 : i32
    %select_n3A_3371 = arith.select %eq3A_3369, %jit3A_3370, %jit3A_3367 : i32
    %rem3A_3372 = vector.broadcast %select_n3A_3371 : i32 to vector<16xi32>
    %rem3A_3373 = arith.remsi %add3A_3366, %rem3A_3372 : vector<16xi32>
    %ne3A_3374 = arith.constant 0 : i32
    %ne3A_3375 = vector.broadcast %ne3A_3374 : i32 to vector<16xi32>
    %ne3A_3376 = arith.cmpi ne, %rem3A_3373, %ne3A_3375 : vector<16xi32>
    %lt3A_3377 = arith.constant 0 : i32
    %lt3A_3378 = vector.broadcast %lt3A_3377 : i32 to vector<16xi32>
    %lt3A_3379 = arith.cmpi slt, %rem3A_3373, %lt3A_3378 : vector<16xi32>
    %lt3A_3380 = arith.constant 0 : i32
    %lt3A_3381 = arith.cmpi slt, %select_n3A_3371, %lt3A_3380 : i32
    %ne3A_3382 = vector.broadcast %lt3A_3381 : i1 to vector<16xi1>
    %ne3A_3383 = vector.broadcast %ne3A_3382 : vector<16xi1> to vector<16xi1>
    %ne3A_3384 = arith.xori %lt3A_3379, %ne3A_3383 : vector<16xi1>
    %and3A_3385 = arith.andi %ne3A_3384, %ne3A_3376 : vector<16xi1>
    %add3A_3386 = vector.broadcast %select_n3A_3371 : i32 to vector<16xi32>
    %add3A_3387 = arith.addi %rem3A_3373, %add3A_3386 : vector<16xi32>
    %select_n3A_3388 = arith.select %and3A_3385, %add3A_3387, %rem3A_3373 : vector<16xi1>, vector<16xi32>
    %reshape3A_3389 = vector.shape_cast %select_n3A_3388 : vector<16xi32> to vector<16x1xi32>
    %gather3A_3390 = vector.shape_cast %reshape3A_3389 : vector<16x1xi32> to vector<16xi32>
    %gather3A_3391 = tpu.dynamic_gather %add3A_3362[%gather3A_3390] in [0] : vector<16xi32>, vector<16xi32> -> vector<16xi32>
    %add3A_3392 = arith.addi %add3A_3362, %gather3A_3391 : vector<16xi32>
    %iota3A_3393 = tpu.iota {dimensions = array<i32: 0>} : vector<16xi32>
    %add3A_3394 = arith.constant 4 : i32
    %add3A_3395 = vector.broadcast %add3A_3394 : i32 to vector<16xi32>
    %add3A_3396 = arith.addi %iota3A_3393, %add3A_3395 : vector<16xi32>
    %jit3A_3397 = arith.constant 16 : i32
    %eq3A_3398 = arith.constant 0 : i32
    %eq3A_3399 = arith.cmpi eq, %jit3A_3397, %eq3A_3398 : i32
    %jit3A_3400 = arith.constant 1 : i32
    %select_n3A_3401 = arith.select %eq3A_3399, %jit3A_3400, %jit3A_3397 : i32
    %rem3A_3402 = vector.broadcast %select_n3A_3401 : i32 to vector<16xi32>
    %rem3A_3403 = arith.remsi %add3A_3396, %rem3A_3402 : vector<16xi32>
    %ne3A_3404 = arith.constant 0 : i32
    %ne3A_3405 = vector.broadcast %ne3A_3404 : i32 to vector<16xi32>
    %ne3A_3406 = arith.cmpi ne, %rem3A_3403, %ne3A_3405 : vector<16xi32>
    %lt3A_3407 = arith.constant 0 : i32
    %lt3A_3408 = vector.broadcast %lt3A_3407 : i32 to vector<16xi32>
    %lt3A_3409 = arith.cmpi slt, %rem3A_3403, %lt3A_3408 : vector<16xi32>
    %lt3A_3410 = arith.constant 0 : i32
    %lt3A_3411 = arith.cmpi slt, %select_n3A_3401, %lt3A_3410 : i32
    %ne3A_3412 = vector.broadcast %lt3A_3411 : i1 to vector<16xi1>
    %ne3A_3413 = vector.broadcast %ne3A_3412 : vector<16xi1> to vector<16xi1>
    %ne3A_3414 = arith.xori %lt3A_3409, %ne3A_3413 : vector<16xi1>
    %and3A_3415 = arith.andi %ne3A_3414, %ne3A_3406 : vector<16xi1>
    %add3A_3416 = vector.broadcast %select_n3A_3401 : i32 to vector<16xi32>
    %add3A_3417 = arith.addi %rem3A_3403, %add3A_3416 : vector<16xi32>
    %select_n3A_3418 = arith.select %and3A_3415, %add3A_3417, %rem3A_3403 : vector<16xi1>, vector<16xi32>
    %reshape3A_3419 = vector.shape_cast %select_n3A_3418 : vector<16xi32> to vector<16x1xi32>
    %gather3A_3420 = vector.shape_cast %reshape3A_3419 : vector<16x1xi32> to vector<16xi32>
    %gather3A_3421 = tpu.dynamic_gather %add3A_3392[%gather3A_3420] in [0] : vector<16xi32>, vector<16xi32> -> vector<16xi32>
    %add3A_3422 = arith.addi %add3A_3392, %gather3A_3421 : vector<16xi32>
    %iota3A_3423 = tpu.iota {dimensions = array<i32: 0>} : vector<16xi32>
    %add3A_3424 = arith.constant 2 : i32
    %add3A_3425 = vector.broadcast %add3A_3424 : i32 to vector<16xi32>
    %add3A_3426 = arith.addi %iota3A_3423, %add3A_3425 : vector<16xi32>
    %jit3A_3427 = arith.constant 16 : i32
    %eq3A_3428 = arith.constant 0 : i32
    %eq3A_3429 = arith.cmpi eq, %jit3A_3427, %eq3A_3428 : i32
    %jit3A_3430 = arith.constant 1 : i32
    %select_n3A_3431 = arith.select %eq3A_3429, %jit3A_3430, %jit3A_3427 : i32
    %rem3A_3432 = vector.broadcast %select_n3A_3431 : i32 to vector<16xi32>
    %rem3A_3433 = arith.remsi %add3A_3426, %rem3A_3432 : vector<16xi32>
    %ne3A_3434 = arith.constant 0 : i32
    %ne3A_3435 = vector.broadcast %ne3A_3434 : i32 to vector<16xi32>
    %ne3A_3436 = arith.cmpi ne, %rem3A_3433, %ne3A_3435 : vector<16xi32>
    %lt3A_3437 = arith.constant 0 : i32
    %lt3A_3438 = vector.broadcast %lt3A_3437 : i32 to vector<16xi32>
    %lt3A_3439 = arith.cmpi slt, %rem3A_3433, %lt3A_3438 : vector<16xi32>
    %lt3A_3440 = arith.constant 0 : i32
    %lt3A_3441 = arith.cmpi slt, %select_n3A_3431, %lt3A_3440 : i32
    %ne3A_3442 = vector.broadcast %lt3A_3441 : i1 to vector<16xi1>
    %ne3A_3443 = vector.broadcast %ne3A_3442 : vector<16xi1> to vector<16xi1>
    %ne3A_3444 = arith.xori %lt3A_3439, %ne3A_3443 : vector<16xi1>
    %and3A_3445 = arith.andi %ne3A_3444, %ne3A_3436 : vector<16xi1>
    %add3A_3446 = vector.broadcast %select_n3A_3431 : i32 to vector<16xi32>
    %add3A_3447 = arith.addi %rem3A_3433, %add3A_3446 : vector<16xi32>
    %select_n3A_3448 = arith.select %and3A_3445, %add3A_3447, %rem3A_3433 : vector<16xi1>, vector<16xi32>
    %reshape3A_3449 = vector.shape_cast %select_n3A_3448 : vector<16xi32> to vector<16x1xi32>
    %gather3A_3450 = vector.shape_cast %reshape3A_3449 : vector<16x1xi32> to vector<16xi32>
    %gather3A_3451 = tpu.dynamic_gather %add3A_3422[%gather3A_3450] in [0] : vector<16xi32>, vector<16xi32> -> vector<16xi32>
    %add3A_3452 = arith.addi %add3A_3422, %gather3A_3451 : vector<16xi32>
    %iota3A_3453 = tpu.iota {dimensions = array<i32: 0>} : vector<16xi32>
    %add3A_3454 = arith.constant 1 : i32
    %add3A_3455 = vector.broadcast %add3A_3454 : i32 to vector<16xi32>
    %add3A_3456 = arith.addi %iota3A_3453, %add3A_3455 : vector<16xi32>
    %jit3A_3457 = arith.constant 16 : i32
    %eq3A_3458 = arith.constant 0 : i32
    %eq3A_3459 = arith.cmpi eq, %jit3A_3457, %eq3A_3458 : i32
    %jit3A_3460 = arith.constant 1 : i32
    %select_n3A_3461 = arith.select %eq3A_3459, %jit3A_3460, %jit3A_3457 : i32
    %rem3A_3462 = vector.broadcast %select_n3A_3461 : i32 to vector<16xi32>
    %rem3A_3463 = arith.remsi %add3A_3456, %rem3A_3462 : vector<16xi32>
    %ne3A_3464 = arith.constant 0 : i32
    %ne3A_3465 = vector.broadcast %ne3A_3464 : i32 to vector<16xi32>
    %ne3A_3466 = arith.cmpi ne, %rem3A_3463, %ne3A_3465 : vector<16xi32>
    %lt3A_3467 = arith.constant 0 : i32
    %lt3A_3468 = vector.broadcast %lt3A_3467 : i32 to vector<16xi32>
    %lt3A_3469 = arith.cmpi slt, %rem3A_3463, %lt3A_3468 : vector<16xi32>
    %lt3A_3470 = arith.constant 0 : i32
    %lt3A_3471 = arith.cmpi slt, %select_n3A_3461, %lt3A_3470 : i32
    %ne3A_3472 = vector.broadcast %lt3A_3471 : i1 to vector<16xi1>
    %ne3A_3473 = vector.broadcast %ne3A_3472 : vector<16xi1> to vector<16xi1>
    %ne3A_3474 = arith.xori %lt3A_3469, %ne3A_3473 : vector<16xi1>
    %and3A_3475 = arith.andi %ne3A_3474, %ne3A_3466 : vector<16xi1>
    %add3A_3476 = vector.broadcast %select_n3A_3461 : i32 to vector<16xi32>
    %add3A_3477 = arith.addi %rem3A_3463, %add3A_3476 : vector<16xi32>
    %select_n3A_3478 = arith.select %and3A_3475, %add3A_3477, %rem3A_3463 : vector<16xi1>, vector<16xi32>
    %reshape3A_3479 = vector.shape_cast %select_n3A_3478 : vector<16xi32> to vector<16x1xi32>
    %gather3A_3480 = vector.shape_cast %reshape3A_3479 : vector<16x1xi32> to vector<16xi32>
    %gather3A_3481 = tpu.dynamic_gather %add3A_3452[%gather3A_3480] in [0] : vector<16xi32>, vector<16xi32> -> vector<16xi32>
    %add3A_3482 = arith.addi %add3A_3452, %gather3A_3481 : vector<16xi32>
    %eq3A_3483 = arith.constant 0 : i32
    %eq3A_3484 = vector.broadcast %eq3A_3483 : i32 to vector<16xi32>
    %eq3A_3485 = arith.cmpi eq, %iota3A, %eq3A_3484 : vector<16xi32>
    %select_n3A_3486 = arith.select %eq3A_3485, %add3A_3482, %broadcast_in_dim3A_3281 : vector<16xi1>, vector<16xi32>
    %broadcast_in_dim3A_3487 = arith.constant 0 : i32
    %broadcast_in_dim3A_3488 = vector.broadcast %broadcast_in_dim3A_3487 : i32 to vector<16xi32>
    %get3A_3489 = arith.constant 17 : i32
    %get3A_3490 = arith.index_cast %get3A_3489 : i32 to index
    %get3A_3491 = arith.constant 0 : index
    %get3A_3492 = tpu.vector_load %arg10[%get3A_3490, %get3A_3491] {strides = array<i32>} : memref<32x77xi32, #tpu.memory_space<vmem>>, vector<1x16xi32>,
    %get3A_3493 = vector.shape_cast %get3A_3492 : vector<1x16xi32> to vector<16xi32>
    %eq3A_3494 = arith.constant 265 : i32
    %eq3A_3495 = vector.broadcast %eq3A_3494 : i32 to vector<16xi32>
    %eq3A_3496 = arith.cmpi eq, %get3A_3493, %eq3A_3495 : vector<16xi32>
    %add3A_3497 = arith.constant 0 : i32
    %add3A_3498 = vector.broadcast %add3A_3497 : i32 to vector<16xi32>
    %add3A_3499 = arith.addi %add3A_3498, %iota3A : vector<16xi32>
    %jit3A_3500 = arith.constant 0 : i32
    %broadcast_in_dim3A_3501 = vector.broadcast %jit3A_3500 : i32 to vector<16xi32>
    %select_n3A_3502 = arith.select %eq3A_3496, %add3A_3499, %broadcast_in_dim3A_3501 : vector<16xi1>, vector<16xi32>
    %add3A_3503 = arith.addi %broadcast_in_dim3A_3488, %select_n3A_3502 : vector<16xi32>
    %get3A_3504 = arith.constant 17 : i32
    %get3A_3505 = arith.index_cast %get3A_3504 : i32 to index
    %get3A_3506 = arith.constant 16 : index
    %get3A_3507 = tpu.vector_load %arg10[%get3A_3505, %get3A_3506] {strides = array<i32>} : memref<32x77xi32, #tpu.memory_space<vmem>>, vector<1x16xi32>,
    %get3A_3508 = vector.shape_cast %get3A_3507 : vector<1x16xi32> to vector<16xi32>
    %eq3A_3509 = arith.constant 265 : i32
    %eq3A_3510 = vector.broadcast %eq3A_3509 : i32 to vector<16xi32>
    %eq3A_3511 = arith.cmpi eq, %get3A_3508, %eq3A_3510 : vector<16xi32>
    %add3A_3512 = arith.constant 16 : i32
    %add3A_3513 = vector.broadcast %add3A_3512 : i32 to vector<16xi32>
    %add3A_3514 = arith.addi %add3A_3513, %iota3A : vector<16xi32>
    %jit3A_3515 = arith.constant 0 : i32
    %broadcast_in_dim3A_3516 = vector.broadcast %jit3A_3515 : i32 to vector<16xi32>
    %select_n3A_3517 = arith.select %eq3A_3511, %add3A_3514, %broadcast_in_dim3A_3516 : vector<16xi1>, vector<16xi32>
    %add3A_3518 = arith.addi %add3A_3503, %select_n3A_3517 : vector<16xi32>
    %get3A_3519 = arith.constant 17 : i32
    %get3A_3520 = arith.index_cast %get3A_3519 : i32 to index
    %get3A_3521 = arith.constant 32 : index
    %get3A_3522 = tpu.vector_load %arg10[%get3A_3520, %get3A_3521] {strides = array<i32>} : memref<32x77xi32, #tpu.memory_space<vmem>>, vector<1x16xi32>,
    %get3A_3523 = vector.shape_cast %get3A_3522 : vector<1x16xi32> to vector<16xi32>
    %eq3A_3524 = arith.constant 265 : i32
    %eq3A_3525 = vector.broadcast %eq3A_3524 : i32 to vector<16xi32>
    %eq3A_3526 = arith.cmpi eq, %get3A_3523, %eq3A_3525 : vector<16xi32>
    %add3A_3527 = arith.constant 32 : i32
    %add3A_3528 = vector.broadcast %add3A_3527 : i32 to vector<16xi32>
    %add3A_3529 = arith.addi %add3A_3528, %iota3A : vector<16xi32>
    %jit3A_3530 = arith.constant 0 : i32
    %broadcast_in_dim3A_3531 = vector.broadcast %jit3A_3530 : i32 to vector<16xi32>
    %select_n3A_3532 = arith.select %eq3A_3526, %add3A_3529, %broadcast_in_dim3A_3531 : vector<16xi1>, vector<16xi32>
    %add3A_3533 = arith.addi %add3A_3518, %select_n3A_3532 : vector<16xi32>
    %get3A_3534 = arith.constant 17 : i32
    %get3A_3535 = arith.index_cast %get3A_3534 : i32 to index
    %get3A_3536 = arith.constant 48 : index
    %get3A_3537 = tpu.vector_load %arg10[%get3A_3535, %get3A_3536] {strides = array<i32>} : memref<32x77xi32, #tpu.memory_space<vmem>>, vector<1x16xi32>,
    %get3A_3538 = vector.shape_cast %get3A_3537 : vector<1x16xi32> to vector<16xi32>
    %eq3A_3539 = arith.constant 265 : i32
    %eq3A_3540 = vector.broadcast %eq3A_3539 : i32 to vector<16xi32>
    %eq3A_3541 = arith.cmpi eq, %get3A_3538, %eq3A_3540 : vector<16xi32>
    %add3A_3542 = arith.constant 48 : i32
    %add3A_3543 = vector.broadcast %add3A_3542 : i32 to vector<16xi32>
    %add3A_3544 = arith.addi %add3A_3543, %iota3A : vector<16xi32>
    %jit3A_3545 = arith.constant 0 : i32
    %broadcast_in_dim3A_3546 = vector.broadcast %jit3A_3545 : i32 to vector<16xi32>
    %select_n3A_3547 = arith.select %eq3A_3541, %add3A_3544, %broadcast_in_dim3A_3546 : vector<16xi1>, vector<16xi32>
    %add3A_3548 = arith.addi %add3A_3533, %select_n3A_3547 : vector<16xi32>
    %get3A_3549 = arith.constant 17 : i32
    %get3A_3550 = arith.index_cast %get3A_3549 : i32 to index
    %get3A_3551 = arith.constant 61 : index
    %get3A_3552 = tpu.vector_load %arg10[%get3A_3550, %get3A_3551] {strides = array<i32>} : memref<32x77xi32, #tpu.memory_space<vmem>>, vector<1x16xi32>,
    %get3A_3553 = vector.shape_cast %get3A_3552 : vector<1x16xi32> to vector<16xi32>
    %eq3A_3554 = arith.constant 265 : i32
    %eq3A_3555 = vector.broadcast %eq3A_3554 : i32 to vector<16xi32>
    %eq3A_3556 = arith.cmpi eq, %get3A_3553, %eq3A_3555 : vector<16xi32>
    %ge3A_3557 = arith.constant 3 : i32
    %ge3A_3558 = vector.broadcast %ge3A_3557 : i32 to vector<16xi32>
    %ge3A_3559 = arith.cmpi sge, %iota3A, %ge3A_3558 : vector<16xi32>
    %and3A_3560 = arith.andi %eq3A_3556, %ge3A_3559 : vector<16xi1>
    %add3A_3561 = arith.constant 61 : i32
    %add3A_3562 = vector.broadcast %add3A_3561 : i32 to vector<16xi32>
    %add3A_3563 = arith.addi %add3A_3562, %iota3A : vector<16xi32>
    %jit3A_3564 = arith.constant 0 : i32
    %broadcast_in_dim3A_3565 = vector.broadcast %jit3A_3564 : i32 to vector<16xi32>
    %select_n3A_3566 = arith.select %and3A_3560, %add3A_3563, %broadcast_in_dim3A_3565 : vector<16xi1>, vector<16xi32>
    %add3A_3567 = arith.addi %add3A_3548, %select_n3A_3566 : vector<16xi32>
    %iota3A_3568 = tpu.iota {dimensions = array<i32: 0>} : vector<16xi32>
    %add3A_3569 = arith.constant 8 : i32
    %add3A_3570 = vector.broadcast %add3A_3569 : i32 to vector<16xi32>
    %add3A_3571 = arith.addi %iota3A_3568, %add3A_3570 : vector<16xi32>
    %jit3A_3572 = arith.constant 16 : i32
    %eq3A_3573 = arith.constant 0 : i32
    %eq3A_3574 = arith.cmpi eq, %jit3A_3572, %eq3A_3573 : i32
    %jit3A_3575 = arith.constant 1 : i32
    %select_n3A_3576 = arith.select %eq3A_3574, %jit3A_3575, %jit3A_3572 : i32
    %rem3A_3577 = vector.broadcast %select_n3A_3576 : i32 to vector<16xi32>
    %rem3A_3578 = arith.remsi %add3A_3571, %rem3A_3577 : vector<16xi32>
    %ne3A_3579 = arith.constant 0 : i32
    %ne3A_3580 = vector.broadcast %ne3A_3579 : i32 to vector<16xi32>
    %ne3A_3581 = arith.cmpi ne, %rem3A_3578, %ne3A_3580 : vector<16xi32>
    %lt3A_3582 = arith.constant 0 : i32
    %lt3A_3583 = vector.broadcast %lt3A_3582 : i32 to vector<16xi32>
    %lt3A_3584 = arith.cmpi slt, %rem3A_3578, %lt3A_3583 : vector<16xi32>
    %lt3A_3585 = arith.constant 0 : i32
    %lt3A_3586 = arith.cmpi slt, %select_n3A_3576, %lt3A_3585 : i32
    %ne3A_3587 = vector.broadcast %lt3A_3586 : i1 to vector<16xi1>
    %ne3A_3588 = vector.broadcast %ne3A_3587 : vector<16xi1> to vector<16xi1>
    %ne3A_3589 = arith.xori %lt3A_3584, %ne3A_3588 : vector<16xi1>
    %and3A_3590 = arith.andi %ne3A_3589, %ne3A_3581 : vector<16xi1>
    %add3A_3591 = vector.broadcast %select_n3A_3576 : i32 to vector<16xi32>
    %add3A_3592 = arith.addi %rem3A_3578, %add3A_3591 : vector<16xi32>
    %select_n3A_3593 = arith.select %and3A_3590, %add3A_3592, %rem3A_3578 : vector<16xi1>, vector<16xi32>
    %reshape3A_3594 = vector.shape_cast %select_n3A_3593 : vector<16xi32> to vector<16x1xi32>
    %gather3A_3595 = vector.shape_cast %reshape3A_3594 : vector<16x1xi32> to vector<16xi32>
    %gather3A_3596 = tpu.dynamic_gather %add3A_3567[%gather3A_3595] in [0] : vector<16xi32>, vector<16xi32> -> vector<16xi32>
    %add3A_3597 = arith.addi %add3A_3567, %gather3A_3596 : vector<16xi32>
    %iota3A_3598 = tpu.iota {dimensions = array<i32: 0>} : vector<16xi32>
    %add3A_3599 = arith.constant 4 : i32
    %add3A_3600 = vector.broadcast %add3A_3599 : i32 to vector<16xi32>
    %add3A_3601 = arith.addi %iota3A_3598, %add3A_3600 : vector<16xi32>
    %jit3A_3602 = arith.constant 16 : i32
    %eq3A_3603 = arith.constant 0 : i32
    %eq3A_3604 = arith.cmpi eq, %jit3A_3602, %eq3A_3603 : i32
    %jit3A_3605 = arith.constant 1 : i32
    %select_n3A_3606 = arith.select %eq3A_3604, %jit3A_3605, %jit3A_3602 : i32
    %rem3A_3607 = vector.broadcast %select_n3A_3606 : i32 to vector<16xi32>
    %rem3A_3608 = arith.remsi %add3A_3601, %rem3A_3607 : vector<16xi32>
    %ne3A_3609 = arith.constant 0 : i32
    %ne3A_3610 = vector.broadcast %ne3A_3609 : i32 to vector<16xi32>
    %ne3A_3611 = arith.cmpi ne, %rem3A_3608, %ne3A_3610 : vector<16xi32>
    %lt3A_3612 = arith.constant 0 : i32
    %lt3A_3613 = vector.broadcast %lt3A_3612 : i32 to vector<16xi32>
    %lt3A_3614 = arith.cmpi slt, %rem3A_3608, %lt3A_3613 : vector<16xi32>
    %lt3A_3615 = arith.constant 0 : i32
    %lt3A_3616 = arith.cmpi slt, %select_n3A_3606, %lt3A_3615 : i32
    %ne3A_3617 = vector.broadcast %lt3A_3616 : i1 to vector<16xi1>
    %ne3A_3618 = vector.broadcast %ne3A_3617 : vector<16xi1> to vector<16xi1>
    %ne3A_3619 = arith.xori %lt3A_3614, %ne3A_3618 : vector<16xi1>
    %and3A_3620 = arith.andi %ne3A_3619, %ne3A_3611 : vector<16xi1>
    %add3A_3621 = vector.broadcast %select_n3A_3606 : i32 to vector<16xi32>
    %add3A_3622 = arith.addi %rem3A_3608, %add3A_3621 : vector<16xi32>
    %select_n3A_3623 = arith.select %and3A_3620, %add3A_3622, %rem3A_3608 : vector<16xi1>, vector<16xi32>
    %reshape3A_3624 = vector.shape_cast %select_n3A_3623 : vector<16xi32> to vector<16x1xi32>
    %gather3A_3625 = vector.shape_cast %reshape3A_3624 : vector<16x1xi32> to vector<16xi32>
    %gather3A_3626 = tpu.dynamic_gather %add3A_3597[%gather3A_3625] in [0] : vector<16xi32>, vector<16xi32> -> vector<16xi32>
    %add3A_3627 = arith.addi %add3A_3597, %gather3A_3626 : vector<16xi32>
    %iota3A_3628 = tpu.iota {dimensions = array<i32: 0>} : vector<16xi32>
    %add3A_3629 = arith.constant 2 : i32
    %add3A_3630 = vector.broadcast %add3A_3629 : i32 to vector<16xi32>
    %add3A_3631 = arith.addi %iota3A_3628, %add3A_3630 : vector<16xi32>
    %jit3A_3632 = arith.constant 16 : i32
    %eq3A_3633 = arith.constant 0 : i32
    %eq3A_3634 = arith.cmpi eq, %jit3A_3632, %eq3A_3633 : i32
    %jit3A_3635 = arith.constant 1 : i32
    %select_n3A_3636 = arith.select %eq3A_3634, %jit3A_3635, %jit3A_3632 : i32
    %rem3A_3637 = vector.broadcast %select_n3A_3636 : i32 to vector<16xi32>
    %rem3A_3638 = arith.remsi %add3A_3631, %rem3A_3637 : vector<16xi32>
    %ne3A_3639 = arith.constant 0 : i32
    %ne3A_3640 = vector.broadcast %ne3A_3639 : i32 to vector<16xi32>
    %ne3A_3641 = arith.cmpi ne, %rem3A_3638, %ne3A_3640 : vector<16xi32>
    %lt3A_3642 = arith.constant 0 : i32
    %lt3A_3643 = vector.broadcast %lt3A_3642 : i32 to vector<16xi32>
    %lt3A_3644 = arith.cmpi slt, %rem3A_3638, %lt3A_3643 : vector<16xi32>
    %lt3A_3645 = arith.constant 0 : i32
    %lt3A_3646 = arith.cmpi slt, %select_n3A_3636, %lt3A_3645 : i32
    %ne3A_3647 = vector.broadcast %lt3A_3646 : i1 to vector<16xi1>
    %ne3A_3648 = vector.broadcast %ne3A_3647 : vector<16xi1> to vector<16xi1>
    %ne3A_3649 = arith.xori %lt3A_3644, %ne3A_3648 : vector<16xi1>
    %and3A_3650 = arith.andi %ne3A_3649, %ne3A_3641 : vector<16xi1>
    %add3A_3651 = vector.broadcast %select_n3A_3636 : i32 to vector<16xi32>
    %add3A_3652 = arith.addi %rem3A_3638, %add3A_3651 : vector<16xi32>
    %select_n3A_3653 = arith.select %and3A_3650, %add3A_3652, %rem3A_3638 : vector<16xi1>, vector<16xi32>
    %reshape3A_3654 = vector.shape_cast %select_n3A_3653 : vector<16xi32> to vector<16x1xi32>
    %gather3A_3655 = vector.shape_cast %reshape3A_3654 : vector<16x1xi32> to vector<16xi32>
    %gather3A_3656 = tpu.dynamic_gather %add3A_3627[%gather3A_3655] in [0] : vector<16xi32>, vector<16xi32> -> vector<16xi32>
    %add3A_3657 = arith.addi %add3A_3627, %gather3A_3656 : vector<16xi32>
    %iota3A_3658 = tpu.iota {dimensions = array<i32: 0>} : vector<16xi32>
    %add3A_3659 = arith.constant 1 : i32
    %add3A_3660 = vector.broadcast %add3A_3659 : i32 to vector<16xi32>
    %add3A_3661 = arith.addi %iota3A_3658, %add3A_3660 : vector<16xi32>
    %jit3A_3662 = arith.constant 16 : i32
    %eq3A_3663 = arith.constant 0 : i32
    %eq3A_3664 = arith.cmpi eq, %jit3A_3662, %eq3A_3663 : i32
    %jit3A_3665 = arith.constant 1 : i32
    %select_n3A_3666 = arith.select %eq3A_3664, %jit3A_3665, %jit3A_3662 : i32
    %rem3A_3667 = vector.broadcast %select_n3A_3666 : i32 to vector<16xi32>
    %rem3A_3668 = arith.remsi %add3A_3661, %rem3A_3667 : vector<16xi32>
    %ne3A_3669 = arith.constant 0 : i32
    %ne3A_3670 = vector.broadcast %ne3A_3669 : i32 to vector<16xi32>
    %ne3A_3671 = arith.cmpi ne, %rem3A_3668, %ne3A_3670 : vector<16xi32>
    %lt3A_3672 = arith.constant 0 : i32
    %lt3A_3673 = vector.broadcast %lt3A_3672 : i32 to vector<16xi32>
    %lt3A_3674 = arith.cmpi slt, %rem3A_3668, %lt3A_3673 : vector<16xi32>
    %lt3A_3675 = arith.constant 0 : i32
    %lt3A_3676 = arith.cmpi slt, %select_n3A_3666, %lt3A_3675 : i32
    %ne3A_3677 = vector.broadcast %lt3A_3676 : i1 to vector<16xi1>
    %ne3A_3678 = vector.broadcast %ne3A_3677 : vector<16xi1> to vector<16xi1>
    %ne3A_3679 = arith.xori %lt3A_3674, %ne3A_3678 : vector<16xi1>
    %and3A_3680 = arith.andi %ne3A_3679, %ne3A_3671 : vector<16xi1>
    %add3A_3681 = vector.broadcast %select_n3A_3666 : i32 to vector<16xi32>
    %add3A_3682 = arith.addi %rem3A_3668, %add3A_3681 : vector<16xi32>
    %select_n3A_3683 = arith.select %and3A_3680, %add3A_3682, %rem3A_3668 : vector<16xi1>, vector<16xi32>
    %reshape3A_3684 = vector.shape_cast %select_n3A_3683 : vector<16xi32> to vector<16x1xi32>
    %gather3A_3685 = vector.shape_cast %reshape3A_3684 : vector<16x1xi32> to vector<16xi32>
    %gather3A_3686 = tpu.dynamic_gather %add3A_3657[%gather3A_3685] in [0] : vector<16xi32>, vector<16xi32> -> vector<16xi32>
    %add3A_3687 = arith.addi %add3A_3657, %gather3A_3686 : vector<16xi32>
    %eq3A_3688 = arith.constant 1 : i32
    %eq3A_3689 = vector.broadcast %eq3A_3688 : i32 to vector<16xi32>
    %eq3A_3690 = arith.cmpi eq, %iota3A, %eq3A_3689 : vector<16xi32>
    %select_n3A_3691 = arith.select %eq3A_3690, %add3A_3687, %select_n3A_3486 : vector<16xi1>, vector<16xi32>
    %broadcast_in_dim3A_3692 = arith.constant 0 : i32
    %broadcast_in_dim3A_3693 = vector.broadcast %broadcast_in_dim3A_3692 : i32 to vector<16xi32>
    %get3A_3694 = arith.constant 18 : i32
    %get3A_3695 = arith.index_cast %get3A_3694 : i32 to index
    %get3A_3696 = arith.constant 0 : index
    %get3A_3697 = tpu.vector_load %arg10[%get3A_3695, %get3A_3696] {strides = array<i32>} : memref<32x77xi32, #tpu.memory_space<vmem>>, vector<1x16xi32>,
    %get3A_3698 = vector.shape_cast %get3A_3697 : vector<1x16xi32> to vector<16xi32>
    %eq3A_3699 = arith.constant 265 : i32
    %eq3A_3700 = vector.broadcast %eq3A_3699 : i32 to vector<16xi32>
    %eq3A_3701 = arith.cmpi eq, %get3A_3698, %eq3A_3700 : vector<16xi32>
    %add3A_3702 = arith.constant 0 : i32
    %add3A_3703 = vector.broadcast %add3A_3702 : i32 to vector<16xi32>
    %add3A_3704 = arith.addi %add3A_3703, %iota3A : vector<16xi32>
    %jit3A_3705 = arith.constant 0 : i32
    %broadcast_in_dim3A_3706 = vector.broadcast %jit3A_3705 : i32 to vector<16xi32>
    %select_n3A_3707 = arith.select %eq3A_3701, %add3A_3704, %broadcast_in_dim3A_3706 : vector<16xi1>, vector<16xi32>
    %add3A_3708 = arith.addi %broadcast_in_dim3A_3693, %select_n3A_3707 : vector<16xi32>
    %get3A_3709 = arith.constant 18 : i32
    %get3A_3710 = arith.index_cast %get3A_3709 : i32 to index
    %get3A_3711 = arith.constant 16 : index
    %get3A_3712 = tpu.vector_load %arg10[%get3A_3710, %get3A_3711] {strides = array<i32>} : memref<32x77xi32, #tpu.memory_space<vmem>>, vector<1x16xi32>,
    %get3A_3713 = vector.shape_cast %get3A_3712 : vector<1x16xi32> to vector<16xi32>
    %eq3A_3714 = arith.constant 265 : i32
    %eq3A_3715 = vector.broadcast %eq3A_3714 : i32 to vector<16xi32>
    %eq3A_3716 = arith.cmpi eq, %get3A_3713, %eq3A_3715 : vector<16xi32>
    %add3A_3717 = arith.constant 16 : i32
    %add3A_3718 = vector.broadcast %add3A_3717 : i32 to vector<16xi32>
    %add3A_3719 = arith.addi %add3A_3718, %iota3A : vector<16xi32>
    %jit3A_3720 = arith.constant 0 : i32
    %broadcast_in_dim3A_3721 = vector.broadcast %jit3A_3720 : i32 to vector<16xi32>
    %select_n3A_3722 = arith.select %eq3A_3716, %add3A_3719, %broadcast_in_dim3A_3721 : vector<16xi1>, vector<16xi32>
    %add3A_3723 = arith.addi %add3A_3708, %select_n3A_3722 : vector<16xi32>
    %get3A_3724 = arith.constant 18 : i32
    %get3A_3725 = arith.index_cast %get3A_3724 : i32 to index
    %get3A_3726 = arith.constant 32 : index
    %get3A_3727 = tpu.vector_load %arg10[%get3A_3725, %get3A_3726] {strides = array<i32>} : memref<32x77xi32, #tpu.memory_space<vmem>>, vector<1x16xi32>,
    %get3A_3728 = vector.shape_cast %get3A_3727 : vector<1x16xi32> to vector<16xi32>
    %eq3A_3729 = arith.constant 265 : i32
    %eq3A_3730 = vector.broadcast %eq3A_3729 : i32 to vector<16xi32>
    %eq3A_3731 = arith.cmpi eq, %get3A_3728, %eq3A_3730 : vector<16xi32>
    %add3A_3732 = arith.constant 32 : i32
    %add3A_3733 = vector.broadcast %add3A_3732 : i32 to vector<16xi32>
    %add3A_3734 = arith.addi %add3A_3733, %iota3A : vector<16xi32>
    %jit3A_3735 = arith.constant 0 : i32
    %broadcast_in_dim3A_3736 = vector.broadcast %jit3A_3735 : i32 to vector<16xi32>
    %select_n3A_3737 = arith.select %eq3A_3731, %add3A_3734, %broadcast_in_dim3A_3736 : vector<16xi1>, vector<16xi32>
    %add3A_3738 = arith.addi %add3A_3723, %select_n3A_3737 : vector<16xi32>
    %get3A_3739 = arith.constant 18 : i32
    %get3A_3740 = arith.index_cast %get3A_3739 : i32 to index
    %get3A_3741 = arith.constant 48 : index
    %get3A_3742 = tpu.vector_load %arg10[%get3A_3740, %get3A_3741] {strides = array<i32>} : memref<32x77xi32, #tpu.memory_space<vmem>>, vector<1x16xi32>,
    %get3A_3743 = vector.shape_cast %get3A_3742 : vector<1x16xi32> to vector<16xi32>
    %eq3A_3744 = arith.constant 265 : i32
    %eq3A_3745 = vector.broadcast %eq3A_3744 : i32 to vector<16xi32>
    %eq3A_3746 = arith.cmpi eq, %get3A_3743, %eq3A_3745 : vector<16xi32>
    %add3A_3747 = arith.constant 48 : i32
    %add3A_3748 = vector.broadcast %add3A_3747 : i32 to vector<16xi32>
    %add3A_3749 = arith.addi %add3A_3748, %iota3A : vector<16xi32>
    %jit3A_3750 = arith.constant 0 : i32
    %broadcast_in_dim3A_3751 = vector.broadcast %jit3A_3750 : i32 to vector<16xi32>
    %select_n3A_3752 = arith.select %eq3A_3746, %add3A_3749, %broadcast_in_dim3A_3751 : vector<16xi1>, vector<16xi32>
    %add3A_3753 = arith.addi %add3A_3738, %select_n3A_3752 : vector<16xi32>
    %get3A_3754 = arith.constant 18 : i32
    %get3A_3755 = arith.index_cast %get3A_3754 : i32 to index
    %get3A_3756 = arith.constant 61 : index
    %get3A_3757 = tpu.vector_load %arg10[%get3A_3755, %get3A_3756] {strides = array<i32>} : memref<32x77xi32, #tpu.memory_space<vmem>>, vector<1x16xi32>,
    %get3A_3758 = vector.shape_cast %get3A_3757 : vector<1x16xi32> to vector<16xi32>
    %eq3A_3759 = arith.constant 265 : i32
    %eq3A_3760 = vector.broadcast %eq3A_3759 : i32 to vector<16xi32>
    %eq3A_3761 = arith.cmpi eq, %get3A_3758, %eq3A_3760 : vector<16xi32>
    %ge3A_3762 = arith.constant 3 : i32
    %ge3A_3763 = vector.broadcast %ge3A_3762 : i32 to vector<16xi32>
    %ge3A_3764 = arith.cmpi sge, %iota3A, %ge3A_3763 : vector<16xi32>
    %and3A_3765 = arith.andi %eq3A_3761, %ge3A_3764 : vector<16xi1>
    %add3A_3766 = arith.constant 61 : i32
    %add3A_3767 = vector.broadcast %add3A_3766 : i32 to vector<16xi32>
    %add3A_3768 = arith.addi %add3A_3767, %iota3A : vector<16xi32>
    %jit3A_3769 = arith.constant 0 : i32
    %broadcast_in_dim3A_3770 = vector.broadcast %jit3A_3769 : i32 to vector<16xi32>
    %select_n3A_3771 = arith.select %and3A_3765, %add3A_3768, %broadcast_in_dim3A_3770 : vector<16xi1>, vector<16xi32>
    %add3A_3772 = arith.addi %add3A_3753, %select_n3A_3771 : vector<16xi32>
    %iota3A_3773 = tpu.iota {dimensions = array<i32: 0>} : vector<16xi32>
    %add3A_3774 = arith.constant 8 : i32
    %add3A_3775 = vector.broadcast %add3A_3774 : i32 to vector<16xi32>
    %add3A_3776 = arith.addi %iota3A_3773, %add3A_3775 : vector<16xi32>
    %jit3A_3777 = arith.constant 16 : i32
    %eq3A_3778 = arith.constant 0 : i32
    %eq3A_3779 = arith.cmpi eq, %jit3A_3777, %eq3A_3778 : i32
    %jit3A_3780 = arith.constant 1 : i32
    %select_n3A_3781 = arith.select %eq3A_3779, %jit3A_3780, %jit3A_3777 : i32
    %rem3A_3782 = vector.broadcast %select_n3A_3781 : i32 to vector<16xi32>
    %rem3A_3783 = arith.remsi %add3A_3776, %rem3A_3782 : vector<16xi32>
    %ne3A_3784 = arith.constant 0 : i32
    %ne3A_3785 = vector.broadcast %ne3A_3784 : i32 to vector<16xi32>
    %ne3A_3786 = arith.cmpi ne, %rem3A_3783, %ne3A_3785 : vector<16xi32>
    %lt3A_3787 = arith.constant 0 : i32
    %lt3A_3788 = vector.broadcast %lt3A_3787 : i32 to vector<16xi32>
    %lt3A_3789 = arith.cmpi slt, %rem3A_3783, %lt3A_3788 : vector<16xi32>
    %lt3A_3790 = arith.constant 0 : i32
    %lt3A_3791 = arith.cmpi slt, %select_n3A_3781, %lt3A_3790 : i32
    %ne3A_3792 = vector.broadcast %lt3A_3791 : i1 to vector<16xi1>
    %ne3A_3793 = vector.broadcast %ne3A_3792 : vector<16xi1> to vector<16xi1>
    %ne3A_3794 = arith.xori %lt3A_3789, %ne3A_3793 : vector<16xi1>
    %and3A_3795 = arith.andi %ne3A_3794, %ne3A_3786 : vector<16xi1>
    %add3A_3796 = vector.broadcast %select_n3A_3781 : i32 to vector<16xi32>
    %add3A_3797 = arith.addi %rem3A_3783, %add3A_3796 : vector<16xi32>
    %select_n3A_3798 = arith.select %and3A_3795, %add3A_3797, %rem3A_3783 : vector<16xi1>, vector<16xi32>
    %reshape3A_3799 = vector.shape_cast %select_n3A_3798 : vector<16xi32> to vector<16x1xi32>
    %gather3A_3800 = vector.shape_cast %reshape3A_3799 : vector<16x1xi32> to vector<16xi32>
    %gather3A_3801 = tpu.dynamic_gather %add3A_3772[%gather3A_3800] in [0] : vector<16xi32>, vector<16xi32> -> vector<16xi32>
    %add3A_3802 = arith.addi %add3A_3772, %gather3A_3801 : vector<16xi32>
    %iota3A_3803 = tpu.iota {dimensions = array<i32: 0>} : vector<16xi32>
    %add3A_3804 = arith.constant 4 : i32
    %add3A_3805 = vector.broadcast %add3A_3804 : i32 to vector<16xi32>
    %add3A_3806 = arith.addi %iota3A_3803, %add3A_3805 : vector<16xi32>
    %jit3A_3807 = arith.constant 16 : i32
    %eq3A_3808 = arith.constant 0 : i32
    %eq3A_3809 = arith.cmpi eq, %jit3A_3807, %eq3A_3808 : i32
    %jit3A_3810 = arith.constant 1 : i32
    %select_n3A_3811 = arith.select %eq3A_3809, %jit3A_3810, %jit3A_3807 : i32
    %rem3A_3812 = vector.broadcast %select_n3A_3811 : i32 to vector<16xi32>
    %rem3A_3813 = arith.remsi %add3A_3806, %rem3A_3812 : vector<16xi32>
    %ne3A_3814 = arith.constant 0 : i32
    %ne3A_3815 = vector.broadcast %ne3A_3814 : i32 to vector<16xi32>
    %ne3A_3816 = arith.cmpi ne, %rem3A_3813, %ne3A_3815 : vector<16xi32>
    %lt3A_3817 = arith.constant 0 : i32
    %lt3A_3818 = vector.broadcast %lt3A_3817 : i32 to vector<16xi32>
    %lt3A_3819 = arith.cmpi slt, %rem3A_3813, %lt3A_3818 : vector<16xi32>
    %lt3A_3820 = arith.constant 0 : i32
    %lt3A_3821 = arith.cmpi slt, %select_n3A_3811, %lt3A_3820 : i32
    %ne3A_3822 = vector.broadcast %lt3A_3821 : i1 to vector<16xi1>
    %ne3A_3823 = vector.broadcast %ne3A_3822 : vector<16xi1> to vector<16xi1>
    %ne3A_3824 = arith.xori %lt3A_3819, %ne3A_3823 : vector<16xi1>
    %and3A_3825 = arith.andi %ne3A_3824, %ne3A_3816 : vector<16xi1>
    %add3A_3826 = vector.broadcast %select_n3A_3811 : i32 to vector<16xi32>
    %add3A_3827 = arith.addi %rem3A_3813, %add3A_3826 : vector<16xi32>
    %select_n3A_3828 = arith.select %and3A_3825, %add3A_3827, %rem3A_3813 : vector<16xi1>, vector<16xi32>
    %reshape3A_3829 = vector.shape_cast %select_n3A_3828 : vector<16xi32> to vector<16x1xi32>
    %gather3A_3830 = vector.shape_cast %reshape3A_3829 : vector<16x1xi32> to vector<16xi32>
    %gather3A_3831 = tpu.dynamic_gather %add3A_3802[%gather3A_3830] in [0] : vector<16xi32>, vector<16xi32> -> vector<16xi32>
    %add3A_3832 = arith.addi %add3A_3802, %gather3A_3831 : vector<16xi32>
    %iota3A_3833 = tpu.iota {dimensions = array<i32: 0>} : vector<16xi32>
    %add3A_3834 = arith.constant 2 : i32
    %add3A_3835 = vector.broadcast %add3A_3834 : i32 to vector<16xi32>
    %add3A_3836 = arith.addi %iota3A_3833, %add3A_3835 : vector<16xi32>
    %jit3A_3837 = arith.constant 16 : i32
    %eq3A_3838 = arith.constant 0 : i32
    %eq3A_3839 = arith.cmpi eq, %jit3A_3837, %eq3A_3838 : i32
    %jit3A_3840 = arith.constant 1 : i32
    %select_n3A_3841 = arith.select %eq3A_3839, %jit3A_3840, %jit3A_3837 : i32
    %rem3A_3842 = vector.broadcast %select_n3A_3841 : i32 to vector<16xi32>
    %rem3A_3843 = arith.remsi %add3A_3836, %rem3A_3842 : vector<16xi32>
    %ne3A_3844 = arith.constant 0 : i32
    %ne3A_3845 = vector.broadcast %ne3A_3844 : i32 to vector<16xi32>
    %ne3A_3846 = arith.cmpi ne, %rem3A_3843, %ne3A_3845 : vector<16xi32>
    %lt3A_3847 = arith.constant 0 : i32
    %lt3A_3848 = vector.broadcast %lt3A_3847 : i32 to vector<16xi32>
    %lt3A_3849 = arith.cmpi slt, %rem3A_3843, %lt3A_3848 : vector<16xi32>
    %lt3A_3850 = arith.constant 0 : i32
    %lt3A_3851 = arith.cmpi slt, %select_n3A_3841, %lt3A_3850 : i32
    %ne3A_3852 = vector.broadcast %lt3A_3851 : i1 to vector<16xi1>
    %ne3A_3853 = vector.broadcast %ne3A_3852 : vector<16xi1> to vector<16xi1>
    %ne3A_3854 = arith.xori %lt3A_3849, %ne3A_3853 : vector<16xi1>
    %and3A_3855 = arith.andi %ne3A_3854, %ne3A_3846 : vector<16xi1>
    %add3A_3856 = vector.broadcast %select_n3A_3841 : i32 to vector<16xi32>
    %add3A_3857 = arith.addi %rem3A_3843, %add3A_3856 : vector<16xi32>
    %select_n3A_3858 = arith.select %and3A_3855, %add3A_3857, %rem3A_3843 : vector<16xi1>, vector<16xi32>
    %reshape3A_3859 = vector.shape_cast %select_n3A_3858 : vector<16xi32> to vector<16x1xi32>
    %gather3A_3860 = vector.shape_cast %reshape3A_3859 : vector<16x1xi32> to vector<16xi32>
    %gather3A_3861 = tpu.dynamic_gather %add3A_3832[%gather3A_3860] in [0] : vector<16xi32>, vector<16xi32> -> vector<16xi32>
    %add3A_3862 = arith.addi %add3A_3832, %gather3A_3861 : vector<16xi32>
    %iota3A_3863 = tpu.iota {dimensions = array<i32: 0>} : vector<16xi32>
    %add3A_3864 = arith.constant 1 : i32
    %add3A_3865 = vector.broadcast %add3A_3864 : i32 to vector<16xi32>
    %add3A_3866 = arith.addi %iota3A_3863, %add3A_3865 : vector<16xi32>
    %jit3A_3867 = arith.constant 16 : i32
    %eq3A_3868 = arith.constant 0 : i32
    %eq3A_3869 = arith.cmpi eq, %jit3A_3867, %eq3A_3868 : i32
    %jit3A_3870 = arith.constant 1 : i32
    %select_n3A_3871 = arith.select %eq3A_3869, %jit3A_3870, %jit3A_3867 : i32
    %rem3A_3872 = vector.broadcast %select_n3A_3871 : i32 to vector<16xi32>
    %rem3A_3873 = arith.remsi %add3A_3866, %rem3A_3872 : vector<16xi32>
    %ne3A_3874 = arith.constant 0 : i32
    %ne3A_3875 = vector.broadcast %ne3A_3874 : i32 to vector<16xi32>
    %ne3A_3876 = arith.cmpi ne, %rem3A_3873, %ne3A_3875 : vector<16xi32>
    %lt3A_3877 = arith.constant 0 : i32
    %lt3A_3878 = vector.broadcast %lt3A_3877 : i32 to vector<16xi32>
    %lt3A_3879 = arith.cmpi slt, %rem3A_3873, %lt3A_3878 : vector<16xi32>
    %lt3A_3880 = arith.constant 0 : i32
    %lt3A_3881 = arith.cmpi slt, %select_n3A_3871, %lt3A_3880 : i32
    %ne3A_3882 = vector.broadcast %lt3A_3881 : i1 to vector<16xi1>
    %ne3A_3883 = vector.broadcast %ne3A_3882 : vector<16xi1> to vector<16xi1>
    %ne3A_3884 = arith.xori %lt3A_3879, %ne3A_3883 : vector<16xi1>
    %and3A_3885 = arith.andi %ne3A_3884, %ne3A_3876 : vector<16xi1>
    %add3A_3886 = vector.broadcast %select_n3A_3871 : i32 to vector<16xi32>
    %add3A_3887 = arith.addi %rem3A_3873, %add3A_3886 : vector<16xi32>
    %select_n3A_3888 = arith.select %and3A_3885, %add3A_3887, %rem3A_3873 : vector<16xi1>, vector<16xi32>
    %reshape3A_3889 = vector.shape_cast %select_n3A_3888 : vector<16xi32> to vector<16x1xi32>
    %gather3A_3890 = vector.shape_cast %reshape3A_3889 : vector<16x1xi32> to vector<16xi32>
    %gather3A_3891 = tpu.dynamic_gather %add3A_3862[%gather3A_3890] in [0] : vector<16xi32>, vector<16xi32> -> vector<16xi32>
    %add3A_3892 = arith.addi %add3A_3862, %gather3A_3891 : vector<16xi32>
    %eq3A_3893 = arith.constant 2 : i32
    %eq3A_3894 = vector.broadcast %eq3A_3893 : i32 to vector<16xi32>
    %eq3A_3895 = arith.cmpi eq, %iota3A, %eq3A_3894 : vector<16xi32>
    %select_n3A_3896 = arith.select %eq3A_3895, %add3A_3892, %select_n3A_3691 : vector<16xi1>, vector<16xi32>
    %broadcast_in_dim3A_3897 = arith.constant 0 : i32
    %broadcast_in_dim3A_3898 = vector.broadcast %broadcast_in_dim3A_3897 : i32 to vector<16xi32>
    %get3A_3899 = arith.constant 19 : i32
    %get3A_3900 = arith.index_cast %get3A_3899 : i32 to index
    %get3A_3901 = arith.constant 0 : index
    %get3A_3902 = tpu.vector_load %arg10[%get3A_3900, %get3A_3901] {strides = array<i32>} : memref<32x77xi32, #tpu.memory_space<vmem>>, vector<1x16xi32>,
    %get3A_3903 = vector.shape_cast %get3A_3902 : vector<1x16xi32> to vector<16xi32>
    %eq3A_3904 = arith.constant 265 : i32
    %eq3A_3905 = vector.broadcast %eq3A_3904 : i32 to vector<16xi32>
    %eq3A_3906 = arith.cmpi eq, %get3A_3903, %eq3A_3905 : vector<16xi32>
    %add3A_3907 = arith.constant 0 : i32
    %add3A_3908 = vector.broadcast %add3A_3907 : i32 to vector<16xi32>
    %add3A_3909 = arith.addi %add3A_3908, %iota3A : vector<16xi32>
    %jit3A_3910 = arith.constant 0 : i32
    %broadcast_in_dim3A_3911 = vector.broadcast %jit3A_3910 : i32 to vector<16xi32>
    %select_n3A_3912 = arith.select %eq3A_3906, %add3A_3909, %broadcast_in_dim3A_3911 : vector<16xi1>, vector<16xi32>
    %add3A_3913 = arith.addi %broadcast_in_dim3A_3898, %select_n3A_3912 : vector<16xi32>
    %get3A_3914 = arith.constant 19 : i32
    %get3A_3915 = arith.index_cast %get3A_3914 : i32 to index
    %get3A_3916 = arith.constant 16 : index
    %get3A_3917 = tpu.vector_load %arg10[%get3A_3915, %get3A_3916] {strides = array<i32>} : memref<32x77xi32, #tpu.memory_space<vmem>>, vector<1x16xi32>,
    %get3A_3918 = vector.shape_cast %get3A_3917 : vector<1x16xi32> to vector<16xi32>
    %eq3A_3919 = arith.constant 265 : i32
    %eq3A_3920 = vector.broadcast %eq3A_3919 : i32 to vector<16xi32>
    %eq3A_3921 = arith.cmpi eq, %get3A_3918, %eq3A_3920 : vector<16xi32>
    %add3A_3922 = arith.constant 16 : i32
    %add3A_3923 = vector.broadcast %add3A_3922 : i32 to vector<16xi32>
    %add3A_3924 = arith.addi %add3A_3923, %iota3A : vector<16xi32>
    %jit3A_3925 = arith.constant 0 : i32
    %broadcast_in_dim3A_3926 = vector.broadcast %jit3A_3925 : i32 to vector<16xi32>
    %select_n3A_3927 = arith.select %eq3A_3921, %add3A_3924, %broadcast_in_dim3A_3926 : vector<16xi1>, vector<16xi32>
    %add3A_3928 = arith.addi %add3A_3913, %select_n3A_3927 : vector<16xi32>
    %get3A_3929 = arith.constant 19 : i32
    %get3A_3930 = arith.index_cast %get3A_3929 : i32 to index
    %get3A_3931 = arith.constant 32 : index
    %get3A_3932 = tpu.vector_load %arg10[%get3A_3930, %get3A_3931] {strides = array<i32>} : memref<32x77xi32, #tpu.memory_space<vmem>>, vector<1x16xi32>,
    %get3A_3933 = vector.shape_cast %get3A_3932 : vector<1x16xi32> to vector<16xi32>
    %eq3A_3934 = arith.constant 265 : i32
    %eq3A_3935 = vector.broadcast %eq3A_3934 : i32 to vector<16xi32>
    %eq3A_3936 = arith.cmpi eq, %get3A_3933, %eq3A_3935 : vector<16xi32>
    %add3A_3937 = arith.constant 32 : i32
    %add3A_3938 = vector.broadcast %add3A_3937 : i32 to vector<16xi32>
    %add3A_3939 = arith.addi %add3A_3938, %iota3A : vector<16xi32>
    %jit3A_3940 = arith.constant 0 : i32
    %broadcast_in_dim3A_3941 = vector.broadcast %jit3A_3940 : i32 to vector<16xi32>
    %select_n3A_3942 = arith.select %eq3A_3936, %add3A_3939, %broadcast_in_dim3A_3941 : vector<16xi1>, vector<16xi32>
    %add3A_3943 = arith.addi %add3A_3928, %select_n3A_3942 : vector<16xi32>
    %get3A_3944 = arith.constant 19 : i32
    %get3A_3945 = arith.index_cast %get3A_3944 : i32 to index
    %get3A_3946 = arith.constant 48 : index
    %get3A_3947 = tpu.vector_load %arg10[%get3A_3945, %get3A_3946] {strides = array<i32>} : memref<32x77xi32, #tpu.memory_space<vmem>>, vector<1x16xi32>,
    %get3A_3948 = vector.shape_cast %get3A_3947 : vector<1x16xi32> to vector<16xi32>
    %eq3A_3949 = arith.constant 265 : i32
    %eq3A_3950 = vector.broadcast %eq3A_3949 : i32 to vector<16xi32>
    %eq3A_3951 = arith.cmpi eq, %get3A_3948, %eq3A_3950 : vector<16xi32>
    %add3A_3952 = arith.constant 48 : i32
    %add3A_3953 = vector.broadcast %add3A_3952 : i32 to vector<16xi32>
    %add3A_3954 = arith.addi %add3A_3953, %iota3A : vector<16xi32>
    %jit3A_3955 = arith.constant 0 : i32
    %broadcast_in_dim3A_3956 = vector.broadcast %jit3A_3955 : i32 to vector<16xi32>
    %select_n3A_3957 = arith.select %eq3A_3951, %add3A_3954, %broadcast_in_dim3A_3956 : vector<16xi1>, vector<16xi32>
    %add3A_3958 = arith.addi %add3A_3943, %select_n3A_3957 : vector<16xi32>
    %get3A_3959 = arith.constant 19 : i32
    %get3A_3960 = arith.index_cast %get3A_3959 : i32 to index
    %get3A_3961 = arith.constant 61 : index
    %get3A_3962 = tpu.vector_load %arg10[%get3A_3960, %get3A_3961] {strides = array<i32>} : memref<32x77xi32, #tpu.memory_space<vmem>>, vector<1x16xi32>,
    %get3A_3963 = vector.shape_cast %get3A_3962 : vector<1x16xi32> to vector<16xi32>
    %eq3A_3964 = arith.constant 265 : i32
    %eq3A_3965 = vector.broadcast %eq3A_3964 : i32 to vector<16xi32>
    %eq3A_3966 = arith.cmpi eq, %get3A_3963, %eq3A_3965 : vector<16xi32>
    %ge3A_3967 = arith.constant 3 : i32
    %ge3A_3968 = vector.broadcast %ge3A_3967 : i32 to vector<16xi32>
    %ge3A_3969 = arith.cmpi sge, %iota3A, %ge3A_3968 : vector<16xi32>
    %and3A_3970 = arith.andi %eq3A_3966, %ge3A_3969 : vector<16xi1>
    %add3A_3971 = arith.constant 61 : i32
    %add3A_3972 = vector.broadcast %add3A_3971 : i32 to vector<16xi32>
    %add3A_3973 = arith.addi %add3A_3972, %iota3A : vector<16xi32>
    %jit3A_3974 = arith.constant 0 : i32
    %broadcast_in_dim3A_3975 = vector.broadcast %jit3A_3974 : i32 to vector<16xi32>
    %select_n3A_3976 = arith.select %and3A_3970, %add3A_3973, %broadcast_in_dim3A_3975 : vector<16xi1>, vector<16xi32>
    %add3A_3977 = arith.addi %add3A_3958, %select_n3A_3976 : vector<16xi32>
    %iota3A_3978 = tpu.iota {dimensions = array<i32: 0>} : vector<16xi32>
    %add3A_3979 = arith.constant 8 : i32
    %add3A_3980 = vector.broadcast %add3A_3979 : i32 to vector<16xi32>
    %add3A_3981 = arith.addi %iota3A_3978, %add3A_3980 : vector<16xi32>
    %jit3A_3982 = arith.constant 16 : i32
    %eq3A_3983 = arith.constant 0 : i32
    %eq3A_3984 = arith.cmpi eq, %jit3A_3982, %eq3A_3983 : i32
    %jit3A_3985 = arith.constant 1 : i32
    %select_n3A_3986 = arith.select %eq3A_3984, %jit3A_3985, %jit3A_3982 : i32
    %rem3A_3987 = vector.broadcast %select_n3A_3986 : i32 to vector<16xi32>
    %rem3A_3988 = arith.remsi %add3A_3981, %rem3A_3987 : vector<16xi32>
    %ne3A_3989 = arith.constant 0 : i32
    %ne3A_3990 = vector.broadcast %ne3A_3989 : i32 to vector<16xi32>
    %ne3A_3991 = arith.cmpi ne, %rem3A_3988, %ne3A_3990 : vector<16xi32>
    %lt3A_3992 = arith.constant 0 : i32
    %lt3A_3993 = vector.broadcast %lt3A_3992 : i32 to vector<16xi32>
    %lt3A_3994 = arith.cmpi slt, %rem3A_3988, %lt3A_3993 : vector<16xi32>
    %lt3A_3995 = arith.constant 0 : i32
    %lt3A_3996 = arith.cmpi slt, %select_n3A_3986, %lt3A_3995 : i32
    %ne3A_3997 = vector.broadcast %lt3A_3996 : i1 to vector<16xi1>
    %ne3A_3998 = vector.broadcast %ne3A_3997 : vector<16xi1> to vector<16xi1>
    %ne3A_3999 = arith.xori %lt3A_3994, %ne3A_3998 : vector<16xi1>
    %and3A_4000 = arith.andi %ne3A_3999, %ne3A_3991 : vector<16xi1>
    %add3A_4001 = vector.broadcast %select_n3A_3986 : i32 to vector<16xi32>
    %add3A_4002 = arith.addi %rem3A_3988, %add3A_4001 : vector<16xi32>
    %select_n3A_4003 = arith.select %and3A_4000, %add3A_4002, %rem3A_3988 : vector<16xi1>, vector<16xi32>
    %reshape3A_4004 = vector.shape_cast %select_n3A_4003 : vector<16xi32> to vector<16x1xi32>
    %gather3A_4005 = vector.shape_cast %reshape3A_4004 : vector<16x1xi32> to vector<16xi32>
    %gather3A_4006 = tpu.dynamic_gather %add3A_3977[%gather3A_4005] in [0] : vector<16xi32>, vector<16xi32> -> vector<16xi32>
    %add3A_4007 = arith.addi %add3A_3977, %gather3A_4006 : vector<16xi32>
    %iota3A_4008 = tpu.iota {dimensions = array<i32: 0>} : vector<16xi32>
    %add3A_4009 = arith.constant 4 : i32
    %add3A_4010 = vector.broadcast %add3A_4009 : i32 to vector<16xi32>
    %add3A_4011 = arith.addi %iota3A_4008, %add3A_4010 : vector<16xi32>
    %jit3A_4012 = arith.constant 16 : i32
    %eq3A_4013 = arith.constant 0 : i32
    %eq3A_4014 = arith.cmpi eq, %jit3A_4012, %eq3A_4013 : i32
    %jit3A_4015 = arith.constant 1 : i32
    %select_n3A_4016 = arith.select %eq3A_4014, %jit3A_4015, %jit3A_4012 : i32
    %rem3A_4017 = vector.broadcast %select_n3A_4016 : i32 to vector<16xi32>
    %rem3A_4018 = arith.remsi %add3A_4011, %rem3A_4017 : vector<16xi32>
    %ne3A_4019 = arith.constant 0 : i32
    %ne3A_4020 = vector.broadcast %ne3A_4019 : i32 to vector<16xi32>
    %ne3A_4021 = arith.cmpi ne, %rem3A_4018, %ne3A_4020 : vector<16xi32>
    %lt3A_4022 = arith.constant 0 : i32
    %lt3A_4023 = vector.broadcast %lt3A_4022 : i32 to vector<16xi32>
    %lt3A_4024 = arith.cmpi slt, %rem3A_4018, %lt3A_4023 : vector<16xi32>
    %lt3A_4025 = arith.constant 0 : i32
    %lt3A_4026 = arith.cmpi slt, %select_n3A_4016, %lt3A_4025 : i32
    %ne3A_4027 = vector.broadcast %lt3A_4026 : i1 to vector<16xi1>
    %ne3A_4028 = vector.broadcast %ne3A_4027 : vector<16xi1> to vector<16xi1>
    %ne3A_4029 = arith.xori %lt3A_4024, %ne3A_4028 : vector<16xi1>
    %and3A_4030 = arith.andi %ne3A_4029, %ne3A_4021 : vector<16xi1>
    %add3A_4031 = vector.broadcast %select_n3A_4016 : i32 to vector<16xi32>
    %add3A_4032 = arith.addi %rem3A_4018, %add3A_4031 : vector<16xi32>
    %select_n3A_4033 = arith.select %and3A_4030, %add3A_4032, %rem3A_4018 : vector<16xi1>, vector<16xi32>
    %reshape3A_4034 = vector.shape_cast %select_n3A_4033 : vector<16xi32> to vector<16x1xi32>
    %gather3A_4035 = vector.shape_cast %reshape3A_4034 : vector<16x1xi32> to vector<16xi32>
    %gather3A_4036 = tpu.dynamic_gather %add3A_4007[%gather3A_4035] in [0] : vector<16xi32>, vector<16xi32> -> vector<16xi32>
    %add3A_4037 = arith.addi %add3A_4007, %gather3A_4036 : vector<16xi32>
    %iota3A_4038 = tpu.iota {dimensions = array<i32: 0>} : vector<16xi32>
    %add3A_4039 = arith.constant 2 : i32
    %add3A_4040 = vector.broadcast %add3A_4039 : i32 to vector<16xi32>
    %add3A_4041 = arith.addi %iota3A_4038, %add3A_4040 : vector<16xi32>
    %jit3A_4042 = arith.constant 16 : i32
    %eq3A_4043 = arith.constant 0 : i32
    %eq3A_4044 = arith.cmpi eq, %jit3A_4042, %eq3A_4043 : i32
    %jit3A_4045 = arith.constant 1 : i32
    %select_n3A_4046 = arith.select %eq3A_4044, %jit3A_4045, %jit3A_4042 : i32
    %rem3A_4047 = vector.broadcast %select_n3A_4046 : i32 to vector<16xi32>
    %rem3A_4048 = arith.remsi %add3A_4041, %rem3A_4047 : vector<16xi32>
    %ne3A_4049 = arith.constant 0 : i32
    %ne3A_4050 = vector.broadcast %ne3A_4049 : i32 to vector<16xi32>
    %ne3A_4051 = arith.cmpi ne, %rem3A_4048, %ne3A_4050 : vector<16xi32>
    %lt3A_4052 = arith.constant 0 : i32
    %lt3A_4053 = vector.broadcast %lt3A_4052 : i32 to vector<16xi32>
    %lt3A_4054 = arith.cmpi slt, %rem3A_4048, %lt3A_4053 : vector<16xi32>
    %lt3A_4055 = arith.constant 0 : i32
    %lt3A_4056 = arith.cmpi slt, %select_n3A_4046, %lt3A_4055 : i32
    %ne3A_4057 = vector.broadcast %lt3A_4056 : i1 to vector<16xi1>
    %ne3A_4058 = vector.broadcast %ne3A_4057 : vector<16xi1> to vector<16xi1>
    %ne3A_4059 = arith.xori %lt3A_4054, %ne3A_4058 : vector<16xi1>
    %and3A_4060 = arith.andi %ne3A_4059, %ne3A_4051 : vector<16xi1>
    %add3A_4061 = vector.broadcast %select_n3A_4046 : i32 to vector<16xi32>
    %add3A_4062 = arith.addi %rem3A_4048, %add3A_4061 : vector<16xi32>
    %select_n3A_4063 = arith.select %and3A_4060, %add3A_4062, %rem3A_4048 : vector<16xi1>, vector<16xi32>
    %reshape3A_4064 = vector.shape_cast %select_n3A_4063 : vector<16xi32> to vector<16x1xi32>
    %gather3A_4065 = vector.shape_cast %reshape3A_4064 : vector<16x1xi32> to vector<16xi32>
    %gather3A_4066 = tpu.dynamic_gather %add3A_4037[%gather3A_4065] in [0] : vector<16xi32>, vector<16xi32> -> vector<16xi32>
    %add3A_4067 = arith.addi %add3A_4037, %gather3A_4066 : vector<16xi32>
    %iota3A_4068 = tpu.iota {dimensions = array<i32: 0>} : vector<16xi32>
    %add3A_4069 = arith.constant 1 : i32
    %add3A_4070 = vector.broadcast %add3A_4069 : i32 to vector<16xi32>
    %add3A_4071 = arith.addi %iota3A_4068, %add3A_4070 : vector<16xi32>
    %jit3A_4072 = arith.constant 16 : i32
    %eq3A_4073 = arith.constant 0 : i32
    %eq3A_4074 = arith.cmpi eq, %jit3A_4072, %eq3A_4073 : i32
    %jit3A_4075 = arith.constant 1 : i32
    %select_n3A_4076 = arith.select %eq3A_4074, %jit3A_4075, %jit3A_4072 : i32
    %rem3A_4077 = vector.broadcast %select_n3A_4076 : i32 to vector<16xi32>
    %rem3A_4078 = arith.remsi %add3A_4071, %rem3A_4077 : vector<16xi32>
    %ne3A_4079 = arith.constant 0 : i32
    %ne3A_4080 = vector.broadcast %ne3A_4079 : i32 to vector<16xi32>
    %ne3A_4081 = arith.cmpi ne, %rem3A_4078, %ne3A_4080 : vector<16xi32>
    %lt3A_4082 = arith.constant 0 : i32
    %lt3A_4083 = vector.broadcast %lt3A_4082 : i32 to vector<16xi32>
    %lt3A_4084 = arith.cmpi slt, %rem3A_4078, %lt3A_4083 : vector<16xi32>
    %lt3A_4085 = arith.constant 0 : i32
    %lt3A_4086 = arith.cmpi slt, %select_n3A_4076, %lt3A_4085 : i32
    %ne3A_4087 = vector.broadcast %lt3A_4086 : i1 to vector<16xi1>
    %ne3A_4088 = vector.broadcast %ne3A_4087 : vector<16xi1> to vector<16xi1>
    %ne3A_4089 = arith.xori %lt3A_4084, %ne3A_4088 : vector<16xi1>
    %and3A_4090 = arith.andi %ne3A_4089, %ne3A_4081 : vector<16xi1>
    %add3A_4091 = vector.broadcast %select_n3A_4076 : i32 to vector<16xi32>
    %add3A_4092 = arith.addi %rem3A_4078, %add3A_4091 : vector<16xi32>
    %select_n3A_4093 = arith.select %and3A_4090, %add3A_4092, %rem3A_4078 : vector<16xi1>, vector<16xi32>
    %reshape3A_4094 = vector.shape_cast %select_n3A_4093 : vector<16xi32> to vector<16x1xi32>
    %gather3A_4095 = vector.shape_cast %reshape3A_4094 : vector<16x1xi32> to vector<16xi32>
    %gather3A_4096 = tpu.dynamic_gather %add3A_4067[%gather3A_4095] in [0] : vector<16xi32>, vector<16xi32> -> vector<16xi32>
    %add3A_4097 = arith.addi %add3A_4067, %gather3A_4096 : vector<16xi32>
    %eq3A_4098 = arith.constant 3 : i32
    %eq3A_4099 = vector.broadcast %eq3A_4098 : i32 to vector<16xi32>
    %eq3A_4100 = arith.cmpi eq, %iota3A, %eq3A_4099 : vector<16xi32>
    %select_n3A_4101 = arith.select %eq3A_4100, %add3A_4097, %select_n3A_3896 : vector<16xi1>, vector<16xi32>
    %broadcast_in_dim3A_4102 = arith.constant 0 : i32
    %broadcast_in_dim3A_4103 = vector.broadcast %broadcast_in_dim3A_4102 : i32 to vector<16xi32>
    %get3A_4104 = arith.constant 20 : i32
    %get3A_4105 = arith.index_cast %get3A_4104 : i32 to index
    %get3A_4106 = arith.constant 0 : index
    %get3A_4107 = tpu.vector_load %arg10[%get3A_4105, %get3A_4106] {strides = array<i32>} : memref<32x77xi32, #tpu.memory_space<vmem>>, vector<1x16xi32>,
    %get3A_4108 = vector.shape_cast %get3A_4107 : vector<1x16xi32> to vector<16xi32>
    %eq3A_4109 = arith.constant 265 : i32
    %eq3A_4110 = vector.broadcast %eq3A_4109 : i32 to vector<16xi32>
    %eq3A_4111 = arith.cmpi eq, %get3A_4108, %eq3A_4110 : vector<16xi32>
    %add3A_4112 = arith.constant 0 : i32
    %add3A_4113 = vector.broadcast %add3A_4112 : i32 to vector<16xi32>
    %add3A_4114 = arith.addi %add3A_4113, %iota3A : vector<16xi32>
    %jit3A_4115 = arith.constant 0 : i32
    %broadcast_in_dim3A_4116 = vector.broadcast %jit3A_4115 : i32 to vector<16xi32>
    %select_n3A_4117 = arith.select %eq3A_4111, %add3A_4114, %broadcast_in_dim3A_4116 : vector<16xi1>, vector<16xi32>
    %add3A_4118 = arith.addi %broadcast_in_dim3A_4103, %select_n3A_4117 : vector<16xi32>
    %get3A_4119 = arith.constant 20 : i32
    %get3A_4120 = arith.index_cast %get3A_4119 : i32 to index
    %get3A_4121 = arith.constant 16 : index
    %get3A_4122 = tpu.vector_load %arg10[%get3A_4120, %get3A_4121] {strides = array<i32>} : memref<32x77xi32, #tpu.memory_space<vmem>>, vector<1x16xi32>,
    %get3A_4123 = vector.shape_cast %get3A_4122 : vector<1x16xi32> to vector<16xi32>
    %eq3A_4124 = arith.constant 265 : i32
    %eq3A_4125 = vector.broadcast %eq3A_4124 : i32 to vector<16xi32>
    %eq3A_4126 = arith.cmpi eq, %get3A_4123, %eq3A_4125 : vector<16xi32>
    %add3A_4127 = arith.constant 16 : i32
    %add3A_4128 = vector.broadcast %add3A_4127 : i32 to vector<16xi32>
    %add3A_4129 = arith.addi %add3A_4128, %iota3A : vector<16xi32>
    %jit3A_4130 = arith.constant 0 : i32
    %broadcast_in_dim3A_4131 = vector.broadcast %jit3A_4130 : i32 to vector<16xi32>
    %select_n3A_4132 = arith.select %eq3A_4126, %add3A_4129, %broadcast_in_dim3A_4131 : vector<16xi1>, vector<16xi32>
    %add3A_4133 = arith.addi %add3A_4118, %select_n3A_4132 : vector<16xi32>
    %get3A_4134 = arith.constant 20 : i32
    %get3A_4135 = arith.index_cast %get3A_4134 : i32 to index
    %get3A_4136 = arith.constant 32 : index
    %get3A_4137 = tpu.vector_load %arg10[%get3A_4135, %get3A_4136] {strides = array<i32>} : memref<32x77xi32, #tpu.memory_space<vmem>>, vector<1x16xi32>,
    %get3A_4138 = vector.shape_cast %get3A_4137 : vector<1x16xi32> to vector<16xi32>
    %eq3A_4139 = arith.constant 265 : i32
    %eq3A_4140 = vector.broadcast %eq3A_4139 : i32 to vector<16xi32>
    %eq3A_4141 = arith.cmpi eq, %get3A_4138, %eq3A_4140 : vector<16xi32>
    %add3A_4142 = arith.constant 32 : i32
    %add3A_4143 = vector.broadcast %add3A_4142 : i32 to vector<16xi32>
    %add3A_4144 = arith.addi %add3A_4143, %iota3A : vector<16xi32>
    %jit3A_4145 = arith.constant 0 : i32
    %broadcast_in_dim3A_4146 = vector.broadcast %jit3A_4145 : i32 to vector<16xi32>
    %select_n3A_4147 = arith.select %eq3A_4141, %add3A_4144, %broadcast_in_dim3A_4146 : vector<16xi1>, vector<16xi32>
    %add3A_4148 = arith.addi %add3A_4133, %select_n3A_4147 : vector<16xi32>
    %get3A_4149 = arith.constant 20 : i32
    %get3A_4150 = arith.index_cast %get3A_4149 : i32 to index
    %get3A_4151 = arith.constant 48 : index
    %get3A_4152 = tpu.vector_load %arg10[%get3A_4150, %get3A_4151] {strides = array<i32>} : memref<32x77xi32, #tpu.memory_space<vmem>>, vector<1x16xi32>,
    %get3A_4153 = vector.shape_cast %get3A_4152 : vector<1x16xi32> to vector<16xi32>
    %eq3A_4154 = arith.constant 265 : i32
    %eq3A_4155 = vector.broadcast %eq3A_4154 : i32 to vector<16xi32>
    %eq3A_4156 = arith.cmpi eq, %get3A_4153, %eq3A_4155 : vector<16xi32>
    %add3A_4157 = arith.constant 48 : i32
    %add3A_4158 = vector.broadcast %add3A_4157 : i32 to vector<16xi32>
    %add3A_4159 = arith.addi %add3A_4158, %iota3A : vector<16xi32>
    %jit3A_4160 = arith.constant 0 : i32
    %broadcast_in_dim3A_4161 = vector.broadcast %jit3A_4160 : i32 to vector<16xi32>
    %select_n3A_4162 = arith.select %eq3A_4156, %add3A_4159, %broadcast_in_dim3A_4161 : vector<16xi1>, vector<16xi32>
    %add3A_4163 = arith.addi %add3A_4148, %select_n3A_4162 : vector<16xi32>
    %get3A_4164 = arith.constant 20 : i32
    %get3A_4165 = arith.index_cast %get3A_4164 : i32 to index
    %get3A_4166 = arith.constant 61 : index
    %get3A_4167 = tpu.vector_load %arg10[%get3A_4165, %get3A_4166] {strides = array<i32>} : memref<32x77xi32, #tpu.memory_space<vmem>>, vector<1x16xi32>,
    %get3A_4168 = vector.shape_cast %get3A_4167 : vector<1x16xi32> to vector<16xi32>
    %eq3A_4169 = arith.constant 265 : i32
    %eq3A_4170 = vector.broadcast %eq3A_4169 : i32 to vector<16xi32>
    %eq3A_4171 = arith.cmpi eq, %get3A_4168, %eq3A_4170 : vector<16xi32>
    %ge3A_4172 = arith.constant 3 : i32
    %ge3A_4173 = vector.broadcast %ge3A_4172 : i32 to vector<16xi32>
    %ge3A_4174 = arith.cmpi sge, %iota3A, %ge3A_4173 : vector<16xi32>
    %and3A_4175 = arith.andi %eq3A_4171, %ge3A_4174 : vector<16xi1>
    %add3A_4176 = arith.constant 61 : i32
    %add3A_4177 = vector.broadcast %add3A_4176 : i32 to vector<16xi32>
    %add3A_4178 = arith.addi %add3A_4177, %iota3A : vector<16xi32>
    %jit3A_4179 = arith.constant 0 : i32
    %broadcast_in_dim3A_4180 = vector.broadcast %jit3A_4179 : i32 to vector<16xi32>
    %select_n3A_4181 = arith.select %and3A_4175, %add3A_4178, %broadcast_in_dim3A_4180 : vector<16xi1>, vector<16xi32>
    %add3A_4182 = arith.addi %add3A_4163, %select_n3A_4181 : vector<16xi32>
    %iota3A_4183 = tpu.iota {dimensions = array<i32: 0>} : vector<16xi32>
    %add3A_4184 = arith.constant 8 : i32
    %add3A_4185 = vector.broadcast %add3A_4184 : i32 to vector<16xi32>
    %add3A_4186 = arith.addi %iota3A_4183, %add3A_4185 : vector<16xi32>
    %jit3A_4187 = arith.constant 16 : i32
    %eq3A_4188 = arith.constant 0 : i32
    %eq3A_4189 = arith.cmpi eq, %jit3A_4187, %eq3A_4188 : i32
    %jit3A_4190 = arith.constant 1 : i32
    %select_n3A_4191 = arith.select %eq3A_4189, %jit3A_4190, %jit3A_4187 : i32
    %rem3A_4192 = vector.broadcast %select_n3A_4191 : i32 to vector<16xi32>
    %rem3A_4193 = arith.remsi %add3A_4186, %rem3A_4192 : vector<16xi32>
    %ne3A_4194 = arith.constant 0 : i32
    %ne3A_4195 = vector.broadcast %ne3A_4194 : i32 to vector<16xi32>
    %ne3A_4196 = arith.cmpi ne, %rem3A_4193, %ne3A_4195 : vector<16xi32>
    %lt3A_4197 = arith.constant 0 : i32
    %lt3A_4198 = vector.broadcast %lt3A_4197 : i32 to vector<16xi32>
    %lt3A_4199 = arith.cmpi slt, %rem3A_4193, %lt3A_4198 : vector<16xi32>
    %lt3A_4200 = arith.constant 0 : i32
    %lt3A_4201 = arith.cmpi slt, %select_n3A_4191, %lt3A_4200 : i32
    %ne3A_4202 = vector.broadcast %lt3A_4201 : i1 to vector<16xi1>
    %ne3A_4203 = vector.broadcast %ne3A_4202 : vector<16xi1> to vector<16xi1>
    %ne3A_4204 = arith.xori %lt3A_4199, %ne3A_4203 : vector<16xi1>
    %and3A_4205 = arith.andi %ne3A_4204, %ne3A_4196 : vector<16xi1>
    %add3A_4206 = vector.broadcast %select_n3A_4191 : i32 to vector<16xi32>
    %add3A_4207 = arith.addi %rem3A_4193, %add3A_4206 : vector<16xi32>
    %select_n3A_4208 = arith.select %and3A_4205, %add3A_4207, %rem3A_4193 : vector<16xi1>, vector<16xi32>
    %reshape3A_4209 = vector.shape_cast %select_n3A_4208 : vector<16xi32> to vector<16x1xi32>
    %gather3A_4210 = vector.shape_cast %reshape3A_4209 : vector<16x1xi32> to vector<16xi32>
    %gather3A_4211 = tpu.dynamic_gather %add3A_4182[%gather3A_4210] in [0] : vector<16xi32>, vector<16xi32> -> vector<16xi32>
    %add3A_4212 = arith.addi %add3A_4182, %gather3A_4211 : vector<16xi32>
    %iota3A_4213 = tpu.iota {dimensions = array<i32: 0>} : vector<16xi32>
    %add3A_4214 = arith.constant 4 : i32
    %add3A_4215 = vector.broadcast %add3A_4214 : i32 to vector<16xi32>
    %add3A_4216 = arith.addi %iota3A_4213, %add3A_4215 : vector<16xi32>
    %jit3A_4217 = arith.constant 16 : i32
    %eq3A_4218 = arith.constant 0 : i32
    %eq3A_4219 = arith.cmpi eq, %jit3A_4217, %eq3A_4218 : i32
    %jit3A_4220 = arith.constant 1 : i32
    %select_n3A_4221 = arith.select %eq3A_4219, %jit3A_4220, %jit3A_4217 : i32
    %rem3A_4222 = vector.broadcast %select_n3A_4221 : i32 to vector<16xi32>
    %rem3A_4223 = arith.remsi %add3A_4216, %rem3A_4222 : vector<16xi32>
    %ne3A_4224 = arith.constant 0 : i32
    %ne3A_4225 = vector.broadcast %ne3A_4224 : i32 to vector<16xi32>
    %ne3A_4226 = arith.cmpi ne, %rem3A_4223, %ne3A_4225 : vector<16xi32>
    %lt3A_4227 = arith.constant 0 : i32
    %lt3A_4228 = vector.broadcast %lt3A_4227 : i32 to vector<16xi32>
    %lt3A_4229 = arith.cmpi slt, %rem3A_4223, %lt3A_4228 : vector<16xi32>
    %lt3A_4230 = arith.constant 0 : i32
    %lt3A_4231 = arith.cmpi slt, %select_n3A_4221, %lt3A_4230 : i32
    %ne3A_4232 = vector.broadcast %lt3A_4231 : i1 to vector<16xi1>
    %ne3A_4233 = vector.broadcast %ne3A_4232 : vector<16xi1> to vector<16xi1>
    %ne3A_4234 = arith.xori %lt3A_4229, %ne3A_4233 : vector<16xi1>
    %and3A_4235 = arith.andi %ne3A_4234, %ne3A_4226 : vector<16xi1>
    %add3A_4236 = vector.broadcast %select_n3A_4221 : i32 to vector<16xi32>
    %add3A_4237 = arith.addi %rem3A_4223, %add3A_4236 : vector<16xi32>
    %select_n3A_4238 = arith.select %and3A_4235, %add3A_4237, %rem3A_4223 : vector<16xi1>, vector<16xi32>
    %reshape3A_4239 = vector.shape_cast %select_n3A_4238 : vector<16xi32> to vector<16x1xi32>
    %gather3A_4240 = vector.shape_cast %reshape3A_4239 : vector<16x1xi32> to vector<16xi32>
    %gather3A_4241 = tpu.dynamic_gather %add3A_4212[%gather3A_4240] in [0] : vector<16xi32>, vector<16xi32> -> vector<16xi32>
    %add3A_4242 = arith.addi %add3A_4212, %gather3A_4241 : vector<16xi32>
    %iota3A_4243 = tpu.iota {dimensions = array<i32: 0>} : vector<16xi32>
    %add3A_4244 = arith.constant 2 : i32
    %add3A_4245 = vector.broadcast %add3A_4244 : i32 to vector<16xi32>
    %add3A_4246 = arith.addi %iota3A_4243, %add3A_4245 : vector<16xi32>
    %jit3A_4247 = arith.constant 16 : i32
    %eq3A_4248 = arith.constant 0 : i32
    %eq3A_4249 = arith.cmpi eq, %jit3A_4247, %eq3A_4248 : i32
    %jit3A_4250 = arith.constant 1 : i32
    %select_n3A_4251 = arith.select %eq3A_4249, %jit3A_4250, %jit3A_4247 : i32
    %rem3A_4252 = vector.broadcast %select_n3A_4251 : i32 to vector<16xi32>
    %rem3A_4253 = arith.remsi %add3A_4246, %rem3A_4252 : vector<16xi32>
    %ne3A_4254 = arith.constant 0 : i32
    %ne3A_4255 = vector.broadcast %ne3A_4254 : i32 to vector<16xi32>
    %ne3A_4256 = arith.cmpi ne, %rem3A_4253, %ne3A_4255 : vector<16xi32>
    %lt3A_4257 = arith.constant 0 : i32
    %lt3A_4258 = vector.broadcast %lt3A_4257 : i32 to vector<16xi32>
    %lt3A_4259 = arith.cmpi slt, %rem3A_4253, %lt3A_4258 : vector<16xi32>
    %lt3A_4260 = arith.constant 0 : i32
    %lt3A_4261 = arith.cmpi slt, %select_n3A_4251, %lt3A_4260 : i32
    %ne3A_4262 = vector.broadcast %lt3A_4261 : i1 to vector<16xi1>
    %ne3A_4263 = vector.broadcast %ne3A_4262 : vector<16xi1> to vector<16xi1>
    %ne3A_4264 = arith.xori %lt3A_4259, %ne3A_4263 : vector<16xi1>
    %and3A_4265 = arith.andi %ne3A_4264, %ne3A_4256 : vector<16xi1>
    %add3A_4266 = vector.broadcast %select_n3A_4251 : i32 to vector<16xi32>
    %add3A_4267 = arith.addi %rem3A_4253, %add3A_4266 : vector<16xi32>
    %select_n3A_4268 = arith.select %and3A_4265, %add3A_4267, %rem3A_4253 : vector<16xi1>, vector<16xi32>
    %reshape3A_4269 = vector.shape_cast %select_n3A_4268 : vector<16xi32> to vector<16x1xi32>
    %gather3A_4270 = vector.shape_cast %reshape3A_4269 : vector<16x1xi32> to vector<16xi32>
    %gather3A_4271 = tpu.dynamic_gather %add3A_4242[%gather3A_4270] in [0] : vector<16xi32>, vector<16xi32> -> vector<16xi32>
    %add3A_4272 = arith.addi %add3A_4242, %gather3A_4271 : vector<16xi32>
    %iota3A_4273 = tpu.iota {dimensions = array<i32: 0>} : vector<16xi32>
    %add3A_4274 = arith.constant 1 : i32
    %add3A_4275 = vector.broadcast %add3A_4274 : i32 to vector<16xi32>
    %add3A_4276 = arith.addi %iota3A_4273, %add3A_4275 : vector<16xi32>
    %jit3A_4277 = arith.constant 16 : i32
    %eq3A_4278 = arith.constant 0 : i32
    %eq3A_4279 = arith.cmpi eq, %jit3A_4277, %eq3A_4278 : i32
    %jit3A_4280 = arith.constant 1 : i32
    %select_n3A_4281 = arith.select %eq3A_4279, %jit3A_4280, %jit3A_4277 : i32
    %rem3A_4282 = vector.broadcast %select_n3A_4281 : i32 to vector<16xi32>
    %rem3A_4283 = arith.remsi %add3A_4276, %rem3A_4282 : vector<16xi32>
    %ne3A_4284 = arith.constant 0 : i32
    %ne3A_4285 = vector.broadcast %ne3A_4284 : i32 to vector<16xi32>
    %ne3A_4286 = arith.cmpi ne, %rem3A_4283, %ne3A_4285 : vector<16xi32>
    %lt3A_4287 = arith.constant 0 : i32
    %lt3A_4288 = vector.broadcast %lt3A_4287 : i32 to vector<16xi32>
    %lt3A_4289 = arith.cmpi slt, %rem3A_4283, %lt3A_4288 : vector<16xi32>
    %lt3A_4290 = arith.constant 0 : i32
    %lt3A_4291 = arith.cmpi slt, %select_n3A_4281, %lt3A_4290 : i32
    %ne3A_4292 = vector.broadcast %lt3A_4291 : i1 to vector<16xi1>
    %ne3A_4293 = vector.broadcast %ne3A_4292 : vector<16xi1> to vector<16xi1>
    %ne3A_4294 = arith.xori %lt3A_4289, %ne3A_4293 : vector<16xi1>
    %and3A_4295 = arith.andi %ne3A_4294, %ne3A_4286 : vector<16xi1>
    %add3A_4296 = vector.broadcast %select_n3A_4281 : i32 to vector<16xi32>
    %add3A_4297 = arith.addi %rem3A_4283, %add3A_4296 : vector<16xi32>
    %select_n3A_4298 = arith.select %and3A_4295, %add3A_4297, %rem3A_4283 : vector<16xi1>, vector<16xi32>
    %reshape3A_4299 = vector.shape_cast %select_n3A_4298 : vector<16xi32> to vector<16x1xi32>
    %gather3A_4300 = vector.shape_cast %reshape3A_4299 : vector<16x1xi32> to vector<16xi32>
    %gather3A_4301 = tpu.dynamic_gather %add3A_4272[%gather3A_4300] in [0] : vector<16xi32>, vector<16xi32> -> vector<16xi32>
    %add3A_4302 = arith.addi %add3A_4272, %gather3A_4301 : vector<16xi32>
    %eq3A_4303 = arith.constant 4 : i32
    %eq3A_4304 = vector.broadcast %eq3A_4303 : i32 to vector<16xi32>
    %eq3A_4305 = arith.cmpi eq, %iota3A, %eq3A_4304 : vector<16xi32>
    %select_n3A_4306 = arith.select %eq3A_4305, %add3A_4302, %select_n3A_4101 : vector<16xi1>, vector<16xi32>
    %broadcast_in_dim3A_4307 = arith.constant 0 : i32
    %broadcast_in_dim3A_4308 = vector.broadcast %broadcast_in_dim3A_4307 : i32 to vector<16xi32>
    %get3A_4309 = arith.constant 21 : i32
    %get3A_4310 = arith.index_cast %get3A_4309 : i32 to index
    %get3A_4311 = arith.constant 0 : index
    %get3A_4312 = tpu.vector_load %arg10[%get3A_4310, %get3A_4311] {strides = array<i32>} : memref<32x77xi32, #tpu.memory_space<vmem>>, vector<1x16xi32>,
    %get3A_4313 = vector.shape_cast %get3A_4312 : vector<1x16xi32> to vector<16xi32>
    %eq3A_4314 = arith.constant 265 : i32
    %eq3A_4315 = vector.broadcast %eq3A_4314 : i32 to vector<16xi32>
    %eq3A_4316 = arith.cmpi eq, %get3A_4313, %eq3A_4315 : vector<16xi32>
    %add3A_4317 = arith.constant 0 : i32
    %add3A_4318 = vector.broadcast %add3A_4317 : i32 to vector<16xi32>
    %add3A_4319 = arith.addi %add3A_4318, %iota3A : vector<16xi32>
    %jit3A_4320 = arith.constant 0 : i32
    %broadcast_in_dim3A_4321 = vector.broadcast %jit3A_4320 : i32 to vector<16xi32>
    %select_n3A_4322 = arith.select %eq3A_4316, %add3A_4319, %broadcast_in_dim3A_4321 : vector<16xi1>, vector<16xi32>
    %add3A_4323 = arith.addi %broadcast_in_dim3A_4308, %select_n3A_4322 : vector<16xi32>
    %get3A_4324 = arith.constant 21 : i32
    %get3A_4325 = arith.index_cast %get3A_4324 : i32 to index
    %get3A_4326 = arith.constant 16 : index
    %get3A_4327 = tpu.vector_load %arg10[%get3A_4325, %get3A_4326] {strides = array<i32>} : memref<32x77xi32, #tpu.memory_space<vmem>>, vector<1x16xi32>,
    %get3A_4328 = vector.shape_cast %get3A_4327 : vector<1x16xi32> to vector<16xi32>
    %eq3A_4329 = arith.constant 265 : i32
    %eq3A_4330 = vector.broadcast %eq3A_4329 : i32 to vector<16xi32>
    %eq3A_4331 = arith.cmpi eq, %get3A_4328, %eq3A_4330 : vector<16xi32>
    %add3A_4332 = arith.constant 16 : i32
    %add3A_4333 = vector.broadcast %add3A_4332 : i32 to vector<16xi32>
    %add3A_4334 = arith.addi %add3A_4333, %iota3A : vector<16xi32>
    %jit3A_4335 = arith.constant 0 : i32
    %broadcast_in_dim3A_4336 = vector.broadcast %jit3A_4335 : i32 to vector<16xi32>
    %select_n3A_4337 = arith.select %eq3A_4331, %add3A_4334, %broadcast_in_dim3A_4336 : vector<16xi1>, vector<16xi32>
    %add3A_4338 = arith.addi %add3A_4323, %select_n3A_4337 : vector<16xi32>
    %get3A_4339 = arith.constant 21 : i32
    %get3A_4340 = arith.index_cast %get3A_4339 : i32 to index
    %get3A_4341 = arith.constant 32 : index
    %get3A_4342 = tpu.vector_load %arg10[%get3A_4340, %get3A_4341] {strides = array<i32>} : memref<32x77xi32, #tpu.memory_space<vmem>>, vector<1x16xi32>,
    %get3A_4343 = vector.shape_cast %get3A_4342 : vector<1x16xi32> to vector<16xi32>
    %eq3A_4344 = arith.constant 265 : i32
    %eq3A_4345 = vector.broadcast %eq3A_4344 : i32 to vector<16xi32>
    %eq3A_4346 = arith.cmpi eq, %get3A_4343, %eq3A_4345 : vector<16xi32>
    %add3A_4347 = arith.constant 32 : i32
    %add3A_4348 = vector.broadcast %add3A_4347 : i32 to vector<16xi32>
    %add3A_4349 = arith.addi %add3A_4348, %iota3A : vector<16xi32>
    %jit3A_4350 = arith.constant 0 : i32
    %broadcast_in_dim3A_4351 = vector.broadcast %jit3A_4350 : i32 to vector<16xi32>
    %select_n3A_4352 = arith.select %eq3A_4346, %add3A_4349, %broadcast_in_dim3A_4351 : vector<16xi1>, vector<16xi32>
    %add3A_4353 = arith.addi %add3A_4338, %select_n3A_4352 : vector<16xi32>
    %get3A_4354 = arith.constant 21 : i32
    %get3A_4355 = arith.index_cast %get3A_4354 : i32 to index
    %get3A_4356 = arith.constant 48 : index
    %get3A_4357 = tpu.vector_load %arg10[%get3A_4355, %get3A_4356] {strides = array<i32>} : memref<32x77xi32, #tpu.memory_space<vmem>>, vector<1x16xi32>,
    %get3A_4358 = vector.shape_cast %get3A_4357 : vector<1x16xi32> to vector<16xi32>
    %eq3A_4359 = arith.constant 265 : i32
    %eq3A_4360 = vector.broadcast %eq3A_4359 : i32 to vector<16xi32>
    %eq3A_4361 = arith.cmpi eq, %get3A_4358, %eq3A_4360 : vector<16xi32>
    %add3A_4362 = arith.constant 48 : i32
    %add3A_4363 = vector.broadcast %add3A_4362 : i32 to vector<16xi32>
    %add3A_4364 = arith.addi %add3A_4363, %iota3A : vector<16xi32>
    %jit3A_4365 = arith.constant 0 : i32
    %broadcast_in_dim3A_4366 = vector.broadcast %jit3A_4365 : i32 to vector<16xi32>
    %select_n3A_4367 = arith.select %eq3A_4361, %add3A_4364, %broadcast_in_dim3A_4366 : vector<16xi1>, vector<16xi32>
    %add3A_4368 = arith.addi %add3A_4353, %select_n3A_4367 : vector<16xi32>
    %get3A_4369 = arith.constant 21 : i32
    %get3A_4370 = arith.index_cast %get3A_4369 : i32 to index
    %get3A_4371 = arith.constant 61 : index
    %get3A_4372 = tpu.vector_load %arg10[%get3A_4370, %get3A_4371] {strides = array<i32>} : memref<32x77xi32, #tpu.memory_space<vmem>>, vector<1x16xi32>,
    %get3A_4373 = vector.shape_cast %get3A_4372 : vector<1x16xi32> to vector<16xi32>
    %eq3A_4374 = arith.constant 265 : i32
    %eq3A_4375 = vector.broadcast %eq3A_4374 : i32 to vector<16xi32>
    %eq3A_4376 = arith.cmpi eq, %get3A_4373, %eq3A_4375 : vector<16xi32>
    %ge3A_4377 = arith.constant 3 : i32
    %ge3A_4378 = vector.broadcast %ge3A_4377 : i32 to vector<16xi32>
    %ge3A_4379 = arith.cmpi sge, %iota3A, %ge3A_4378 : vector<16xi32>
    %and3A_4380 = arith.andi %eq3A_4376, %ge3A_4379 : vector<16xi1>
    %add3A_4381 = arith.constant 61 : i32
    %add3A_4382 = vector.broadcast %add3A_4381 : i32 to vector<16xi32>
    %add3A_4383 = arith.addi %add3A_4382, %iota3A : vector<16xi32>
    %jit3A_4384 = arith.constant 0 : i32
    %broadcast_in_dim3A_4385 = vector.broadcast %jit3A_4384 : i32 to vector<16xi32>
    %select_n3A_4386 = arith.select %and3A_4380, %add3A_4383, %broadcast_in_dim3A_4385 : vector<16xi1>, vector<16xi32>
    %add3A_4387 = arith.addi %add3A_4368, %select_n3A_4386 : vector<16xi32>
    %iota3A_4388 = tpu.iota {dimensions = array<i32: 0>} : vector<16xi32>
    %add3A_4389 = arith.constant 8 : i32
    %add3A_4390 = vector.broadcast %add3A_4389 : i32 to vector<16xi32>
    %add3A_4391 = arith.addi %iota3A_4388, %add3A_4390 : vector<16xi32>
    %jit3A_4392 = arith.constant 16 : i32
    %eq3A_4393 = arith.constant 0 : i32
    %eq3A_4394 = arith.cmpi eq, %jit3A_4392, %eq3A_4393 : i32
    %jit3A_4395 = arith.constant 1 : i32
    %select_n3A_4396 = arith.select %eq3A_4394, %jit3A_4395, %jit3A_4392 : i32
    %rem3A_4397 = vector.broadcast %select_n3A_4396 : i32 to vector<16xi32>
    %rem3A_4398 = arith.remsi %add3A_4391, %rem3A_4397 : vector<16xi32>
    %ne3A_4399 = arith.constant 0 : i32
    %ne3A_4400 = vector.broadcast %ne3A_4399 : i32 to vector<16xi32>
    %ne3A_4401 = arith.cmpi ne, %rem3A_4398, %ne3A_4400 : vector<16xi32>
    %lt3A_4402 = arith.constant 0 : i32
    %lt3A_4403 = vector.broadcast %lt3A_4402 : i32 to vector<16xi32>
    %lt3A_4404 = arith.cmpi slt, %rem3A_4398, %lt3A_4403 : vector<16xi32>
    %lt3A_4405 = arith.constant 0 : i32
    %lt3A_4406 = arith.cmpi slt, %select_n3A_4396, %lt3A_4405 : i32
    %ne3A_4407 = vector.broadcast %lt3A_4406 : i1 to vector<16xi1>
    %ne3A_4408 = vector.broadcast %ne3A_4407 : vector<16xi1> to vector<16xi1>
    %ne3A_4409 = arith.xori %lt3A_4404, %ne3A_4408 : vector<16xi1>
    %and3A_4410 = arith.andi %ne3A_4409, %ne3A_4401 : vector<16xi1>
    %add3A_4411 = vector.broadcast %select_n3A_4396 : i32 to vector<16xi32>
    %add3A_4412 = arith.addi %rem3A_4398, %add3A_4411 : vector<16xi32>
    %select_n3A_4413 = arith.select %and3A_4410, %add3A_4412, %rem3A_4398 : vector<16xi1>, vector<16xi32>
    %reshape3A_4414 = vector.shape_cast %select_n3A_4413 : vector<16xi32> to vector<16x1xi32>
    %gather3A_4415 = vector.shape_cast %reshape3A_4414 : vector<16x1xi32> to vector<16xi32>
    %gather3A_4416 = tpu.dynamic_gather %add3A_4387[%gather3A_4415] in [0] : vector<16xi32>, vector<16xi32> -> vector<16xi32>
    %add3A_4417 = arith.addi %add3A_4387, %gather3A_4416 : vector<16xi32>
    %iota3A_4418 = tpu.iota {dimensions = array<i32: 0>} : vector<16xi32>
    %add3A_4419 = arith.constant 4 : i32
    %add3A_4420 = vector.broadcast %add3A_4419 : i32 to vector<16xi32>
    %add3A_4421 = arith.addi %iota3A_4418, %add3A_4420 : vector<16xi32>
    %jit3A_4422 = arith.constant 16 : i32
    %eq3A_4423 = arith.constant 0 : i32
    %eq3A_4424 = arith.cmpi eq, %jit3A_4422, %eq3A_4423 : i32
    %jit3A_4425 = arith.constant 1 : i32
    %select_n3A_4426 = arith.select %eq3A_4424, %jit3A_4425, %jit3A_4422 : i32
    %rem3A_4427 = vector.broadcast %select_n3A_4426 : i32 to vector<16xi32>
    %rem3A_4428 = arith.remsi %add3A_4421, %rem3A_4427 : vector<16xi32>
    %ne3A_4429 = arith.constant 0 : i32
    %ne3A_4430 = vector.broadcast %ne3A_4429 : i32 to vector<16xi32>
    %ne3A_4431 = arith.cmpi ne, %rem3A_4428, %ne3A_4430 : vector<16xi32>
    %lt3A_4432 = arith.constant 0 : i32
    %lt3A_4433 = vector.broadcast %lt3A_4432 : i32 to vector<16xi32>
    %lt3A_4434 = arith.cmpi slt, %rem3A_4428, %lt3A_4433 : vector<16xi32>
    %lt3A_4435 = arith.constant 0 : i32
    %lt3A_4436 = arith.cmpi slt, %select_n3A_4426, %lt3A_4435 : i32
    %ne3A_4437 = vector.broadcast %lt3A_4436 : i1 to vector<16xi1>
    %ne3A_4438 = vector.broadcast %ne3A_4437 : vector<16xi1> to vector<16xi1>
    %ne3A_4439 = arith.xori %lt3A_4434, %ne3A_4438 : vector<16xi1>
    %and3A_4440 = arith.andi %ne3A_4439, %ne3A_4431 : vector<16xi1>
    %add3A_4441 = vector.broadcast %select_n3A_4426 : i32 to vector<16xi32>
    %add3A_4442 = arith.addi %rem3A_4428, %add3A_4441 : vector<16xi32>
    %select_n3A_4443 = arith.select %and3A_4440, %add3A_4442, %rem3A_4428 : vector<16xi1>, vector<16xi32>
    %reshape3A_4444 = vector.shape_cast %select_n3A_4443 : vector<16xi32> to vector<16x1xi32>
    %gather3A_4445 = vector.shape_cast %reshape3A_4444 : vector<16x1xi32> to vector<16xi32>
    %gather3A_4446 = tpu.dynamic_gather %add3A_4417[%gather3A_4445] in [0] : vector<16xi32>, vector<16xi32> -> vector<16xi32>
    %add3A_4447 = arith.addi %add3A_4417, %gather3A_4446 : vector<16xi32>
    %iota3A_4448 = tpu.iota {dimensions = array<i32: 0>} : vector<16xi32>
    %add3A_4449 = arith.constant 2 : i32
    %add3A_4450 = vector.broadcast %add3A_4449 : i32 to vector<16xi32>
    %add3A_4451 = arith.addi %iota3A_4448, %add3A_4450 : vector<16xi32>
    %jit3A_4452 = arith.constant 16 : i32
    %eq3A_4453 = arith.constant 0 : i32
    %eq3A_4454 = arith.cmpi eq, %jit3A_4452, %eq3A_4453 : i32
    %jit3A_4455 = arith.constant 1 : i32
    %select_n3A_4456 = arith.select %eq3A_4454, %jit3A_4455, %jit3A_4452 : i32
    %rem3A_4457 = vector.broadcast %select_n3A_4456 : i32 to vector<16xi32>
    %rem3A_4458 = arith.remsi %add3A_4451, %rem3A_4457 : vector<16xi32>
    %ne3A_4459 = arith.constant 0 : i32
    %ne3A_4460 = vector.broadcast %ne3A_4459 : i32 to vector<16xi32>
    %ne3A_4461 = arith.cmpi ne, %rem3A_4458, %ne3A_4460 : vector<16xi32>
    %lt3A_4462 = arith.constant 0 : i32
    %lt3A_4463 = vector.broadcast %lt3A_4462 : i32 to vector<16xi32>
    %lt3A_4464 = arith.cmpi slt, %rem3A_4458, %lt3A_4463 : vector<16xi32>
    %lt3A_4465 = arith.constant 0 : i32
    %lt3A_4466 = arith.cmpi slt, %select_n3A_4456, %lt3A_4465 : i32
    %ne3A_4467 = vector.broadcast %lt3A_4466 : i1 to vector<16xi1>
    %ne3A_4468 = vector.broadcast %ne3A_4467 : vector<16xi1> to vector<16xi1>
    %ne3A_4469 = arith.xori %lt3A_4464, %ne3A_4468 : vector<16xi1>
    %and3A_4470 = arith.andi %ne3A_4469, %ne3A_4461 : vector<16xi1>
    %add3A_4471 = vector.broadcast %select_n3A_4456 : i32 to vector<16xi32>
    %add3A_4472 = arith.addi %rem3A_4458, %add3A_4471 : vector<16xi32>
    %select_n3A_4473 = arith.select %and3A_4470, %add3A_4472, %rem3A_4458 : vector<16xi1>, vector<16xi32>
    %reshape3A_4474 = vector.shape_cast %select_n3A_4473 : vector<16xi32> to vector<16x1xi32>
    %gather3A_4475 = vector.shape_cast %reshape3A_4474 : vector<16x1xi32> to vector<16xi32>
    %gather3A_4476 = tpu.dynamic_gather %add3A_4447[%gather3A_4475] in [0] : vector<16xi32>, vector<16xi32> -> vector<16xi32>
    %add3A_4477 = arith.addi %add3A_4447, %gather3A_4476 : vector<16xi32>
    %iota3A_4478 = tpu.iota {dimensions = array<i32: 0>} : vector<16xi32>
    %add3A_4479 = arith.constant 1 : i32
    %add3A_4480 = vector.broadcast %add3A_4479 : i32 to vector<16xi32>
    %add3A_4481 = arith.addi %iota3A_4478, %add3A_4480 : vector<16xi32>
    %jit3A_4482 = arith.constant 16 : i32
    %eq3A_4483 = arith.constant 0 : i32
    %eq3A_4484 = arith.cmpi eq, %jit3A_4482, %eq3A_4483 : i32
    %jit3A_4485 = arith.constant 1 : i32
    %select_n3A_4486 = arith.select %eq3A_4484, %jit3A_4485, %jit3A_4482 : i32
    %rem3A_4487 = vector.broadcast %select_n3A_4486 : i32 to vector<16xi32>
    %rem3A_4488 = arith.remsi %add3A_4481, %rem3A_4487 : vector<16xi32>
    %ne3A_4489 = arith.constant 0 : i32
    %ne3A_4490 = vector.broadcast %ne3A_4489 : i32 to vector<16xi32>
    %ne3A_4491 = arith.cmpi ne, %rem3A_4488, %ne3A_4490 : vector<16xi32>
    %lt3A_4492 = arith.constant 0 : i32
    %lt3A_4493 = vector.broadcast %lt3A_4492 : i32 to vector<16xi32>
    %lt3A_4494 = arith.cmpi slt, %rem3A_4488, %lt3A_4493 : vector<16xi32>
    %lt3A_4495 = arith.constant 0 : i32
    %lt3A_4496 = arith.cmpi slt, %select_n3A_4486, %lt3A_4495 : i32
    %ne3A_4497 = vector.broadcast %lt3A_4496 : i1 to vector<16xi1>
    %ne3A_4498 = vector.broadcast %ne3A_4497 : vector<16xi1> to vector<16xi1>
    %ne3A_4499 = arith.xori %lt3A_4494, %ne3A_4498 : vector<16xi1>
    %and3A_4500 = arith.andi %ne3A_4499, %ne3A_4491 : vector<16xi1>
    %add3A_4501 = vector.broadcast %select_n3A_4486 : i32 to vector<16xi32>
    %add3A_4502 = arith.addi %rem3A_4488, %add3A_4501 : vector<16xi32>
    %select_n3A_4503 = arith.select %and3A_4500, %add3A_4502, %rem3A_4488 : vector<16xi1>, vector<16xi32>
    %reshape3A_4504 = vector.shape_cast %select_n3A_4503 : vector<16xi32> to vector<16x1xi32>
    %gather3A_4505 = vector.shape_cast %reshape3A_4504 : vector<16x1xi32> to vector<16xi32>
    %gather3A_4506 = tpu.dynamic_gather %add3A_4477[%gather3A_4505] in [0] : vector<16xi32>, vector<16xi32> -> vector<16xi32>
    %add3A_4507 = arith.addi %add3A_4477, %gather3A_4506 : vector<16xi32>
    %eq3A_4508 = arith.constant 5 : i32
    %eq3A_4509 = vector.broadcast %eq3A_4508 : i32 to vector<16xi32>
    %eq3A_4510 = arith.cmpi eq, %iota3A, %eq3A_4509 : vector<16xi32>
    %select_n3A_4511 = arith.select %eq3A_4510, %add3A_4507, %select_n3A_4306 : vector<16xi1>, vector<16xi32>
    %broadcast_in_dim3A_4512 = arith.constant 0 : i32
    %broadcast_in_dim3A_4513 = vector.broadcast %broadcast_in_dim3A_4512 : i32 to vector<16xi32>
    %get3A_4514 = arith.constant 22 : i32
    %get3A_4515 = arith.index_cast %get3A_4514 : i32 to index
    %get3A_4516 = arith.constant 0 : index
    %get3A_4517 = tpu.vector_load %arg10[%get3A_4515, %get3A_4516] {strides = array<i32>} : memref<32x77xi32, #tpu.memory_space<vmem>>, vector<1x16xi32>,
    %get3A_4518 = vector.shape_cast %get3A_4517 : vector<1x16xi32> to vector<16xi32>
    %eq3A_4519 = arith.constant 265 : i32
    %eq3A_4520 = vector.broadcast %eq3A_4519 : i32 to vector<16xi32>
    %eq3A_4521 = arith.cmpi eq, %get3A_4518, %eq3A_4520 : vector<16xi32>
    %add3A_4522 = arith.constant 0 : i32
    %add3A_4523 = vector.broadcast %add3A_4522 : i32 to vector<16xi32>
    %add3A_4524 = arith.addi %add3A_4523, %iota3A : vector<16xi32>
    %jit3A_4525 = arith.constant 0 : i32
    %broadcast_in_dim3A_4526 = vector.broadcast %jit3A_4525 : i32 to vector<16xi32>
    %select_n3A_4527 = arith.select %eq3A_4521, %add3A_4524, %broadcast_in_dim3A_4526 : vector<16xi1>, vector<16xi32>
    %add3A_4528 = arith.addi %broadcast_in_dim3A_4513, %select_n3A_4527 : vector<16xi32>
    %get3A_4529 = arith.constant 22 : i32
    %get3A_4530 = arith.index_cast %get3A_4529 : i32 to index
    %get3A_4531 = arith.constant 16 : index
    %get3A_4532 = tpu.vector_load %arg10[%get3A_4530, %get3A_4531] {strides = array<i32>} : memref<32x77xi32, #tpu.memory_space<vmem>>, vector<1x16xi32>,
    %get3A_4533 = vector.shape_cast %get3A_4532 : vector<1x16xi32> to vector<16xi32>
    %eq3A_4534 = arith.constant 265 : i32
    %eq3A_4535 = vector.broadcast %eq3A_4534 : i32 to vector<16xi32>
    %eq3A_4536 = arith.cmpi eq, %get3A_4533, %eq3A_4535 : vector<16xi32>
    %add3A_4537 = arith.constant 16 : i32
    %add3A_4538 = vector.broadcast %add3A_4537 : i32 to vector<16xi32>
    %add3A_4539 = arith.addi %add3A_4538, %iota3A : vector<16xi32>
    %jit3A_4540 = arith.constant 0 : i32
    %broadcast_in_dim3A_4541 = vector.broadcast %jit3A_4540 : i32 to vector<16xi32>
    %select_n3A_4542 = arith.select %eq3A_4536, %add3A_4539, %broadcast_in_dim3A_4541 : vector<16xi1>, vector<16xi32>
    %add3A_4543 = arith.addi %add3A_4528, %select_n3A_4542 : vector<16xi32>
    %get3A_4544 = arith.constant 22 : i32
    %get3A_4545 = arith.index_cast %get3A_4544 : i32 to index
    %get3A_4546 = arith.constant 32 : index
    %get3A_4547 = tpu.vector_load %arg10[%get3A_4545, %get3A_4546] {strides = array<i32>} : memref<32x77xi32, #tpu.memory_space<vmem>>, vector<1x16xi32>,
    %get3A_4548 = vector.shape_cast %get3A_4547 : vector<1x16xi32> to vector<16xi32>
    %eq3A_4549 = arith.constant 265 : i32
    %eq3A_4550 = vector.broadcast %eq3A_4549 : i32 to vector<16xi32>
    %eq3A_4551 = arith.cmpi eq, %get3A_4548, %eq3A_4550 : vector<16xi32>
    %add3A_4552 = arith.constant 32 : i32
    %add3A_4553 = vector.broadcast %add3A_4552 : i32 to vector<16xi32>
    %add3A_4554 = arith.addi %add3A_4553, %iota3A : vector<16xi32>
    %jit3A_4555 = arith.constant 0 : i32
    %broadcast_in_dim3A_4556 = vector.broadcast %jit3A_4555 : i32 to vector<16xi32>
    %select_n3A_4557 = arith.select %eq3A_4551, %add3A_4554, %broadcast_in_dim3A_4556 : vector<16xi1>, vector<16xi32>
    %add3A_4558 = arith.addi %add3A_4543, %select_n3A_4557 : vector<16xi32>
    %get3A_4559 = arith.constant 22 : i32
    %get3A_4560 = arith.index_cast %get3A_4559 : i32 to index
    %get3A_4561 = arith.constant 48 : index
    %get3A_4562 = tpu.vector_load %arg10[%get3A_4560, %get3A_4561] {strides = array<i32>} : memref<32x77xi32, #tpu.memory_space<vmem>>, vector<1x16xi32>,
    %get3A_4563 = vector.shape_cast %get3A_4562 : vector<1x16xi32> to vector<16xi32>
    %eq3A_4564 = arith.constant 265 : i32
    %eq3A_4565 = vector.broadcast %eq3A_4564 : i32 to vector<16xi32>
    %eq3A_4566 = arith.cmpi eq, %get3A_4563, %eq3A_4565 : vector<16xi32>
    %add3A_4567 = arith.constant 48 : i32
    %add3A_4568 = vector.broadcast %add3A_4567 : i32 to vector<16xi32>
    %add3A_4569 = arith.addi %add3A_4568, %iota3A : vector<16xi32>
    %jit3A_4570 = arith.constant 0 : i32
    %broadcast_in_dim3A_4571 = vector.broadcast %jit3A_4570 : i32 to vector<16xi32>
    %select_n3A_4572 = arith.select %eq3A_4566, %add3A_4569, %broadcast_in_dim3A_4571 : vector<16xi1>, vector<16xi32>
    %add3A_4573 = arith.addi %add3A_4558, %select_n3A_4572 : vector<16xi32>
    %get3A_4574 = arith.constant 22 : i32
    %get3A_4575 = arith.index_cast %get3A_4574 : i32 to index
    %get3A_4576 = arith.constant 61 : index
    %get3A_4577 = tpu.vector_load %arg10[%get3A_4575, %get3A_4576] {strides = array<i32>} : memref<32x77xi32, #tpu.memory_space<vmem>>, vector<1x16xi32>,
    %get3A_4578 = vector.shape_cast %get3A_4577 : vector<1x16xi32> to vector<16xi32>
    %eq3A_4579 = arith.constant 265 : i32
    %eq3A_4580 = vector.broadcast %eq3A_4579 : i32 to vector<16xi32>
    %eq3A_4581 = arith.cmpi eq, %get3A_4578, %eq3A_4580 : vector<16xi32>
    %ge3A_4582 = arith.constant 3 : i32
    %ge3A_4583 = vector.broadcast %ge3A_4582 : i32 to vector<16xi32>
    %ge3A_4584 = arith.cmpi sge, %iota3A, %ge3A_4583 : vector<16xi32>
    %and3A_4585 = arith.andi %eq3A_4581, %ge3A_4584 : vector<16xi1>
    %add3A_4586 = arith.constant 61 : i32
    %add3A_4587 = vector.broadcast %add3A_4586 : i32 to vector<16xi32>
    %add3A_4588 = arith.addi %add3A_4587, %iota3A : vector<16xi32>
    %jit3A_4589 = arith.constant 0 : i32
    %broadcast_in_dim3A_4590 = vector.broadcast %jit3A_4589 : i32 to vector<16xi32>
    %select_n3A_4591 = arith.select %and3A_4585, %add3A_4588, %broadcast_in_dim3A_4590 : vector<16xi1>, vector<16xi32>
    %add3A_4592 = arith.addi %add3A_4573, %select_n3A_4591 : vector<16xi32>
    %iota3A_4593 = tpu.iota {dimensions = array<i32: 0>} : vector<16xi32>
    %add3A_4594 = arith.constant 8 : i32
    %add3A_4595 = vector.broadcast %add3A_4594 : i32 to vector<16xi32>
    %add3A_4596 = arith.addi %iota3A_4593, %add3A_4595 : vector<16xi32>
    %jit3A_4597 = arith.constant 16 : i32
    %eq3A_4598 = arith.constant 0 : i32
    %eq3A_4599 = arith.cmpi eq, %jit3A_4597, %eq3A_4598 : i32
    %jit3A_4600 = arith.constant 1 : i32
    %select_n3A_4601 = arith.select %eq3A_4599, %jit3A_4600, %jit3A_4597 : i32
    %rem3A_4602 = vector.broadcast %select_n3A_4601 : i32 to vector<16xi32>
    %rem3A_4603 = arith.remsi %add3A_4596, %rem3A_4602 : vector<16xi32>
    %ne3A_4604 = arith.constant 0 : i32
    %ne3A_4605 = vector.broadcast %ne3A_4604 : i32 to vector<16xi32>
    %ne3A_4606 = arith.cmpi ne, %rem3A_4603, %ne3A_4605 : vector<16xi32>
    %lt3A_4607 = arith.constant 0 : i32
    %lt3A_4608 = vector.broadcast %lt3A_4607 : i32 to vector<16xi32>
    %lt3A_4609 = arith.cmpi slt, %rem3A_4603, %lt3A_4608 : vector<16xi32>
    %lt3A_4610 = arith.constant 0 : i32
    %lt3A_4611 = arith.cmpi slt, %select_n3A_4601, %lt3A_4610 : i32
    %ne3A_4612 = vector.broadcast %lt3A_4611 : i1 to vector<16xi1>
    %ne3A_4613 = vector.broadcast %ne3A_4612 : vector<16xi1> to vector<16xi1>
    %ne3A_4614 = arith.xori %lt3A_4609, %ne3A_4613 : vector<16xi1>
    %and3A_4615 = arith.andi %ne3A_4614, %ne3A_4606 : vector<16xi1>
    %add3A_4616 = vector.broadcast %select_n3A_4601 : i32 to vector<16xi32>
    %add3A_4617 = arith.addi %rem3A_4603, %add3A_4616 : vector<16xi32>
    %select_n3A_4618 = arith.select %and3A_4615, %add3A_4617, %rem3A_4603 : vector<16xi1>, vector<16xi32>
    %reshape3A_4619 = vector.shape_cast %select_n3A_4618 : vector<16xi32> to vector<16x1xi32>
    %gather3A_4620 = vector.shape_cast %reshape3A_4619 : vector<16x1xi32> to vector<16xi32>
    %gather3A_4621 = tpu.dynamic_gather %add3A_4592[%gather3A_4620] in [0] : vector<16xi32>, vector<16xi32> -> vector<16xi32>
    %add3A_4622 = arith.addi %add3A_4592, %gather3A_4621 : vector<16xi32>
    %iota3A_4623 = tpu.iota {dimensions = array<i32: 0>} : vector<16xi32>
    %add3A_4624 = arith.constant 4 : i32
    %add3A_4625 = vector.broadcast %add3A_4624 : i32 to vector<16xi32>
    %add3A_4626 = arith.addi %iota3A_4623, %add3A_4625 : vector<16xi32>
    %jit3A_4627 = arith.constant 16 : i32
    %eq3A_4628 = arith.constant 0 : i32
    %eq3A_4629 = arith.cmpi eq, %jit3A_4627, %eq3A_4628 : i32
    %jit3A_4630 = arith.constant 1 : i32
    %select_n3A_4631 = arith.select %eq3A_4629, %jit3A_4630, %jit3A_4627 : i32
    %rem3A_4632 = vector.broadcast %select_n3A_4631 : i32 to vector<16xi32>
    %rem3A_4633 = arith.remsi %add3A_4626, %rem3A_4632 : vector<16xi32>
    %ne3A_4634 = arith.constant 0 : i32
    %ne3A_4635 = vector.broadcast %ne3A_4634 : i32 to vector<16xi32>
    %ne3A_4636 = arith.cmpi ne, %rem3A_4633, %ne3A_4635 : vector<16xi32>
    %lt3A_4637 = arith.constant 0 : i32
    %lt3A_4638 = vector.broadcast %lt3A_4637 : i32 to vector<16xi32>
    %lt3A_4639 = arith.cmpi slt, %rem3A_4633, %lt3A_4638 : vector<16xi32>
    %lt3A_4640 = arith.constant 0 : i32
    %lt3A_4641 = arith.cmpi slt, %select_n3A_4631, %lt3A_4640 : i32
    %ne3A_4642 = vector.broadcast %lt3A_4641 : i1 to vector<16xi1>
    %ne3A_4643 = vector.broadcast %ne3A_4642 : vector<16xi1> to vector<16xi1>
    %ne3A_4644 = arith.xori %lt3A_4639, %ne3A_4643 : vector<16xi1>
    %and3A_4645 = arith.andi %ne3A_4644, %ne3A_4636 : vector<16xi1>
    %add3A_4646 = vector.broadcast %select_n3A_4631 : i32 to vector<16xi32>
    %add3A_4647 = arith.addi %rem3A_4633, %add3A_4646 : vector<16xi32>
    %select_n3A_4648 = arith.select %and3A_4645, %add3A_4647, %rem3A_4633 : vector<16xi1>, vector<16xi32>
    %reshape3A_4649 = vector.shape_cast %select_n3A_4648 : vector<16xi32> to vector<16x1xi32>
    %gather3A_4650 = vector.shape_cast %reshape3A_4649 : vector<16x1xi32> to vector<16xi32>
    %gather3A_4651 = tpu.dynamic_gather %add3A_4622[%gather3A_4650] in [0] : vector<16xi32>, vector<16xi32> -> vector<16xi32>
    %add3A_4652 = arith.addi %add3A_4622, %gather3A_4651 : vector<16xi32>
    %iota3A_4653 = tpu.iota {dimensions = array<i32: 0>} : vector<16xi32>
    %add3A_4654 = arith.constant 2 : i32
    %add3A_4655 = vector.broadcast %add3A_4654 : i32 to vector<16xi32>
    %add3A_4656 = arith.addi %iota3A_4653, %add3A_4655 : vector<16xi32>
    %jit3A_4657 = arith.constant 16 : i32
    %eq3A_4658 = arith.constant 0 : i32
    %eq3A_4659 = arith.cmpi eq, %jit3A_4657, %eq3A_4658 : i32
    %jit3A_4660 = arith.constant 1 : i32
    %select_n3A_4661 = arith.select %eq3A_4659, %jit3A_4660, %jit3A_4657 : i32
    %rem3A_4662 = vector.broadcast %select_n3A_4661 : i32 to vector<16xi32>
    %rem3A_4663 = arith.remsi %add3A_4656, %rem3A_4662 : vector<16xi32>
    %ne3A_4664 = arith.constant 0 : i32
    %ne3A_4665 = vector.broadcast %ne3A_4664 : i32 to vector<16xi32>
    %ne3A_4666 = arith.cmpi ne, %rem3A_4663, %ne3A_4665 : vector<16xi32>
    %lt3A_4667 = arith.constant 0 : i32
    %lt3A_4668 = vector.broadcast %lt3A_4667 : i32 to vector<16xi32>
    %lt3A_4669 = arith.cmpi slt, %rem3A_4663, %lt3A_4668 : vector<16xi32>
    %lt3A_4670 = arith.constant 0 : i32
    %lt3A_4671 = arith.cmpi slt, %select_n3A_4661, %lt3A_4670 : i32
    %ne3A_4672 = vector.broadcast %lt3A_4671 : i1 to vector<16xi1>
    %ne3A_4673 = vector.broadcast %ne3A_4672 : vector<16xi1> to vector<16xi1>
    %ne3A_4674 = arith.xori %lt3A_4669, %ne3A_4673 : vector<16xi1>
    %and3A_4675 = arith.andi %ne3A_4674, %ne3A_4666 : vector<16xi1>
    %add3A_4676 = vector.broadcast %select_n3A_4661 : i32 to vector<16xi32>
    %add3A_4677 = arith.addi %rem3A_4663, %add3A_4676 : vector<16xi32>
    %select_n3A_4678 = arith.select %and3A_4675, %add3A_4677, %rem3A_4663 : vector<16xi1>, vector<16xi32>
    %reshape3A_4679 = vector.shape_cast %select_n3A_4678 : vector<16xi32> to vector<16x1xi32>
    %gather3A_4680 = vector.shape_cast %reshape3A_4679 : vector<16x1xi32> to vector<16xi32>
    %gather3A_4681 = tpu.dynamic_gather %add3A_4652[%gather3A_4680] in [0] : vector<16xi32>, vector<16xi32> -> vector<16xi32>
    %add3A_4682 = arith.addi %add3A_4652, %gather3A_4681 : vector<16xi32>
    %iota3A_4683 = tpu.iota {dimensions = array<i32: 0>} : vector<16xi32>
    %add3A_4684 = arith.constant 1 : i32
    %add3A_4685 = vector.broadcast %add3A_4684 : i32 to vector<16xi32>
    %add3A_4686 = arith.addi %iota3A_4683, %add3A_4685 : vector<16xi32>
    %jit3A_4687 = arith.constant 16 : i32
    %eq3A_4688 = arith.constant 0 : i32
    %eq3A_4689 = arith.cmpi eq, %jit3A_4687, %eq3A_4688 : i32
    %jit3A_4690 = arith.constant 1 : i32
    %select_n3A_4691 = arith.select %eq3A_4689, %jit3A_4690, %jit3A_4687 : i32
    %rem3A_4692 = vector.broadcast %select_n3A_4691 : i32 to vector<16xi32>
    %rem3A_4693 = arith.remsi %add3A_4686, %rem3A_4692 : vector<16xi32>
    %ne3A_4694 = arith.constant 0 : i32
    %ne3A_4695 = vector.broadcast %ne3A_4694 : i32 to vector<16xi32>
    %ne3A_4696 = arith.cmpi ne, %rem3A_4693, %ne3A_4695 : vector<16xi32>
    %lt3A_4697 = arith.constant 0 : i32
    %lt3A_4698 = vector.broadcast %lt3A_4697 : i32 to vector<16xi32>
    %lt3A_4699 = arith.cmpi slt, %rem3A_4693, %lt3A_4698 : vector<16xi32>
    %lt3A_4700 = arith.constant 0 : i32
    %lt3A_4701 = arith.cmpi slt, %select_n3A_4691, %lt3A_4700 : i32
    %ne3A_4702 = vector.broadcast %lt3A_4701 : i1 to vector<16xi1>
    %ne3A_4703 = vector.broadcast %ne3A_4702 : vector<16xi1> to vector<16xi1>
    %ne3A_4704 = arith.xori %lt3A_4699, %ne3A_4703 : vector<16xi1>
    %and3A_4705 = arith.andi %ne3A_4704, %ne3A_4696 : vector<16xi1>
    %add3A_4706 = vector.broadcast %select_n3A_4691 : i32 to vector<16xi32>
    %add3A_4707 = arith.addi %rem3A_4693, %add3A_4706 : vector<16xi32>
    %select_n3A_4708 = arith.select %and3A_4705, %add3A_4707, %rem3A_4693 : vector<16xi1>, vector<16xi32>
    %reshape3A_4709 = vector.shape_cast %select_n3A_4708 : vector<16xi32> to vector<16x1xi32>
    %gather3A_4710 = vector.shape_cast %reshape3A_4709 : vector<16x1xi32> to vector<16xi32>
    %gather3A_4711 = tpu.dynamic_gather %add3A_4682[%gather3A_4710] in [0] : vector<16xi32>, vector<16xi32> -> vector<16xi32>
    %add3A_4712 = arith.addi %add3A_4682, %gather3A_4711 : vector<16xi32>
    %eq3A_4713 = arith.constant 6 : i32
    %eq3A_4714 = vector.broadcast %eq3A_4713 : i32 to vector<16xi32>
    %eq3A_4715 = arith.cmpi eq, %iota3A, %eq3A_4714 : vector<16xi32>
    %select_n3A_4716 = arith.select %eq3A_4715, %add3A_4712, %select_n3A_4511 : vector<16xi1>, vector<16xi32>
    %broadcast_in_dim3A_4717 = arith.constant 0 : i32
    %broadcast_in_dim3A_4718 = vector.broadcast %broadcast_in_dim3A_4717 : i32 to vector<16xi32>
    %get3A_4719 = arith.constant 23 : i32
    %get3A_4720 = arith.index_cast %get3A_4719 : i32 to index
    %get3A_4721 = arith.constant 0 : index
    %get3A_4722 = tpu.vector_load %arg10[%get3A_4720, %get3A_4721] {strides = array<i32>} : memref<32x77xi32, #tpu.memory_space<vmem>>, vector<1x16xi32>,
    %get3A_4723 = vector.shape_cast %get3A_4722 : vector<1x16xi32> to vector<16xi32>
    %eq3A_4724 = arith.constant 265 : i32
    %eq3A_4725 = vector.broadcast %eq3A_4724 : i32 to vector<16xi32>
    %eq3A_4726 = arith.cmpi eq, %get3A_4723, %eq3A_4725 : vector<16xi32>
    %add3A_4727 = arith.constant 0 : i32
    %add3A_4728 = vector.broadcast %add3A_4727 : i32 to vector<16xi32>
    %add3A_4729 = arith.addi %add3A_4728, %iota3A : vector<16xi32>
    %jit3A_4730 = arith.constant 0 : i32
    %broadcast_in_dim3A_4731 = vector.broadcast %jit3A_4730 : i32 to vector<16xi32>
    %select_n3A_4732 = arith.select %eq3A_4726, %add3A_4729, %broadcast_in_dim3A_4731 : vector<16xi1>, vector<16xi32>
    %add3A_4733 = arith.addi %broadcast_in_dim3A_4718, %select_n3A_4732 : vector<16xi32>
    %get3A_4734 = arith.constant 23 : i32
    %get3A_4735 = arith.index_cast %get3A_4734 : i32 to index
    %get3A_4736 = arith.constant 16 : index
    %get3A_4737 = tpu.vector_load %arg10[%get3A_4735, %get3A_4736] {strides = array<i32>} : memref<32x77xi32, #tpu.memory_space<vmem>>, vector<1x16xi32>,
    %get3A_4738 = vector.shape_cast %get3A_4737 : vector<1x16xi32> to vector<16xi32>
    %eq3A_4739 = arith.constant 265 : i32
    %eq3A_4740 = vector.broadcast %eq3A_4739 : i32 to vector<16xi32>
    %eq3A_4741 = arith.cmpi eq, %get3A_4738, %eq3A_4740 : vector<16xi32>
    %add3A_4742 = arith.constant 16 : i32
    %add3A_4743 = vector.broadcast %add3A_4742 : i32 to vector<16xi32>
    %add3A_4744 = arith.addi %add3A_4743, %iota3A : vector<16xi32>
    %jit3A_4745 = arith.constant 0 : i32
    %broadcast_in_dim3A_4746 = vector.broadcast %jit3A_4745 : i32 to vector<16xi32>
    %select_n3A_4747 = arith.select %eq3A_4741, %add3A_4744, %broadcast_in_dim3A_4746 : vector<16xi1>, vector<16xi32>
    %add3A_4748 = arith.addi %add3A_4733, %select_n3A_4747 : vector<16xi32>
    %get3A_4749 = arith.constant 23 : i32
    %get3A_4750 = arith.index_cast %get3A_4749 : i32 to index
    %get3A_4751 = arith.constant 32 : index
    %get3A_4752 = tpu.vector_load %arg10[%get3A_4750, %get3A_4751] {strides = array<i32>} : memref<32x77xi32, #tpu.memory_space<vmem>>, vector<1x16xi32>,
    %get3A_4753 = vector.shape_cast %get3A_4752 : vector<1x16xi32> to vector<16xi32>
    %eq3A_4754 = arith.constant 265 : i32
    %eq3A_4755 = vector.broadcast %eq3A_4754 : i32 to vector<16xi32>
    %eq3A_4756 = arith.cmpi eq, %get3A_4753, %eq3A_4755 : vector<16xi32>
    %add3A_4757 = arith.constant 32 : i32
    %add3A_4758 = vector.broadcast %add3A_4757 : i32 to vector<16xi32>
    %add3A_4759 = arith.addi %add3A_4758, %iota3A : vector<16xi32>
    %jit3A_4760 = arith.constant 0 : i32
    %broadcast_in_dim3A_4761 = vector.broadcast %jit3A_4760 : i32 to vector<16xi32>
    %select_n3A_4762 = arith.select %eq3A_4756, %add3A_4759, %broadcast_in_dim3A_4761 : vector<16xi1>, vector<16xi32>
    %add3A_4763 = arith.addi %add3A_4748, %select_n3A_4762 : vector<16xi32>
    %get3A_4764 = arith.constant 23 : i32
    %get3A_4765 = arith.index_cast %get3A_4764 : i32 to index
    %get3A_4766 = arith.constant 48 : index
    %get3A_4767 = tpu.vector_load %arg10[%get3A_4765, %get3A_4766] {strides = array<i32>} : memref<32x77xi32, #tpu.memory_space<vmem>>, vector<1x16xi32>,
    %get3A_4768 = vector.shape_cast %get3A_4767 : vector<1x16xi32> to vector<16xi32>
    %eq3A_4769 = arith.constant 265 : i32
    %eq3A_4770 = vector.broadcast %eq3A_4769 : i32 to vector<16xi32>
    %eq3A_4771 = arith.cmpi eq, %get3A_4768, %eq3A_4770 : vector<16xi32>
    %add3A_4772 = arith.constant 48 : i32
    %add3A_4773 = vector.broadcast %add3A_4772 : i32 to vector<16xi32>
    %add3A_4774 = arith.addi %add3A_4773, %iota3A : vector<16xi32>
    %jit3A_4775 = arith.constant 0 : i32
    %broadcast_in_dim3A_4776 = vector.broadcast %jit3A_4775 : i32 to vector<16xi32>
    %select_n3A_4777 = arith.select %eq3A_4771, %add3A_4774, %broadcast_in_dim3A_4776 : vector<16xi1>, vector<16xi32>
    %add3A_4778 = arith.addi %add3A_4763, %select_n3A_4777 : vector<16xi32>
    %get3A_4779 = arith.constant 23 : i32
    %get3A_4780 = arith.index_cast %get3A_4779 : i32 to index
    %get3A_4781 = arith.constant 61 : index
    %get3A_4782 = tpu.vector_load %arg10[%get3A_4780, %get3A_4781] {strides = array<i32>} : memref<32x77xi32, #tpu.memory_space<vmem>>, vector<1x16xi32>,
    %get3A_4783 = vector.shape_cast %get3A_4782 : vector<1x16xi32> to vector<16xi32>
    %eq3A_4784 = arith.constant 265 : i32
    %eq3A_4785 = vector.broadcast %eq3A_4784 : i32 to vector<16xi32>
    %eq3A_4786 = arith.cmpi eq, %get3A_4783, %eq3A_4785 : vector<16xi32>
    %ge3A_4787 = arith.constant 3 : i32
    %ge3A_4788 = vector.broadcast %ge3A_4787 : i32 to vector<16xi32>
    %ge3A_4789 = arith.cmpi sge, %iota3A, %ge3A_4788 : vector<16xi32>
    %and3A_4790 = arith.andi %eq3A_4786, %ge3A_4789 : vector<16xi1>
    %add3A_4791 = arith.constant 61 : i32
    %add3A_4792 = vector.broadcast %add3A_4791 : i32 to vector<16xi32>
    %add3A_4793 = arith.addi %add3A_4792, %iota3A : vector<16xi32>
    %jit3A_4794 = arith.constant 0 : i32
    %broadcast_in_dim3A_4795 = vector.broadcast %jit3A_4794 : i32 to vector<16xi32>
    %select_n3A_4796 = arith.select %and3A_4790, %add3A_4793, %broadcast_in_dim3A_4795 : vector<16xi1>, vector<16xi32>
    %add3A_4797 = arith.addi %add3A_4778, %select_n3A_4796 : vector<16xi32>
    %iota3A_4798 = tpu.iota {dimensions = array<i32: 0>} : vector<16xi32>
    %add3A_4799 = arith.constant 8 : i32
    %add3A_4800 = vector.broadcast %add3A_4799 : i32 to vector<16xi32>
    %add3A_4801 = arith.addi %iota3A_4798, %add3A_4800 : vector<16xi32>
    %jit3A_4802 = arith.constant 16 : i32
    %eq3A_4803 = arith.constant 0 : i32
    %eq3A_4804 = arith.cmpi eq, %jit3A_4802, %eq3A_4803 : i32
    %jit3A_4805 = arith.constant 1 : i32
    %select_n3A_4806 = arith.select %eq3A_4804, %jit3A_4805, %jit3A_4802 : i32
    %rem3A_4807 = vector.broadcast %select_n3A_4806 : i32 to vector<16xi32>
    %rem3A_4808 = arith.remsi %add3A_4801, %rem3A_4807 : vector<16xi32>
    %ne3A_4809 = arith.constant 0 : i32
    %ne3A_4810 = vector.broadcast %ne3A_4809 : i32 to vector<16xi32>
    %ne3A_4811 = arith.cmpi ne, %rem3A_4808, %ne3A_4810 : vector<16xi32>
    %lt3A_4812 = arith.constant 0 : i32
    %lt3A_4813 = vector.broadcast %lt3A_4812 : i32 to vector<16xi32>
    %lt3A_4814 = arith.cmpi slt, %rem3A_4808, %lt3A_4813 : vector<16xi32>
    %lt3A_4815 = arith.constant 0 : i32
    %lt3A_4816 = arith.cmpi slt, %select_n3A_4806, %lt3A_4815 : i32
    %ne3A_4817 = vector.broadcast %lt3A_4816 : i1 to vector<16xi1>
    %ne3A_4818 = vector.broadcast %ne3A_4817 : vector<16xi1> to vector<16xi1>
    %ne3A_4819 = arith.xori %lt3A_4814, %ne3A_4818 : vector<16xi1>
    %and3A_4820 = arith.andi %ne3A_4819, %ne3A_4811 : vector<16xi1>
    %add3A_4821 = vector.broadcast %select_n3A_4806 : i32 to vector<16xi32>
    %add3A_4822 = arith.addi %rem3A_4808, %add3A_4821 : vector<16xi32>
    %select_n3A_4823 = arith.select %and3A_4820, %add3A_4822, %rem3A_4808 : vector<16xi1>, vector<16xi32>
    %reshape3A_4824 = vector.shape_cast %select_n3A_4823 : vector<16xi32> to vector<16x1xi32>
    %gather3A_4825 = vector.shape_cast %reshape3A_4824 : vector<16x1xi32> to vector<16xi32>
    %gather3A_4826 = tpu.dynamic_gather %add3A_4797[%gather3A_4825] in [0] : vector<16xi32>, vector<16xi32> -> vector<16xi32>
    %add3A_4827 = arith.addi %add3A_4797, %gather3A_4826 : vector<16xi32>
    %iota3A_4828 = tpu.iota {dimensions = array<i32: 0>} : vector<16xi32>
    %add3A_4829 = arith.constant 4 : i32
    %add3A_4830 = vector.broadcast %add3A_4829 : i32 to vector<16xi32>
    %add3A_4831 = arith.addi %iota3A_4828, %add3A_4830 : vector<16xi32>
    %jit3A_4832 = arith.constant 16 : i32
    %eq3A_4833 = arith.constant 0 : i32
    %eq3A_4834 = arith.cmpi eq, %jit3A_4832, %eq3A_4833 : i32
    %jit3A_4835 = arith.constant 1 : i32
    %select_n3A_4836 = arith.select %eq3A_4834, %jit3A_4835, %jit3A_4832 : i32
    %rem3A_4837 = vector.broadcast %select_n3A_4836 : i32 to vector<16xi32>
    %rem3A_4838 = arith.remsi %add3A_4831, %rem3A_4837 : vector<16xi32>
    %ne3A_4839 = arith.constant 0 : i32
    %ne3A_4840 = vector.broadcast %ne3A_4839 : i32 to vector<16xi32>
    %ne3A_4841 = arith.cmpi ne, %rem3A_4838, %ne3A_4840 : vector<16xi32>
    %lt3A_4842 = arith.constant 0 : i32
    %lt3A_4843 = vector.broadcast %lt3A_4842 : i32 to vector<16xi32>
    %lt3A_4844 = arith.cmpi slt, %rem3A_4838, %lt3A_4843 : vector<16xi32>
    %lt3A_4845 = arith.constant 0 : i32
    %lt3A_4846 = arith.cmpi slt, %select_n3A_4836, %lt3A_4845 : i32
    %ne3A_4847 = vector.broadcast %lt3A_4846 : i1 to vector<16xi1>
    %ne3A_4848 = vector.broadcast %ne3A_4847 : vector<16xi1> to vector<16xi1>
    %ne3A_4849 = arith.xori %lt3A_4844, %ne3A_4848 : vector<16xi1>
    %and3A_4850 = arith.andi %ne3A_4849, %ne3A_4841 : vector<16xi1>
    %add3A_4851 = vector.broadcast %select_n3A_4836 : i32 to vector<16xi32>
    %add3A_4852 = arith.addi %rem3A_4838, %add3A_4851 : vector<16xi32>
    %select_n3A_4853 = arith.select %and3A_4850, %add3A_4852, %rem3A_4838 : vector<16xi1>, vector<16xi32>
    %reshape3A_4854 = vector.shape_cast %select_n3A_4853 : vector<16xi32> to vector<16x1xi32>
    %gather3A_4855 = vector.shape_cast %reshape3A_4854 : vector<16x1xi32> to vector<16xi32>
    %gather3A_4856 = tpu.dynamic_gather %add3A_4827[%gather3A_4855] in [0] : vector<16xi32>, vector<16xi32> -> vector<16xi32>
    %add3A_4857 = arith.addi %add3A_4827, %gather3A_4856 : vector<16xi32>
    %iota3A_4858 = tpu.iota {dimensions = array<i32: 0>} : vector<16xi32>
    %add3A_4859 = arith.constant 2 : i32
    %add3A_4860 = vector.broadcast %add3A_4859 : i32 to vector<16xi32>
    %add3A_4861 = arith.addi %iota3A_4858, %add3A_4860 : vector<16xi32>
    %jit3A_4862 = arith.constant 16 : i32
    %eq3A_4863 = arith.constant 0 : i32
    %eq3A_4864 = arith.cmpi eq, %jit3A_4862, %eq3A_4863 : i32
    %jit3A_4865 = arith.constant 1 : i32
    %select_n3A_4866 = arith.select %eq3A_4864, %jit3A_4865, %jit3A_4862 : i32
    %rem3A_4867 = vector.broadcast %select_n3A_4866 : i32 to vector<16xi32>
    %rem3A_4868 = arith.remsi %add3A_4861, %rem3A_4867 : vector<16xi32>
    %ne3A_4869 = arith.constant 0 : i32
    %ne3A_4870 = vector.broadcast %ne3A_4869 : i32 to vector<16xi32>
    %ne3A_4871 = arith.cmpi ne, %rem3A_4868, %ne3A_4870 : vector<16xi32>
    %lt3A_4872 = arith.constant 0 : i32
    %lt3A_4873 = vector.broadcast %lt3A_4872 : i32 to vector<16xi32>
    %lt3A_4874 = arith.cmpi slt, %rem3A_4868, %lt3A_4873 : vector<16xi32>
    %lt3A_4875 = arith.constant 0 : i32
    %lt3A_4876 = arith.cmpi slt, %select_n3A_4866, %lt3A_4875 : i32
    %ne3A_4877 = vector.broadcast %lt3A_4876 : i1 to vector<16xi1>
    %ne3A_4878 = vector.broadcast %ne3A_4877 : vector<16xi1> to vector<16xi1>
    %ne3A_4879 = arith.xori %lt3A_4874, %ne3A_4878 : vector<16xi1>
    %and3A_4880 = arith.andi %ne3A_4879, %ne3A_4871 : vector<16xi1>
    %add3A_4881 = vector.broadcast %select_n3A_4866 : i32 to vector<16xi32>
    %add3A_4882 = arith.addi %rem3A_4868, %add3A_4881 : vector<16xi32>
    %select_n3A_4883 = arith.select %and3A_4880, %add3A_4882, %rem3A_4868 : vector<16xi1>, vector<16xi32>
    %reshape3A_4884 = vector.shape_cast %select_n3A_4883 : vector<16xi32> to vector<16x1xi32>
    %gather3A_4885 = vector.shape_cast %reshape3A_4884 : vector<16x1xi32> to vector<16xi32>
    %gather3A_4886 = tpu.dynamic_gather %add3A_4857[%gather3A_4885] in [0] : vector<16xi32>, vector<16xi32> -> vector<16xi32>
    %add3A_4887 = arith.addi %add3A_4857, %gather3A_4886 : vector<16xi32>
    %iota3A_4888 = tpu.iota {dimensions = array<i32: 0>} : vector<16xi32>
    %add3A_4889 = arith.constant 1 : i32
    %add3A_4890 = vector.broadcast %add3A_4889 : i32 to vector<16xi32>
    %add3A_4891 = arith.addi %iota3A_4888, %add3A_4890 : vector<16xi32>
    %jit3A_4892 = arith.constant 16 : i32
    %eq3A_4893 = arith.constant 0 : i32
    %eq3A_4894 = arith.cmpi eq, %jit3A_4892, %eq3A_4893 : i32
    %jit3A_4895 = arith.constant 1 : i32
    %select_n3A_4896 = arith.select %eq3A_4894, %jit3A_4895, %jit3A_4892 : i32
    %rem3A_4897 = vector.broadcast %select_n3A_4896 : i32 to vector<16xi32>
    %rem3A_4898 = arith.remsi %add3A_4891, %rem3A_4897 : vector<16xi32>
    %ne3A_4899 = arith.constant 0 : i32
    %ne3A_4900 = vector.broadcast %ne3A_4899 : i32 to vector<16xi32>
    %ne3A_4901 = arith.cmpi ne, %rem3A_4898, %ne3A_4900 : vector<16xi32>
    %lt3A_4902 = arith.constant 0 : i32
    %lt3A_4903 = vector.broadcast %lt3A_4902 : i32 to vector<16xi32>
    %lt3A_4904 = arith.cmpi slt, %rem3A_4898, %lt3A_4903 : vector<16xi32>
    %lt3A_4905 = arith.constant 0 : i32
    %lt3A_4906 = arith.cmpi slt, %select_n3A_4896, %lt3A_4905 : i32
    %ne3A_4907 = vector.broadcast %lt3A_4906 : i1 to vector<16xi1>
    %ne3A_4908 = vector.broadcast %ne3A_4907 : vector<16xi1> to vector<16xi1>
    %ne3A_4909 = arith.xori %lt3A_4904, %ne3A_4908 : vector<16xi1>
    %and3A_4910 = arith.andi %ne3A_4909, %ne3A_4901 : vector<16xi1>
    %add3A_4911 = vector.broadcast %select_n3A_4896 : i32 to vector<16xi32>
    %add3A_4912 = arith.addi %rem3A_4898, %add3A_4911 : vector<16xi32>
    %select_n3A_4913 = arith.select %and3A_4910, %add3A_4912, %rem3A_4898 : vector<16xi1>, vector<16xi32>
    %reshape3A_4914 = vector.shape_cast %select_n3A_4913 : vector<16xi32> to vector<16x1xi32>
    %gather3A_4915 = vector.shape_cast %reshape3A_4914 : vector<16x1xi32> to vector<16xi32>
    %gather3A_4916 = tpu.dynamic_gather %add3A_4887[%gather3A_4915] in [0] : vector<16xi32>, vector<16xi32> -> vector<16xi32>
    %add3A_4917 = arith.addi %add3A_4887, %gather3A_4916 : vector<16xi32>
    %eq3A_4918 = arith.constant 7 : i32
    %eq3A_4919 = vector.broadcast %eq3A_4918 : i32 to vector<16xi32>
    %eq3A_4920 = arith.cmpi eq, %iota3A, %eq3A_4919 : vector<16xi32>
    %select_n3A_4921 = arith.select %eq3A_4920, %add3A_4917, %select_n3A_4716 : vector<16xi1>, vector<16xi32>
    %broadcast_in_dim3A_4922 = arith.constant 0 : i32
    %broadcast_in_dim3A_4923 = vector.broadcast %broadcast_in_dim3A_4922 : i32 to vector<16xi32>
    %get3A_4924 = arith.constant 24 : i32
    %get3A_4925 = arith.index_cast %get3A_4924 : i32 to index
    %get3A_4926 = arith.constant 0 : index
    %get3A_4927 = tpu.vector_load %arg10[%get3A_4925, %get3A_4926] {strides = array<i32>} : memref<32x77xi32, #tpu.memory_space<vmem>>, vector<1x16xi32>,
    %get3A_4928 = vector.shape_cast %get3A_4927 : vector<1x16xi32> to vector<16xi32>
    %eq3A_4929 = arith.constant 265 : i32
    %eq3A_4930 = vector.broadcast %eq3A_4929 : i32 to vector<16xi32>
    %eq3A_4931 = arith.cmpi eq, %get3A_4928, %eq3A_4930 : vector<16xi32>
    %add3A_4932 = arith.constant 0 : i32
    %add3A_4933 = vector.broadcast %add3A_4932 : i32 to vector<16xi32>
    %add3A_4934 = arith.addi %add3A_4933, %iota3A : vector<16xi32>
    %jit3A_4935 = arith.constant 0 : i32
    %broadcast_in_dim3A_4936 = vector.broadcast %jit3A_4935 : i32 to vector<16xi32>
    %select_n3A_4937 = arith.select %eq3A_4931, %add3A_4934, %broadcast_in_dim3A_4936 : vector<16xi1>, vector<16xi32>
    %add3A_4938 = arith.addi %broadcast_in_dim3A_4923, %select_n3A_4937 : vector<16xi32>
    %get3A_4939 = arith.constant 24 : i32
    %get3A_4940 = arith.index_cast %get3A_4939 : i32 to index
    %get3A_4941 = arith.constant 16 : index
    %get3A_4942 = tpu.vector_load %arg10[%get3A_4940, %get3A_4941] {strides = array<i32>} : memref<32x77xi32, #tpu.memory_space<vmem>>, vector<1x16xi32>,
    %get3A_4943 = vector.shape_cast %get3A_4942 : vector<1x16xi32> to vector<16xi32>
    %eq3A_4944 = arith.constant 265 : i32
    %eq3A_4945 = vector.broadcast %eq3A_4944 : i32 to vector<16xi32>
    %eq3A_4946 = arith.cmpi eq, %get3A_4943, %eq3A_4945 : vector<16xi32>
    %add3A_4947 = arith.constant 16 : i32
    %add3A_4948 = vector.broadcast %add3A_4947 : i32 to vector<16xi32>
    %add3A_4949 = arith.addi %add3A_4948, %iota3A : vector<16xi32>
    %jit3A_4950 = arith.constant 0 : i32
    %broadcast_in_dim3A_4951 = vector.broadcast %jit3A_4950 : i32 to vector<16xi32>
    %select_n3A_4952 = arith.select %eq3A_4946, %add3A_4949, %broadcast_in_dim3A_4951 : vector<16xi1>, vector<16xi32>
    %add3A_4953 = arith.addi %add3A_4938, %select_n3A_4952 : vector<16xi32>
    %get3A_4954 = arith.constant 24 : i32
    %get3A_4955 = arith.index_cast %get3A_4954 : i32 to index
    %get3A_4956 = arith.constant 32 : index
    %get3A_4957 = tpu.vector_load %arg10[%get3A_4955, %get3A_4956] {strides = array<i32>} : memref<32x77xi32, #tpu.memory_space<vmem>>, vector<1x16xi32>,
    %get3A_4958 = vector.shape_cast %get3A_4957 : vector<1x16xi32> to vector<16xi32>
    %eq3A_4959 = arith.constant 265 : i32
    %eq3A_4960 = vector.broadcast %eq3A_4959 : i32 to vector<16xi32>
    %eq3A_4961 = arith.cmpi eq, %get3A_4958, %eq3A_4960 : vector<16xi32>
    %add3A_4962 = arith.constant 32 : i32
    %add3A_4963 = vector.broadcast %add3A_4962 : i32 to vector<16xi32>
    %add3A_4964 = arith.addi %add3A_4963, %iota3A : vector<16xi32>
    %jit3A_4965 = arith.constant 0 : i32
    %broadcast_in_dim3A_4966 = vector.broadcast %jit3A_4965 : i32 to vector<16xi32>
    %select_n3A_4967 = arith.select %eq3A_4961, %add3A_4964, %broadcast_in_dim3A_4966 : vector<16xi1>, vector<16xi32>
    %add3A_4968 = arith.addi %add3A_4953, %select_n3A_4967 : vector<16xi32>
    %get3A_4969 = arith.constant 24 : i32
    %get3A_4970 = arith.index_cast %get3A_4969 : i32 to index
    %get3A_4971 = arith.constant 48 : index
    %get3A_4972 = tpu.vector_load %arg10[%get3A_4970, %get3A_4971] {strides = array<i32>} : memref<32x77xi32, #tpu.memory_space<vmem>>, vector<1x16xi32>,
    %get3A_4973 = vector.shape_cast %get3A_4972 : vector<1x16xi32> to vector<16xi32>
    %eq3A_4974 = arith.constant 265 : i32
    %eq3A_4975 = vector.broadcast %eq3A_4974 : i32 to vector<16xi32>
    %eq3A_4976 = arith.cmpi eq, %get3A_4973, %eq3A_4975 : vector<16xi32>
    %add3A_4977 = arith.constant 48 : i32
    %add3A_4978 = vector.broadcast %add3A_4977 : i32 to vector<16xi32>
    %add3A_4979 = arith.addi %add3A_4978, %iota3A : vector<16xi32>
    %jit3A_4980 = arith.constant 0 : i32
    %broadcast_in_dim3A_4981 = vector.broadcast %jit3A_4980 : i32 to vector<16xi32>
    %select_n3A_4982 = arith.select %eq3A_4976, %add3A_4979, %broadcast_in_dim3A_4981 : vector<16xi1>, vector<16xi32>
    %add3A_4983 = arith.addi %add3A_4968, %select_n3A_4982 : vector<16xi32>
    %get3A_4984 = arith.constant 24 : i32
    %get3A_4985 = arith.index_cast %get3A_4984 : i32 to index
    %get3A_4986 = arith.constant 61 : index
    %get3A_4987 = tpu.vector_load %arg10[%get3A_4985, %get3A_4986] {strides = array<i32>} : memref<32x77xi32, #tpu.memory_space<vmem>>, vector<1x16xi32>,
    %get3A_4988 = vector.shape_cast %get3A_4987 : vector<1x16xi32> to vector<16xi32>
    %eq3A_4989 = arith.constant 265 : i32
    %eq3A_4990 = vector.broadcast %eq3A_4989 : i32 to vector<16xi32>
    %eq3A_4991 = arith.cmpi eq, %get3A_4988, %eq3A_4990 : vector<16xi32>
    %ge3A_4992 = arith.constant 3 : i32
    %ge3A_4993 = vector.broadcast %ge3A_4992 : i32 to vector<16xi32>
    %ge3A_4994 = arith.cmpi sge, %iota3A, %ge3A_4993 : vector<16xi32>
    %and3A_4995 = arith.andi %eq3A_4991, %ge3A_4994 : vector<16xi1>
    %add3A_4996 = arith.constant 61 : i32
    %add3A_4997 = vector.broadcast %add3A_4996 : i32 to vector<16xi32>
    %add3A_4998 = arith.addi %add3A_4997, %iota3A : vector<16xi32>
    %jit3A_4999 = arith.constant 0 : i32
    %broadcast_in_dim3A_5000 = vector.broadcast %jit3A_4999 : i32 to vector<16xi32>
    %select_n3A_5001 = arith.select %and3A_4995, %add3A_4998, %broadcast_in_dim3A_5000 : vector<16xi1>, vector<16xi32>
    %add3A_5002 = arith.addi %add3A_4983, %select_n3A_5001 : vector<16xi32>
    %iota3A_5003 = tpu.iota {dimensions = array<i32: 0>} : vector<16xi32>
    %add3A_5004 = arith.constant 8 : i32
    %add3A_5005 = vector.broadcast %add3A_5004 : i32 to vector<16xi32>
    %add3A_5006 = arith.addi %iota3A_5003, %add3A_5005 : vector<16xi32>
    %jit3A_5007 = arith.constant 16 : i32
    %eq3A_5008 = arith.constant 0 : i32
    %eq3A_5009 = arith.cmpi eq, %jit3A_5007, %eq3A_5008 : i32
    %jit3A_5010 = arith.constant 1 : i32
    %select_n3A_5011 = arith.select %eq3A_5009, %jit3A_5010, %jit3A_5007 : i32
    %rem3A_5012 = vector.broadcast %select_n3A_5011 : i32 to vector<16xi32>
    %rem3A_5013 = arith.remsi %add3A_5006, %rem3A_5012 : vector<16xi32>
    %ne3A_5014 = arith.constant 0 : i32
    %ne3A_5015 = vector.broadcast %ne3A_5014 : i32 to vector<16xi32>
    %ne3A_5016 = arith.cmpi ne, %rem3A_5013, %ne3A_5015 : vector<16xi32>
    %lt3A_5017 = arith.constant 0 : i32
    %lt3A_5018 = vector.broadcast %lt3A_5017 : i32 to vector<16xi32>
    %lt3A_5019 = arith.cmpi slt, %rem3A_5013, %lt3A_5018 : vector<16xi32>
    %lt3A_5020 = arith.constant 0 : i32
    %lt3A_5021 = arith.cmpi slt, %select_n3A_5011, %lt3A_5020 : i32
    %ne3A_5022 = vector.broadcast %lt3A_5021 : i1 to vector<16xi1>
    %ne3A_5023 = vector.broadcast %ne3A_5022 : vector<16xi1> to vector<16xi1>
    %ne3A_5024 = arith.xori %lt3A_5019, %ne3A_5023 : vector<16xi1>
    %and3A_5025 = arith.andi %ne3A_5024, %ne3A_5016 : vector<16xi1>
    %add3A_5026 = vector.broadcast %select_n3A_5011 : i32 to vector<16xi32>
    %add3A_5027 = arith.addi %rem3A_5013, %add3A_5026 : vector<16xi32>
    %select_n3A_5028 = arith.select %and3A_5025, %add3A_5027, %rem3A_5013 : vector<16xi1>, vector<16xi32>
    %reshape3A_5029 = vector.shape_cast %select_n3A_5028 : vector<16xi32> to vector<16x1xi32>
    %gather3A_5030 = vector.shape_cast %reshape3A_5029 : vector<16x1xi32> to vector<16xi32>
    %gather3A_5031 = tpu.dynamic_gather %add3A_5002[%gather3A_5030] in [0] : vector<16xi32>, vector<16xi32> -> vector<16xi32>
    %add3A_5032 = arith.addi %add3A_5002, %gather3A_5031 : vector<16xi32>
    %iota3A_5033 = tpu.iota {dimensions = array<i32: 0>} : vector<16xi32>
    %add3A_5034 = arith.constant 4 : i32
    %add3A_5035 = vector.broadcast %add3A_5034 : i32 to vector<16xi32>
    %add3A_5036 = arith.addi %iota3A_5033, %add3A_5035 : vector<16xi32>
    %jit3A_5037 = arith.constant 16 : i32
    %eq3A_5038 = arith.constant 0 : i32
    %eq3A_5039 = arith.cmpi eq, %jit3A_5037, %eq3A_5038 : i32
    %jit3A_5040 = arith.constant 1 : i32
    %select_n3A_5041 = arith.select %eq3A_5039, %jit3A_5040, %jit3A_5037 : i32
    %rem3A_5042 = vector.broadcast %select_n3A_5041 : i32 to vector<16xi32>
    %rem3A_5043 = arith.remsi %add3A_5036, %rem3A_5042 : vector<16xi32>
    %ne3A_5044 = arith.constant 0 : i32
    %ne3A_5045 = vector.broadcast %ne3A_5044 : i32 to vector<16xi32>
    %ne3A_5046 = arith.cmpi ne, %rem3A_5043, %ne3A_5045 : vector<16xi32>
    %lt3A_5047 = arith.constant 0 : i32
    %lt3A_5048 = vector.broadcast %lt3A_5047 : i32 to vector<16xi32>
    %lt3A_5049 = arith.cmpi slt, %rem3A_5043, %lt3A_5048 : vector<16xi32>
    %lt3A_5050 = arith.constant 0 : i32
    %lt3A_5051 = arith.cmpi slt, %select_n3A_5041, %lt3A_5050 : i32
    %ne3A_5052 = vector.broadcast %lt3A_5051 : i1 to vector<16xi1>
    %ne3A_5053 = vector.broadcast %ne3A_5052 : vector<16xi1> to vector<16xi1>
    %ne3A_5054 = arith.xori %lt3A_5049, %ne3A_5053 : vector<16xi1>
    %and3A_5055 = arith.andi %ne3A_5054, %ne3A_5046 : vector<16xi1>
    %add3A_5056 = vector.broadcast %select_n3A_5041 : i32 to vector<16xi32>
    %add3A_5057 = arith.addi %rem3A_5043, %add3A_5056 : vector<16xi32>
    %select_n3A_5058 = arith.select %and3A_5055, %add3A_5057, %rem3A_5043 : vector<16xi1>, vector<16xi32>
    %reshape3A_5059 = vector.shape_cast %select_n3A_5058 : vector<16xi32> to vector<16x1xi32>
    %gather3A_5060 = vector.shape_cast %reshape3A_5059 : vector<16x1xi32> to vector<16xi32>
    %gather3A_5061 = tpu.dynamic_gather %add3A_5032[%gather3A_5060] in [0] : vector<16xi32>, vector<16xi32> -> vector<16xi32>
    %add3A_5062 = arith.addi %add3A_5032, %gather3A_5061 : vector<16xi32>
    %iota3A_5063 = tpu.iota {dimensions = array<i32: 0>} : vector<16xi32>
    %add3A_5064 = arith.constant 2 : i32
    %add3A_5065 = vector.broadcast %add3A_5064 : i32 to vector<16xi32>
    %add3A_5066 = arith.addi %iota3A_5063, %add3A_5065 : vector<16xi32>
    %jit3A_5067 = arith.constant 16 : i32
    %eq3A_5068 = arith.constant 0 : i32
    %eq3A_5069 = arith.cmpi eq, %jit3A_5067, %eq3A_5068 : i32
    %jit3A_5070 = arith.constant 1 : i32
    %select_n3A_5071 = arith.select %eq3A_5069, %jit3A_5070, %jit3A_5067 : i32
    %rem3A_5072 = vector.broadcast %select_n3A_5071 : i32 to vector<16xi32>
    %rem3A_5073 = arith.remsi %add3A_5066, %rem3A_5072 : vector<16xi32>
    %ne3A_5074 = arith.constant 0 : i32
    %ne3A_5075 = vector.broadcast %ne3A_5074 : i32 to vector<16xi32>
    %ne3A_5076 = arith.cmpi ne, %rem3A_5073, %ne3A_5075 : vector<16xi32>
    %lt3A_5077 = arith.constant 0 : i32
    %lt3A_5078 = vector.broadcast %lt3A_5077 : i32 to vector<16xi32>
    %lt3A_5079 = arith.cmpi slt, %rem3A_5073, %lt3A_5078 : vector<16xi32>
    %lt3A_5080 = arith.constant 0 : i32
    %lt3A_5081 = arith.cmpi slt, %select_n3A_5071, %lt3A_5080 : i32
    %ne3A_5082 = vector.broadcast %lt3A_5081 : i1 to vector<16xi1>
    %ne3A_5083 = vector.broadcast %ne3A_5082 : vector<16xi1> to vector<16xi1>
    %ne3A_5084 = arith.xori %lt3A_5079, %ne3A_5083 : vector<16xi1>
    %and3A_5085 = arith.andi %ne3A_5084, %ne3A_5076 : vector<16xi1>
    %add3A_5086 = vector.broadcast %select_n3A_5071 : i32 to vector<16xi32>
    %add3A_5087 = arith.addi %rem3A_5073, %add3A_5086 : vector<16xi32>
    %select_n3A_5088 = arith.select %and3A_5085, %add3A_5087, %rem3A_5073 : vector<16xi1>, vector<16xi32>
    %reshape3A_5089 = vector.shape_cast %select_n3A_5088 : vector<16xi32> to vector<16x1xi32>
    %gather3A_5090 = vector.shape_cast %reshape3A_5089 : vector<16x1xi32> to vector<16xi32>
    %gather3A_5091 = tpu.dynamic_gather %add3A_5062[%gather3A_5090] in [0] : vector<16xi32>, vector<16xi32> -> vector<16xi32>
    %add3A_5092 = arith.addi %add3A_5062, %gather3A_5091 : vector<16xi32>
    %iota3A_5093 = tpu.iota {dimensions = array<i32: 0>} : vector<16xi32>
    %add3A_5094 = arith.constant 1 : i32
    %add3A_5095 = vector.broadcast %add3A_5094 : i32 to vector<16xi32>
    %add3A_5096 = arith.addi %iota3A_5093, %add3A_5095 : vector<16xi32>
    %jit3A_5097 = arith.constant 16 : i32
    %eq3A_5098 = arith.constant 0 : i32
    %eq3A_5099 = arith.cmpi eq, %jit3A_5097, %eq3A_5098 : i32
    %jit3A_5100 = arith.constant 1 : i32
    %select_n3A_5101 = arith.select %eq3A_5099, %jit3A_5100, %jit3A_5097 : i32
    %rem3A_5102 = vector.broadcast %select_n3A_5101 : i32 to vector<16xi32>
    %rem3A_5103 = arith.remsi %add3A_5096, %rem3A_5102 : vector<16xi32>
    %ne3A_5104 = arith.constant 0 : i32
    %ne3A_5105 = vector.broadcast %ne3A_5104 : i32 to vector<16xi32>
    %ne3A_5106 = arith.cmpi ne, %rem3A_5103, %ne3A_5105 : vector<16xi32>
    %lt3A_5107 = arith.constant 0 : i32
    %lt3A_5108 = vector.broadcast %lt3A_5107 : i32 to vector<16xi32>
    %lt3A_5109 = arith.cmpi slt, %rem3A_5103, %lt3A_5108 : vector<16xi32>
    %lt3A_5110 = arith.constant 0 : i32
    %lt3A_5111 = arith.cmpi slt, %select_n3A_5101, %lt3A_5110 : i32
    %ne3A_5112 = vector.broadcast %lt3A_5111 : i1 to vector<16xi1>
    %ne3A_5113 = vector.broadcast %ne3A_5112 : vector<16xi1> to vector<16xi1>
    %ne3A_5114 = arith.xori %lt3A_5109, %ne3A_5113 : vector<16xi1>
    %and3A_5115 = arith.andi %ne3A_5114, %ne3A_5106 : vector<16xi1>
    %add3A_5116 = vector.broadcast %select_n3A_5101 : i32 to vector<16xi32>
    %add3A_5117 = arith.addi %rem3A_5103, %add3A_5116 : vector<16xi32>
    %select_n3A_5118 = arith.select %and3A_5115, %add3A_5117, %rem3A_5103 : vector<16xi1>, vector<16xi32>
    %reshape3A_5119 = vector.shape_cast %select_n3A_5118 : vector<16xi32> to vector<16x1xi32>
    %gather3A_5120 = vector.shape_cast %reshape3A_5119 : vector<16x1xi32> to vector<16xi32>
    %gather3A_5121 = tpu.dynamic_gather %add3A_5092[%gather3A_5120] in [0] : vector<16xi32>, vector<16xi32> -> vector<16xi32>
    %add3A_5122 = arith.addi %add3A_5092, %gather3A_5121 : vector<16xi32>
    %eq3A_5123 = arith.constant 8 : i32
    %eq3A_5124 = vector.broadcast %eq3A_5123 : i32 to vector<16xi32>
    %eq3A_5125 = arith.cmpi eq, %iota3A, %eq3A_5124 : vector<16xi32>
    %select_n3A_5126 = arith.select %eq3A_5125, %add3A_5122, %select_n3A_4921 : vector<16xi1>, vector<16xi32>
    %broadcast_in_dim3A_5127 = arith.constant 0 : i32
    %broadcast_in_dim3A_5128 = vector.broadcast %broadcast_in_dim3A_5127 : i32 to vector<16xi32>
    %get3A_5129 = arith.constant 25 : i32
    %get3A_5130 = arith.index_cast %get3A_5129 : i32 to index
    %get3A_5131 = arith.constant 0 : index
    %get3A_5132 = tpu.vector_load %arg10[%get3A_5130, %get3A_5131] {strides = array<i32>} : memref<32x77xi32, #tpu.memory_space<vmem>>, vector<1x16xi32>,
    %get3A_5133 = vector.shape_cast %get3A_5132 : vector<1x16xi32> to vector<16xi32>
    %eq3A_5134 = arith.constant 265 : i32
    %eq3A_5135 = vector.broadcast %eq3A_5134 : i32 to vector<16xi32>
    %eq3A_5136 = arith.cmpi eq, %get3A_5133, %eq3A_5135 : vector<16xi32>
    %add3A_5137 = arith.constant 0 : i32
    %add3A_5138 = vector.broadcast %add3A_5137 : i32 to vector<16xi32>
    %add3A_5139 = arith.addi %add3A_5138, %iota3A : vector<16xi32>
    %jit3A_5140 = arith.constant 0 : i32
    %broadcast_in_dim3A_5141 = vector.broadcast %jit3A_5140 : i32 to vector<16xi32>
    %select_n3A_5142 = arith.select %eq3A_5136, %add3A_5139, %broadcast_in_dim3A_5141 : vector<16xi1>, vector<16xi32>
    %add3A_5143 = arith.addi %broadcast_in_dim3A_5128, %select_n3A_5142 : vector<16xi32>
    %get3A_5144 = arith.constant 25 : i32
    %get3A_5145 = arith.index_cast %get3A_5144 : i32 to index
    %get3A_5146 = arith.constant 16 : index
    %get3A_5147 = tpu.vector_load %arg10[%get3A_5145, %get3A_5146] {strides = array<i32>} : memref<32x77xi32, #tpu.memory_space<vmem>>, vector<1x16xi32>,
    %get3A_5148 = vector.shape_cast %get3A_5147 : vector<1x16xi32> to vector<16xi32>
    %eq3A_5149 = arith.constant 265 : i32
    %eq3A_5150 = vector.broadcast %eq3A_5149 : i32 to vector<16xi32>
    %eq3A_5151 = arith.cmpi eq, %get3A_5148, %eq3A_5150 : vector<16xi32>
    %add3A_5152 = arith.constant 16 : i32
    %add3A_5153 = vector.broadcast %add3A_5152 : i32 to vector<16xi32>
    %add3A_5154 = arith.addi %add3A_5153, %iota3A : vector<16xi32>
    %jit3A_5155 = arith.constant 0 : i32
    %broadcast_in_dim3A_5156 = vector.broadcast %jit3A_5155 : i32 to vector<16xi32>
    %select_n3A_5157 = arith.select %eq3A_5151, %add3A_5154, %broadcast_in_dim3A_5156 : vector<16xi1>, vector<16xi32>
    %add3A_5158 = arith.addi %add3A_5143, %select_n3A_5157 : vector<16xi32>
    %get3A_5159 = arith.constant 25 : i32
    %get3A_5160 = arith.index_cast %get3A_5159 : i32 to index
    %get3A_5161 = arith.constant 32 : index
    %get3A_5162 = tpu.vector_load %arg10[%get3A_5160, %get3A_5161] {strides = array<i32>} : memref<32x77xi32, #tpu.memory_space<vmem>>, vector<1x16xi32>,
    %get3A_5163 = vector.shape_cast %get3A_5162 : vector<1x16xi32> to vector<16xi32>
    %eq3A_5164 = arith.constant 265 : i32
    %eq3A_5165 = vector.broadcast %eq3A_5164 : i32 to vector<16xi32>
    %eq3A_5166 = arith.cmpi eq, %get3A_5163, %eq3A_5165 : vector<16xi32>
    %add3A_5167 = arith.constant 32 : i32
    %add3A_5168 = vector.broadcast %add3A_5167 : i32 to vector<16xi32>
    %add3A_5169 = arith.addi %add3A_5168, %iota3A : vector<16xi32>
    %jit3A_5170 = arith.constant 0 : i32
    %broadcast_in_dim3A_5171 = vector.broadcast %jit3A_5170 : i32 to vector<16xi32>
    %select_n3A_5172 = arith.select %eq3A_5166, %add3A_5169, %broadcast_in_dim3A_5171 : vector<16xi1>, vector<16xi32>
    %add3A_5173 = arith.addi %add3A_5158, %select_n3A_5172 : vector<16xi32>
    %get3A_5174 = arith.constant 25 : i32
    %get3A_5175 = arith.index_cast %get3A_5174 : i32 to index
    %get3A_5176 = arith.constant 48 : index
    %get3A_5177 = tpu.vector_load %arg10[%get3A_5175, %get3A_5176] {strides = array<i32>} : memref<32x77xi32, #tpu.memory_space<vmem>>, vector<1x16xi32>,
    %get3A_5178 = vector.shape_cast %get3A_5177 : vector<1x16xi32> to vector<16xi32>
    %eq3A_5179 = arith.constant 265 : i32
    %eq3A_5180 = vector.broadcast %eq3A_5179 : i32 to vector<16xi32>
    %eq3A_5181 = arith.cmpi eq, %get3A_5178, %eq3A_5180 : vector<16xi32>
    %add3A_5182 = arith.constant 48 : i32
    %add3A_5183 = vector.broadcast %add3A_5182 : i32 to vector<16xi32>
    %add3A_5184 = arith.addi %add3A_5183, %iota3A : vector<16xi32>
    %jit3A_5185 = arith.constant 0 : i32
    %broadcast_in_dim3A_5186 = vector.broadcast %jit3A_5185 : i32 to vector<16xi32>
    %select_n3A_5187 = arith.select %eq3A_5181, %add3A_5184, %broadcast_in_dim3A_5186 : vector<16xi1>, vector<16xi32>
    %add3A_5188 = arith.addi %add3A_5173, %select_n3A_5187 : vector<16xi32>
    %get3A_5189 = arith.constant 25 : i32
    %get3A_5190 = arith.index_cast %get3A_5189 : i32 to index
    %get3A_5191 = arith.constant 61 : index
    %get3A_5192 = tpu.vector_load %arg10[%get3A_5190, %get3A_5191] {strides = array<i32>} : memref<32x77xi32, #tpu.memory_space<vmem>>, vector<1x16xi32>,
    %get3A_5193 = vector.shape_cast %get3A_5192 : vector<1x16xi32> to vector<16xi32>
    %eq3A_5194 = arith.constant 265 : i32
    %eq3A_5195 = vector.broadcast %eq3A_5194 : i32 to vector<16xi32>
    %eq3A_5196 = arith.cmpi eq, %get3A_5193, %eq3A_5195 : vector<16xi32>
    %ge3A_5197 = arith.constant 3 : i32
    %ge3A_5198 = vector.broadcast %ge3A_5197 : i32 to vector<16xi32>
    %ge3A_5199 = arith.cmpi sge, %iota3A, %ge3A_5198 : vector<16xi32>
    %and3A_5200 = arith.andi %eq3A_5196, %ge3A_5199 : vector<16xi1>
    %add3A_5201 = arith.constant 61 : i32
    %add3A_5202 = vector.broadcast %add3A_5201 : i32 to vector<16xi32>
    %add3A_5203 = arith.addi %add3A_5202, %iota3A : vector<16xi32>
    %jit3A_5204 = arith.constant 0 : i32
    %broadcast_in_dim3A_5205 = vector.broadcast %jit3A_5204 : i32 to vector<16xi32>
    %select_n3A_5206 = arith.select %and3A_5200, %add3A_5203, %broadcast_in_dim3A_5205 : vector<16xi1>, vector<16xi32>
    %add3A_5207 = arith.addi %add3A_5188, %select_n3A_5206 : vector<16xi32>
    %iota3A_5208 = tpu.iota {dimensions = array<i32: 0>} : vector<16xi32>
    %add3A_5209 = arith.constant 8 : i32
    %add3A_5210 = vector.broadcast %add3A_5209 : i32 to vector<16xi32>
    %add3A_5211 = arith.addi %iota3A_5208, %add3A_5210 : vector<16xi32>
    %jit3A_5212 = arith.constant 16 : i32
    %eq3A_5213 = arith.constant 0 : i32
    %eq3A_5214 = arith.cmpi eq, %jit3A_5212, %eq3A_5213 : i32
    %jit3A_5215 = arith.constant 1 : i32
    %select_n3A_5216 = arith.select %eq3A_5214, %jit3A_5215, %jit3A_5212 : i32
    %rem3A_5217 = vector.broadcast %select_n3A_5216 : i32 to vector<16xi32>
    %rem3A_5218 = arith.remsi %add3A_5211, %rem3A_5217 : vector<16xi32>
    %ne3A_5219 = arith.constant 0 : i32
    %ne3A_5220 = vector.broadcast %ne3A_5219 : i32 to vector<16xi32>
    %ne3A_5221 = arith.cmpi ne, %rem3A_5218, %ne3A_5220 : vector<16xi32>
    %lt3A_5222 = arith.constant 0 : i32
    %lt3A_5223 = vector.broadcast %lt3A_5222 : i32 to vector<16xi32>
    %lt3A_5224 = arith.cmpi slt, %rem3A_5218, %lt3A_5223 : vector<16xi32>
    %lt3A_5225 = arith.constant 0 : i32
    %lt3A_5226 = arith.cmpi slt, %select_n3A_5216, %lt3A_5225 : i32
    %ne3A_5227 = vector.broadcast %lt3A_5226 : i1 to vector<16xi1>
    %ne3A_5228 = vector.broadcast %ne3A_5227 : vector<16xi1> to vector<16xi1>
    %ne3A_5229 = arith.xori %lt3A_5224, %ne3A_5228 : vector<16xi1>
    %and3A_5230 = arith.andi %ne3A_5229, %ne3A_5221 : vector<16xi1>
    %add3A_5231 = vector.broadcast %select_n3A_5216 : i32 to vector<16xi32>
    %add3A_5232 = arith.addi %rem3A_5218, %add3A_5231 : vector<16xi32>
    %select_n3A_5233 = arith.select %and3A_5230, %add3A_5232, %rem3A_5218 : vector<16xi1>, vector<16xi32>
    %reshape3A_5234 = vector.shape_cast %select_n3A_5233 : vector<16xi32> to vector<16x1xi32>
    %gather3A_5235 = vector.shape_cast %reshape3A_5234 : vector<16x1xi32> to vector<16xi32>
    %gather3A_5236 = tpu.dynamic_gather %add3A_5207[%gather3A_5235] in [0] : vector<16xi32>, vector<16xi32> -> vector<16xi32>
    %add3A_5237 = arith.addi %add3A_5207, %gather3A_5236 : vector<16xi32>
    %iota3A_5238 = tpu.iota {dimensions = array<i32: 0>} : vector<16xi32>
    %add3A_5239 = arith.constant 4 : i32
    %add3A_5240 = vector.broadcast %add3A_5239 : i32 to vector<16xi32>
    %add3A_5241 = arith.addi %iota3A_5238, %add3A_5240 : vector<16xi32>
    %jit3A_5242 = arith.constant 16 : i32
    %eq3A_5243 = arith.constant 0 : i32
    %eq3A_5244 = arith.cmpi eq, %jit3A_5242, %eq3A_5243 : i32
    %jit3A_5245 = arith.constant 1 : i32
    %select_n3A_5246 = arith.select %eq3A_5244, %jit3A_5245, %jit3A_5242 : i32
    %rem3A_5247 = vector.broadcast %select_n3A_5246 : i32 to vector<16xi32>
    %rem3A_5248 = arith.remsi %add3A_5241, %rem3A_5247 : vector<16xi32>
    %ne3A_5249 = arith.constant 0 : i32
    %ne3A_5250 = vector.broadcast %ne3A_5249 : i32 to vector<16xi32>
    %ne3A_5251 = arith.cmpi ne, %rem3A_5248, %ne3A_5250 : vector<16xi32>
    %lt3A_5252 = arith.constant 0 : i32
    %lt3A_5253 = vector.broadcast %lt3A_5252 : i32 to vector<16xi32>
    %lt3A_5254 = arith.cmpi slt, %rem3A_5248, %lt3A_5253 : vector<16xi32>
    %lt3A_5255 = arith.constant 0 : i32
    %lt3A_5256 = arith.cmpi slt, %select_n3A_5246, %lt3A_5255 : i32
    %ne3A_5257 = vector.broadcast %lt3A_5256 : i1 to vector<16xi1>
    %ne3A_5258 = vector.broadcast %ne3A_5257 : vector<16xi1> to vector<16xi1>
    %ne3A_5259 = arith.xori %lt3A_5254, %ne3A_5258 : vector<16xi1>
    %and3A_5260 = arith.andi %ne3A_5259, %ne3A_5251 : vector<16xi1>
    %add3A_5261 = vector.broadcast %select_n3A_5246 : i32 to vector<16xi32>
    %add3A_5262 = arith.addi %rem3A_5248, %add3A_5261 : vector<16xi32>
    %select_n3A_5263 = arith.select %and3A_5260, %add3A_5262, %rem3A_5248 : vector<16xi1>, vector<16xi32>
    %reshape3A_5264 = vector.shape_cast %select_n3A_5263 : vector<16xi32> to vector<16x1xi32>
    %gather3A_5265 = vector.shape_cast %reshape3A_5264 : vector<16x1xi32> to vector<16xi32>
    %gather3A_5266 = tpu.dynamic_gather %add3A_5237[%gather3A_5265] in [0] : vector<16xi32>, vector<16xi32> -> vector<16xi32>
    %add3A_5267 = arith.addi %add3A_5237, %gather3A_5266 : vector<16xi32>
    %iota3A_5268 = tpu.iota {dimensions = array<i32: 0>} : vector<16xi32>
    %add3A_5269 = arith.constant 2 : i32
    %add3A_5270 = vector.broadcast %add3A_5269 : i32 to vector<16xi32>
    %add3A_5271 = arith.addi %iota3A_5268, %add3A_5270 : vector<16xi32>
    %jit3A_5272 = arith.constant 16 : i32
    %eq3A_5273 = arith.constant 0 : i32
    %eq3A_5274 = arith.cmpi eq, %jit3A_5272, %eq3A_5273 : i32
    %jit3A_5275 = arith.constant 1 : i32
    %select_n3A_5276 = arith.select %eq3A_5274, %jit3A_5275, %jit3A_5272 : i32
    %rem3A_5277 = vector.broadcast %select_n3A_5276 : i32 to vector<16xi32>
    %rem3A_5278 = arith.remsi %add3A_5271, %rem3A_5277 : vector<16xi32>
    %ne3A_5279 = arith.constant 0 : i32
    %ne3A_5280 = vector.broadcast %ne3A_5279 : i32 to vector<16xi32>
    %ne3A_5281 = arith.cmpi ne, %rem3A_5278, %ne3A_5280 : vector<16xi32>
    %lt3A_5282 = arith.constant 0 : i32
    %lt3A_5283 = vector.broadcast %lt3A_5282 : i32 to vector<16xi32>
    %lt3A_5284 = arith.cmpi slt, %rem3A_5278, %lt3A_5283 : vector<16xi32>
    %lt3A_5285 = arith.constant 0 : i32
    %lt3A_5286 = arith.cmpi slt, %select_n3A_5276, %lt3A_5285 : i32
    %ne3A_5287 = vector.broadcast %lt3A_5286 : i1 to vector<16xi1>
    %ne3A_5288 = vector.broadcast %ne3A_5287 : vector<16xi1> to vector<16xi1>
    %ne3A_5289 = arith.xori %lt3A_5284, %ne3A_5288 : vector<16xi1>
    %and3A_5290 = arith.andi %ne3A_5289, %ne3A_5281 : vector<16xi1>
    %add3A_5291 = vector.broadcast %select_n3A_5276 : i32 to vector<16xi32>
    %add3A_5292 = arith.addi %rem3A_5278, %add3A_5291 : vector<16xi32>
    %select_n3A_5293 = arith.select %and3A_5290, %add3A_5292, %rem3A_5278 : vector<16xi1>, vector<16xi32>
    %reshape3A_5294 = vector.shape_cast %select_n3A_5293 : vector<16xi32> to vector<16x1xi32>
    %gather3A_5295 = vector.shape_cast %reshape3A_5294 : vector<16x1xi32> to vector<16xi32>
    %gather3A_5296 = tpu.dynamic_gather %add3A_5267[%gather3A_5295] in [0] : vector<16xi32>, vector<16xi32> -> vector<16xi32>
    %add3A_5297 = arith.addi %add3A_5267, %gather3A_5296 : vector<16xi32>
    %iota3A_5298 = tpu.iota {dimensions = array<i32: 0>} : vector<16xi32>
    %add3A_5299 = arith.constant 1 : i32
    %add3A_5300 = vector.broadcast %add3A_5299 : i32 to vector<16xi32>
    %add3A_5301 = arith.addi %iota3A_5298, %add3A_5300 : vector<16xi32>
    %jit3A_5302 = arith.constant 16 : i32
    %eq3A_5303 = arith.constant 0 : i32
    %eq3A_5304 = arith.cmpi eq, %jit3A_5302, %eq3A_5303 : i32
    %jit3A_5305 = arith.constant 1 : i32
    %select_n3A_5306 = arith.select %eq3A_5304, %jit3A_5305, %jit3A_5302 : i32
    %rem3A_5307 = vector.broadcast %select_n3A_5306 : i32 to vector<16xi32>
    %rem3A_5308 = arith.remsi %add3A_5301, %rem3A_5307 : vector<16xi32>
    %ne3A_5309 = arith.constant 0 : i32
    %ne3A_5310 = vector.broadcast %ne3A_5309 : i32 to vector<16xi32>
    %ne3A_5311 = arith.cmpi ne, %rem3A_5308, %ne3A_5310 : vector<16xi32>
    %lt3A_5312 = arith.constant 0 : i32
    %lt3A_5313 = vector.broadcast %lt3A_5312 : i32 to vector<16xi32>
    %lt3A_5314 = arith.cmpi slt, %rem3A_5308, %lt3A_5313 : vector<16xi32>
    %lt3A_5315 = arith.constant 0 : i32
    %lt3A_5316 = arith.cmpi slt, %select_n3A_5306, %lt3A_5315 : i32
    %ne3A_5317 = vector.broadcast %lt3A_5316 : i1 to vector<16xi1>
    %ne3A_5318 = vector.broadcast %ne3A_5317 : vector<16xi1> to vector<16xi1>
    %ne3A_5319 = arith.xori %lt3A_5314, %ne3A_5318 : vector<16xi1>
    %and3A_5320 = arith.andi %ne3A_5319, %ne3A_5311 : vector<16xi1>
    %add3A_5321 = vector.broadcast %select_n3A_5306 : i32 to vector<16xi32>
    %add3A_5322 = arith.addi %rem3A_5308, %add3A_5321 : vector<16xi32>
    %select_n3A_5323 = arith.select %and3A_5320, %add3A_5322, %rem3A_5308 : vector<16xi1>, vector<16xi32>
    %reshape3A_5324 = vector.shape_cast %select_n3A_5323 : vector<16xi32> to vector<16x1xi32>
    %gather3A_5325 = vector.shape_cast %reshape3A_5324 : vector<16x1xi32> to vector<16xi32>
    %gather3A_5326 = tpu.dynamic_gather %add3A_5297[%gather3A_5325] in [0] : vector<16xi32>, vector<16xi32> -> vector<16xi32>
    %add3A_5327 = arith.addi %add3A_5297, %gather3A_5326 : vector<16xi32>
    %eq3A_5328 = arith.constant 9 : i32
    %eq3A_5329 = vector.broadcast %eq3A_5328 : i32 to vector<16xi32>
    %eq3A_5330 = arith.cmpi eq, %iota3A, %eq3A_5329 : vector<16xi32>
    %select_n3A_5331 = arith.select %eq3A_5330, %add3A_5327, %select_n3A_5126 : vector<16xi1>, vector<16xi32>
    %broadcast_in_dim3A_5332 = arith.constant 0 : i32
    %broadcast_in_dim3A_5333 = vector.broadcast %broadcast_in_dim3A_5332 : i32 to vector<16xi32>
    %get3A_5334 = arith.constant 26 : i32
    %get3A_5335 = arith.index_cast %get3A_5334 : i32 to index
    %get3A_5336 = arith.constant 0 : index
    %get3A_5337 = tpu.vector_load %arg10[%get3A_5335, %get3A_5336] {strides = array<i32>} : memref<32x77xi32, #tpu.memory_space<vmem>>, vector<1x16xi32>,
    %get3A_5338 = vector.shape_cast %get3A_5337 : vector<1x16xi32> to vector<16xi32>
    %eq3A_5339 = arith.constant 265 : i32
    %eq3A_5340 = vector.broadcast %eq3A_5339 : i32 to vector<16xi32>
    %eq3A_5341 = arith.cmpi eq, %get3A_5338, %eq3A_5340 : vector<16xi32>
    %add3A_5342 = arith.constant 0 : i32
    %add3A_5343 = vector.broadcast %add3A_5342 : i32 to vector<16xi32>
    %add3A_5344 = arith.addi %add3A_5343, %iota3A : vector<16xi32>
    %jit3A_5345 = arith.constant 0 : i32
    %broadcast_in_dim3A_5346 = vector.broadcast %jit3A_5345 : i32 to vector<16xi32>
    %select_n3A_5347 = arith.select %eq3A_5341, %add3A_5344, %broadcast_in_dim3A_5346 : vector<16xi1>, vector<16xi32>
    %add3A_5348 = arith.addi %broadcast_in_dim3A_5333, %select_n3A_5347 : vector<16xi32>
    %get3A_5349 = arith.constant 26 : i32
    %get3A_5350 = arith.index_cast %get3A_5349 : i32 to index
    %get3A_5351 = arith.constant 16 : index
    %get3A_5352 = tpu.vector_load %arg10[%get3A_5350, %get3A_5351] {strides = array<i32>} : memref<32x77xi32, #tpu.memory_space<vmem>>, vector<1x16xi32>,
    %get3A_5353 = vector.shape_cast %get3A_5352 : vector<1x16xi32> to vector<16xi32>
    %eq3A_5354 = arith.constant 265 : i32
    %eq3A_5355 = vector.broadcast %eq3A_5354 : i32 to vector<16xi32>
    %eq3A_5356 = arith.cmpi eq, %get3A_5353, %eq3A_5355 : vector<16xi32>
    %add3A_5357 = arith.constant 16 : i32
    %add3A_5358 = vector.broadcast %add3A_5357 : i32 to vector<16xi32>
    %add3A_5359 = arith.addi %add3A_5358, %iota3A : vector<16xi32>
    %jit3A_5360 = arith.constant 0 : i32
    %broadcast_in_dim3A_5361 = vector.broadcast %jit3A_5360 : i32 to vector<16xi32>
    %select_n3A_5362 = arith.select %eq3A_5356, %add3A_5359, %broadcast_in_dim3A_5361 : vector<16xi1>, vector<16xi32>
    %add3A_5363 = arith.addi %add3A_5348, %select_n3A_5362 : vector<16xi32>
    %get3A_5364 = arith.constant 26 : i32
    %get3A_5365 = arith.index_cast %get3A_5364 : i32 to index
    %get3A_5366 = arith.constant 32 : index
    %get3A_5367 = tpu.vector_load %arg10[%get3A_5365, %get3A_5366] {strides = array<i32>} : memref<32x77xi32, #tpu.memory_space<vmem>>, vector<1x16xi32>,
    %get3A_5368 = vector.shape_cast %get3A_5367 : vector<1x16xi32> to vector<16xi32>
    %eq3A_5369 = arith.constant 265 : i32
    %eq3A_5370 = vector.broadcast %eq3A_5369 : i32 to vector<16xi32>
    %eq3A_5371 = arith.cmpi eq, %get3A_5368, %eq3A_5370 : vector<16xi32>
    %add3A_5372 = arith.constant 32 : i32
    %add3A_5373 = vector.broadcast %add3A_5372 : i32 to vector<16xi32>
    %add3A_5374 = arith.addi %add3A_5373, %iota3A : vector<16xi32>
    %jit3A_5375 = arith.constant 0 : i32
    %broadcast_in_dim3A_5376 = vector.broadcast %jit3A_5375 : i32 to vector<16xi32>
    %select_n3A_5377 = arith.select %eq3A_5371, %add3A_5374, %broadcast_in_dim3A_5376 : vector<16xi1>, vector<16xi32>
    %add3A_5378 = arith.addi %add3A_5363, %select_n3A_5377 : vector<16xi32>
    %get3A_5379 = arith.constant 26 : i32
    %get3A_5380 = arith.index_cast %get3A_5379 : i32 to index
    %get3A_5381 = arith.constant 48 : index
    %get3A_5382 = tpu.vector_load %arg10[%get3A_5380, %get3A_5381] {strides = array<i32>} : memref<32x77xi32, #tpu.memory_space<vmem>>, vector<1x16xi32>,
    %get3A_5383 = vector.shape_cast %get3A_5382 : vector<1x16xi32> to vector<16xi32>
    %eq3A_5384 = arith.constant 265 : i32
    %eq3A_5385 = vector.broadcast %eq3A_5384 : i32 to vector<16xi32>
    %eq3A_5386 = arith.cmpi eq, %get3A_5383, %eq3A_5385 : vector<16xi32>
    %add3A_5387 = arith.constant 48 : i32
    %add3A_5388 = vector.broadcast %add3A_5387 : i32 to vector<16xi32>
    %add3A_5389 = arith.addi %add3A_5388, %iota3A : vector<16xi32>
    %jit3A_5390 = arith.constant 0 : i32
    %broadcast_in_dim3A_5391 = vector.broadcast %jit3A_5390 : i32 to vector<16xi32>
    %select_n3A_5392 = arith.select %eq3A_5386, %add3A_5389, %broadcast_in_dim3A_5391 : vector<16xi1>, vector<16xi32>
    %add3A_5393 = arith.addi %add3A_5378, %select_n3A_5392 : vector<16xi32>
    %get3A_5394 = arith.constant 26 : i32
    %get3A_5395 = arith.index_cast %get3A_5394 : i32 to index
    %get3A_5396 = arith.constant 61 : index
    %get3A_5397 = tpu.vector_load %arg10[%get3A_5395, %get3A_5396] {strides = array<i32>} : memref<32x77xi32, #tpu.memory_space<vmem>>, vector<1x16xi32>,
    %get3A_5398 = vector.shape_cast %get3A_5397 : vector<1x16xi32> to vector<16xi32>
    %eq3A_5399 = arith.constant 265 : i32
    %eq3A_5400 = vector.broadcast %eq3A_5399 : i32 to vector<16xi32>
    %eq3A_5401 = arith.cmpi eq, %get3A_5398, %eq3A_5400 : vector<16xi32>
    %ge3A_5402 = arith.constant 3 : i32
    %ge3A_5403 = vector.broadcast %ge3A_5402 : i32 to vector<16xi32>
    %ge3A_5404 = arith.cmpi sge, %iota3A, %ge3A_5403 : vector<16xi32>
    %and3A_5405 = arith.andi %eq3A_5401, %ge3A_5404 : vector<16xi1>
    %add3A_5406 = arith.constant 61 : i32
    %add3A_5407 = vector.broadcast %add3A_5406 : i32 to vector<16xi32>
    %add3A_5408 = arith.addi %add3A_5407, %iota3A : vector<16xi32>
    %jit3A_5409 = arith.constant 0 : i32
    %broadcast_in_dim3A_5410 = vector.broadcast %jit3A_5409 : i32 to vector<16xi32>
    %select_n3A_5411 = arith.select %and3A_5405, %add3A_5408, %broadcast_in_dim3A_5410 : vector<16xi1>, vector<16xi32>
    %add3A_5412 = arith.addi %add3A_5393, %select_n3A_5411 : vector<16xi32>
    %iota3A_5413 = tpu.iota {dimensions = array<i32: 0>} : vector<16xi32>
    %add3A_5414 = arith.constant 8 : i32
    %add3A_5415 = vector.broadcast %add3A_5414 : i32 to vector<16xi32>
    %add3A_5416 = arith.addi %iota3A_5413, %add3A_5415 : vector<16xi32>
    %jit3A_5417 = arith.constant 16 : i32
    %eq3A_5418 = arith.constant 0 : i32
    %eq3A_5419 = arith.cmpi eq, %jit3A_5417, %eq3A_5418 : i32
    %jit3A_5420 = arith.constant 1 : i32
    %select_n3A_5421 = arith.select %eq3A_5419, %jit3A_5420, %jit3A_5417 : i32
    %rem3A_5422 = vector.broadcast %select_n3A_5421 : i32 to vector<16xi32>
    %rem3A_5423 = arith.remsi %add3A_5416, %rem3A_5422 : vector<16xi32>
    %ne3A_5424 = arith.constant 0 : i32
    %ne3A_5425 = vector.broadcast %ne3A_5424 : i32 to vector<16xi32>
    %ne3A_5426 = arith.cmpi ne, %rem3A_5423, %ne3A_5425 : vector<16xi32>
    %lt3A_5427 = arith.constant 0 : i32
    %lt3A_5428 = vector.broadcast %lt3A_5427 : i32 to vector<16xi32>
    %lt3A_5429 = arith.cmpi slt, %rem3A_5423, %lt3A_5428 : vector<16xi32>
    %lt3A_5430 = arith.constant 0 : i32
    %lt3A_5431 = arith.cmpi slt, %select_n3A_5421, %lt3A_5430 : i32
    %ne3A_5432 = vector.broadcast %lt3A_5431 : i1 to vector<16xi1>
    %ne3A_5433 = vector.broadcast %ne3A_5432 : vector<16xi1> to vector<16xi1>
    %ne3A_5434 = arith.xori %lt3A_5429, %ne3A_5433 : vector<16xi1>
    %and3A_5435 = arith.andi %ne3A_5434, %ne3A_5426 : vector<16xi1>
    %add3A_5436 = vector.broadcast %select_n3A_5421 : i32 to vector<16xi32>
    %add3A_5437 = arith.addi %rem3A_5423, %add3A_5436 : vector<16xi32>
    %select_n3A_5438 = arith.select %and3A_5435, %add3A_5437, %rem3A_5423 : vector<16xi1>, vector<16xi32>
    %reshape3A_5439 = vector.shape_cast %select_n3A_5438 : vector<16xi32> to vector<16x1xi32>
    %gather3A_5440 = vector.shape_cast %reshape3A_5439 : vector<16x1xi32> to vector<16xi32>
    %gather3A_5441 = tpu.dynamic_gather %add3A_5412[%gather3A_5440] in [0] : vector<16xi32>, vector<16xi32> -> vector<16xi32>
    %add3A_5442 = arith.addi %add3A_5412, %gather3A_5441 : vector<16xi32>
    %iota3A_5443 = tpu.iota {dimensions = array<i32: 0>} : vector<16xi32>
    %add3A_5444 = arith.constant 4 : i32
    %add3A_5445 = vector.broadcast %add3A_5444 : i32 to vector<16xi32>
    %add3A_5446 = arith.addi %iota3A_5443, %add3A_5445 : vector<16xi32>
    %jit3A_5447 = arith.constant 16 : i32
    %eq3A_5448 = arith.constant 0 : i32
    %eq3A_5449 = arith.cmpi eq, %jit3A_5447, %eq3A_5448 : i32
    %jit3A_5450 = arith.constant 1 : i32
    %select_n3A_5451 = arith.select %eq3A_5449, %jit3A_5450, %jit3A_5447 : i32
    %rem3A_5452 = vector.broadcast %select_n3A_5451 : i32 to vector<16xi32>
    %rem3A_5453 = arith.remsi %add3A_5446, %rem3A_5452 : vector<16xi32>
    %ne3A_5454 = arith.constant 0 : i32
    %ne3A_5455 = vector.broadcast %ne3A_5454 : i32 to vector<16xi32>
    %ne3A_5456 = arith.cmpi ne, %rem3A_5453, %ne3A_5455 : vector<16xi32>
    %lt3A_5457 = arith.constant 0 : i32
    %lt3A_5458 = vector.broadcast %lt3A_5457 : i32 to vector<16xi32>
    %lt3A_5459 = arith.cmpi slt, %rem3A_5453, %lt3A_5458 : vector<16xi32>
    %lt3A_5460 = arith.constant 0 : i32
    %lt3A_5461 = arith.cmpi slt, %select_n3A_5451, %lt3A_5460 : i32
    %ne3A_5462 = vector.broadcast %lt3A_5461 : i1 to vector<16xi1>
    %ne3A_5463 = vector.broadcast %ne3A_5462 : vector<16xi1> to vector<16xi1>
    %ne3A_5464 = arith.xori %lt3A_5459, %ne3A_5463 : vector<16xi1>
    %and3A_5465 = arith.andi %ne3A_5464, %ne3A_5456 : vector<16xi1>
    %add3A_5466 = vector.broadcast %select_n3A_5451 : i32 to vector<16xi32>
    %add3A_5467 = arith.addi %rem3A_5453, %add3A_5466 : vector<16xi32>
    %select_n3A_5468 = arith.select %and3A_5465, %add3A_5467, %rem3A_5453 : vector<16xi1>, vector<16xi32>
    %reshape3A_5469 = vector.shape_cast %select_n3A_5468 : vector<16xi32> to vector<16x1xi32>
    %gather3A_5470 = vector.shape_cast %reshape3A_5469 : vector<16x1xi32> to vector<16xi32>
    %gather3A_5471 = tpu.dynamic_gather %add3A_5442[%gather3A_5470] in [0] : vector<16xi32>, vector<16xi32> -> vector<16xi32>
    %add3A_5472 = arith.addi %add3A_5442, %gather3A_5471 : vector<16xi32>
    %iota3A_5473 = tpu.iota {dimensions = array<i32: 0>} : vector<16xi32>
    %add3A_5474 = arith.constant 2 : i32
    %add3A_5475 = vector.broadcast %add3A_5474 : i32 to vector<16xi32>
    %add3A_5476 = arith.addi %iota3A_5473, %add3A_5475 : vector<16xi32>
    %jit3A_5477 = arith.constant 16 : i32
    %eq3A_5478 = arith.constant 0 : i32
    %eq3A_5479 = arith.cmpi eq, %jit3A_5477, %eq3A_5478 : i32
    %jit3A_5480 = arith.constant 1 : i32
    %select_n3A_5481 = arith.select %eq3A_5479, %jit3A_5480, %jit3A_5477 : i32
    %rem3A_5482 = vector.broadcast %select_n3A_5481 : i32 to vector<16xi32>
    %rem3A_5483 = arith.remsi %add3A_5476, %rem3A_5482 : vector<16xi32>
    %ne3A_5484 = arith.constant 0 : i32
    %ne3A_5485 = vector.broadcast %ne3A_5484 : i32 to vector<16xi32>
    %ne3A_5486 = arith.cmpi ne, %rem3A_5483, %ne3A_5485 : vector<16xi32>
    %lt3A_5487 = arith.constant 0 : i32
    %lt3A_5488 = vector.broadcast %lt3A_5487 : i32 to vector<16xi32>
    %lt3A_5489 = arith.cmpi slt, %rem3A_5483, %lt3A_5488 : vector<16xi32>
    %lt3A_5490 = arith.constant 0 : i32
    %lt3A_5491 = arith.cmpi slt, %select_n3A_5481, %lt3A_5490 : i32
    %ne3A_5492 = vector.broadcast %lt3A_5491 : i1 to vector<16xi1>
    %ne3A_5493 = vector.broadcast %ne3A_5492 : vector<16xi1> to vector<16xi1>
    %ne3A_5494 = arith.xori %lt3A_5489, %ne3A_5493 : vector<16xi1>
    %and3A_5495 = arith.andi %ne3A_5494, %ne3A_5486 : vector<16xi1>
    %add3A_5496 = vector.broadcast %select_n3A_5481 : i32 to vector<16xi32>
    %add3A_5497 = arith.addi %rem3A_5483, %add3A_5496 : vector<16xi32>
    %select_n3A_5498 = arith.select %and3A_5495, %add3A_5497, %rem3A_5483 : vector<16xi1>, vector<16xi32>
    %reshape3A_5499 = vector.shape_cast %select_n3A_5498 : vector<16xi32> to vector<16x1xi32>
    %gather3A_5500 = vector.shape_cast %reshape3A_5499 : vector<16x1xi32> to vector<16xi32>
    %gather3A_5501 = tpu.dynamic_gather %add3A_5472[%gather3A_5500] in [0] : vector<16xi32>, vector<16xi32> -> vector<16xi32>
    %add3A_5502 = arith.addi %add3A_5472, %gather3A_5501 : vector<16xi32>
    %iota3A_5503 = tpu.iota {dimensions = array<i32: 0>} : vector<16xi32>
    %add3A_5504 = arith.constant 1 : i32
    %add3A_5505 = vector.broadcast %add3A_5504 : i32 to vector<16xi32>
    %add3A_5506 = arith.addi %iota3A_5503, %add3A_5505 : vector<16xi32>
    %jit3A_5507 = arith.constant 16 : i32
    %eq3A_5508 = arith.constant 0 : i32
    %eq3A_5509 = arith.cmpi eq, %jit3A_5507, %eq3A_5508 : i32
    %jit3A_5510 = arith.constant 1 : i32
    %select_n3A_5511 = arith.select %eq3A_5509, %jit3A_5510, %jit3A_5507 : i32
    %rem3A_5512 = vector.broadcast %select_n3A_5511 : i32 to vector<16xi32>
    %rem3A_5513 = arith.remsi %add3A_5506, %rem3A_5512 : vector<16xi32>
    %ne3A_5514 = arith.constant 0 : i32
    %ne3A_5515 = vector.broadcast %ne3A_5514 : i32 to vector<16xi32>
    %ne3A_5516 = arith.cmpi ne, %rem3A_5513, %ne3A_5515 : vector<16xi32>
    %lt3A_5517 = arith.constant 0 : i32
    %lt3A_5518 = vector.broadcast %lt3A_5517 : i32 to vector<16xi32>
    %lt3A_5519 = arith.cmpi slt, %rem3A_5513, %lt3A_5518 : vector<16xi32>
    %lt3A_5520 = arith.constant 0 : i32
    %lt3A_5521 = arith.cmpi slt, %select_n3A_5511, %lt3A_5520 : i32
    %ne3A_5522 = vector.broadcast %lt3A_5521 : i1 to vector<16xi1>
    %ne3A_5523 = vector.broadcast %ne3A_5522 : vector<16xi1> to vector<16xi1>
    %ne3A_5524 = arith.xori %lt3A_5519, %ne3A_5523 : vector<16xi1>
    %and3A_5525 = arith.andi %ne3A_5524, %ne3A_5516 : vector<16xi1>
    %add3A_5526 = vector.broadcast %select_n3A_5511 : i32 to vector<16xi32>
    %add3A_5527 = arith.addi %rem3A_5513, %add3A_5526 : vector<16xi32>
    %select_n3A_5528 = arith.select %and3A_5525, %add3A_5527, %rem3A_5513 : vector<16xi1>, vector<16xi32>
    %reshape3A_5529 = vector.shape_cast %select_n3A_5528 : vector<16xi32> to vector<16x1xi32>
    %gather3A_5530 = vector.shape_cast %reshape3A_5529 : vector<16x1xi32> to vector<16xi32>
    %gather3A_5531 = tpu.dynamic_gather %add3A_5502[%gather3A_5530] in [0] : vector<16xi32>, vector<16xi32> -> vector<16xi32>
    %add3A_5532 = arith.addi %add3A_5502, %gather3A_5531 : vector<16xi32>
    %eq3A_5533 = arith.constant 10 : i32
    %eq3A_5534 = vector.broadcast %eq3A_5533 : i32 to vector<16xi32>
    %eq3A_5535 = arith.cmpi eq, %iota3A, %eq3A_5534 : vector<16xi32>
    %select_n3A_5536 = arith.select %eq3A_5535, %add3A_5532, %select_n3A_5331 : vector<16xi1>, vector<16xi32>
    %broadcast_in_dim3A_5537 = arith.constant 0 : i32
    %broadcast_in_dim3A_5538 = vector.broadcast %broadcast_in_dim3A_5537 : i32 to vector<16xi32>
    %get3A_5539 = arith.constant 27 : i32
    %get3A_5540 = arith.index_cast %get3A_5539 : i32 to index
    %get3A_5541 = arith.constant 0 : index
    %get3A_5542 = tpu.vector_load %arg10[%get3A_5540, %get3A_5541] {strides = array<i32>} : memref<32x77xi32, #tpu.memory_space<vmem>>, vector<1x16xi32>,
    %get3A_5543 = vector.shape_cast %get3A_5542 : vector<1x16xi32> to vector<16xi32>
    %eq3A_5544 = arith.constant 265 : i32
    %eq3A_5545 = vector.broadcast %eq3A_5544 : i32 to vector<16xi32>
    %eq3A_5546 = arith.cmpi eq, %get3A_5543, %eq3A_5545 : vector<16xi32>
    %add3A_5547 = arith.constant 0 : i32
    %add3A_5548 = vector.broadcast %add3A_5547 : i32 to vector<16xi32>
    %add3A_5549 = arith.addi %add3A_5548, %iota3A : vector<16xi32>
    %jit3A_5550 = arith.constant 0 : i32
    %broadcast_in_dim3A_5551 = vector.broadcast %jit3A_5550 : i32 to vector<16xi32>
    %select_n3A_5552 = arith.select %eq3A_5546, %add3A_5549, %broadcast_in_dim3A_5551 : vector<16xi1>, vector<16xi32>
    %add3A_5553 = arith.addi %broadcast_in_dim3A_5538, %select_n3A_5552 : vector<16xi32>
    %get3A_5554 = arith.constant 27 : i32
    %get3A_5555 = arith.index_cast %get3A_5554 : i32 to index
    %get3A_5556 = arith.constant 16 : index
    %get3A_5557 = tpu.vector_load %arg10[%get3A_5555, %get3A_5556] {strides = array<i32>} : memref<32x77xi32, #tpu.memory_space<vmem>>, vector<1x16xi32>,
    %get3A_5558 = vector.shape_cast %get3A_5557 : vector<1x16xi32> to vector<16xi32>
    %eq3A_5559 = arith.constant 265 : i32
    %eq3A_5560 = vector.broadcast %eq3A_5559 : i32 to vector<16xi32>
    %eq3A_5561 = arith.cmpi eq, %get3A_5558, %eq3A_5560 : vector<16xi32>
    %add3A_5562 = arith.constant 16 : i32
    %add3A_5563 = vector.broadcast %add3A_5562 : i32 to vector<16xi32>
    %add3A_5564 = arith.addi %add3A_5563, %iota3A : vector<16xi32>
    %jit3A_5565 = arith.constant 0 : i32
    %broadcast_in_dim3A_5566 = vector.broadcast %jit3A_5565 : i32 to vector<16xi32>
    %select_n3A_5567 = arith.select %eq3A_5561, %add3A_5564, %broadcast_in_dim3A_5566 : vector<16xi1>, vector<16xi32>
    %add3A_5568 = arith.addi %add3A_5553, %select_n3A_5567 : vector<16xi32>
    %get3A_5569 = arith.constant 27 : i32
    %get3A_5570 = arith.index_cast %get3A_5569 : i32 to index
    %get3A_5571 = arith.constant 32 : index
    %get3A_5572 = tpu.vector_load %arg10[%get3A_5570, %get3A_5571] {strides = array<i32>} : memref<32x77xi32, #tpu.memory_space<vmem>>, vector<1x16xi32>,
    %get3A_5573 = vector.shape_cast %get3A_5572 : vector<1x16xi32> to vector<16xi32>
    %eq3A_5574 = arith.constant 265 : i32
    %eq3A_5575 = vector.broadcast %eq3A_5574 : i32 to vector<16xi32>
    %eq3A_5576 = arith.cmpi eq, %get3A_5573, %eq3A_5575 : vector<16xi32>
    %add3A_5577 = arith.constant 32 : i32
    %add3A_5578 = vector.broadcast %add3A_5577 : i32 to vector<16xi32>
    %add3A_5579 = arith.addi %add3A_5578, %iota3A : vector<16xi32>
    %jit3A_5580 = arith.constant 0 : i32
    %broadcast_in_dim3A_5581 = vector.broadcast %jit3A_5580 : i32 to vector<16xi32>
    %select_n3A_5582 = arith.select %eq3A_5576, %add3A_5579, %broadcast_in_dim3A_5581 : vector<16xi1>, vector<16xi32>
    %add3A_5583 = arith.addi %add3A_5568, %select_n3A_5582 : vector<16xi32>
    %get3A_5584 = arith.constant 27 : i32
    %get3A_5585 = arith.index_cast %get3A_5584 : i32 to index
    %get3A_5586 = arith.constant 48 : index
    %get3A_5587 = tpu.vector_load %arg10[%get3A_5585, %get3A_5586] {strides = array<i32>} : memref<32x77xi32, #tpu.memory_space<vmem>>, vector<1x16xi32>,
    %get3A_5588 = vector.shape_cast %get3A_5587 : vector<1x16xi32> to vector<16xi32>
    %eq3A_5589 = arith.constant 265 : i32
    %eq3A_5590 = vector.broadcast %eq3A_5589 : i32 to vector<16xi32>
    %eq3A_5591 = arith.cmpi eq, %get3A_5588, %eq3A_5590 : vector<16xi32>
    %add3A_5592 = arith.constant 48 : i32
    %add3A_5593 = vector.broadcast %add3A_5592 : i32 to vector<16xi32>
    %add3A_5594 = arith.addi %add3A_5593, %iota3A : vector<16xi32>
    %jit3A_5595 = arith.constant 0 : i32
    %broadcast_in_dim3A_5596 = vector.broadcast %jit3A_5595 : i32 to vector<16xi32>
    %select_n3A_5597 = arith.select %eq3A_5591, %add3A_5594, %broadcast_in_dim3A_5596 : vector<16xi1>, vector<16xi32>
    %add3A_5598 = arith.addi %add3A_5583, %select_n3A_5597 : vector<16xi32>
    %get3A_5599 = arith.constant 27 : i32
    %get3A_5600 = arith.index_cast %get3A_5599 : i32 to index
    %get3A_5601 = arith.constant 61 : index
    %get3A_5602 = tpu.vector_load %arg10[%get3A_5600, %get3A_5601] {strides = array<i32>} : memref<32x77xi32, #tpu.memory_space<vmem>>, vector<1x16xi32>,
    %get3A_5603 = vector.shape_cast %get3A_5602 : vector<1x16xi32> to vector<16xi32>
    %eq3A_5604 = arith.constant 265 : i32
    %eq3A_5605 = vector.broadcast %eq3A_5604 : i32 to vector<16xi32>
    %eq3A_5606 = arith.cmpi eq, %get3A_5603, %eq3A_5605 : vector<16xi32>
    %ge3A_5607 = arith.constant 3 : i32
    %ge3A_5608 = vector.broadcast %ge3A_5607 : i32 to vector<16xi32>
    %ge3A_5609 = arith.cmpi sge, %iota3A, %ge3A_5608 : vector<16xi32>
    %and3A_5610 = arith.andi %eq3A_5606, %ge3A_5609 : vector<16xi1>
    %add3A_5611 = arith.constant 61 : i32
    %add3A_5612 = vector.broadcast %add3A_5611 : i32 to vector<16xi32>
    %add3A_5613 = arith.addi %add3A_5612, %iota3A : vector<16xi32>
    %jit3A_5614 = arith.constant 0 : i32
    %broadcast_in_dim3A_5615 = vector.broadcast %jit3A_5614 : i32 to vector<16xi32>
    %select_n3A_5616 = arith.select %and3A_5610, %add3A_5613, %broadcast_in_dim3A_5615 : vector<16xi1>, vector<16xi32>
    %add3A_5617 = arith.addi %add3A_5598, %select_n3A_5616 : vector<16xi32>
    %iota3A_5618 = tpu.iota {dimensions = array<i32: 0>} : vector<16xi32>
    %add3A_5619 = arith.constant 8 : i32
    %add3A_5620 = vector.broadcast %add3A_5619 : i32 to vector<16xi32>
    %add3A_5621 = arith.addi %iota3A_5618, %add3A_5620 : vector<16xi32>
    %jit3A_5622 = arith.constant 16 : i32
    %eq3A_5623 = arith.constant 0 : i32
    %eq3A_5624 = arith.cmpi eq, %jit3A_5622, %eq3A_5623 : i32
    %jit3A_5625 = arith.constant 1 : i32
    %select_n3A_5626 = arith.select %eq3A_5624, %jit3A_5625, %jit3A_5622 : i32
    %rem3A_5627 = vector.broadcast %select_n3A_5626 : i32 to vector<16xi32>
    %rem3A_5628 = arith.remsi %add3A_5621, %rem3A_5627 : vector<16xi32>
    %ne3A_5629 = arith.constant 0 : i32
    %ne3A_5630 = vector.broadcast %ne3A_5629 : i32 to vector<16xi32>
    %ne3A_5631 = arith.cmpi ne, %rem3A_5628, %ne3A_5630 : vector<16xi32>
    %lt3A_5632 = arith.constant 0 : i32
    %lt3A_5633 = vector.broadcast %lt3A_5632 : i32 to vector<16xi32>
    %lt3A_5634 = arith.cmpi slt, %rem3A_5628, %lt3A_5633 : vector<16xi32>
    %lt3A_5635 = arith.constant 0 : i32
    %lt3A_5636 = arith.cmpi slt, %select_n3A_5626, %lt3A_5635 : i32
    %ne3A_5637 = vector.broadcast %lt3A_5636 : i1 to vector<16xi1>
    %ne3A_5638 = vector.broadcast %ne3A_5637 : vector<16xi1> to vector<16xi1>
    %ne3A_5639 = arith.xori %lt3A_5634, %ne3A_5638 : vector<16xi1>
    %and3A_5640 = arith.andi %ne3A_5639, %ne3A_5631 : vector<16xi1>
    %add3A_5641 = vector.broadcast %select_n3A_5626 : i32 to vector<16xi32>
    %add3A_5642 = arith.addi %rem3A_5628, %add3A_5641 : vector<16xi32>
    %select_n3A_5643 = arith.select %and3A_5640, %add3A_5642, %rem3A_5628 : vector<16xi1>, vector<16xi32>
    %reshape3A_5644 = vector.shape_cast %select_n3A_5643 : vector<16xi32> to vector<16x1xi32>
    %gather3A_5645 = vector.shape_cast %reshape3A_5644 : vector<16x1xi32> to vector<16xi32>
    %gather3A_5646 = tpu.dynamic_gather %add3A_5617[%gather3A_5645] in [0] : vector<16xi32>, vector<16xi32> -> vector<16xi32>
    %add3A_5647 = arith.addi %add3A_5617, %gather3A_5646 : vector<16xi32>
    %iota3A_5648 = tpu.iota {dimensions = array<i32: 0>} : vector<16xi32>
    %add3A_5649 = arith.constant 4 : i32
    %add3A_5650 = vector.broadcast %add3A_5649 : i32 to vector<16xi32>
    %add3A_5651 = arith.addi %iota3A_5648, %add3A_5650 : vector<16xi32>
    %jit3A_5652 = arith.constant 16 : i32
    %eq3A_5653 = arith.constant 0 : i32
    %eq3A_5654 = arith.cmpi eq, %jit3A_5652, %eq3A_5653 : i32
    %jit3A_5655 = arith.constant 1 : i32
    %select_n3A_5656 = arith.select %eq3A_5654, %jit3A_5655, %jit3A_5652 : i32
    %rem3A_5657 = vector.broadcast %select_n3A_5656 : i32 to vector<16xi32>
    %rem3A_5658 = arith.remsi %add3A_5651, %rem3A_5657 : vector<16xi32>
    %ne3A_5659 = arith.constant 0 : i32
    %ne3A_5660 = vector.broadcast %ne3A_5659 : i32 to vector<16xi32>
    %ne3A_5661 = arith.cmpi ne, %rem3A_5658, %ne3A_5660 : vector<16xi32>
    %lt3A_5662 = arith.constant 0 : i32
    %lt3A_5663 = vector.broadcast %lt3A_5662 : i32 to vector<16xi32>
    %lt3A_5664 = arith.cmpi slt, %rem3A_5658, %lt3A_5663 : vector<16xi32>
    %lt3A_5665 = arith.constant 0 : i32
    %lt3A_5666 = arith.cmpi slt, %select_n3A_5656, %lt3A_5665 : i32
    %ne3A_5667 = vector.broadcast %lt3A_5666 : i1 to vector<16xi1>
    %ne3A_5668 = vector.broadcast %ne3A_5667 : vector<16xi1> to vector<16xi1>
    %ne3A_5669 = arith.xori %lt3A_5664, %ne3A_5668 : vector<16xi1>
    %and3A_5670 = arith.andi %ne3A_5669, %ne3A_5661 : vector<16xi1>
    %add3A_5671 = vector.broadcast %select_n3A_5656 : i32 to vector<16xi32>
    %add3A_5672 = arith.addi %rem3A_5658, %add3A_5671 : vector<16xi32>
    %select_n3A_5673 = arith.select %and3A_5670, %add3A_5672, %rem3A_5658 : vector<16xi1>, vector<16xi32>
    %reshape3A_5674 = vector.shape_cast %select_n3A_5673 : vector<16xi32> to vector<16x1xi32>
    %gather3A_5675 = vector.shape_cast %reshape3A_5674 : vector<16x1xi32> to vector<16xi32>
    %gather3A_5676 = tpu.dynamic_gather %add3A_5647[%gather3A_5675] in [0] : vector<16xi32>, vector<16xi32> -> vector<16xi32>
    %add3A_5677 = arith.addi %add3A_5647, %gather3A_5676 : vector<16xi32>
    %iota3A_5678 = tpu.iota {dimensions = array<i32: 0>} : vector<16xi32>
    %add3A_5679 = arith.constant 2 : i32
    %add3A_5680 = vector.broadcast %add3A_5679 : i32 to vector<16xi32>
    %add3A_5681 = arith.addi %iota3A_5678, %add3A_5680 : vector<16xi32>
    %jit3A_5682 = arith.constant 16 : i32
    %eq3A_5683 = arith.constant 0 : i32
    %eq3A_5684 = arith.cmpi eq, %jit3A_5682, %eq3A_5683 : i32
    %jit3A_5685 = arith.constant 1 : i32
    %select_n3A_5686 = arith.select %eq3A_5684, %jit3A_5685, %jit3A_5682 : i32
    %rem3A_5687 = vector.broadcast %select_n3A_5686 : i32 to vector<16xi32>
    %rem3A_5688 = arith.remsi %add3A_5681, %rem3A_5687 : vector<16xi32>
    %ne3A_5689 = arith.constant 0 : i32
    %ne3A_5690 = vector.broadcast %ne3A_5689 : i32 to vector<16xi32>
    %ne3A_5691 = arith.cmpi ne, %rem3A_5688, %ne3A_5690 : vector<16xi32>
    %lt3A_5692 = arith.constant 0 : i32
    %lt3A_5693 = vector.broadcast %lt3A_5692 : i32 to vector<16xi32>
    %lt3A_5694 = arith.cmpi slt, %rem3A_5688, %lt3A_5693 : vector<16xi32>
    %lt3A_5695 = arith.constant 0 : i32
    %lt3A_5696 = arith.cmpi slt, %select_n3A_5686, %lt3A_5695 : i32
    %ne3A_5697 = vector.broadcast %lt3A_5696 : i1 to vector<16xi1>
    %ne3A_5698 = vector.broadcast %ne3A_5697 : vector<16xi1> to vector<16xi1>
    %ne3A_5699 = arith.xori %lt3A_5694, %ne3A_5698 : vector<16xi1>
    %and3A_5700 = arith.andi %ne3A_5699, %ne3A_5691 : vector<16xi1>
    %add3A_5701 = vector.broadcast %select_n3A_5686 : i32 to vector<16xi32>
    %add3A_5702 = arith.addi %rem3A_5688, %add3A_5701 : vector<16xi32>
    %select_n3A_5703 = arith.select %and3A_5700, %add3A_5702, %rem3A_5688 : vector<16xi1>, vector<16xi32>
    %reshape3A_5704 = vector.shape_cast %select_n3A_5703 : vector<16xi32> to vector<16x1xi32>
    %gather3A_5705 = vector.shape_cast %reshape3A_5704 : vector<16x1xi32> to vector<16xi32>
    %gather3A_5706 = tpu.dynamic_gather %add3A_5677[%gather3A_5705] in [0] : vector<16xi32>, vector<16xi32> -> vector<16xi32>
    %add3A_5707 = arith.addi %add3A_5677, %gather3A_5706 : vector<16xi32>
    %iota3A_5708 = tpu.iota {dimensions = array<i32: 0>} : vector<16xi32>
    %add3A_5709 = arith.constant 1 : i32
    %add3A_5710 = vector.broadcast %add3A_5709 : i32 to vector<16xi32>
    %add3A_5711 = arith.addi %iota3A_5708, %add3A_5710 : vector<16xi32>
    %jit3A_5712 = arith.constant 16 : i32
    %eq3A_5713 = arith.constant 0 : i32
    %eq3A_5714 = arith.cmpi eq, %jit3A_5712, %eq3A_5713 : i32
    %jit3A_5715 = arith.constant 1 : i32
    %select_n3A_5716 = arith.select %eq3A_5714, %jit3A_5715, %jit3A_5712 : i32
    %rem3A_5717 = vector.broadcast %select_n3A_5716 : i32 to vector<16xi32>
    %rem3A_5718 = arith.remsi %add3A_5711, %rem3A_5717 : vector<16xi32>
    %ne3A_5719 = arith.constant 0 : i32
    %ne3A_5720 = vector.broadcast %ne3A_5719 : i32 to vector<16xi32>
    %ne3A_5721 = arith.cmpi ne, %rem3A_5718, %ne3A_5720 : vector<16xi32>
    %lt3A_5722 = arith.constant 0 : i32
    %lt3A_5723 = vector.broadcast %lt3A_5722 : i32 to vector<16xi32>
    %lt3A_5724 = arith.cmpi slt, %rem3A_5718, %lt3A_5723 : vector<16xi32>
    %lt3A_5725 = arith.constant 0 : i32
    %lt3A_5726 = arith.cmpi slt, %select_n3A_5716, %lt3A_5725 : i32
    %ne3A_5727 = vector.broadcast %lt3A_5726 : i1 to vector<16xi1>
    %ne3A_5728 = vector.broadcast %ne3A_5727 : vector<16xi1> to vector<16xi1>
    %ne3A_5729 = arith.xori %lt3A_5724, %ne3A_5728 : vector<16xi1>
    %and3A_5730 = arith.andi %ne3A_5729, %ne3A_5721 : vector<16xi1>
    %add3A_5731 = vector.broadcast %select_n3A_5716 : i32 to vector<16xi32>
    %add3A_5732 = arith.addi %rem3A_5718, %add3A_5731 : vector<16xi32>
    %select_n3A_5733 = arith.select %and3A_5730, %add3A_5732, %rem3A_5718 : vector<16xi1>, vector<16xi32>
    %reshape3A_5734 = vector.shape_cast %select_n3A_5733 : vector<16xi32> to vector<16x1xi32>
    %gather3A_5735 = vector.shape_cast %reshape3A_5734 : vector<16x1xi32> to vector<16xi32>
    %gather3A_5736 = tpu.dynamic_gather %add3A_5707[%gather3A_5735] in [0] : vector<16xi32>, vector<16xi32> -> vector<16xi32>
    %add3A_5737 = arith.addi %add3A_5707, %gather3A_5736 : vector<16xi32>
    %eq3A_5738 = arith.constant 11 : i32
    %eq3A_5739 = vector.broadcast %eq3A_5738 : i32 to vector<16xi32>
    %eq3A_5740 = arith.cmpi eq, %iota3A, %eq3A_5739 : vector<16xi32>
    %select_n3A_5741 = arith.select %eq3A_5740, %add3A_5737, %select_n3A_5536 : vector<16xi1>, vector<16xi32>
    %broadcast_in_dim3A_5742 = arith.constant 0 : i32
    %broadcast_in_dim3A_5743 = vector.broadcast %broadcast_in_dim3A_5742 : i32 to vector<16xi32>
    %get3A_5744 = arith.constant 28 : i32
    %get3A_5745 = arith.index_cast %get3A_5744 : i32 to index
    %get3A_5746 = arith.constant 0 : index
    %get3A_5747 = tpu.vector_load %arg10[%get3A_5745, %get3A_5746] {strides = array<i32>} : memref<32x77xi32, #tpu.memory_space<vmem>>, vector<1x16xi32>,
    %get3A_5748 = vector.shape_cast %get3A_5747 : vector<1x16xi32> to vector<16xi32>
    %eq3A_5749 = arith.constant 265 : i32
    %eq3A_5750 = vector.broadcast %eq3A_5749 : i32 to vector<16xi32>
    %eq3A_5751 = arith.cmpi eq, %get3A_5748, %eq3A_5750 : vector<16xi32>
    %add3A_5752 = arith.constant 0 : i32
    %add3A_5753 = vector.broadcast %add3A_5752 : i32 to vector<16xi32>
    %add3A_5754 = arith.addi %add3A_5753, %iota3A : vector<16xi32>
    %jit3A_5755 = arith.constant 0 : i32
    %broadcast_in_dim3A_5756 = vector.broadcast %jit3A_5755 : i32 to vector<16xi32>
    %select_n3A_5757 = arith.select %eq3A_5751, %add3A_5754, %broadcast_in_dim3A_5756 : vector<16xi1>, vector<16xi32>
    %add3A_5758 = arith.addi %broadcast_in_dim3A_5743, %select_n3A_5757 : vector<16xi32>
    %get3A_5759 = arith.constant 28 : i32
    %get3A_5760 = arith.index_cast %get3A_5759 : i32 to index
    %get3A_5761 = arith.constant 16 : index
    %get3A_5762 = tpu.vector_load %arg10[%get3A_5760, %get3A_5761] {strides = array<i32>} : memref<32x77xi32, #tpu.memory_space<vmem>>, vector<1x16xi32>,
    %get3A_5763 = vector.shape_cast %get3A_5762 : vector<1x16xi32> to vector<16xi32>
    %eq3A_5764 = arith.constant 265 : i32
    %eq3A_5765 = vector.broadcast %eq3A_5764 : i32 to vector<16xi32>
    %eq3A_5766 = arith.cmpi eq, %get3A_5763, %eq3A_5765 : vector<16xi32>
    %add3A_5767 = arith.constant 16 : i32
    %add3A_5768 = vector.broadcast %add3A_5767 : i32 to vector<16xi32>
    %add3A_5769 = arith.addi %add3A_5768, %iota3A : vector<16xi32>
    %jit3A_5770 = arith.constant 0 : i32
    %broadcast_in_dim3A_5771 = vector.broadcast %jit3A_5770 : i32 to vector<16xi32>
    %select_n3A_5772 = arith.select %eq3A_5766, %add3A_5769, %broadcast_in_dim3A_5771 : vector<16xi1>, vector<16xi32>
    %add3A_5773 = arith.addi %add3A_5758, %select_n3A_5772 : vector<16xi32>
    %get3A_5774 = arith.constant 28 : i32
    %get3A_5775 = arith.index_cast %get3A_5774 : i32 to index
    %get3A_5776 = arith.constant 32 : index
    %get3A_5777 = tpu.vector_load %arg10[%get3A_5775, %get3A_5776] {strides = array<i32>} : memref<32x77xi32, #tpu.memory_space<vmem>>, vector<1x16xi32>,
    %get3A_5778 = vector.shape_cast %get3A_5777 : vector<1x16xi32> to vector<16xi32>
    %eq3A_5779 = arith.constant 265 : i32
    %eq3A_5780 = vector.broadcast %eq3A_5779 : i32 to vector<16xi32>
    %eq3A_5781 = arith.cmpi eq, %get3A_5778, %eq3A_5780 : vector<16xi32>
    %add3A_5782 = arith.constant 32 : i32
    %add3A_5783 = vector.broadcast %add3A_5782 : i32 to vector<16xi32>
    %add3A_5784 = arith.addi %add3A_5783, %iota3A : vector<16xi32>
    %jit3A_5785 = arith.constant 0 : i32
    %broadcast_in_dim3A_5786 = vector.broadcast %jit3A_5785 : i32 to vector<16xi32>
    %select_n3A_5787 = arith.select %eq3A_5781, %add3A_5784, %broadcast_in_dim3A_5786 : vector<16xi1>, vector<16xi32>
    %add3A_5788 = arith.addi %add3A_5773, %select_n3A_5787 : vector<16xi32>
    %get3A_5789 = arith.constant 28 : i32
    %get3A_5790 = arith.index_cast %get3A_5789 : i32 to index
    %get3A_5791 = arith.constant 48 : index
    %get3A_5792 = tpu.vector_load %arg10[%get3A_5790, %get3A_5791] {strides = array<i32>} : memref<32x77xi32, #tpu.memory_space<vmem>>, vector<1x16xi32>,
    %get3A_5793 = vector.shape_cast %get3A_5792 : vector<1x16xi32> to vector<16xi32>
    %eq3A_5794 = arith.constant 265 : i32
    %eq3A_5795 = vector.broadcast %eq3A_5794 : i32 to vector<16xi32>
    %eq3A_5796 = arith.cmpi eq, %get3A_5793, %eq3A_5795 : vector<16xi32>
    %add3A_5797 = arith.constant 48 : i32
    %add3A_5798 = vector.broadcast %add3A_5797 : i32 to vector<16xi32>
    %add3A_5799 = arith.addi %add3A_5798, %iota3A : vector<16xi32>
    %jit3A_5800 = arith.constant 0 : i32
    %broadcast_in_dim3A_5801 = vector.broadcast %jit3A_5800 : i32 to vector<16xi32>
    %select_n3A_5802 = arith.select %eq3A_5796, %add3A_5799, %broadcast_in_dim3A_5801 : vector<16xi1>, vector<16xi32>
    %add3A_5803 = arith.addi %add3A_5788, %select_n3A_5802 : vector<16xi32>
    %get3A_5804 = arith.constant 28 : i32
    %get3A_5805 = arith.index_cast %get3A_5804 : i32 to index
    %get3A_5806 = arith.constant 61 : index
    %get3A_5807 = tpu.vector_load %arg10[%get3A_5805, %get3A_5806] {strides = array<i32>} : memref<32x77xi32, #tpu.memory_space<vmem>>, vector<1x16xi32>,
    %get3A_5808 = vector.shape_cast %get3A_5807 : vector<1x16xi32> to vector<16xi32>
    %eq3A_5809 = arith.constant 265 : i32
    %eq3A_5810 = vector.broadcast %eq3A_5809 : i32 to vector<16xi32>
    %eq3A_5811 = arith.cmpi eq, %get3A_5808, %eq3A_5810 : vector<16xi32>
    %ge3A_5812 = arith.constant 3 : i32
    %ge3A_5813 = vector.broadcast %ge3A_5812 : i32 to vector<16xi32>
    %ge3A_5814 = arith.cmpi sge, %iota3A, %ge3A_5813 : vector<16xi32>
    %and3A_5815 = arith.andi %eq3A_5811, %ge3A_5814 : vector<16xi1>
    %add3A_5816 = arith.constant 61 : i32
    %add3A_5817 = vector.broadcast %add3A_5816 : i32 to vector<16xi32>
    %add3A_5818 = arith.addi %add3A_5817, %iota3A : vector<16xi32>
    %jit3A_5819 = arith.constant 0 : i32
    %broadcast_in_dim3A_5820 = vector.broadcast %jit3A_5819 : i32 to vector<16xi32>
    %select_n3A_5821 = arith.select %and3A_5815, %add3A_5818, %broadcast_in_dim3A_5820 : vector<16xi1>, vector<16xi32>
    %add3A_5822 = arith.addi %add3A_5803, %select_n3A_5821 : vector<16xi32>
    %iota3A_5823 = tpu.iota {dimensions = array<i32: 0>} : vector<16xi32>
    %add3A_5824 = arith.constant 8 : i32
    %add3A_5825 = vector.broadcast %add3A_5824 : i32 to vector<16xi32>
    %add3A_5826 = arith.addi %iota3A_5823, %add3A_5825 : vector<16xi32>
    %jit3A_5827 = arith.constant 16 : i32
    %eq3A_5828 = arith.constant 0 : i32
    %eq3A_5829 = arith.cmpi eq, %jit3A_5827, %eq3A_5828 : i32
    %jit3A_5830 = arith.constant 1 : i32
    %select_n3A_5831 = arith.select %eq3A_5829, %jit3A_5830, %jit3A_5827 : i32
    %rem3A_5832 = vector.broadcast %select_n3A_5831 : i32 to vector<16xi32>
    %rem3A_5833 = arith.remsi %add3A_5826, %rem3A_5832 : vector<16xi32>
    %ne3A_5834 = arith.constant 0 : i32
    %ne3A_5835 = vector.broadcast %ne3A_5834 : i32 to vector<16xi32>
    %ne3A_5836 = arith.cmpi ne, %rem3A_5833, %ne3A_5835 : vector<16xi32>
    %lt3A_5837 = arith.constant 0 : i32
    %lt3A_5838 = vector.broadcast %lt3A_5837 : i32 to vector<16xi32>
    %lt3A_5839 = arith.cmpi slt, %rem3A_5833, %lt3A_5838 : vector<16xi32>
    %lt3A_5840 = arith.constant 0 : i32
    %lt3A_5841 = arith.cmpi slt, %select_n3A_5831, %lt3A_5840 : i32
    %ne3A_5842 = vector.broadcast %lt3A_5841 : i1 to vector<16xi1>
    %ne3A_5843 = vector.broadcast %ne3A_5842 : vector<16xi1> to vector<16xi1>
    %ne3A_5844 = arith.xori %lt3A_5839, %ne3A_5843 : vector<16xi1>
    %and3A_5845 = arith.andi %ne3A_5844, %ne3A_5836 : vector<16xi1>
    %add3A_5846 = vector.broadcast %select_n3A_5831 : i32 to vector<16xi32>
    %add3A_5847 = arith.addi %rem3A_5833, %add3A_5846 : vector<16xi32>
    %select_n3A_5848 = arith.select %and3A_5845, %add3A_5847, %rem3A_5833 : vector<16xi1>, vector<16xi32>
    %reshape3A_5849 = vector.shape_cast %select_n3A_5848 : vector<16xi32> to vector<16x1xi32>
    %gather3A_5850 = vector.shape_cast %reshape3A_5849 : vector<16x1xi32> to vector<16xi32>
    %gather3A_5851 = tpu.dynamic_gather %add3A_5822[%gather3A_5850] in [0] : vector<16xi32>, vector<16xi32> -> vector<16xi32>
    %add3A_5852 = arith.addi %add3A_5822, %gather3A_5851 : vector<16xi32>
    %iota3A_5853 = tpu.iota {dimensions = array<i32: 0>} : vector<16xi32>
    %add3A_5854 = arith.constant 4 : i32
    %add3A_5855 = vector.broadcast %add3A_5854 : i32 to vector<16xi32>
    %add3A_5856 = arith.addi %iota3A_5853, %add3A_5855 : vector<16xi32>
    %jit3A_5857 = arith.constant 16 : i32
    %eq3A_5858 = arith.constant 0 : i32
    %eq3A_5859 = arith.cmpi eq, %jit3A_5857, %eq3A_5858 : i32
    %jit3A_5860 = arith.constant 1 : i32
    %select_n3A_5861 = arith.select %eq3A_5859, %jit3A_5860, %jit3A_5857 : i32
    %rem3A_5862 = vector.broadcast %select_n3A_5861 : i32 to vector<16xi32>
    %rem3A_5863 = arith.remsi %add3A_5856, %rem3A_5862 : vector<16xi32>
    %ne3A_5864 = arith.constant 0 : i32
    %ne3A_5865 = vector.broadcast %ne3A_5864 : i32 to vector<16xi32>
    %ne3A_5866 = arith.cmpi ne, %rem3A_5863, %ne3A_5865 : vector<16xi32>
    %lt3A_5867 = arith.constant 0 : i32
    %lt3A_5868 = vector.broadcast %lt3A_5867 : i32 to vector<16xi32>
    %lt3A_5869 = arith.cmpi slt, %rem3A_5863, %lt3A_5868 : vector<16xi32>
    %lt3A_5870 = arith.constant 0 : i32
    %lt3A_5871 = arith.cmpi slt, %select_n3A_5861, %lt3A_5870 : i32
    %ne3A_5872 = vector.broadcast %lt3A_5871 : i1 to vector<16xi1>
    %ne3A_5873 = vector.broadcast %ne3A_5872 : vector<16xi1> to vector<16xi1>
    %ne3A_5874 = arith.xori %lt3A_5869, %ne3A_5873 : vector<16xi1>
    %and3A_5875 = arith.andi %ne3A_5874, %ne3A_5866 : vector<16xi1>
    %add3A_5876 = vector.broadcast %select_n3A_5861 : i32 to vector<16xi32>
    %add3A_5877 = arith.addi %rem3A_5863, %add3A_5876 : vector<16xi32>
    %select_n3A_5878 = arith.select %and3A_5875, %add3A_5877, %rem3A_5863 : vector<16xi1>, vector<16xi32>
    %reshape3A_5879 = vector.shape_cast %select_n3A_5878 : vector<16xi32> to vector<16x1xi32>
    %gather3A_5880 = vector.shape_cast %reshape3A_5879 : vector<16x1xi32> to vector<16xi32>
    %gather3A_5881 = tpu.dynamic_gather %add3A_5852[%gather3A_5880] in [0] : vector<16xi32>, vector<16xi32> -> vector<16xi32>
    %add3A_5882 = arith.addi %add3A_5852, %gather3A_5881 : vector<16xi32>
    %iota3A_5883 = tpu.iota {dimensions = array<i32: 0>} : vector<16xi32>
    %add3A_5884 = arith.constant 2 : i32
    %add3A_5885 = vector.broadcast %add3A_5884 : i32 to vector<16xi32>
    %add3A_5886 = arith.addi %iota3A_5883, %add3A_5885 : vector<16xi32>
    %jit3A_5887 = arith.constant 16 : i32
    %eq3A_5888 = arith.constant 0 : i32
    %eq3A_5889 = arith.cmpi eq, %jit3A_5887, %eq3A_5888 : i32
    %jit3A_5890 = arith.constant 1 : i32
    %select_n3A_5891 = arith.select %eq3A_5889, %jit3A_5890, %jit3A_5887 : i32
    %rem3A_5892 = vector.broadcast %select_n3A_5891 : i32 to vector<16xi32>
    %rem3A_5893 = arith.remsi %add3A_5886, %rem3A_5892 : vector<16xi32>
    %ne3A_5894 = arith.constant 0 : i32
    %ne3A_5895 = vector.broadcast %ne3A_5894 : i32 to vector<16xi32>
    %ne3A_5896 = arith.cmpi ne, %rem3A_5893, %ne3A_5895 : vector<16xi32>
    %lt3A_5897 = arith.constant 0 : i32
    %lt3A_5898 = vector.broadcast %lt3A_5897 : i32 to vector<16xi32>
    %lt3A_5899 = arith.cmpi slt, %rem3A_5893, %lt3A_5898 : vector<16xi32>
    %lt3A_5900 = arith.constant 0 : i32
    %lt3A_5901 = arith.cmpi slt, %select_n3A_5891, %lt3A_5900 : i32
    %ne3A_5902 = vector.broadcast %lt3A_5901 : i1 to vector<16xi1>
    %ne3A_5903 = vector.broadcast %ne3A_5902 : vector<16xi1> to vector<16xi1>
    %ne3A_5904 = arith.xori %lt3A_5899, %ne3A_5903 : vector<16xi1>
    %and3A_5905 = arith.andi %ne3A_5904, %ne3A_5896 : vector<16xi1>
    %add3A_5906 = vector.broadcast %select_n3A_5891 : i32 to vector<16xi32>
    %add3A_5907 = arith.addi %rem3A_5893, %add3A_5906 : vector<16xi32>
    %select_n3A_5908 = arith.select %and3A_5905, %add3A_5907, %rem3A_5893 : vector<16xi1>, vector<16xi32>
    %reshape3A_5909 = vector.shape_cast %select_n3A_5908 : vector<16xi32> to vector<16x1xi32>
    %gather3A_5910 = vector.shape_cast %reshape3A_5909 : vector<16x1xi32> to vector<16xi32>
    %gather3A_5911 = tpu.dynamic_gather %add3A_5882[%gather3A_5910] in [0] : vector<16xi32>, vector<16xi32> -> vector<16xi32>
    %add3A_5912 = arith.addi %add3A_5882, %gather3A_5911 : vector<16xi32>
    %iota3A_5913 = tpu.iota {dimensions = array<i32: 0>} : vector<16xi32>
    %add3A_5914 = arith.constant 1 : i32
    %add3A_5915 = vector.broadcast %add3A_5914 : i32 to vector<16xi32>
    %add3A_5916 = arith.addi %iota3A_5913, %add3A_5915 : vector<16xi32>
    %jit3A_5917 = arith.constant 16 : i32
    %eq3A_5918 = arith.constant 0 : i32
    %eq3A_5919 = arith.cmpi eq, %jit3A_5917, %eq3A_5918 : i32
    %jit3A_5920 = arith.constant 1 : i32
    %select_n3A_5921 = arith.select %eq3A_5919, %jit3A_5920, %jit3A_5917 : i32
    %rem3A_5922 = vector.broadcast %select_n3A_5921 : i32 to vector<16xi32>
    %rem3A_5923 = arith.remsi %add3A_5916, %rem3A_5922 : vector<16xi32>
    %ne3A_5924 = arith.constant 0 : i32
    %ne3A_5925 = vector.broadcast %ne3A_5924 : i32 to vector<16xi32>
    %ne3A_5926 = arith.cmpi ne, %rem3A_5923, %ne3A_5925 : vector<16xi32>
    %lt3A_5927 = arith.constant 0 : i32
    %lt3A_5928 = vector.broadcast %lt3A_5927 : i32 to vector<16xi32>
    %lt3A_5929 = arith.cmpi slt, %rem3A_5923, %lt3A_5928 : vector<16xi32>
    %lt3A_5930 = arith.constant 0 : i32
    %lt3A_5931 = arith.cmpi slt, %select_n3A_5921, %lt3A_5930 : i32
    %ne3A_5932 = vector.broadcast %lt3A_5931 : i1 to vector<16xi1>
    %ne3A_5933 = vector.broadcast %ne3A_5932 : vector<16xi1> to vector<16xi1>
    %ne3A_5934 = arith.xori %lt3A_5929, %ne3A_5933 : vector<16xi1>
    %and3A_5935 = arith.andi %ne3A_5934, %ne3A_5926 : vector<16xi1>
    %add3A_5936 = vector.broadcast %select_n3A_5921 : i32 to vector<16xi32>
    %add3A_5937 = arith.addi %rem3A_5923, %add3A_5936 : vector<16xi32>
    %select_n3A_5938 = arith.select %and3A_5935, %add3A_5937, %rem3A_5923 : vector<16xi1>, vector<16xi32>
    %reshape3A_5939 = vector.shape_cast %select_n3A_5938 : vector<16xi32> to vector<16x1xi32>
    %gather3A_5940 = vector.shape_cast %reshape3A_5939 : vector<16x1xi32> to vector<16xi32>
    %gather3A_5941 = tpu.dynamic_gather %add3A_5912[%gather3A_5940] in [0] : vector<16xi32>, vector<16xi32> -> vector<16xi32>
    %add3A_5942 = arith.addi %add3A_5912, %gather3A_5941 : vector<16xi32>
    %eq3A_5943 = arith.constant 12 : i32
    %eq3A_5944 = vector.broadcast %eq3A_5943 : i32 to vector<16xi32>
    %eq3A_5945 = arith.cmpi eq, %iota3A, %eq3A_5944 : vector<16xi32>
    %select_n3A_5946 = arith.select %eq3A_5945, %add3A_5942, %select_n3A_5741 : vector<16xi1>, vector<16xi32>
    %broadcast_in_dim3A_5947 = arith.constant 0 : i32
    %broadcast_in_dim3A_5948 = vector.broadcast %broadcast_in_dim3A_5947 : i32 to vector<16xi32>
    %get3A_5949 = arith.constant 29 : i32
    %get3A_5950 = arith.index_cast %get3A_5949 : i32 to index
    %get3A_5951 = arith.constant 0 : index
    %get3A_5952 = tpu.vector_load %arg10[%get3A_5950, %get3A_5951] {strides = array<i32>} : memref<32x77xi32, #tpu.memory_space<vmem>>, vector<1x16xi32>,
    %get3A_5953 = vector.shape_cast %get3A_5952 : vector<1x16xi32> to vector<16xi32>
    %eq3A_5954 = arith.constant 265 : i32
    %eq3A_5955 = vector.broadcast %eq3A_5954 : i32 to vector<16xi32>
    %eq3A_5956 = arith.cmpi eq, %get3A_5953, %eq3A_5955 : vector<16xi32>
    %add3A_5957 = arith.constant 0 : i32
    %add3A_5958 = vector.broadcast %add3A_5957 : i32 to vector<16xi32>
    %add3A_5959 = arith.addi %add3A_5958, %iota3A : vector<16xi32>
    %jit3A_5960 = arith.constant 0 : i32
    %broadcast_in_dim3A_5961 = vector.broadcast %jit3A_5960 : i32 to vector<16xi32>
    %select_n3A_5962 = arith.select %eq3A_5956, %add3A_5959, %broadcast_in_dim3A_5961 : vector<16xi1>, vector<16xi32>
    %add3A_5963 = arith.addi %broadcast_in_dim3A_5948, %select_n3A_5962 : vector<16xi32>
    %get3A_5964 = arith.constant 29 : i32
    %get3A_5965 = arith.index_cast %get3A_5964 : i32 to index
    %get3A_5966 = arith.constant 16 : index
    %get3A_5967 = tpu.vector_load %arg10[%get3A_5965, %get3A_5966] {strides = array<i32>} : memref<32x77xi32, #tpu.memory_space<vmem>>, vector<1x16xi32>,
    %get3A_5968 = vector.shape_cast %get3A_5967 : vector<1x16xi32> to vector<16xi32>
    %eq3A_5969 = arith.constant 265 : i32
    %eq3A_5970 = vector.broadcast %eq3A_5969 : i32 to vector<16xi32>
    %eq3A_5971 = arith.cmpi eq, %get3A_5968, %eq3A_5970 : vector<16xi32>
    %add3A_5972 = arith.constant 16 : i32
    %add3A_5973 = vector.broadcast %add3A_5972 : i32 to vector<16xi32>
    %add3A_5974 = arith.addi %add3A_5973, %iota3A : vector<16xi32>
    %jit3A_5975 = arith.constant 0 : i32
    %broadcast_in_dim3A_5976 = vector.broadcast %jit3A_5975 : i32 to vector<16xi32>
    %select_n3A_5977 = arith.select %eq3A_5971, %add3A_5974, %broadcast_in_dim3A_5976 : vector<16xi1>, vector<16xi32>
    %add3A_5978 = arith.addi %add3A_5963, %select_n3A_5977 : vector<16xi32>
    %get3A_5979 = arith.constant 29 : i32
    %get3A_5980 = arith.index_cast %get3A_5979 : i32 to index
    %get3A_5981 = arith.constant 32 : index
    %get3A_5982 = tpu.vector_load %arg10[%get3A_5980, %get3A_5981] {strides = array<i32>} : memref<32x77xi32, #tpu.memory_space<vmem>>, vector<1x16xi32>,
    %get3A_5983 = vector.shape_cast %get3A_5982 : vector<1x16xi32> to vector<16xi32>
    %eq3A_5984 = arith.constant 265 : i32
    %eq3A_5985 = vector.broadcast %eq3A_5984 : i32 to vector<16xi32>
    %eq3A_5986 = arith.cmpi eq, %get3A_5983, %eq3A_5985 : vector<16xi32>
    %add3A_5987 = arith.constant 32 : i32
    %add3A_5988 = vector.broadcast %add3A_5987 : i32 to vector<16xi32>
    %add3A_5989 = arith.addi %add3A_5988, %iota3A : vector<16xi32>
    %jit3A_5990 = arith.constant 0 : i32
    %broadcast_in_dim3A_5991 = vector.broadcast %jit3A_5990 : i32 to vector<16xi32>
    %select_n3A_5992 = arith.select %eq3A_5986, %add3A_5989, %broadcast_in_dim3A_5991 : vector<16xi1>, vector<16xi32>
    %add3A_5993 = arith.addi %add3A_5978, %select_n3A_5992 : vector<16xi32>
    %get3A_5994 = arith.constant 29 : i32
    %get3A_5995 = arith.index_cast %get3A_5994 : i32 to index
    %get3A_5996 = arith.constant 48 : index
    %get3A_5997 = tpu.vector_load %arg10[%get3A_5995, %get3A_5996] {strides = array<i32>} : memref<32x77xi32, #tpu.memory_space<vmem>>, vector<1x16xi32>,
    %get3A_5998 = vector.shape_cast %get3A_5997 : vector<1x16xi32> to vector<16xi32>
    %eq3A_5999 = arith.constant 265 : i32
    %eq3A_6000 = vector.broadcast %eq3A_5999 : i32 to vector<16xi32>
    %eq3A_6001 = arith.cmpi eq, %get3A_5998, %eq3A_6000 : vector<16xi32>
    %add3A_6002 = arith.constant 48 : i32
    %add3A_6003 = vector.broadcast %add3A_6002 : i32 to vector<16xi32>
    %add3A_6004 = arith.addi %add3A_6003, %iota3A : vector<16xi32>
    %jit3A_6005 = arith.constant 0 : i32
    %broadcast_in_dim3A_6006 = vector.broadcast %jit3A_6005 : i32 to vector<16xi32>
    %select_n3A_6007 = arith.select %eq3A_6001, %add3A_6004, %broadcast_in_dim3A_6006 : vector<16xi1>, vector<16xi32>
    %add3A_6008 = arith.addi %add3A_5993, %select_n3A_6007 : vector<16xi32>
    %get3A_6009 = arith.constant 29 : i32
    %get3A_6010 = arith.index_cast %get3A_6009 : i32 to index
    %get3A_6011 = arith.constant 61 : index
    %get3A_6012 = tpu.vector_load %arg10[%get3A_6010, %get3A_6011] {strides = array<i32>} : memref<32x77xi32, #tpu.memory_space<vmem>>, vector<1x16xi32>,
    %get3A_6013 = vector.shape_cast %get3A_6012 : vector<1x16xi32> to vector<16xi32>
    %eq3A_6014 = arith.constant 265 : i32
    %eq3A_6015 = vector.broadcast %eq3A_6014 : i32 to vector<16xi32>
    %eq3A_6016 = arith.cmpi eq, %get3A_6013, %eq3A_6015 : vector<16xi32>
    %ge3A_6017 = arith.constant 3 : i32
    %ge3A_6018 = vector.broadcast %ge3A_6017 : i32 to vector<16xi32>
    %ge3A_6019 = arith.cmpi sge, %iota3A, %ge3A_6018 : vector<16xi32>
    %and3A_6020 = arith.andi %eq3A_6016, %ge3A_6019 : vector<16xi1>
    %add3A_6021 = arith.constant 61 : i32
    %add3A_6022 = vector.broadcast %add3A_6021 : i32 to vector<16xi32>
    %add3A_6023 = arith.addi %add3A_6022, %iota3A : vector<16xi32>
    %jit3A_6024 = arith.constant 0 : i32
    %broadcast_in_dim3A_6025 = vector.broadcast %jit3A_6024 : i32 to vector<16xi32>
    %select_n3A_6026 = arith.select %and3A_6020, %add3A_6023, %broadcast_in_dim3A_6025 : vector<16xi1>, vector<16xi32>
    %add3A_6027 = arith.addi %add3A_6008, %select_n3A_6026 : vector<16xi32>
    %iota3A_6028 = tpu.iota {dimensions = array<i32: 0>} : vector<16xi32>
    %add3A_6029 = arith.constant 8 : i32
    %add3A_6030 = vector.broadcast %add3A_6029 : i32 to vector<16xi32>
    %add3A_6031 = arith.addi %iota3A_6028, %add3A_6030 : vector<16xi32>
    %jit3A_6032 = arith.constant 16 : i32
    %eq3A_6033 = arith.constant 0 : i32
    %eq3A_6034 = arith.cmpi eq, %jit3A_6032, %eq3A_6033 : i32
    %jit3A_6035 = arith.constant 1 : i32
    %select_n3A_6036 = arith.select %eq3A_6034, %jit3A_6035, %jit3A_6032 : i32
    %rem3A_6037 = vector.broadcast %select_n3A_6036 : i32 to vector<16xi32>
    %rem3A_6038 = arith.remsi %add3A_6031, %rem3A_6037 : vector<16xi32>
    %ne3A_6039 = arith.constant 0 : i32
    %ne3A_6040 = vector.broadcast %ne3A_6039 : i32 to vector<16xi32>
    %ne3A_6041 = arith.cmpi ne, %rem3A_6038, %ne3A_6040 : vector<16xi32>
    %lt3A_6042 = arith.constant 0 : i32
    %lt3A_6043 = vector.broadcast %lt3A_6042 : i32 to vector<16xi32>
    %lt3A_6044 = arith.cmpi slt, %rem3A_6038, %lt3A_6043 : vector<16xi32>
    %lt3A_6045 = arith.constant 0 : i32
    %lt3A_6046 = arith.cmpi slt, %select_n3A_6036, %lt3A_6045 : i32
    %ne3A_6047 = vector.broadcast %lt3A_6046 : i1 to vector<16xi1>
    %ne3A_6048 = vector.broadcast %ne3A_6047 : vector<16xi1> to vector<16xi1>
    %ne3A_6049 = arith.xori %lt3A_6044, %ne3A_6048 : vector<16xi1>
    %and3A_6050 = arith.andi %ne3A_6049, %ne3A_6041 : vector<16xi1>
    %add3A_6051 = vector.broadcast %select_n3A_6036 : i32 to vector<16xi32>
    %add3A_6052 = arith.addi %rem3A_6038, %add3A_6051 : vector<16xi32>
    %select_n3A_6053 = arith.select %and3A_6050, %add3A_6052, %rem3A_6038 : vector<16xi1>, vector<16xi32>
    %reshape3A_6054 = vector.shape_cast %select_n3A_6053 : vector<16xi32> to vector<16x1xi32>
    %gather3A_6055 = vector.shape_cast %reshape3A_6054 : vector<16x1xi32> to vector<16xi32>
    %gather3A_6056 = tpu.dynamic_gather %add3A_6027[%gather3A_6055] in [0] : vector<16xi32>, vector<16xi32> -> vector<16xi32>
    %add3A_6057 = arith.addi %add3A_6027, %gather3A_6056 : vector<16xi32>
    %iota3A_6058 = tpu.iota {dimensions = array<i32: 0>} : vector<16xi32>
    %add3A_6059 = arith.constant 4 : i32
    %add3A_6060 = vector.broadcast %add3A_6059 : i32 to vector<16xi32>
    %add3A_6061 = arith.addi %iota3A_6058, %add3A_6060 : vector<16xi32>
    %jit3A_6062 = arith.constant 16 : i32
    %eq3A_6063 = arith.constant 0 : i32
    %eq3A_6064 = arith.cmpi eq, %jit3A_6062, %eq3A_6063 : i32
    %jit3A_6065 = arith.constant 1 : i32
    %select_n3A_6066 = arith.select %eq3A_6064, %jit3A_6065, %jit3A_6062 : i32
    %rem3A_6067 = vector.broadcast %select_n3A_6066 : i32 to vector<16xi32>
    %rem3A_6068 = arith.remsi %add3A_6061, %rem3A_6067 : vector<16xi32>
    %ne3A_6069 = arith.constant 0 : i32
    %ne3A_6070 = vector.broadcast %ne3A_6069 : i32 to vector<16xi32>
    %ne3A_6071 = arith.cmpi ne, %rem3A_6068, %ne3A_6070 : vector<16xi32>
    %lt3A_6072 = arith.constant 0 : i32
    %lt3A_6073 = vector.broadcast %lt3A_6072 : i32 to vector<16xi32>
    %lt3A_6074 = arith.cmpi slt, %rem3A_6068, %lt3A_6073 : vector<16xi32>
    %lt3A_6075 = arith.constant 0 : i32
    %lt3A_6076 = arith.cmpi slt, %select_n3A_6066, %lt3A_6075 : i32
    %ne3A_6077 = vector.broadcast %lt3A_6076 : i1 to vector<16xi1>
    %ne3A_6078 = vector.broadcast %ne3A_6077 : vector<16xi1> to vector<16xi1>
    %ne3A_6079 = arith.xori %lt3A_6074, %ne3A_6078 : vector<16xi1>
    %and3A_6080 = arith.andi %ne3A_6079, %ne3A_6071 : vector<16xi1>
    %add3A_6081 = vector.broadcast %select_n3A_6066 : i32 to vector<16xi32>
    %add3A_6082 = arith.addi %rem3A_6068, %add3A_6081 : vector<16xi32>
    %select_n3A_6083 = arith.select %and3A_6080, %add3A_6082, %rem3A_6068 : vector<16xi1>, vector<16xi32>
    %reshape3A_6084 = vector.shape_cast %select_n3A_6083 : vector<16xi32> to vector<16x1xi32>
    %gather3A_6085 = vector.shape_cast %reshape3A_6084 : vector<16x1xi32> to vector<16xi32>
    %gather3A_6086 = tpu.dynamic_gather %add3A_6057[%gather3A_6085] in [0] : vector<16xi32>, vector<16xi32> -> vector<16xi32>
    %add3A_6087 = arith.addi %add3A_6057, %gather3A_6086 : vector<16xi32>
    %iota3A_6088 = tpu.iota {dimensions = array<i32: 0>} : vector<16xi32>
    %add3A_6089 = arith.constant 2 : i32
    %add3A_6090 = vector.broadcast %add3A_6089 : i32 to vector<16xi32>
    %add3A_6091 = arith.addi %iota3A_6088, %add3A_6090 : vector<16xi32>
    %jit3A_6092 = arith.constant 16 : i32
    %eq3A_6093 = arith.constant 0 : i32
    %eq3A_6094 = arith.cmpi eq, %jit3A_6092, %eq3A_6093 : i32
    %jit3A_6095 = arith.constant 1 : i32
    %select_n3A_6096 = arith.select %eq3A_6094, %jit3A_6095, %jit3A_6092 : i32
    %rem3A_6097 = vector.broadcast %select_n3A_6096 : i32 to vector<16xi32>
    %rem3A_6098 = arith.remsi %add3A_6091, %rem3A_6097 : vector<16xi32>
    %ne3A_6099 = arith.constant 0 : i32
    %ne3A_6100 = vector.broadcast %ne3A_6099 : i32 to vector<16xi32>
    %ne3A_6101 = arith.cmpi ne, %rem3A_6098, %ne3A_6100 : vector<16xi32>
    %lt3A_6102 = arith.constant 0 : i32
    %lt3A_6103 = vector.broadcast %lt3A_6102 : i32 to vector<16xi32>
    %lt3A_6104 = arith.cmpi slt, %rem3A_6098, %lt3A_6103 : vector<16xi32>
    %lt3A_6105 = arith.constant 0 : i32
    %lt3A_6106 = arith.cmpi slt, %select_n3A_6096, %lt3A_6105 : i32
    %ne3A_6107 = vector.broadcast %lt3A_6106 : i1 to vector<16xi1>
    %ne3A_6108 = vector.broadcast %ne3A_6107 : vector<16xi1> to vector<16xi1>
    %ne3A_6109 = arith.xori %lt3A_6104, %ne3A_6108 : vector<16xi1>
    %and3A_6110 = arith.andi %ne3A_6109, %ne3A_6101 : vector<16xi1>
    %add3A_6111 = vector.broadcast %select_n3A_6096 : i32 to vector<16xi32>
    %add3A_6112 = arith.addi %rem3A_6098, %add3A_6111 : vector<16xi32>
    %select_n3A_6113 = arith.select %and3A_6110, %add3A_6112, %rem3A_6098 : vector<16xi1>, vector<16xi32>
    %reshape3A_6114 = vector.shape_cast %select_n3A_6113 : vector<16xi32> to vector<16x1xi32>
    %gather3A_6115 = vector.shape_cast %reshape3A_6114 : vector<16x1xi32> to vector<16xi32>
    %gather3A_6116 = tpu.dynamic_gather %add3A_6087[%gather3A_6115] in [0] : vector<16xi32>, vector<16xi32> -> vector<16xi32>
    %add3A_6117 = arith.addi %add3A_6087, %gather3A_6116 : vector<16xi32>
    %iota3A_6118 = tpu.iota {dimensions = array<i32: 0>} : vector<16xi32>
    %add3A_6119 = arith.constant 1 : i32
    %add3A_6120 = vector.broadcast %add3A_6119 : i32 to vector<16xi32>
    %add3A_6121 = arith.addi %iota3A_6118, %add3A_6120 : vector<16xi32>
    %jit3A_6122 = arith.constant 16 : i32
    %eq3A_6123 = arith.constant 0 : i32
    %eq3A_6124 = arith.cmpi eq, %jit3A_6122, %eq3A_6123 : i32
    %jit3A_6125 = arith.constant 1 : i32
    %select_n3A_6126 = arith.select %eq3A_6124, %jit3A_6125, %jit3A_6122 : i32
    %rem3A_6127 = vector.broadcast %select_n3A_6126 : i32 to vector<16xi32>
    %rem3A_6128 = arith.remsi %add3A_6121, %rem3A_6127 : vector<16xi32>
    %ne3A_6129 = arith.constant 0 : i32
    %ne3A_6130 = vector.broadcast %ne3A_6129 : i32 to vector<16xi32>
    %ne3A_6131 = arith.cmpi ne, %rem3A_6128, %ne3A_6130 : vector<16xi32>
    %lt3A_6132 = arith.constant 0 : i32
    %lt3A_6133 = vector.broadcast %lt3A_6132 : i32 to vector<16xi32>
    %lt3A_6134 = arith.cmpi slt, %rem3A_6128, %lt3A_6133 : vector<16xi32>
    %lt3A_6135 = arith.constant 0 : i32
    %lt3A_6136 = arith.cmpi slt, %select_n3A_6126, %lt3A_6135 : i32
    %ne3A_6137 = vector.broadcast %lt3A_6136 : i1 to vector<16xi1>
    %ne3A_6138 = vector.broadcast %ne3A_6137 : vector<16xi1> to vector<16xi1>
    %ne3A_6139 = arith.xori %lt3A_6134, %ne3A_6138 : vector<16xi1>
    %and3A_6140 = arith.andi %ne3A_6139, %ne3A_6131 : vector<16xi1>
    %add3A_6141 = vector.broadcast %select_n3A_6126 : i32 to vector<16xi32>
    %add3A_6142 = arith.addi %rem3A_6128, %add3A_6141 : vector<16xi32>
    %select_n3A_6143 = arith.select %and3A_6140, %add3A_6142, %rem3A_6128 : vector<16xi1>, vector<16xi32>
    %reshape3A_6144 = vector.shape_cast %select_n3A_6143 : vector<16xi32> to vector<16x1xi32>
    %gather3A_6145 = vector.shape_cast %reshape3A_6144 : vector<16x1xi32> to vector<16xi32>
    %gather3A_6146 = tpu.dynamic_gather %add3A_6117[%gather3A_6145] in [0] : vector<16xi32>, vector<16xi32> -> vector<16xi32>
    %add3A_6147 = arith.addi %add3A_6117, %gather3A_6146 : vector<16xi32>
    %eq3A_6148 = arith.constant 13 : i32
    %eq3A_6149 = vector.broadcast %eq3A_6148 : i32 to vector<16xi32>
    %eq3A_6150 = arith.cmpi eq, %iota3A, %eq3A_6149 : vector<16xi32>
    %select_n3A_6151 = arith.select %eq3A_6150, %add3A_6147, %select_n3A_5946 : vector<16xi1>, vector<16xi32>
    %broadcast_in_dim3A_6152 = arith.constant 0 : i32
    %broadcast_in_dim3A_6153 = vector.broadcast %broadcast_in_dim3A_6152 : i32 to vector<16xi32>
    %get3A_6154 = arith.constant 30 : i32
    %get3A_6155 = arith.index_cast %get3A_6154 : i32 to index
    %get3A_6156 = arith.constant 0 : index
    %get3A_6157 = tpu.vector_load %arg10[%get3A_6155, %get3A_6156] {strides = array<i32>} : memref<32x77xi32, #tpu.memory_space<vmem>>, vector<1x16xi32>,
    %get3A_6158 = vector.shape_cast %get3A_6157 : vector<1x16xi32> to vector<16xi32>
    %eq3A_6159 = arith.constant 265 : i32
    %eq3A_6160 = vector.broadcast %eq3A_6159 : i32 to vector<16xi32>
    %eq3A_6161 = arith.cmpi eq, %get3A_6158, %eq3A_6160 : vector<16xi32>
    %add3A_6162 = arith.constant 0 : i32
    %add3A_6163 = vector.broadcast %add3A_6162 : i32 to vector<16xi32>
    %add3A_6164 = arith.addi %add3A_6163, %iota3A : vector<16xi32>
    %jit3A_6165 = arith.constant 0 : i32
    %broadcast_in_dim3A_6166 = vector.broadcast %jit3A_6165 : i32 to vector<16xi32>
    %select_n3A_6167 = arith.select %eq3A_6161, %add3A_6164, %broadcast_in_dim3A_6166 : vector<16xi1>, vector<16xi32>
    %add3A_6168 = arith.addi %broadcast_in_dim3A_6153, %select_n3A_6167 : vector<16xi32>
    %get3A_6169 = arith.constant 30 : i32
    %get3A_6170 = arith.index_cast %get3A_6169 : i32 to index
    %get3A_6171 = arith.constant 16 : index
    %get3A_6172 = tpu.vector_load %arg10[%get3A_6170, %get3A_6171] {strides = array<i32>} : memref<32x77xi32, #tpu.memory_space<vmem>>, vector<1x16xi32>,
    %get3A_6173 = vector.shape_cast %get3A_6172 : vector<1x16xi32> to vector<16xi32>
    %eq3A_6174 = arith.constant 265 : i32
    %eq3A_6175 = vector.broadcast %eq3A_6174 : i32 to vector<16xi32>
    %eq3A_6176 = arith.cmpi eq, %get3A_6173, %eq3A_6175 : vector<16xi32>
    %add3A_6177 = arith.constant 16 : i32
    %add3A_6178 = vector.broadcast %add3A_6177 : i32 to vector<16xi32>
    %add3A_6179 = arith.addi %add3A_6178, %iota3A : vector<16xi32>
    %jit3A_6180 = arith.constant 0 : i32
    %broadcast_in_dim3A_6181 = vector.broadcast %jit3A_6180 : i32 to vector<16xi32>
    %select_n3A_6182 = arith.select %eq3A_6176, %add3A_6179, %broadcast_in_dim3A_6181 : vector<16xi1>, vector<16xi32>
    %add3A_6183 = arith.addi %add3A_6168, %select_n3A_6182 : vector<16xi32>
    %get3A_6184 = arith.constant 30 : i32
    %get3A_6185 = arith.index_cast %get3A_6184 : i32 to index
    %get3A_6186 = arith.constant 32 : index
    %get3A_6187 = tpu.vector_load %arg10[%get3A_6185, %get3A_6186] {strides = array<i32>} : memref<32x77xi32, #tpu.memory_space<vmem>>, vector<1x16xi32>,
    %get3A_6188 = vector.shape_cast %get3A_6187 : vector<1x16xi32> to vector<16xi32>
    %eq3A_6189 = arith.constant 265 : i32
    %eq3A_6190 = vector.broadcast %eq3A_6189 : i32 to vector<16xi32>
    %eq3A_6191 = arith.cmpi eq, %get3A_6188, %eq3A_6190 : vector<16xi32>
    %add3A_6192 = arith.constant 32 : i32
    %add3A_6193 = vector.broadcast %add3A_6192 : i32 to vector<16xi32>
    %add3A_6194 = arith.addi %add3A_6193, %iota3A : vector<16xi32>
    %jit3A_6195 = arith.constant 0 : i32
    %broadcast_in_dim3A_6196 = vector.broadcast %jit3A_6195 : i32 to vector<16xi32>
    %select_n3A_6197 = arith.select %eq3A_6191, %add3A_6194, %broadcast_in_dim3A_6196 : vector<16xi1>, vector<16xi32>
    %add3A_6198 = arith.addi %add3A_6183, %select_n3A_6197 : vector<16xi32>
    %get3A_6199 = arith.constant 30 : i32
    %get3A_6200 = arith.index_cast %get3A_6199 : i32 to index
    %get3A_6201 = arith.constant 48 : index
    %get3A_6202 = tpu.vector_load %arg10[%get3A_6200, %get3A_6201] {strides = array<i32>} : memref<32x77xi32, #tpu.memory_space<vmem>>, vector<1x16xi32>,
    %get3A_6203 = vector.shape_cast %get3A_6202 : vector<1x16xi32> to vector<16xi32>
    %eq3A_6204 = arith.constant 265 : i32
    %eq3A_6205 = vector.broadcast %eq3A_6204 : i32 to vector<16xi32>
    %eq3A_6206 = arith.cmpi eq, %get3A_6203, %eq3A_6205 : vector<16xi32>
    %add3A_6207 = arith.constant 48 : i32
    %add3A_6208 = vector.broadcast %add3A_6207 : i32 to vector<16xi32>
    %add3A_6209 = arith.addi %add3A_6208, %iota3A : vector<16xi32>
    %jit3A_6210 = arith.constant 0 : i32
    %broadcast_in_dim3A_6211 = vector.broadcast %jit3A_6210 : i32 to vector<16xi32>
    %select_n3A_6212 = arith.select %eq3A_6206, %add3A_6209, %broadcast_in_dim3A_6211 : vector<16xi1>, vector<16xi32>
    %add3A_6213 = arith.addi %add3A_6198, %select_n3A_6212 : vector<16xi32>
    %get3A_6214 = arith.constant 30 : i32
    %get3A_6215 = arith.index_cast %get3A_6214 : i32 to index
    %get3A_6216 = arith.constant 61 : index
    %get3A_6217 = tpu.vector_load %arg10[%get3A_6215, %get3A_6216] {strides = array<i32>} : memref<32x77xi32, #tpu.memory_space<vmem>>, vector<1x16xi32>,
    %get3A_6218 = vector.shape_cast %get3A_6217 : vector<1x16xi32> to vector<16xi32>
    %eq3A_6219 = arith.constant 265 : i32
    %eq3A_6220 = vector.broadcast %eq3A_6219 : i32 to vector<16xi32>
    %eq3A_6221 = arith.cmpi eq, %get3A_6218, %eq3A_6220 : vector<16xi32>
    %ge3A_6222 = arith.constant 3 : i32
    %ge3A_6223 = vector.broadcast %ge3A_6222 : i32 to vector<16xi32>
    %ge3A_6224 = arith.cmpi sge, %iota3A, %ge3A_6223 : vector<16xi32>
    %and3A_6225 = arith.andi %eq3A_6221, %ge3A_6224 : vector<16xi1>
    %add3A_6226 = arith.constant 61 : i32
    %add3A_6227 = vector.broadcast %add3A_6226 : i32 to vector<16xi32>
    %add3A_6228 = arith.addi %add3A_6227, %iota3A : vector<16xi32>
    %jit3A_6229 = arith.constant 0 : i32
    %broadcast_in_dim3A_6230 = vector.broadcast %jit3A_6229 : i32 to vector<16xi32>
    %select_n3A_6231 = arith.select %and3A_6225, %add3A_6228, %broadcast_in_dim3A_6230 : vector<16xi1>, vector<16xi32>
    %add3A_6232 = arith.addi %add3A_6213, %select_n3A_6231 : vector<16xi32>
    %iota3A_6233 = tpu.iota {dimensions = array<i32: 0>} : vector<16xi32>
    %add3A_6234 = arith.constant 8 : i32
    %add3A_6235 = vector.broadcast %add3A_6234 : i32 to vector<16xi32>
    %add3A_6236 = arith.addi %iota3A_6233, %add3A_6235 : vector<16xi32>
    %jit3A_6237 = arith.constant 16 : i32
    %eq3A_6238 = arith.constant 0 : i32
    %eq3A_6239 = arith.cmpi eq, %jit3A_6237, %eq3A_6238 : i32
    %jit3A_6240 = arith.constant 1 : i32
    %select_n3A_6241 = arith.select %eq3A_6239, %jit3A_6240, %jit3A_6237 : i32
    %rem3A_6242 = vector.broadcast %select_n3A_6241 : i32 to vector<16xi32>
    %rem3A_6243 = arith.remsi %add3A_6236, %rem3A_6242 : vector<16xi32>
    %ne3A_6244 = arith.constant 0 : i32
    %ne3A_6245 = vector.broadcast %ne3A_6244 : i32 to vector<16xi32>
    %ne3A_6246 = arith.cmpi ne, %rem3A_6243, %ne3A_6245 : vector<16xi32>
    %lt3A_6247 = arith.constant 0 : i32
    %lt3A_6248 = vector.broadcast %lt3A_6247 : i32 to vector<16xi32>
    %lt3A_6249 = arith.cmpi slt, %rem3A_6243, %lt3A_6248 : vector<16xi32>
    %lt3A_6250 = arith.constant 0 : i32
    %lt3A_6251 = arith.cmpi slt, %select_n3A_6241, %lt3A_6250 : i32
    %ne3A_6252 = vector.broadcast %lt3A_6251 : i1 to vector<16xi1>
    %ne3A_6253 = vector.broadcast %ne3A_6252 : vector<16xi1> to vector<16xi1>
    %ne3A_6254 = arith.xori %lt3A_6249, %ne3A_6253 : vector<16xi1>
    %and3A_6255 = arith.andi %ne3A_6254, %ne3A_6246 : vector<16xi1>
    %add3A_6256 = vector.broadcast %select_n3A_6241 : i32 to vector<16xi32>
    %add3A_6257 = arith.addi %rem3A_6243, %add3A_6256 : vector<16xi32>
    %select_n3A_6258 = arith.select %and3A_6255, %add3A_6257, %rem3A_6243 : vector<16xi1>, vector<16xi32>
    %reshape3A_6259 = vector.shape_cast %select_n3A_6258 : vector<16xi32> to vector<16x1xi32>
    %gather3A_6260 = vector.shape_cast %reshape3A_6259 : vector<16x1xi32> to vector<16xi32>
    %gather3A_6261 = tpu.dynamic_gather %add3A_6232[%gather3A_6260] in [0] : vector<16xi32>, vector<16xi32> -> vector<16xi32>
    %add3A_6262 = arith.addi %add3A_6232, %gather3A_6261 : vector<16xi32>
    %iota3A_6263 = tpu.iota {dimensions = array<i32: 0>} : vector<16xi32>
    %add3A_6264 = arith.constant 4 : i32
    %add3A_6265 = vector.broadcast %add3A_6264 : i32 to vector<16xi32>
    %add3A_6266 = arith.addi %iota3A_6263, %add3A_6265 : vector<16xi32>
    %jit3A_6267 = arith.constant 16 : i32
    %eq3A_6268 = arith.constant 0 : i32
    %eq3A_6269 = arith.cmpi eq, %jit3A_6267, %eq3A_6268 : i32
    %jit3A_6270 = arith.constant 1 : i32
    %select_n3A_6271 = arith.select %eq3A_6269, %jit3A_6270, %jit3A_6267 : i32
    %rem3A_6272 = vector.broadcast %select_n3A_6271 : i32 to vector<16xi32>
    %rem3A_6273 = arith.remsi %add3A_6266, %rem3A_6272 : vector<16xi32>
    %ne3A_6274 = arith.constant 0 : i32
    %ne3A_6275 = vector.broadcast %ne3A_6274 : i32 to vector<16xi32>
    %ne3A_6276 = arith.cmpi ne, %rem3A_6273, %ne3A_6275 : vector<16xi32>
    %lt3A_6277 = arith.constant 0 : i32
    %lt3A_6278 = vector.broadcast %lt3A_6277 : i32 to vector<16xi32>
    %lt3A_6279 = arith.cmpi slt, %rem3A_6273, %lt3A_6278 : vector<16xi32>
    %lt3A_6280 = arith.constant 0 : i32
    %lt3A_6281 = arith.cmpi slt, %select_n3A_6271, %lt3A_6280 : i32
    %ne3A_6282 = vector.broadcast %lt3A_6281 : i1 to vector<16xi1>
    %ne3A_6283 = vector.broadcast %ne3A_6282 : vector<16xi1> to vector<16xi1>
    %ne3A_6284 = arith.xori %lt3A_6279, %ne3A_6283 : vector<16xi1>
    %and3A_6285 = arith.andi %ne3A_6284, %ne3A_6276 : vector<16xi1>
    %add3A_6286 = vector.broadcast %select_n3A_6271 : i32 to vector<16xi32>
    %add3A_6287 = arith.addi %rem3A_6273, %add3A_6286 : vector<16xi32>
    %select_n3A_6288 = arith.select %and3A_6285, %add3A_6287, %rem3A_6273 : vector<16xi1>, vector<16xi32>
    %reshape3A_6289 = vector.shape_cast %select_n3A_6288 : vector<16xi32> to vector<16x1xi32>
    %gather3A_6290 = vector.shape_cast %reshape3A_6289 : vector<16x1xi32> to vector<16xi32>
    %gather3A_6291 = tpu.dynamic_gather %add3A_6262[%gather3A_6290] in [0] : vector<16xi32>, vector<16xi32> -> vector<16xi32>
    %add3A_6292 = arith.addi %add3A_6262, %gather3A_6291 : vector<16xi32>
    %iota3A_6293 = tpu.iota {dimensions = array<i32: 0>} : vector<16xi32>
    %add3A_6294 = arith.constant 2 : i32
    %add3A_6295 = vector.broadcast %add3A_6294 : i32 to vector<16xi32>
    %add3A_6296 = arith.addi %iota3A_6293, %add3A_6295 : vector<16xi32>
    %jit3A_6297 = arith.constant 16 : i32
    %eq3A_6298 = arith.constant 0 : i32
    %eq3A_6299 = arith.cmpi eq, %jit3A_6297, %eq3A_6298 : i32
    %jit3A_6300 = arith.constant 1 : i32
    %select_n3A_6301 = arith.select %eq3A_6299, %jit3A_6300, %jit3A_6297 : i32
    %rem3A_6302 = vector.broadcast %select_n3A_6301 : i32 to vector<16xi32>
    %rem3A_6303 = arith.remsi %add3A_6296, %rem3A_6302 : vector<16xi32>
    %ne3A_6304 = arith.constant 0 : i32
    %ne3A_6305 = vector.broadcast %ne3A_6304 : i32 to vector<16xi32>
    %ne3A_6306 = arith.cmpi ne, %rem3A_6303, %ne3A_6305 : vector<16xi32>
    %lt3A_6307 = arith.constant 0 : i32
    %lt3A_6308 = vector.broadcast %lt3A_6307 : i32 to vector<16xi32>
    %lt3A_6309 = arith.cmpi slt, %rem3A_6303, %lt3A_6308 : vector<16xi32>
    %lt3A_6310 = arith.constant 0 : i32
    %lt3A_6311 = arith.cmpi slt, %select_n3A_6301, %lt3A_6310 : i32
    %ne3A_6312 = vector.broadcast %lt3A_6311 : i1 to vector<16xi1>
    %ne3A_6313 = vector.broadcast %ne3A_6312 : vector<16xi1> to vector<16xi1>
    %ne3A_6314 = arith.xori %lt3A_6309, %ne3A_6313 : vector<16xi1>
    %and3A_6315 = arith.andi %ne3A_6314, %ne3A_6306 : vector<16xi1>
    %add3A_6316 = vector.broadcast %select_n3A_6301 : i32 to vector<16xi32>
    %add3A_6317 = arith.addi %rem3A_6303, %add3A_6316 : vector<16xi32>
    %select_n3A_6318 = arith.select %and3A_6315, %add3A_6317, %rem3A_6303 : vector<16xi1>, vector<16xi32>
    %reshape3A_6319 = vector.shape_cast %select_n3A_6318 : vector<16xi32> to vector<16x1xi32>
    %gather3A_6320 = vector.shape_cast %reshape3A_6319 : vector<16x1xi32> to vector<16xi32>
    %gather3A_6321 = tpu.dynamic_gather %add3A_6292[%gather3A_6320] in [0] : vector<16xi32>, vector<16xi32> -> vector<16xi32>
    %add3A_6322 = arith.addi %add3A_6292, %gather3A_6321 : vector<16xi32>
    %iota3A_6323 = tpu.iota {dimensions = array<i32: 0>} : vector<16xi32>
    %add3A_6324 = arith.constant 1 : i32
    %add3A_6325 = vector.broadcast %add3A_6324 : i32 to vector<16xi32>
    %add3A_6326 = arith.addi %iota3A_6323, %add3A_6325 : vector<16xi32>
    %jit3A_6327 = arith.constant 16 : i32
    %eq3A_6328 = arith.constant 0 : i32
    %eq3A_6329 = arith.cmpi eq, %jit3A_6327, %eq3A_6328 : i32
    %jit3A_6330 = arith.constant 1 : i32
    %select_n3A_6331 = arith.select %eq3A_6329, %jit3A_6330, %jit3A_6327 : i32
    %rem3A_6332 = vector.broadcast %select_n3A_6331 : i32 to vector<16xi32>
    %rem3A_6333 = arith.remsi %add3A_6326, %rem3A_6332 : vector<16xi32>
    %ne3A_6334 = arith.constant 0 : i32
    %ne3A_6335 = vector.broadcast %ne3A_6334 : i32 to vector<16xi32>
    %ne3A_6336 = arith.cmpi ne, %rem3A_6333, %ne3A_6335 : vector<16xi32>
    %lt3A_6337 = arith.constant 0 : i32
    %lt3A_6338 = vector.broadcast %lt3A_6337 : i32 to vector<16xi32>
    %lt3A_6339 = arith.cmpi slt, %rem3A_6333, %lt3A_6338 : vector<16xi32>
    %lt3A_6340 = arith.constant 0 : i32
    %lt3A_6341 = arith.cmpi slt, %select_n3A_6331, %lt3A_6340 : i32
    %ne3A_6342 = vector.broadcast %lt3A_6341 : i1 to vector<16xi1>
    %ne3A_6343 = vector.broadcast %ne3A_6342 : vector<16xi1> to vector<16xi1>
    %ne3A_6344 = arith.xori %lt3A_6339, %ne3A_6343 : vector<16xi1>
    %and3A_6345 = arith.andi %ne3A_6344, %ne3A_6336 : vector<16xi1>
    %add3A_6346 = vector.broadcast %select_n3A_6331 : i32 to vector<16xi32>
    %add3A_6347 = arith.addi %rem3A_6333, %add3A_6346 : vector<16xi32>
    %select_n3A_6348 = arith.select %and3A_6345, %add3A_6347, %rem3A_6333 : vector<16xi1>, vector<16xi32>
    %reshape3A_6349 = vector.shape_cast %select_n3A_6348 : vector<16xi32> to vector<16x1xi32>
    %gather3A_6350 = vector.shape_cast %reshape3A_6349 : vector<16x1xi32> to vector<16xi32>
    %gather3A_6351 = tpu.dynamic_gather %add3A_6322[%gather3A_6350] in [0] : vector<16xi32>, vector<16xi32> -> vector<16xi32>
    %add3A_6352 = arith.addi %add3A_6322, %gather3A_6351 : vector<16xi32>
    %eq3A_6353 = arith.constant 14 : i32
    %eq3A_6354 = vector.broadcast %eq3A_6353 : i32 to vector<16xi32>
    %eq3A_6355 = arith.cmpi eq, %iota3A, %eq3A_6354 : vector<16xi32>
    %select_n3A_6356 = arith.select %eq3A_6355, %add3A_6352, %select_n3A_6151 : vector<16xi1>, vector<16xi32>
    %broadcast_in_dim3A_6357 = arith.constant 0 : i32
    %broadcast_in_dim3A_6358 = vector.broadcast %broadcast_in_dim3A_6357 : i32 to vector<16xi32>
    %get3A_6359 = arith.constant 31 : i32
    %get3A_6360 = arith.index_cast %get3A_6359 : i32 to index
    %get3A_6361 = arith.constant 0 : index
    %get3A_6362 = tpu.vector_load %arg10[%get3A_6360, %get3A_6361] {strides = array<i32>} : memref<32x77xi32, #tpu.memory_space<vmem>>, vector<1x16xi32>,
    %get3A_6363 = vector.shape_cast %get3A_6362 : vector<1x16xi32> to vector<16xi32>
    %eq3A_6364 = arith.constant 265 : i32
    %eq3A_6365 = vector.broadcast %eq3A_6364 : i32 to vector<16xi32>
    %eq3A_6366 = arith.cmpi eq, %get3A_6363, %eq3A_6365 : vector<16xi32>
    %add3A_6367 = arith.constant 0 : i32
    %add3A_6368 = vector.broadcast %add3A_6367 : i32 to vector<16xi32>
    %add3A_6369 = arith.addi %add3A_6368, %iota3A : vector<16xi32>
    %jit3A_6370 = arith.constant 0 : i32
    %broadcast_in_dim3A_6371 = vector.broadcast %jit3A_6370 : i32 to vector<16xi32>
    %select_n3A_6372 = arith.select %eq3A_6366, %add3A_6369, %broadcast_in_dim3A_6371 : vector<16xi1>, vector<16xi32>
    %add3A_6373 = arith.addi %broadcast_in_dim3A_6358, %select_n3A_6372 : vector<16xi32>
    %get3A_6374 = arith.constant 31 : i32
    %get3A_6375 = arith.index_cast %get3A_6374 : i32 to index
    %get3A_6376 = arith.constant 16 : index
    %get3A_6377 = tpu.vector_load %arg10[%get3A_6375, %get3A_6376] {strides = array<i32>} : memref<32x77xi32, #tpu.memory_space<vmem>>, vector<1x16xi32>,
    %get3A_6378 = vector.shape_cast %get3A_6377 : vector<1x16xi32> to vector<16xi32>
    %eq3A_6379 = arith.constant 265 : i32
    %eq3A_6380 = vector.broadcast %eq3A_6379 : i32 to vector<16xi32>
    %eq3A_6381 = arith.cmpi eq, %get3A_6378, %eq3A_6380 : vector<16xi32>
    %add3A_6382 = arith.constant 16 : i32
    %add3A_6383 = vector.broadcast %add3A_6382 : i32 to vector<16xi32>
    %add3A_6384 = arith.addi %add3A_6383, %iota3A : vector<16xi32>
    %jit3A_6385 = arith.constant 0 : i32
    %broadcast_in_dim3A_6386 = vector.broadcast %jit3A_6385 : i32 to vector<16xi32>
    %select_n3A_6387 = arith.select %eq3A_6381, %add3A_6384, %broadcast_in_dim3A_6386 : vector<16xi1>, vector<16xi32>
    %add3A_6388 = arith.addi %add3A_6373, %select_n3A_6387 : vector<16xi32>
    %get3A_6389 = arith.constant 31 : i32
    %get3A_6390 = arith.index_cast %get3A_6389 : i32 to index
    %get3A_6391 = arith.constant 32 : index
    %get3A_6392 = tpu.vector_load %arg10[%get3A_6390, %get3A_6391] {strides = array<i32>} : memref<32x77xi32, #tpu.memory_space<vmem>>, vector<1x16xi32>,
    %get3A_6393 = vector.shape_cast %get3A_6392 : vector<1x16xi32> to vector<16xi32>
    %eq3A_6394 = arith.constant 265 : i32
    %eq3A_6395 = vector.broadcast %eq3A_6394 : i32 to vector<16xi32>
    %eq3A_6396 = arith.cmpi eq, %get3A_6393, %eq3A_6395 : vector<16xi32>
    %add3A_6397 = arith.constant 32 : i32
    %add3A_6398 = vector.broadcast %add3A_6397 : i32 to vector<16xi32>
    %add3A_6399 = arith.addi %add3A_6398, %iota3A : vector<16xi32>
    %jit3A_6400 = arith.constant 0 : i32
    %broadcast_in_dim3A_6401 = vector.broadcast %jit3A_6400 : i32 to vector<16xi32>
    %select_n3A_6402 = arith.select %eq3A_6396, %add3A_6399, %broadcast_in_dim3A_6401 : vector<16xi1>, vector<16xi32>
    %add3A_6403 = arith.addi %add3A_6388, %select_n3A_6402 : vector<16xi32>
    %get3A_6404 = arith.constant 31 : i32
    %get3A_6405 = arith.index_cast %get3A_6404 : i32 to index
    %get3A_6406 = arith.constant 48 : index
    %get3A_6407 = tpu.vector_load %arg10[%get3A_6405, %get3A_6406] {strides = array<i32>} : memref<32x77xi32, #tpu.memory_space<vmem>>, vector<1x16xi32>,
    %get3A_6408 = vector.shape_cast %get3A_6407 : vector<1x16xi32> to vector<16xi32>
    %eq3A_6409 = arith.constant 265 : i32
    %eq3A_6410 = vector.broadcast %eq3A_6409 : i32 to vector<16xi32>
    %eq3A_6411 = arith.cmpi eq, %get3A_6408, %eq3A_6410 : vector<16xi32>
    %add3A_6412 = arith.constant 48 : i32
    %add3A_6413 = vector.broadcast %add3A_6412 : i32 to vector<16xi32>
    %add3A_6414 = arith.addi %add3A_6413, %iota3A : vector<16xi32>
    %jit3A_6415 = arith.constant 0 : i32
    %broadcast_in_dim3A_6416 = vector.broadcast %jit3A_6415 : i32 to vector<16xi32>
    %select_n3A_6417 = arith.select %eq3A_6411, %add3A_6414, %broadcast_in_dim3A_6416 : vector<16xi1>, vector<16xi32>
    %add3A_6418 = arith.addi %add3A_6403, %select_n3A_6417 : vector<16xi32>
    %get3A_6419 = arith.constant 31 : i32
    %get3A_6420 = arith.index_cast %get3A_6419 : i32 to index
    %get3A_6421 = arith.constant 61 : index
    %get3A_6422 = tpu.vector_load %arg10[%get3A_6420, %get3A_6421] {strides = array<i32>} : memref<32x77xi32, #tpu.memory_space<vmem>>, vector<1x16xi32>,
    %get3A_6423 = vector.shape_cast %get3A_6422 : vector<1x16xi32> to vector<16xi32>
    %eq3A_6424 = arith.constant 265 : i32
    %eq3A_6425 = vector.broadcast %eq3A_6424 : i32 to vector<16xi32>
    %eq3A_6426 = arith.cmpi eq, %get3A_6423, %eq3A_6425 : vector<16xi32>
    %ge3A_6427 = arith.constant 3 : i32
    %ge3A_6428 = vector.broadcast %ge3A_6427 : i32 to vector<16xi32>
    %ge3A_6429 = arith.cmpi sge, %iota3A, %ge3A_6428 : vector<16xi32>
    %and3A_6430 = arith.andi %eq3A_6426, %ge3A_6429 : vector<16xi1>
    %add3A_6431 = arith.constant 61 : i32
    %add3A_6432 = vector.broadcast %add3A_6431 : i32 to vector<16xi32>
    %add3A_6433 = arith.addi %add3A_6432, %iota3A : vector<16xi32>
    %jit3A_6434 = arith.constant 0 : i32
    %broadcast_in_dim3A_6435 = vector.broadcast %jit3A_6434 : i32 to vector<16xi32>
    %select_n3A_6436 = arith.select %and3A_6430, %add3A_6433, %broadcast_in_dim3A_6435 : vector<16xi1>, vector<16xi32>
    %add3A_6437 = arith.addi %add3A_6418, %select_n3A_6436 : vector<16xi32>
    %iota3A_6438 = tpu.iota {dimensions = array<i32: 0>} : vector<16xi32>
    %add3A_6439 = arith.constant 8 : i32
    %add3A_6440 = vector.broadcast %add3A_6439 : i32 to vector<16xi32>
    %add3A_6441 = arith.addi %iota3A_6438, %add3A_6440 : vector<16xi32>
    %jit3A_6442 = arith.constant 16 : i32
    %eq3A_6443 = arith.constant 0 : i32
    %eq3A_6444 = arith.cmpi eq, %jit3A_6442, %eq3A_6443 : i32
    %jit3A_6445 = arith.constant 1 : i32
    %select_n3A_6446 = arith.select %eq3A_6444, %jit3A_6445, %jit3A_6442 : i32
    %rem3A_6447 = vector.broadcast %select_n3A_6446 : i32 to vector<16xi32>
    %rem3A_6448 = arith.remsi %add3A_6441, %rem3A_6447 : vector<16xi32>
    %ne3A_6449 = arith.constant 0 : i32
    %ne3A_6450 = vector.broadcast %ne3A_6449 : i32 to vector<16xi32>
    %ne3A_6451 = arith.cmpi ne, %rem3A_6448, %ne3A_6450 : vector<16xi32>
    %lt3A_6452 = arith.constant 0 : i32
    %lt3A_6453 = vector.broadcast %lt3A_6452 : i32 to vector<16xi32>
    %lt3A_6454 = arith.cmpi slt, %rem3A_6448, %lt3A_6453 : vector<16xi32>
    %lt3A_6455 = arith.constant 0 : i32
    %lt3A_6456 = arith.cmpi slt, %select_n3A_6446, %lt3A_6455 : i32
    %ne3A_6457 = vector.broadcast %lt3A_6456 : i1 to vector<16xi1>
    %ne3A_6458 = vector.broadcast %ne3A_6457 : vector<16xi1> to vector<16xi1>
    %ne3A_6459 = arith.xori %lt3A_6454, %ne3A_6458 : vector<16xi1>
    %and3A_6460 = arith.andi %ne3A_6459, %ne3A_6451 : vector<16xi1>
    %add3A_6461 = vector.broadcast %select_n3A_6446 : i32 to vector<16xi32>
    %add3A_6462 = arith.addi %rem3A_6448, %add3A_6461 : vector<16xi32>
    %select_n3A_6463 = arith.select %and3A_6460, %add3A_6462, %rem3A_6448 : vector<16xi1>, vector<16xi32>
    %reshape3A_6464 = vector.shape_cast %select_n3A_6463 : vector<16xi32> to vector<16x1xi32>
    %gather3A_6465 = vector.shape_cast %reshape3A_6464 : vector<16x1xi32> to vector<16xi32>
    %gather3A_6466 = tpu.dynamic_gather %add3A_6437[%gather3A_6465] in [0] : vector<16xi32>, vector<16xi32> -> vector<16xi32>
    %add3A_6467 = arith.addi %add3A_6437, %gather3A_6466 : vector<16xi32>
    %iota3A_6468 = tpu.iota {dimensions = array<i32: 0>} : vector<16xi32>
    %add3A_6469 = arith.constant 4 : i32
    %add3A_6470 = vector.broadcast %add3A_6469 : i32 to vector<16xi32>
    %add3A_6471 = arith.addi %iota3A_6468, %add3A_6470 : vector<16xi32>
    %jit3A_6472 = arith.constant 16 : i32
    %eq3A_6473 = arith.constant 0 : i32
    %eq3A_6474 = arith.cmpi eq, %jit3A_6472, %eq3A_6473 : i32
    %jit3A_6475 = arith.constant 1 : i32
    %select_n3A_6476 = arith.select %eq3A_6474, %jit3A_6475, %jit3A_6472 : i32
    %rem3A_6477 = vector.broadcast %select_n3A_6476 : i32 to vector<16xi32>
    %rem3A_6478 = arith.remsi %add3A_6471, %rem3A_6477 : vector<16xi32>
    %ne3A_6479 = arith.constant 0 : i32
    %ne3A_6480 = vector.broadcast %ne3A_6479 : i32 to vector<16xi32>
    %ne3A_6481 = arith.cmpi ne, %rem3A_6478, %ne3A_6480 : vector<16xi32>
    %lt3A_6482 = arith.constant 0 : i32
    %lt3A_6483 = vector.broadcast %lt3A_6482 : i32 to vector<16xi32>
    %lt3A_6484 = arith.cmpi slt, %rem3A_6478, %lt3A_6483 : vector<16xi32>
    %lt3A_6485 = arith.constant 0 : i32
    %lt3A_6486 = arith.cmpi slt, %select_n3A_6476, %lt3A_6485 : i32
    %ne3A_6487 = vector.broadcast %lt3A_6486 : i1 to vector<16xi1>
    %ne3A_6488 = vector.broadcast %ne3A_6487 : vector<16xi1> to vector<16xi1>
    %ne3A_6489 = arith.xori %lt3A_6484, %ne3A_6488 : vector<16xi1>
    %and3A_6490 = arith.andi %ne3A_6489, %ne3A_6481 : vector<16xi1>
    %add3A_6491 = vector.broadcast %select_n3A_6476 : i32 to vector<16xi32>
    %add3A_6492 = arith.addi %rem3A_6478, %add3A_6491 : vector<16xi32>
    %select_n3A_6493 = arith.select %and3A_6490, %add3A_6492, %rem3A_6478 : vector<16xi1>, vector<16xi32>
    %reshape3A_6494 = vector.shape_cast %select_n3A_6493 : vector<16xi32> to vector<16x1xi32>
    %gather3A_6495 = vector.shape_cast %reshape3A_6494 : vector<16x1xi32> to vector<16xi32>
    %gather3A_6496 = tpu.dynamic_gather %add3A_6467[%gather3A_6495] in [0] : vector<16xi32>, vector<16xi32> -> vector<16xi32>
    %add3A_6497 = arith.addi %add3A_6467, %gather3A_6496 : vector<16xi32>
    %iota3A_6498 = tpu.iota {dimensions = array<i32: 0>} : vector<16xi32>
    %add3A_6499 = arith.constant 2 : i32
    %add3A_6500 = vector.broadcast %add3A_6499 : i32 to vector<16xi32>
    %add3A_6501 = arith.addi %iota3A_6498, %add3A_6500 : vector<16xi32>
    %jit3A_6502 = arith.constant 16 : i32
    %eq3A_6503 = arith.constant 0 : i32
    %eq3A_6504 = arith.cmpi eq, %jit3A_6502, %eq3A_6503 : i32
    %jit3A_6505 = arith.constant 1 : i32
    %select_n3A_6506 = arith.select %eq3A_6504, %jit3A_6505, %jit3A_6502 : i32
    %rem3A_6507 = vector.broadcast %select_n3A_6506 : i32 to vector<16xi32>
    %rem3A_6508 = arith.remsi %add3A_6501, %rem3A_6507 : vector<16xi32>
    %ne3A_6509 = arith.constant 0 : i32
    %ne3A_6510 = vector.broadcast %ne3A_6509 : i32 to vector<16xi32>
    %ne3A_6511 = arith.cmpi ne, %rem3A_6508, %ne3A_6510 : vector<16xi32>
    %lt3A_6512 = arith.constant 0 : i32
    %lt3A_6513 = vector.broadcast %lt3A_6512 : i32 to vector<16xi32>
    %lt3A_6514 = arith.cmpi slt, %rem3A_6508, %lt3A_6513 : vector<16xi32>
    %lt3A_6515 = arith.constant 0 : i32
    %lt3A_6516 = arith.cmpi slt, %select_n3A_6506, %lt3A_6515 : i32
    %ne3A_6517 = vector.broadcast %lt3A_6516 : i1 to vector<16xi1>
    %ne3A_6518 = vector.broadcast %ne3A_6517 : vector<16xi1> to vector<16xi1>
    %ne3A_6519 = arith.xori %lt3A_6514, %ne3A_6518 : vector<16xi1>
    %and3A_6520 = arith.andi %ne3A_6519, %ne3A_6511 : vector<16xi1>
    %add3A_6521 = vector.broadcast %select_n3A_6506 : i32 to vector<16xi32>
    %add3A_6522 = arith.addi %rem3A_6508, %add3A_6521 : vector<16xi32>
    %select_n3A_6523 = arith.select %and3A_6520, %add3A_6522, %rem3A_6508 : vector<16xi1>, vector<16xi32>
    %reshape3A_6524 = vector.shape_cast %select_n3A_6523 : vector<16xi32> to vector<16x1xi32>
    %gather3A_6525 = vector.shape_cast %reshape3A_6524 : vector<16x1xi32> to vector<16xi32>
    %gather3A_6526 = tpu.dynamic_gather %add3A_6497[%gather3A_6525] in [0] : vector<16xi32>, vector<16xi32> -> vector<16xi32>
    %add3A_6527 = arith.addi %add3A_6497, %gather3A_6526 : vector<16xi32>
    %iota3A_6528 = tpu.iota {dimensions = array<i32: 0>} : vector<16xi32>
    %add3A_6529 = arith.constant 1 : i32
    %add3A_6530 = vector.broadcast %add3A_6529 : i32 to vector<16xi32>
    %add3A_6531 = arith.addi %iota3A_6528, %add3A_6530 : vector<16xi32>
    %jit3A_6532 = arith.constant 16 : i32
    %eq3A_6533 = arith.constant 0 : i32
    %eq3A_6534 = arith.cmpi eq, %jit3A_6532, %eq3A_6533 : i32
    %jit3A_6535 = arith.constant 1 : i32
    %select_n3A_6536 = arith.select %eq3A_6534, %jit3A_6535, %jit3A_6532 : i32
    %rem3A_6537 = vector.broadcast %select_n3A_6536 : i32 to vector<16xi32>
    %rem3A_6538 = arith.remsi %add3A_6531, %rem3A_6537 : vector<16xi32>
    %ne3A_6539 = arith.constant 0 : i32
    %ne3A_6540 = vector.broadcast %ne3A_6539 : i32 to vector<16xi32>
    %ne3A_6541 = arith.cmpi ne, %rem3A_6538, %ne3A_6540 : vector<16xi32>
    %lt3A_6542 = arith.constant 0 : i32
    %lt3A_6543 = vector.broadcast %lt3A_6542 : i32 to vector<16xi32>
    %lt3A_6544 = arith.cmpi slt, %rem3A_6538, %lt3A_6543 : vector<16xi32>
    %lt3A_6545 = arith.constant 0 : i32
    %lt3A_6546 = arith.cmpi slt, %select_n3A_6536, %lt3A_6545 : i32
    %ne3A_6547 = vector.broadcast %lt3A_6546 : i1 to vector<16xi1>
    %ne3A_6548 = vector.broadcast %ne3A_6547 : vector<16xi1> to vector<16xi1>
    %ne3A_6549 = arith.xori %lt3A_6544, %ne3A_6548 : vector<16xi1>
    %and3A_6550 = arith.andi %ne3A_6549, %ne3A_6541 : vector<16xi1>
    %add3A_6551 = vector.broadcast %select_n3A_6536 : i32 to vector<16xi32>
    %add3A_6552 = arith.addi %rem3A_6538, %add3A_6551 : vector<16xi32>
    %select_n3A_6553 = arith.select %and3A_6550, %add3A_6552, %rem3A_6538 : vector<16xi1>, vector<16xi32>
    %reshape3A_6554 = vector.shape_cast %select_n3A_6553 : vector<16xi32> to vector<16x1xi32>
    %gather3A_6555 = vector.shape_cast %reshape3A_6554 : vector<16x1xi32> to vector<16xi32>
    %gather3A_6556 = tpu.dynamic_gather %add3A_6527[%gather3A_6555] in [0] : vector<16xi32>, vector<16xi32> -> vector<16xi32>
    %add3A_6557 = arith.addi %add3A_6527, %gather3A_6556 : vector<16xi32>
    %eq3A_6558 = arith.constant 15 : i32
    %eq3A_6559 = vector.broadcast %eq3A_6558 : i32 to vector<16xi32>
    %eq3A_6560 = arith.cmpi eq, %iota3A, %eq3A_6559 : vector<16xi32>
    %select_n3A_6561 = arith.select %eq3A_6560, %add3A_6557, %select_n3A_6356 : vector<16xi1>, vector<16xi32>
    %swap3A_6562 = arith.constant 16 : index
    %swap3A_6563 = tpu.vector_load %arg8[%swap3A_6562] {strides = array<i32>} : memref<32xi32, #tpu.memory_space<vmem>>, vector<16xi32>,
    %swap3A_6564 = vector.shape_cast %swap3A_6563 : vector<16xi32> to vector<16xi32>
    %swap3A_6565 = vector.shape_cast %select_n3A_6561 : vector<16xi32> to vector<16xi32>
    tpu.vector_store %arg8[%swap3A_6562], %swap3A_6565 {strides = array<i32>} : memref<32xi32, #tpu.memory_space<vmem>>, vector<16xi32>,
    "tpu.region"() ({
      %run_scoped3A = tpu.sem_alloc : memref<!tpu.dma_semaphore, #tpu.memory_space<semaphore_mem>>
      %dma_start3A_6566 = tpu.memref_slice %arg6[%mul3A_2] : memref<1024xi32, #tpu.memory_space<hbm>> -> memref<32xi32, #tpu.memory_space<hbm>>
      %dma_start3A_6567 = tpu.memref_slice %arg6[%mul3A_2] : memref<1024xi32, #tpu.memory_space<hbm>> -> memref<32xi32, #tpu.memory_space<hbm>>
      tpu.enqueue_dma source(%arg8 : memref<32xi32, #tpu.memory_space<vmem>>) target(%dma_start3A_6567 : memref<32xi32, #tpu.memory_space<hbm>>) target_semaphore(%run_scoped3A : memref<!tpu.dma_semaphore, #tpu.memory_space<semaphore_mem>>)
      %dma_wait3A_6568 = tpu.memref_slice %arg6[%mul3A_2] : memref<1024xi32, #tpu.memory_space<hbm>> -> memref<32xi32, #tpu.memory_space<hbm>>
      %dma_wait3A_6569 = tpu.memref_slice %arg6[%mul3A_2] : memref<1024xi32, #tpu.memory_space<hbm>> -> memref<32xi32, #tpu.memory_space<hbm>>
      tpu.wait_dma2 semaphore(%run_scoped3A : memref<!tpu.dma_semaphore, #tpu.memory_space<semaphore_mem>>) src(%arg8 : memref<32xi32, #tpu.memory_space<vmem>>) dst(%dma_wait3A_6569 : memref<32xi32, #tpu.memory_space<hbm>>)
      tpu.yield
    }) : () -> ()
    return
  }
}

module attributes {stable_mosaic.version = 14 : i64} {
  func.func @_tc_scatter_body(%arg0: memref<1024xi32, #tpu.memory_space<smem>>, %arg1: memref<1024x768xf32, #tpu.memory_space<vmem>>, %arg2: memref<1024x768xf32, #tpu.memory_space<any>>, %arg3: memref<77x1024x768xf32, #tpu.memory_space<any>>, %arg4: memref<77x1024x768xf32, #tpu.memory_space<any>>, %arg5: memref<!tpu.dma_semaphore, #tpu.memory_space<semaphore_mem>>) attributes {dimension_semantics = [], scalar_prefetch = 0 : i64, scratch_operands = 1 : i64, tpu.core_type = #tpu.core_type<tc>} {
    %scan3A = arith.constant 0 : i32
    %scan3A_0 = arith.constant 4 : i32
    %scan3A_1 = arith.addi %scan3A, %scan3A_0 : i32
    %scan3A_2 = arith.constant 1 : i32
    scf.for %scan3A_4 = %scan3A to %scan3A_1 step %scan3A_2  : i32 {
      %mul3A = arith.constant 256 : i32
      %mul3A_5 = arith.muli %scan3A_4, %mul3A : i32
      %add3A = arith.constant 1 : i32
      %add3A_6 = arith.addi %scan3A_4, %add3A : i32
      %mul3A_7 = arith.constant 256 : i32
      %mul3A_8 = arith.muli %add3A_6, %mul3A_7 : i32
      %while3A = arith.constant 0 : i32
      %while3A_9 = arith.subi %mul3A_8, %mul3A_5 : i32
      %while3A_10 = arith.addi %mul3A_5, %while3A_9 : i32
      %while3A_11 = arith.constant 1 : i32
      %while3A_12 = arith.divsi %while3A_9, %while3A_11 : i32
      %while3A_13 = arith.muli %while3A_12, %while3A_11 : i32
      %while3A_14 = arith.addi %mul3A_5, %while3A_13 : i32
      %while3A_15 = arith.constant 1 : i32
      %while3A_16 = scf.for %while3A_24 = %mul3A_5 to %while3A_14 step %while3A_15 iter_args(%while3A_25 = %while3A) -> (i32)  : i32 {
        %get3A = arith.index_cast %while3A_24 : i32 to index
        %get3A_26 = memref.load %arg0[%get3A] : memref<1024xi32, #tpu.memory_space<smem>>
        %dma_start3A = arith.constant 0 : i32
        %dma_start3A_27 = tpu.memref_slice %arg4[%get3A_26, %while3A_24, %dma_start3A] : memref<77x1024x768xf32, #tpu.memory_space<any>> -> memref<1x1x768xf32, #tpu.memory_space<any>>
        %dma_start3A_28 = tpu.memref_squeeze %dma_start3A_27 : memref<1x1x768xf32, #tpu.memory_space<any>> -> memref<1x768xf32, #tpu.memory_space<any>>
        %dma_start3A_29 = arith.constant 0 : i32
        %dma_start3A_30 = tpu.memref_slice %arg1[%while3A_24, %dma_start3A_29] : memref<1024x768xf32, #tpu.memory_space<vmem>> -> memref<1x768xf32, #tpu.memory_space<vmem>>
        tpu.enqueue_dma source(%dma_start3A_30 : memref<1x768xf32, #tpu.memory_space<vmem>>) target(%dma_start3A_28 : memref<1x768xf32, #tpu.memory_space<any>>) target_semaphore(%arg5 : memref<!tpu.dma_semaphore, #tpu.memory_space<semaphore_mem>>)
        %while3A_31 = arith.constant 0 : i32
        scf.yield %while3A_31 : i32
      }
      %while3A_17 = arith.constant 1 : i32
      %while3A_18 = scf.for %while3A_24 = %while3A_14 to %while3A_10 step %while3A_17 iter_args(%while3A_25 = %while3A_16) -> (i32)  : i32 {
        %get3A = arith.index_cast %while3A_24 : i32 to index
        %get3A_26 = memref.load %arg0[%get3A] : memref<1024xi32, #tpu.memory_space<smem>>
        %dma_start3A = arith.constant 0 : i32
        %dma_start3A_27 = tpu.memref_slice %arg4[%get3A_26, %while3A_24, %dma_start3A] : memref<77x1024x768xf32, #tpu.memory_space<any>> -> memref<1x1x768xf32, #tpu.memory_space<any>>
        %dma_start3A_28 = tpu.memref_squeeze %dma_start3A_27 : memref<1x1x768xf32, #tpu.memory_space<any>> -> memref<1x768xf32, #tpu.memory_space<any>>
        %dma_start3A_29 = arith.constant 0 : i32
        %dma_start3A_30 = tpu.memref_slice %arg1[%while3A_24, %dma_start3A_29] : memref<1024x768xf32, #tpu.memory_space<vmem>> -> memref<1x768xf32, #tpu.memory_space<vmem>>
        tpu.enqueue_dma source(%dma_start3A_30 : memref<1x768xf32, #tpu.memory_space<vmem>>) target(%dma_start3A_28 : memref<1x768xf32, #tpu.memory_space<any>>) target_semaphore(%arg5 : memref<!tpu.dma_semaphore, #tpu.memory_space<semaphore_mem>>)
        %while3A_31 = arith.constant 0 : i32
        scf.yield %while3A_31 : i32
      }
      %dma_wait3A = arith.constant 0 : i32
      %dma_wait3A_19 = arith.constant 0 : i32
      %dma_wait3A_20 = tpu.memref_slice %arg1[%dma_wait3A, %dma_wait3A_19] : memref<1024x768xf32, #tpu.memory_space<vmem>> -> memref<256x768xf32, #tpu.memory_space<vmem>>
      %dma_wait3A_21 = arith.constant 0 : i32
      %dma_wait3A_22 = arith.constant 0 : i32
      %dma_wait3A_23 = tpu.memref_slice %arg2[%dma_wait3A_21, %dma_wait3A_22] : memref<1024x768xf32, #tpu.memory_space<any>> -> memref<256x768xf32, #tpu.memory_space<any>>
      tpu.wait_dma2 semaphore(%arg5 : memref<!tpu.dma_semaphore, #tpu.memory_space<semaphore_mem>>) src(%dma_wait3A_23 : memref<256x768xf32, #tpu.memory_space<any>>) dst(%dma_wait3A_20 : memref<256x768xf32, #tpu.memory_space<vmem>>)
    }
    %scan3A_3 = arith.constant 4 : i32
    return
  }
}

</mosaic_0001>

<sc_bundles>
// kernel: kernel.4.cloned.1.call-start
scs
__scs_entry_jumppad:
0x0: {  	(pc) =	sbr.rel $0x88, $3  }
0x1: {  	(tag) =	ssettag $0x0;
	lr =	simm.s32 $0x1  }
0x2: {  	[smem:$0x3F9D] =	sst lr;
	_ =	strace $0xD0000000  }
0x3: {  	_ = 	snop  }
0x4: {  	_ = 	snop  }
0x5: {  	_ = 	snop  }
0x6: {  	_ = 	snop  }
0x7: {  	_ = 	snop  }
__scs_overlays_trampoline_lowered:
0x8: {  	[smem:$0x3FAC] =	sst s0  }
0x9: {  	[smem:$0x3FAD] =	sst s1  }
0xa: {  	[smem:$0x3FAE] =	sst s2  }
0xb: {  	[smem:$0x3FAF] =	sst s3  }
0xc: {  	[smem:$0x3FB0] =	sst s4  }
0xd: {  	[smem:$0x3FB1] =	sst s5  }
0xe: {  	[smem:$0x3FB2] =	sst s6  }
0xf: {  	[smem:$0x3FB3] =	sst s7  }
0x10: {  	[smem:$0x3FB4] =	sst s8  }
0x11: {  	[smem:$0x3FB5] =	sst s9;
	s0 =	simm.s32 @!p0 $0x0  }
0x12: {  	s1 =	sld [smem:$0x3F9B];
	s0 =	simm.s32 @p0 $0x1  }
0x13: {  	[smem:$0x3FB6] =	sst s0;
	s0 =	simm.s32 @!p1 $0x0  }
0x14: {  	s2 =	sld [smem:$0x3F9A];
	s0 =	simm.s32 @p1 $0x1  }
0x15: {  	[smem:$0x3FB7] =	sst s0;
	s0 =	simm.s32 @!p2 $0x0  }
0x16: {  	s3 =	sld [smem:$0x3FDB];
	s0 =	simm.s32 @p2 $0x1  }
0x17: {  	s4 =	simm.s32 $0x1BF5;
	[smem:$0x3FB9] =	sst s0  }
0x18: {  	s0 =	sld [smem:$0x3F9C];
	_ =	swait.ge [sflag:s4], $0x0  }
0x19: {  	s7 =	sld [smem:$0x3F9D]  }
0x1a: {  	s8 =	sadd.s32 $0xFFFFE003, lr  }
0x1b: {  	s9 =	sadd.s32 $0xFFFFFEF7, lr;
	s5 =	simm.s32 $0xFFFFFFFF;
	p2 =	slt.u32 s8, $0xFFFFF086  }
0x1c: {  	p1 =	slt.u32 s9, $0xF7A;
	s5 =	simm.s32 @!p2 $0x0  }
0x1d: {  	s5 =	simm.s32 @p1 $0x1;
	p0 =	seq.s32 s7, s2  }
0x1e: {  	s7 =	smul.u32 @!p0 $0xF7A, s2;
	p2 =	seq.s32 @!p0 s5, $0x0  }
0x1f: {  	s9 =	smul.u32 $0xF7A, s1;
	s8 =	simm.s32 @!p0 $0x1BF5;
	p2 =	por !p2, p0  }
0x20: {  	[sflag:s8] =	ssyncset.s32 @!p0 $0xFFFFF086;
	s6 =	sadd.s32 @!p0 s3, s7;
	s7 =	simm.s32 @!p0 $0x108  }
0x21: {  	s3 =	sadd.s32 s3, s9;
	s6 =	sadd.s32 @!p0 $0x88, s6;
	s7 =	simm.s32 @p2 $0x1082  }
0x22: {  	[simem:s7], [sflag:s8] =	dma.local @!p0 [hbm:s6], $0xF7A  }
0x23: {  	s9 =	sor.u32 $0xD0000000, s2;
	s6 =	simm.s32 $0x108;
	_ =	swait.ge @!p0 [sflag:s8], $0x0  }
0x24: {  	s3 =	sadd.s32 $0x88, s3;
	s6 =	simm.s32 @!p1 $0x1082;
	[sflag:s4] =	ssyncset.s32 $0xFFFFF086  }
0x25: {  	[simem:s6], [sflag:s4] =	dma.local [hbm:s3], $0xF7A  }
0x26: {  	[smem:$0x3F9D] =	sst s1;
	(tag) =	ssettag s2;
	_ =	strace s9  }
0x27: {  	s1 =	sld [smem:$0x3FAD]  }
0x28: {  	s2 =	sld [smem:$0x3FAE]  }
0x29: {  	s4 =	sld [smem:$0x3FB0]  }
0x2a: {  	p0 =	seq.s32 s5, $0x0;
	s5 =	sld [smem:$0x3FB1]  }
0x2b: {  	s6 =	sld [smem:$0x3FB2]  }
0x2c: {  	s7 =	sld [smem:$0x3FB3]  }
0x2d: {  	s3 =	simm.s32 $0x108;
	s8 =	sld [smem:$0x3FB4]  }
0x2e: {  	s3 =	simm.s32 @!p0 $0x1082;
	s9 =	sld [smem:$0x3FB5]  }
0x2f: {  	lr =	sadd.s32 s0, s3;
	s0 =	sld [smem:$0x3FAC]  }
0x30: {  	s3 =	sld [smem:$0x3FAF]  }
0x31: {  	[smem:$0x3FB8] =	sst s10  }
0x32: {  	s10 =	sld [smem:$0x3FB6];
	_ =	sdelay $0x3  }
0x33: {  	p0 =	seq.s32 s10, $0x1;
	s10 =	sld [smem:$0x3FB8];
	_ =	sdelay $0x3  }
0x34: {  	[smem:$0x3FB8] =	sst s10  }
0x35: {  	s10 =	sld [smem:$0x3FB7];
	_ =	sdelay $0x3  }
0x36: {  	p1 =	seq.s32 s10, $0x1;
	s10 =	sld [smem:$0x3FB8];
	_ =	sdelay $0x3  }
0x37: {  	[smem:$0x3FB8] =	sst s10  }
0x38: {  	s10 =	sld [smem:$0x3FB9]  }
0x39: {  	_ = 	snop;
	(pc) =	sbr.ind lr, $3  }
0x3a: {  	_ = 	snop  }
0x3b: {  	_ = 	snop  }
0x3c: {  	p2 =	seq.s32 s10, $0x1;
	s10 =	sld [smem:$0x3FB8]  }
0x3d: {  	_ =	shalt  }
0x3e: {  	_ =	shalt  }
0x3f: {  	_ =	shalt  }
0x40: {  	_ =	shalt  }
0x41: {  	_ =	shalt  }
0x42: {  	_ =	shalt  }
0x43: {  	_ =	shalt  }
0x44: {  	_ =	shalt  }
0x45: {  	_ =	shalt  }
0x46: {  	_ =	shalt  }
0x47: {  	_ =	shalt  }
0x48: {  	_ =	shalt  }
0x49: {  	_ =	shalt  }
0x4a: {  	_ =	shalt  }
0x4b: {  	_ =	shalt  }
0x4c: {  	_ =	shalt  }
0x4d: {  	_ =	shalt  }
0x4e: {  	_ =	shalt  }
0x4f: {  	_ =	shalt  }
0x50: {  	_ =	shalt  }
0x51: {  	_ =	shalt  }
0x52: {  	_ =	shalt  }
0x53: {  	_ =	shalt  }
0x54: {  	_ =	shalt  }
0x55: {  	_ =	shalt  }
0x56: {  	_ =	shalt  }
0x57: {  	_ =	shalt  }
0x58: {  	_ =	shalt  }
0x59: {  	_ =	shalt  }
0x5a: {  	_ =	shalt  }
0x5b: {  	_ =	shalt  }
0x5c: {  	_ =	shalt  }
0x5d: {  	_ =	shalt  }
0x5e: {  	_ =	shalt  }
0x5f: {  	_ =	shalt  }
0x60: {  	_ =	shalt  }
0x61: {  	_ =	shalt  }
0x62: {  	_ =	shalt  }
0x63: {  	_ =	shalt  }
0x64: {  	_ =	shalt  }
0x65: {  	_ =	shalt  }
0x66: {  	_ =	shalt  }
0x67: {  	_ =	shalt  }
0x68: {  	_ =	shalt  }
0x69: {  	_ =	shalt  }
0x6a: {  	_ =	shalt  }
0x6b: {  	_ =	shalt  }
0x6c: {  	_ =	shalt  }
0x6d: {  	_ =	shalt  }
0x6e: {  	_ =	shalt  }
0x6f: {  	_ =	shalt  }
0x70: {  	_ =	shalt  }
0x71: {  	_ =	shalt  }
0x72: {  	_ =	shalt  }
0x73: {  	_ =	shalt  }
0x74: {  	_ =	shalt  }
0x75: {  	_ =	shalt  }
0x76: {  	_ =	shalt  }
0x77: {  	_ =	shalt  }
0x78: {  	_ =	shalt  }
0x79: {  	_ =	shalt  }
0x7a: {  	_ =	shalt  }
0x7b: {  	_ =	shalt  }
0x7c: {  	_ =	shalt  }
0x7d: {  	_ =	shalt  }
0x7e: {  	_ =	shalt  }
0x7f: {  	_ =	shalt  }
0x80: {  	_ =	shalt  }
0x81: {  	_ =	shalt  }
0x82: {  	_ =	shalt  }
0x83: {  	_ =	shalt  }
0x84: {  	_ =	shalt  }
0x85: {  	_ =	shalt  }
0x86: {  	_ =	shalt  }
0x87: {  	_ =	shalt  }
.Lfunc_end0:
.L_simem_size_0:
called_computation_lowered:
.L_overlay_start_0:
0x88: {  	s2 =	sld [smem:$0x3FD9]  }
0x89: {  	s3 =	sld [smem:$0x3FFE];
	_ =	sdelay $0x1  }
0x8a: {  	s1 =	srdreg.scid  }
0x8b: {  	s0 =	sand.u32 $0x1, s1  }
0x8c: {  	s17 =	sshll.u32 s0, $0xA;
	s2 =	sadd.s32 s3, s2  }
0x8d: {  	s2 =	sadd.s32 s2, s17  }
0x8e: {  	[smem:$0x3FC4] =	sst s2  }
0x8f: {  	_ = 	snop  }
0x90: {  	s2 =	sld [smem:$0x3FC7];
	(tm) =	ssettm $0x1  }
0x91: {  	s18 =	sld [smem:$0x3FFB];
	_ =	sdelay $0x3  }
0x92: {  	_ =	strace s18  }
0x93: {  	s3 =	sld [smem:$0x3FFC];
	_ =	sdelay $0x3  }
0x94: {  	_ =	strace s3  }
0x95: {  	s3 =	sld [smem:$0x3FFD];
	_ =	sdelay $0x3  }
0x96: {  	_ =	strace s3  }
0x97: {  	_ =	strace $0x8FFFFFFF  }
0x98: {  	s19 =	sld [smem:$0x3FDB];
	_ =	sdelay $0x1  }
0x99: {  	s4 =	simm.s32 $_scs_section_size  }
0x9a: {  	s5 =	simm.s32 $_size__tile_overlayer_lowered;
	s6 =	simm.s32 $_tile_overlayer_lowered  }
0x9b: {  	s22 =	simm.s32 $0x1BFF;
	s21 =	sshll.u32 s6, $0x1;
	s3 =	sadd.s32 s4, s19  }
0x9c: {  	s7 =	simm.s32 $0x0;
	s20 =	sshll.u32 s5, $0x1;
	s5 =	sadd.s32 s21, s3  }
0x9d: {  	[timem:s7], [sflag:s22] =	dma.local [hbm:s5], s20  }
0x9e: {  	_ =	swait.ge [sflag:s22], s20  }
0x9f: {  	s4 =	ssub.s32 $0x0, s20;
	[sflag:s22] =	ssyncset.done $0x0  }
0xa0: {  	[sflag:s22] =	ssyncadd.s32 s4;
	_ =	sdelay $0x1  }
0xa1: {  	s23 =	simm.s32 $0x1B8B  }
0xa2: {  	_ =	swait.ge [sflag:s23], $0x1  }
0xa3: {  	[sflag:s23] =	ssyncset.done $0x0  }
0xa4: {  	s25 =	simm.s32 $0x1B8E;
	s24 =	sld [smem:$0x3FFE];
	[sflag:s23] =	ssyncadd.s32 $0xFFFFFFFF  }
0xa5: {  	s26 =	simm.s32 $execute0_lowered;
	[smem:$0x3FD2] =	sst s25  }
0xa6: {  	s5 =	sshll.u32 s26, $0x1;
	_ =	strace $0x80000046;
	[dreg:$0x1] =	wrdreg $0xFFFFFFFF  }
0xa7: {  	s28 =	simm.s32 $_size_execute0_lowered;
	s3 =	sadd.s32 s3, s5;
	[dreg:$0x0] =	wrdreg $0x0  }
0xa8: {  	s5 =	sshll.u32 s28, $0x1;
	[dreg:$0x2] =	wrdreg s3  }
0xa9: {  	[dreg:$0x3] =	wrdreg s5  }
0xaa: {  	[dreg:$0x4] =	wrdreg $0xC0  }
0xab: {  	_ =	task [dreg:s7], $0x5FFFF  }
0xac: {  	[dreg:$0x1] =	wrdreg $0xFFFFFFFF  }
0xad: {  	[dreg:$0x0] =	wrdreg $0x60  }
0xae: {  	[dreg:$0x2] =	wrdreg s24  }
0xaf: {  	[dreg:$0x3] =	wrdreg s2  }
0xb0: {  	[dreg:$0x4] =	wrdreg $0x9  }
0xb1: {  	_ =	task.clear_ibuf [dreg:s7], $0x5FFFF;
	_ =	strace $0x90000046  }
0xb2: {  	s29 =	simm.s32 $0x9;
	_ =	strace $0x80000048  }
0xb3: {  	_ =	swait.ge [sflag:s29], $0x1  }
0xb4: {  	[sflag:s29] =	ssyncadd.s32 $0xFFFFFFFF  }
0xb5: {  	_ =	strace $0x90000048  }
0xb6: {  	_ =	sfence  }
0xb7: {  	s30 =	sld [smem:$0x0];
	_ =	sdelay $0x2  }
0xb8: {  	s31 =	sshll.u32 s1, $0xD;
	s1 =	sshrl.u32 s1, $0x2  }
0xb9: {  	s3 =	sand.u32 $0x4000, s31;
	s1 =	sadd.s32 s1, s30  }
0xba: {  	s0 =	sor.u32 s3, s0;
	s1 =	sshll.u32 s1, $0x11  }
0xbb: {  	s0 =	sor.u32 s1, s0  }
0xbc: {  	s0 =	sadd.s32 $0x8F2B, s0  }
0xbd: {  	[sflag:s0] =	ssyncadd.remote.s32 $0x1  }
0xbe: {  	_ =	sfence.sel $0xFFFF  }
0xbf: {  	[dreg:$0x0] =	wrdreg $0xFFFFFFFF;
	(pc) =	sbr.abs _section_cstart, $3  }
0xc0: {  	[dreg:$0x1] =	wrdreg $0xFFFFFFFF  }
0xc1: {  	_ =	task.clear_ibuf [dreg:s7], $0x2FFFF;
	_ =	strace $0x9FFFFFFF  }
0xc2: {  	(tm) =	ssettm $0x7FFFFFFF  }
0xc3: {  	_ =	shalt  }
tec
execute0_lowered:
.L_overlay_start_1:
0x0: {  	(tag) =	ssettag $0x1  }
0x1: {  	v42 =	vlaneseq.u32;
	v46 =	vimm.s32 $0x48474645  }
0x2: {  	v2 =	vimm.s32 $0x4C4B4A49;
	v3 =	vimm.s32 $0x40000000;
	vm1 =	vcmask $0x1F10  }
0x3: {  	v4 =	vimm.s32 $0x44434241;
	v5 =	vimm.s32 $0x3210FEDC;
	v6 =	vimm.s32 $0xBA987654  }
0x4: {  	vm0 =	vmmov $0xffff;
	v7 =	vimm.s32 $0x10FEDCBA;
	v8 =	vimm.s32 $0xFEDCBA9  }
0x5: {  	v9 =	vimm.s32 $0x87654321;
	v49 =	vimm.s32 $0x0;
	v50 =	vimm.s32 $0x0  }
0x6: {  	v51 =	vimm.s32 $0x0;
	v52 =	vimm.s32 $0x0;
	v53 =	vimm.s32 $0x0  }
0x7: {  	v54 =	vimm.s32 $0x0;
	v55 =	vimm.s32 $0x0;
	v56 =	vimm.s32 $0x0  }
0x8: {  	v57 =	vimm.s32 $0x0;
	v58 =	vimm.s32 $0x0;
	v59 =	vimm.s32 $0x0  }
0x9: {  	v60 =	vimm.s32 $0x0;
	v61 =	vimm.s32 $0x0;
	v62 =	vimm.s32 $0x0  }
0xa: {  	v63 =	vimm.s32 $0x0;
	v1 =	vshrl.u32 v42, $0x3;
	v0 =	vand.u32 $0x7, v42  }
0xb: {  	v2 =	vunpack.c.0.s8.s32 v2;
	v3 =	vunpack.c.0.s8.s32 v3;
	v4 =	vunpack.c.0.s8.s32 v4  }
0xc: {  	v5 =	vunpack.c.l.s4.s8 v5;
	v6 =	vunpack.c.l.s4.s8 v6;
	v47 =	vor.u32 $0x8, v42  }
0xd: {  	v8 =	vunpack.c.l.s4.s8 v8;
	v9 =	vunpack.c.l.s4.s8 v9;
	v45 =	vmul.u32 $0x8, v1  }
0xe: {  	v1 =	vunpack.c.0.s8.s32 v46;
	v48 =	vsel vm1, v4, v3;
	v3 =	vunpack.c.0.s8.s32 v5  }
0xf: {  	v4 =	vunpack.c.0.s8.s32 v6;
	v5 =	vimm.s32 $0x76543210;
	v6 =	vimm.s32 $0xFEDCBA98  }
0x10: {  	s6 =	rddreg [dreg:$0x0];
	[tilespmem:$0x1FEE0] =	vst v0;
	v8 =	vunpack.c.0.s8.s32 v8;
	v9 =	vunpack.c.0.s8.s32 v9;
	v1 =	vsel vm1, v2, v1  }
0x11: {  	s5 =	rddreg [dreg:$0x1];
	s2 =	simm.s32 $0x0;
	[tilespmem:$0x1FF00] =	vst v47;
	v6 =	vunpack.c.l.s4.s8 v6;
	v5 =	vunpack.c.l.s4.s8 v5;
	vm1 =	vmmov $0x1  }
0x12: {  	s1 =	srdreg.scid;
	[smem:$0x7FF] =	sst s2;
	[tilespmem:$0x1FEF0] =	vst v45;
	v3 =	vcombine.low v4, v3;
	v0 =	vsel vm1, $0xFFFFFFFF, v49;
	vm1 =	vmmov $0x3  }
0x13: {  	s4 =	sand.u32 $0x1, s1;
	s1 =	rddreg [dreg:$0x2];
	v4 =	vunpack.c.l.s4.s8 v7;
	_ =	strace $0x80000047;
	[tilespmem:$0x1FF10] =	vst v0;
	v0 =	vsel vm1, $0xFFFFFFFF, v50;
	vm1 =	vmmov $0x7  }
0x14: {  	v7 =	vimm.s32 $0x98765432;
	[tilespmem:$0x1FF20] =	vst v0;
	v0 =	vsel vm1, $0xFFFFFFFF, v51;
	vm1 =	vmmov $0xf  }
0x15: {  	s0 =	stileid.u32;
	v12 =	vcombine.low v9, v8;
	[tilespmem:$0x1FF30] =	vst v0;
	v0 =	vsel vm1, $0xFFFFFFFF, v52;
	vm1 =	vmmov $0x1f  }
0x16: {  	s12 =	simm.s32 $0x100;
	s13 =	simm.s32 $0x900;
	s14 =	simm.s32 $0x1100;
	v7 =	vunpack.c.l.s4.s8 v7;
	[tilespmem:$0x1FF40] =	vst v0;
	v0 =	vsel vm1, $0xFFFFFFFF, v53;
	vm1 =	vmmov $0x3f  }
0x17: {  	s15 =	simm.s32 $0x1900;
	s16 =	simm.s32 $0x2100;
	s17 =	simm.s32 $0x2900;
	v6 =	vunpack.c.0.s8.s32 v6;
	[tilespmem:$0x1FF50] =	vst v0;
	v0 =	vsel vm1, $0xFFFFFFFF, v54;
	vm1 =	vmmov $0x7f  }
0x18: {  	s18 =	simm.s32 $0x3100;
	s19 =	simm.s32 $0x3900;
	s20 =	simm.s32 $0x4100;
	v11 =	vunpack.c.0.s8.s32 v5;
	[tilespmem:$0x1FF60] =	vst v0;
	v0 =	vsel vm1, $0xFFFFFFFF, v55;
	vm1 =	vmmov $0xff  }
0x19: {  	s21 =	simm.s32 $0x4900;
	s22 =	simm.s32 $0x5100;
	s23 =	simm.s32 $0x5900;
	v5 =	vor.u32 $0x20, v42;
	[tilespmem:$0x1FF70] =	vst v0;
	v0 =	vsel vm1, $0xFFFFFFFF, v56;
	vm1 =	vmmov $0x1ff  }
0x1a: {  	s24 =	simm.s32 $0x1;
	s3 =	sshll.u32 s0, $0x6;
	s7 =	sshll.u32 s4, $0x5;
	v4 =	vunpack.c.0.s8.s32 v4;
	[tilespmem:$0x1FF80] =	vst v0;
	v0 =	vsel vm1, $0xFFFFFFFF, v57;
	vm1 =	vmmov $0x3ff  }
0x1b: {  	s25 =	simm.s32 $0x6100;
	s4 =	ssub.s32 $0x2, s4;
	s3 =	sor.u32 s7, s3;
	v9 =	vand.u32 $0xF, v3;
	[tilespmem:$0x1FF90] =	vst v0;
	v0 =	vsel vm1, $0xFFFFFFFF, v58;
	vm1 =	vmmov $0x7ff  }
0x1c: {  	s26 =	simm.s32 $0x80;
	s11 =	sshrl.u32 s4, $0x1;
	s7 =	sshrl.u32 s3, $0x3;
	v7 =	vunpack.c.0.s8.s32 v7;
	[tilespmem:$0x1FFA0] =	vst v0;
	v0 =	vsel vm1, $0xFFFFFFFF, v59;
	vm1 =	vmmov $0xfff  }
0x1d: {  	s3 =	sshll.u32 s3, $0x4;
	s11 =	ssub.s32 s4, s11;
	s8 =	smul.u32 $0x300, s7;
	v8 =	vand.u32 $0xF, v6;
	[tilespmem:$0x1FFB0] =	vst v0;
	v0 =	vsel vm1, $0xFFFFFFFF, v60;
	vm1 =	vmmov $0x1fff  }
0x1e: {  	s9 =	sadd.s32 s3, s6;
	s3 =	sadd.s32 $0x4C00, s6;
	s10 =	sadd.s32 s7, s6;
	v6 =	vcombine.low v48, v1;
	[tilespmem:$0x1FFC0] =	vst v0;
	v0 =	vsel vm1, $0xFFFFFFFF, v61;
	vm1 =	vmmov $0x3fff  }
0x1f: {  	s4 =	sadd.s32 s5, s7;
	s5 =	sadd.s32 $0x4D00, s6;
	s8 =	sadd.s32 s8, s6;
	v10 =	vcombine.low v7, v4;
	[tilespmem:$0x1FFD0] =	vst v0;
	v0 =	vsel vm1, $0xFFFFFFFF, v62;
	vm1 =	vmmov $0x7fff  }
0x20: {  	s6 =	sadd.s32 $0x4E00, s6;
	s7 =	sadd.s32 $0x1C400, s8;
	s8 =	sadd.s32 $0xC00, s9;
	v8 =	vcombine.low v8, v11;
	v11 =	vand.u32 $0xF, v12;
	[tilespmem:$0x1FFE0] =	vst v0;
	v0 =	vsel vm1, $0xFFFFFFFF, v63  }
0x21: {  	s9 =	sadd.s32 $0x34400, s10;
	s10 =	smax.u32 s11, $0x1;
	s11 =	simm.s32 $0x2;
	v4 =	vor.u32 $0x10, v42;
	v7 =	vor.u32 $0x30, v42;
	v10 =	vand.u32 $0xF, v10;
	[tilespmem:$0x1FFF0] =	vst v0  }
.LBB2_1:
0x22: {  	[tilespmem:s2], [sflag:$0x2] =	stream.linear.gather [hbm4b:s4+s2], $0x20, $0x38;
	[tilespmem:$0x7100] =	vst v63  }
0x23: {  	_ =	swait.ge [sflag:s11], $0x20  }
0x24: {  	[sflag:s11] =	ssyncset.done $0x0  }
0x25: {  	[sflag:s11] =	ssyncadd.s32 $0xFFFFFFE0  }
0x26: {  	v1 =	vld [tilespmem:$0x0];
	_ =	sdelay $0x3  }
0x27: {  	v0 =	vld [tilespmem:$0x1FEE0]  }
0x28: {  	v2 =	vshrl.u32 v1, $0x3  }
0x29: {  	v3 =	vld [tilespmem:$0x1FEF0];
	v2 =	vmul.u32 $0x30, v2  }
0x2a: {  	v1 =	vand.u32 $0x7, v1  }
0x2b: {  	v1 =	vor.u32 v1, v2  }
0x2c: {  	v2 =	vperm.xlane v1, v0  }
0x2d: {  	v12 =	vld [tilespmem:$0x1FF00]  }
0x2e: {  	v2 =	vadd.s32 v3, v2;
	_ =	sdelay $0x3  }
0x2f: {  	v1 =	vperm.xlane v1, v12  }
0x30: {  	[tilespmem:s12], [sflag:$0x1] =	stream.indirect_vreg.gather [hbm4b:s3+s2], $0x80, v2, vm0, $0xb8;
	[tilespmem:$0x7100] =	vst v63  }
0x31: {  	v1 =	vadd.s32 v3, v1  }
0x32: {  	[tilespmem:s13], [sflag:$0x1] =	stream.indirect_vreg.gather [hbm4b:s5+s2], $0x80, v2, vm0, $0xb8;
	[tilespmem:$0x7100] =	vst v63  }
0x33: {  	_ = 	snop  }
0x34: {  	[tilespmem:s14], [sflag:$0x1] =	stream.indirect_vreg.gather [hbm4b:s6+s2], $0x80, v2, vm0, $0xb8;
	[tilespmem:$0x7100] =	vst v63  }
0x35: {  	_ = 	snop  }
0x36: {  	[tilespmem:s15], [sflag:$0x1] =	stream.indirect_vreg.gather [hbm4b:s3+s2], $0x80, v1, vm0, $0xb8;
	[tilespmem:$0x7100] =	vst v63  }
0x37: {  	_ = 	snop  }
0x38: {  	[tilespmem:s16], [sflag:$0x1] =	stream.indirect_vreg.gather [hbm4b:s5+s2], $0x80, v1, vm0, $0xb8;
	[tilespmem:$0x7100] =	vst v63  }
0x39: {  	_ = 	snop  }
0x3a: {  	[tilespmem:s17], [sflag:$0x1] =	stream.indirect_vreg.gather [hbm4b:s6+s2], $0x80, v1, vm0, $0xb8;
	[tilespmem:$0x7100] =	vst v63  }
0x3b: {  	v1 =	vld [tilespmem:$0x10];
	_ =	sdelay $0x4  }
0x3c: {  	v17 =	vshrl.u32 v1, $0x3  }
0x3d: {  	v2 =	vmul.u32 $0x30, v17  }
0x3e: {  	v1 =	vand.u32 $0x7, v1  }
0x3f: {  	v1 =	vor.u32 v1, v2  }
0x40: {  	v2 =	vperm.xlane v1, v0;
	_ =	sdelay $0x1  }
0x41: {  	v2 =	vadd.s32 v3, v2;
	_ =	sdelay $0x3  }
0x42: {  	v1 =	vperm.xlane v1, v12  }
0x43: {  	[tilespmem:s18], [sflag:$0x1] =	stream.indirect_vreg.gather [hbm4b:s3+s2], $0x80, v2, vm0, $0xb8;
	[tilespmem:$0x7100] =	vst v63  }
0x44: {  	v1 =	vadd.s32 v3, v1  }
0x45: {  	[tilespmem:s19], [sflag:$0x1] =	stream.indirect_vreg.gather [hbm4b:s5+s2], $0x80, v2, vm0, $0xb8;
	[tilespmem:$0x7100] =	vst v63  }
0x46: {  	_ = 	snop  }
0x47: {  	[tilespmem:s20], [sflag:$0x1] =	stream.indirect_vreg.gather [hbm4b:s6+s2], $0x80, v2, vm0, $0xb8;
	[tilespmem:$0x7100] =	vst v63  }
0x48: {  	_ = 	snop  }
0x49: {  	[tilespmem:s21], [sflag:$0x1] =	stream.indirect_vreg.gather [hbm4b:s3+s2], $0x80, v1, vm0, $0xb8;
	[tilespmem:$0x7100] =	vst v63  }
0x4a: {  	_ = 	snop  }
0x4b: {  	[tilespmem:s22], [sflag:$0x1] =	stream.indirect_vreg.gather [hbm4b:s5+s2], $0x80, v1, vm0, $0xb8;
	[tilespmem:$0x7100] =	vst v63  }
0x4c: {  	_ = 	snop  }
0x4d: {  	[tilespmem:s23], [sflag:$0x1] =	stream.indirect_vreg.gather [hbm4b:s6+s2], $0x80, v1, vm0, $0xb8;
	[tilespmem:$0x7100] =	vst v63  }
0x4e: {  	_ =	swait.ge [sflag:s24], $0x6000  }
0x4f: {  	[sflag:s24] =	ssyncset.done $0x0  }
0x50: {  	[sflag:s24] =	ssyncadd.s32 $0xFFFFA000  }
0x51: {  	[hbm4b:s7+s2] =	stream.linear.scatter [tilespmem:s12], [sflag:$0x2], $0x6000, $0x38;
	[tilespmem:$0x7100] =	vst v63  }
0x52: {  	_ =	swait.ge [sflag:s11], $0x6000  }
0x53: {  	[sflag:s11] =	ssyncset.done $0x0  }
0x54: {  	[sflag:s11] =	ssyncadd.s32 $0xFFFFA000  }
0x55: {  	[tilespmem:s25], [sflag:$0x2] =	stream.linear.gather [hbm4b:s8+s2], $0x1000, $0x38;
	[tilespmem:$0x7100] =	vst v63  }
0x56: {  	_ =	swait.ge [sflag:s11], $0x1000  }
0x57: {  	[sflag:s11] =	ssyncset.done $0x0  }
0x58: {  	[sflag:s11] =	ssyncadd.s32 $0xFFFFF000  }
0x59: {  	v18 =	vld [tilespmem:$0x6100]  }
0x5a: {  	v19 =	vld [tilespmem:$0x6110]  }
0x5b: {  	v3 =	vld [tilespmem:$0x6120]  }
0x5c: {  	v20 =	vld [tilespmem:$0x6130]  }
0x5d: {  	v13 =	vld [tilespmem:$0x613D];
	_ =	sdelay $0x1  }
0x5e: {  	vm1 =	veq.s32 v18, $0x109;
	vm2 =	veq.s32 v19, $0x109  }
0x5f: {  	v1 =	vnsel vm1, $0x0, v42;
	v2 =	vnsel vm2, $0x0, v4;
	vm1 =	veq.s32 v3, $0x109;
	v3 =	vld [tilespmem:$0x6180]  }
0x60: {  	v23 =	vld [tilespmem:$0x6190];
	v1 =	vadd.s32 v1, v2;
	v21 =	vnsel vm1, $0x0, v5;
	vm1 =	veq.s32 v20, $0x109  }
0x61: {  	v25 =	vld [tilespmem:$0x61A0];
	v1 =	vadd.s32 v21, v1;
	v22 =	vnsel vm1, $0x0, v7;
	vm1 =	veq.s32 v13, $0x109  }
0x62: {  	v26 =	vld [tilespmem:$0x61B0];
	v1 =	vadd.s32 v22, v1;
	v24 =	vnsel vm1, $0x0, v6  }
0x63: {  	v1 =	vadd.s32 v24, v1  }
0x64: {  	v15 =	vld [tilespmem:$0x61BD];
	v14 =	vperm.xlane v1, v8;
	vm1 =	veq.s32 v3, $0x109  }
0x65: {  	v3 =	vld [tilespmem:$0x6200];
	v27 =	vnsel vm1, $0x0, v42;
	vm1 =	veq.s32 v23, $0x109  }
0x66: {  	v28 =	vld [tilespmem:$0x6210];
	v1 =	vadd.s32 v14, v1;
	v17 =	vnsel vm1, $0x0, v4;
	vm1 =	veq.s32 v25, $0x109  }
0x67: {  	v29 =	vld [tilespmem:$0x6220];
	v14 =	vadd.s32 v27, v17;
	v30 =	vnsel vm1, $0x0, v5;
	vm1 =	veq.s32 v26, $0x109  }
0x68: {  	v16 =	vperm.xlane v1, v9;
	v14 =	vadd.s32 v30, v14;
	v32 =	vnsel vm1, $0x0, v7  }
0x69: {  	v31 =	vld [tilespmem:$0x6230];
	vm1 =	veq.s32 v15, $0x109;
	v14 =	vadd.s32 v32, v14  }
0x6a: {  	v33 =	vld [tilespmem:$0x623D];
	v34 =	vnsel vm1, $0x0, v6;
	vm1 =	veq.s32 v3, $0x109;
	v1 =	vadd.s32 v16, v1  }
0x6b: {  	v3 =	vadd.s32 v34, v14;
	v35 =	vnsel vm1, $0x0, v42;
	vm1 =	veq.s32 v28, $0x109  }
0x6c: {  	v44 =	vld [tilespmem:$0x6280];
	v47 =	vperm.xlane v1, v10;
	v37 =	vnsel vm1, $0x0, v4;
	vm1 =	veq.s32 v29, $0x109  }
0x6d: {  	v46 =	vld [tilespmem:$0x6290];
	v36 =	vperm.xlane v3, v8;
	v38 =	vadd.s32 v35, v37;
	v39 =	vnsel vm1, $0x0, v5  }
0x6e: {  	v49 =	vld [tilespmem:$0x62A0];
	vm1 =	veq.s32 v31, $0x109;
	v1 =	vadd.s32 v47, v1;
	v40 =	vadd.s32 v39, v38  }
0x6f: {  	v50 =	vld [tilespmem:$0x62B0];
	v41 =	vnsel vm1, $0x0, v7;
	vm1 =	veq.s32 v33, $0x109;
	v3 =	vadd.s32 v36, v3  }
0x70: {  	v31 =	vld [tilespmem:$0x1FF10];
	v18 =	vperm.xlane v1, v11;
	v2 =	vadd.s32 v41, v40;
	v43 =	vnsel vm1, $0x0, v6  }
0x71: {  	v45 =	vperm.xlane v3, v9;
	vm1 =	veq.s32 v44, $0x109;
	v2 =	vadd.s32 v43, v2  }
0x72: {  	v52 =	vld [tilespmem:$0x62BD];
	v13 =	vnsel vm1, $0x0, v42;
	vm1 =	veq.s32 v46, $0x109;
	v1 =	vadd.s32 v18, v1  }
0x73: {  	v54 =	vld [tilespmem:$0x6300];
	v48 =	vperm.xlane v2, v8;
	v3 =	vadd.s32 v45, v3;
	v12 =	vnsel vm1, $0x0, v4  }
0x74: {  	v56 =	vld [tilespmem:$0x6310];
	vm1 =	veq.s32 v49, $0x109;
	v51 =	vperm.xlane v3, v10;
	v12 =	vadd.s32 v13, v12  }
0x75: {  	v46 =	vld [tilespmem:$0x1FF20];
	v53 =	vnsel vm1, $0x0, v5;
	vm1 =	veq.s32 v50, $0x109;
	vm2 =	vnez.u8 v31  }
0x76: {  	v59 =	vld [tilespmem:$0x6320];
	v2 =	vadd.s32 v48, v2;
	v12 =	vadd.s32 v53, v12;
	v55 =	vnsel vm1, $0x0, v7  }
0x77: {  	v61 =	vld [tilespmem:$0x6330];
	vm1 =	veq.s32 v52, $0x109;
	v19 =	vperm.xlane v2, v9;
	v3 =	vadd.s32 v51, v3  }
0x78: {  	v31 =	vld [tilespmem:$0x1FF30];
	v12 =	vadd.s32 v55, v12;
	v58 =	vnsel vm1, $0x0, v6;
	vm1 =	veq.s32 v54, $0x109  }
0x79: {  	v60 =	vperm.xlane v3, v11;
	v12 =	vadd.s32 v58, v12;
	v14 =	vnsel vm1, $0x0, v42  }
0x7a: {  	v63 =	vld [tilespmem:$0x633D];
	vm1 =	veq.s32 v56, $0x109;
	vm3 =	vnez.u8 v46;
	v2 =	vadd.s32 v19, v2  }
0x7b: {  	v62 =	vperm.xlane v12, v8;
	v23 =	vnsel vm1, $0x0, v4;
	vm1 =	veq.s32 v59, $0x109  }
0x7c: {  	v24 =	vld [tilespmem:$0x6380];
	v57 =	vperm.xlane v2, v10;
	v3 =	vadd.s32 v60, v3;
	v14 =	vadd.s32 v14, v23  }
0x7d: {  	v26 =	vld [tilespmem:$0x6390];
	v25 =	vnsel vm1, $0x0, v5;
	vm1 =	veq.s32 v61, $0x109;
	vm4 =	vnez.u8 v31  }
0x7e: {  	v28 =	vld [tilespmem:$0x63A0];
	v12 =	vadd.s32 v62, v12;
	v14 =	vadd.s32 v25, v14;
	v27 =	vnsel vm1, $0x0, v7  }
0x7f: {  	v30 =	vld [tilespmem:$0x63B0];
	vm1 =	veq.s32 v63, $0x109;
	v1 =	vsel vm2, v1, v3;
	v2 =	vadd.s32 v57, v2  }
0x80: {  	v22 =	vperm.xlane v12, v9;
	v14 =	vadd.s32 v27, v14;
	v29 =	vnsel vm1, $0x0, v6  }
0x81: {  	v32 =	vld [tilespmem:$0x63BD];
	vm1 =	veq.s32 v24, $0x109;
	v21 =	vperm.xlane v2, v11;
	v14 =	vadd.s32 v29, v14  }
0x82: {  	v34 =	vnsel vm1, $0x0, v42;
	vm1 =	veq.s32 v26, $0x109;
	v12 =	vadd.s32 v22, v12  }
0x83: {  	v37 =	vld [tilespmem:$0x6400];
	v33 =	vperm.xlane v14, v8;
	v36 =	vnsel vm1, $0x0, v4;
	vm1 =	veq.s32 v28, $0x109  }
0x84: {  	v39 =	vld [tilespmem:$0x6410];
	v3 =	vperm.xlane v12, v10;
	v38 =	vnsel vm1, $0x0, v5;
	vm1 =	veq.s32 v30, $0x109  }
0x85: {  	v41 =	vld [tilespmem:$0x6420];
	v2 =	vadd.s32 v21, v2;
	v35 =	vadd.s32 v33, v14;
	v40 =	vnsel vm1, $0x0, v7  }
0x86: {  	vm1 =	veq.s32 v32, $0x109;
	v1 =	vsel vm3, v1, v2;
	v3 =	vadd.s32 v3, v12  }
0x87: {  	v45 =	vld [tilespmem:$0x6430];
	v12 =	vadd.s32 v34, v36;
	v43 =	vperm.xlane v35, v9;
	v44 =	vnsel vm1, $0x0, v6  }
0x88: {  	vm1 =	veq.s32 v37, $0x109;
	v12 =	vadd.s32 v38, v12;
	v47 =	vperm.xlane v3, v11  }
0x89: {  	v48 =	vld [tilespmem:$0x643D];
	v20 =	vnsel vm1, $0x0, v42;
	vm1 =	veq.s32 v39, $0x109;
	v12 =	vadd.s32 v40, v12  }
0x8a: {  	v51 =	vld [tilespmem:$0x6480];
	v13 =	vadd.s32 v43, v35;
	v16 =	vnsel vm1, $0x0, v4;
	vm1 =	veq.s32 v41, $0x109  }
0x8b: {  	v34 =	vld [tilespmem:$0x1FF40];
	v12 =	vadd.s32 v44, v12;
	v50 =	vperm.xlane v13, v10;
	v16 =	vadd.s32 v20, v16  }
0x8c: {  	v53 =	vld [tilespmem:$0x6490];
	v52 =	vnsel vm1, $0x0, v5;
	vm1 =	veq.s32 v45, $0x109;
	v2 =	vadd.s32 v47, v3  }
0x8d: {  	v55 =	vld [tilespmem:$0x64A0];
	v49 =	vperm.xlane v12, v8;
	v16 =	vadd.s32 v52, v16;
	v54 =	vnsel vm1, $0x0, v7  }
0x8e: {  	vm1 =	veq.s32 v48, $0x109;
	v1 =	vsel vm4, v1, v2;
	v16 =	vadd.s32 v54, v16  }
0x8f: {  	v21 =	vld [tilespmem:$0x64B0];
	v57 =	vnsel vm1, $0x0, v6;
	v3 =	vadd.s32 v50, v13;
	vm1 =	veq.s32 v51, $0x109  }
0x90: {  	vm5 =	vnez.u8 v34;
	v12 =	vadd.s32 v49, v12;
	v58 =	vadd.s32 v57, v16  }
0x91: {  	v59 =	vld [tilespmem:$0x64BD];
	v62 =	vnsel vm1, $0x0, v42;
	vm1 =	veq.s32 v53, $0x109;
	v26 =	vperm.xlane v3, v11  }
0x92: {  	v25 =	vld [tilespmem:$0x6500];
	v56 =	vperm.xlane v12, v9;
	v63 =	vnsel vm1, $0x0, v4;
	vm1 =	veq.s32 v55, $0x109  }
0x93: {  	v51 =	vld [tilespmem:$0x1FF50];
	v60 =	vperm.xlane v58, v8;
	v0 =	vadd.s32 v62, v63;
	v20 =	vnsel vm1, $0x0, v5  }
0x94: {  	v27 =	vld [tilespmem:$0x6510];
	vm1 =	veq.s32 v21, $0x109;
	v32 =	vadd.s32 v26, v3;
	v12 =	vadd.s32 v56, v12  }
0x95: {  	v30 =	vld [tilespmem:$0x6520];
	v13 =	vadd.s32 v60, v58;
	v14 =	vadd.s32 v20, v0;
	v22 =	vnsel vm1, $0x0, v7  }
0x96: {  	v33 =	vld [tilespmem:$0x6530];
	vm1 =	veq.s32 v59, $0x109;
	v1 =	vsel vm5, v1, v32;
	v61 =	vperm.xlane v12, v10  }
0x97: {  	v26 =	vld [tilespmem:$0x1FF60];
	v23 =	vperm.xlane v13, v9;
	v14 =	vadd.s32 v22, v14;
	v24 =	vnsel vm1, $0x0, v6  }
0x98: {  	v37 =	vld [tilespmem:$0x653D];
	vm1 =	veq.s32 v25, $0x109;
	vm6 =	vnez.u8 v51;
	v14 =	vadd.s32 v24, v14  }
0x99: {  	v40 =	vnsel vm1, $0x0, v42;
	vm1 =	veq.s32 v27, $0x109;
	v12 =	vadd.s32 v61, v12  }
0x9a: {  	v43 =	vld [tilespmem:$0x6580];
	v13 =	vadd.s32 v23, v13;
	v29 =	vperm.xlane v14, v8;
	v41 =	vnsel vm1, $0x0, v4  }
0x9b: {  	vm1 =	veq.s32 v30, $0x109;
	v28 =	vperm.xlane v12, v11;
	v3 =	vperm.xlane v13, v10  }
0x9c: {  	v45 =	vld [tilespmem:$0x6590];
	v44 =	vnsel vm1, $0x0, v5;
	vm1 =	veq.s32 v33, $0x109;
	vm7 =	vnez.u8 v26  }
0x9d: {  	v47 =	vld [tilespmem:$0x65A0];
	v36 =	vadd.s32 v29, v14;
	v46 =	vnsel vm1, $0x0, v7;
	vm1 =	veq.s32 v37, $0x109  }
0x9e: {  	v23 =	vld [tilespmem:$0x1FF90];
	v35 =	vadd.s32 v28, v12;
	v3 =	vadd.s32 v3, v13;
	v38 =	vperm.xlane v36, v9  }
0x9f: {  	v13 =	vadd.s32 v40, v41;
	v49 =	vnsel vm1, $0x0, v6;
	vm1 =	veq.s32 v43, $0x109  }
0xa0: {  	v50 =	vld [tilespmem:$0x65B0];
	v39 =	vperm.xlane v3, v11;
	v13 =	vadd.s32 v44, v13;
	v1 =	vsel vm6, v1, v35  }
0xa1: {  	v53 =	vld [tilespmem:$0x65BD];
	v56 =	vnsel vm1, $0x0, v42;
	vm1 =	veq.s32 v45, $0x109;
	v12 =	vadd.s32 v38, v36  }
0xa2: {  	v58 =	vld [tilespmem:$0x6600];
	v13 =	vadd.s32 v46, v13;
	v57 =	vnsel vm1, $0x0, v4;
	vm1 =	veq.s32 v47, $0x109  }
0xa3: {  	v41 =	vld [tilespmem:$0x1FF70];
	vm10 =	vnez.u8 v23;
	v48 =	vperm.xlane v12, v10;
	v52 =	vadd.s32 v39, v3  }
0xa4: {  	v3 =	vadd.s32 v49, v13;
	v16 =	vadd.s32 v56, v57;
	v59 =	vnsel vm1, $0x0, v5  }
0xa5: {  	v60 =	vld [tilespmem:$0x6610];
	vm1 =	veq.s32 v50, $0x109;
	v54 =	vperm.xlane v3, v8;
	v16 =	vadd.s32 v59, v16  }
0xa6: {  	v62 =	vld [tilespmem:$0x6620];
	v61 =	vnsel vm1, $0x0, v7;
	vm1 =	veq.s32 v53, $0x109;
	v1 =	vsel vm7, v1, v52  }
0xa7: {  	v25 =	vld [tilespmem:$0x6630];
	v12 =	vadd.s32 v48, v12;
	v16 =	vadd.s32 v61, v16;
	v24 =	vnsel vm1, $0x0, v6  }
0xa8: {  	vm1 =	veq.s32 v58, $0x109;
	vm8 =	vnez.u8 v41;
	v55 =	vperm.xlane v12, v11  }
0xa9: {  	v29 =	vld [tilespmem:$0x663D];
	v3 =	vadd.s32 v54, v3;
	v28 =	vadd.s32 v24, v16;
	v31 =	vnsel vm1, $0x0, v42  }
0xaa: {  	vm1 =	veq.s32 v60, $0x109;
	v63 =	vperm.xlane v3, v9;
	v16 =	vperm.xlane v28, v8  }
0xab: {  	v35 =	vld [tilespmem:$0x6680];
	v32 =	vnsel vm1, $0x0, v4;
	vm1 =	veq.s32 v62, $0x109;
	v27 =	vadd.s32 v55, v12  }
0xac: {  	v37 =	vld [tilespmem:$0x6690];
	v33 =	vadd.s32 v31, v32;
	v34 =	vnsel vm1, $0x0, v5;
	vm1 =	veq.s32 v25, $0x109  }
0xad: {  	v40 =	vld [tilespmem:$0x66A0];
	v3 =	vadd.s32 v63, v3;
	v12 =	vadd.s32 v16, v28;
	v13 =	vadd.s32 v34, v33  }
0xae: {  	v62 =	vld [tilespmem:$0x1FF80];
	v36 =	vnsel vm1, $0x0, v7;
	vm1 =	veq.s32 v29, $0x109;
	v1 =	vsel vm8, v1, v27  }
0xaf: {  	v30 =	vperm.xlane v3, v10;
	v13 =	vadd.s32 v36, v13;
	v39 =	vnsel vm1, $0x0, v6  }
0xb0: {  	v44 =	vld [tilespmem:$0x66B0];
	v38 =	vperm.xlane v12, v9;
	vm1 =	veq.s32 v35, $0x109;
	v43 =	vadd.s32 v39, v13  }
0xb1: {  	v46 =	vld [tilespmem:$0x66BD];
	v49 =	vnsel vm1, $0x0, v42;
	vm1 =	veq.s32 v37, $0x109;
	v3 =	vadd.s32 v30, v3  }
0xb2: {  	v12 =	vadd.s32 v38, v12;
	v45 =	vperm.xlane v43, v8;
	v51 =	vnsel vm1, $0x0, v4  }
0xb3: {  	v56 =	vld [tilespmem:$0x6700];
	vm1 =	veq.s32 v40, $0x109;
	vm9 =	vnez.u8 v62;
	v47 =	vperm.xlane v3, v11  }
0xb4: {  	v48 =	vperm.xlane v12, v10;
	v14 =	vadd.s32 v49, v51;
	v52 =	vnsel vm1, $0x0, v5  }
0xb5: {  	v58 =	vld [tilespmem:$0x6710];
	vm1 =	veq.s32 v44, $0x109;
	v2 =	vadd.s32 v45, v43;
	v53 =	vadd.s32 v52, v14  }
0xb6: {  	v32 =	vld [tilespmem:$0x1FFA0];
	v54 =	vnsel vm1, $0x0, v7;
	vm1 =	veq.s32 v46, $0x109;
	v50 =	vperm.xlane v2, v9  }
0xb7: {  	v61 =	vld [tilespmem:$0x6720];
	v13 =	vadd.s32 v54, v53;
	v55 =	vnsel vm1, $0x0, v6;
	v12 =	vadd.s32 v48, v12  }
0xb8: {  	v25 =	vld [tilespmem:$0x6780];
	v3 =	vadd.s32 v47, v3;
	vm1 =	veq.s32 v56, $0x109;
	v13 =	vadd.s32 v55, v13  }
0xb9: {  	v59 =	vperm.xlane v12, v11;
	v1 =	vsel vm9, v1, v3;
	v3 =	vld [tilespmem:$0x6730];
	v26 =	vnsel vm1, $0x0, v42  }
0xba: {  	v52 =	vld [tilespmem:$0x1FFB0];
	vm1 =	veq.s32 v58, $0x109;
	v2 =	vadd.s32 v50, v2;
	v60 =	vperm.xlane v13, v8  }
0xbb: {  	v63 =	vld [tilespmem:$0x673D];
	vm11 =	vnez.u8 v32;
	v28 =	vnsel vm1, $0x0, v4;
	v57 =	vperm.xlane v2, v10  }
0xbc: {  	v27 =	vld [tilespmem:$0x6790];
	vm1 =	veq.s32 v61, $0x109;
	v12 =	vadd.s32 v59, v12;
	v13 =	vadd.s32 v60, v13  }
0xbd: {  	v29 =	vld [tilespmem:$0x67A0];
	v31 =	vnsel vm1, $0x0, v5;
	v2 =	vadd.s32 v57, v2;
	v24 =	vperm.xlane v13, v9  }
0xbe: {  	v34 =	vld [tilespmem:$0x67BD];
	v1 =	vsel vm10, v1, v12;
	v16 =	vperm.xlane v2, v11;
	vm1 =	veq.s32 v3, $0x109  }
0xbf: {  	v36 =	vld [tilespmem:$0x6800];
	vm12 =	vnez.u8 v52;
	v12 =	vadd.s32 v24, v13;
	v33 =	vnsel vm1, $0x0, v7  }
0xc0: {  	v3 =	vld [tilespmem:$0x67B0];
	vm1 =	veq.s32 v63, $0x109;
	v13 =	vadd.s32 v26, v28;
	v2 =	vadd.s32 v16, v2  }
0xc1: {  	v38 =	vld [tilespmem:$0x6810];
	v30 =	vperm.xlane v12, v10;
	v35 =	vnsel vm1, $0x0, v6;
	vm1 =	veq.s32 v25, $0x109  }
0xc2: {  	v40 =	vld [tilespmem:$0x6820];
	v13 =	vadd.s32 v31, v13;
	v1 =	vsel vm11, v1, v2;
	v37 =	vnsel vm1, $0x0, v42  }
0xc3: {  	v62 =	vld [tilespmem:$0x6A00];
	vm1 =	veq.s32 v27, $0x109;
	v2 =	vadd.s32 v33, v13;
	v12 =	vadd.s32 v30, v12  }
0xc4: {  	v44 =	vld [tilespmem:$0x683D];
	v39 =	vnsel vm1, $0x0, v4;
	vm1 =	veq.s32 v29, $0x109;
	v2 =	vadd.s32 v35, v2  }
0xc5: {  	v41 =	vnsel vm1, $0x0, v5;
	vm1 =	veq.s32 v3, $0x109;
	v3 =	vld [tilespmem:$0x6830];
	v45 =	vperm.xlane v2, v8  }
0xc6: {  	v49 =	vld [tilespmem:$0x68BD];
	v23 =	vperm.xlane v12, v11;
	v43 =	vnsel vm1, $0x0, v7;
	vm1 =	veq.s32 v34, $0x109  }
0xc7: {  	v46 =	vld [tilespmem:$0x6880];
	v16 =	vadd.s32 v37, v39;
	v22 =	vnsel vm1, $0x0, v6;
	vm1 =	veq.s32 v36, $0x109  }
0xc8: {  	v47 =	vld [tilespmem:$0x6890];
	v13 =	vadd.s32 v41, v16;
	v24 =	vnsel vm1, $0x0, v42;
	vm1 =	veq.s32 v38, $0x109  }
0xc9: {  	v48 =	vld [tilespmem:$0x68A0];
	v2 =	vadd.s32 v45, v2;
	v21 =	vnsel vm1, $0x0, v4;
	vm1 =	veq.s32 v40, $0x109  }
0xca: {  	v25 =	vperm.xlane v2, v9;
	v26 =	vnsel vm1, $0x0, v5;
	vm1 =	veq.s32 v3, $0x109;
	v3 =	vld [tilespmem:$0x68B0]  }
0xcb: {  	v51 =	vld [tilespmem:$0x6910];
	v12 =	vadd.s32 v23, v12;
	v23 =	vnsel vm1, $0x0, v7;
	vm1 =	veq.s32 v44, $0x109  }
0xcc: {  	v50 =	vld [tilespmem:$0x6900];
	v2 =	vadd.s32 v25, v2;
	v25 =	vnsel vm1, $0x0, v6;
	vm1 =	veq.s32 v46, $0x109  }
0xcd: {  	v53 =	vld [tilespmem:$0x6920];
	v13 =	vadd.s32 v43, v13;
	v28 =	vnsel vm1, $0x0, v42;
	vm1 =	veq.s32 v47, $0x109  }
0xce: {  	v33 =	vld [tilespmem:$0x1FFC0];
	v12 =	vsel vm12, v1, v12;
	v29 =	vnsel vm1, $0x0, v4;
	vm1 =	veq.s32 v48, $0x109  }
0xcf: {  	v27 =	vperm.xlane v2, v10;
	v34 =	vnsel vm1, $0x0, v5;
	vm1 =	veq.s32 v3, $0x109;
	v3 =	vld [tilespmem:$0x6930]  }
0xd0: {  	v55 =	vld [tilespmem:$0x693D];
	v59 =	vadd.s32 v22, v13;
	v35 =	vnsel vm1, $0x0, v7;
	vm1 =	veq.s32 v49, $0x109  }
0xd1: {  	v56 =	vld [tilespmem:$0x6980];
	v2 =	vadd.s32 v27, v2;
	v36 =	vnsel vm1, $0x0, v6;
	vm1 =	veq.s32 v50, $0x109  }
0xd2: {  	v58 =	vld [tilespmem:$0x69A0];
	v54 =	vperm.xlane v2, v11;
	v37 =	vnsel vm1, $0x0, v42;
	vm1 =	veq.s32 v51, $0x109  }
0xd3: {  	v57 =	vld [tilespmem:$0x6990];
	vm13 =	vnez.u8 v33;
	v39 =	vnsel vm1, $0x0, v4;
	vm1 =	veq.s32 v53, $0x109  }
0xd4: {  	v61 =	vld [tilespmem:$0x69BD];
	v2 =	vadd.s32 v54, v2;
	v13 =	vnsel vm1, $0x0, v5;
	vm1 =	veq.s32 v3, $0x109  }
0xd5: {  	v60 =	vld [tilespmem:$0x69B0];
	v3 =	vperm.xlane v59, v8;
	v40 =	vnsel vm1, $0x0, v7;
	vm1 =	veq.s32 v55, $0x109  }
0xd6: {  	v31 =	vld [tilespmem:$0x6A20];
	v2 =	vsel vm13, v12, v2;
	v41 =	vnsel vm1, $0x0, v6  }
0xd7: {  	v43 =	vld [tilespmem:$0x6B00];
	vm1 =	veq.s32 v56, $0x109;
	v63 =	vadd.s32 v3, v59;
	v59 =	vadd.s32 v24, v21  }
0xd8: {  	v27 =	vld [tilespmem:$0x6A10];
	v1 =	vnsel vm1, $0x0, v42;
	vm1 =	veq.s32 v57, $0x109;
	v30 =	vperm.xlane v63, v9  }
0xd9: {  	v45 =	vld [tilespmem:$0x6B10];
	v20 =	vadd.s32 v26, v59;
	v3 =	vnsel vm1, $0x0, v4;
	vm1 =	veq.s32 v58, $0x109  }
0xda: {  	v38 =	vld [tilespmem:$0x6A30];
	v20 =	vadd.s32 v23, v20;
	v0 =	vnsel vm1, $0x0, v5;
	vm1 =	veq.s32 v60, $0x109  }
0xdb: {  	v56 =	vld [tilespmem:$0x6A3D];
	v18 =	vadd.s32 v30, v63;
	v33 =	vnsel vm1, $0x0, v7;
	vm1 =	veq.s32 v61, $0x109  }
0xdc: {  	v58 =	vld [tilespmem:$0x6A80];
	v20 =	vadd.s32 v25, v20;
	v44 =	vnsel vm1, $0x0, v6;
	vm1 =	veq.s32 v62, $0x109  }
0xdd: {  	v60 =	vld [tilespmem:$0x6A90];
	v1 =	vadd.s32 v1, v3;
	v49 =	vnsel vm1, $0x0, v42;
	vm1 =	veq.s32 v27, $0x109  }
0xde: {  	v57 =	vperm.xlane v18, v10;
	v61 =	vld [tilespmem:$0x6AA0];
	v46 =	vnsel vm1, $0x0, v4;
	vm1 =	veq.s32 v31, $0x109  }
0xdf: {  	v1 =	vadd.s32 v0, v1;
	v62 =	vld [tilespmem:$0x6AB0];
	v52 =	vnsel vm1, $0x0, v5;
	vm1 =	veq.s32 v38, $0x109  }
0xe0: {  	v63 =	vld [tilespmem:$0x6ABD];
	v1 =	vadd.s32 v33, v1;
	v51 =	vnsel vm1, $0x0, v7;
	vm1 =	veq.s32 v56, $0x109  }
0xe1: {  	v48 =	vld [tilespmem:$0x6B20];
	v19 =	vadd.s32 v57, v18;
	v54 =	vnsel vm1, $0x0, v6;
	vm1 =	veq.s32 v58, $0x109  }
0xe2: {  	v50 =	vld [tilespmem:$0x6B30];
	v38 =	vperm.xlane v20, v8;
	v27 =	vnsel vm1, $0x0, v42;
	vm1 =	veq.s32 v60, $0x109  }
0xe3: {  	v55 =	vld [tilespmem:$0x6B3D];
	v1 =	vadd.s32 v44, v1;
	v23 =	vnsel vm1, $0x0, v4;
	vm1 =	veq.s32 v61, $0x109  }
0xe4: {  	v59 =	vld [tilespmem:$0x6BA0];
	v47 =	vadd.s32 v38, v20;
	v30 =	vnsel vm1, $0x0, v5;
	vm1 =	veq.s32 v62, $0x109  }
0xe5: {  	v56 =	vld [tilespmem:$0x6B80];
	v20 =	vperm.xlane v47, v9;
	v31 =	vnsel vm1, $0x0, v7;
	vm1 =	veq.s32 v63, $0x109  }
0xe6: {  	v53 =	vperm.xlane v19, v11;
	v58 =	vld [tilespmem:$0x6B90];
	v32 =	vnsel vm1, $0x0, v6;
	vm1 =	veq.s32 v43, $0x109  }
0xe7: {  	v38 =	vld [tilespmem:$0x1FFD0];
	v20 =	vadd.s32 v20, v47;
	v18 =	vnsel vm1, $0x0, v42;
	vm1 =	veq.s32 v45, $0x109  }
0xe8: {  	v61 =	vld [tilespmem:$0x6BB0];
	v57 =	vperm.xlane v20, v10;
	v21 =	vnsel vm1, $0x0, v4;
	vm1 =	veq.s32 v48, $0x109  }
0xe9: {  	v49 =	vadd.s32 v49, v46;
	v63 =	vld [tilespmem:$0x6BBD];
	v22 =	vnsel vm1, $0x0, v5;
	vm1 =	veq.s32 v50, $0x109  }
0xea: {  	v60 =	vadd.s32 v57, v20;
	v45 =	vld [tilespmem:$0x6C00];
	v20 =	vnsel vm1, $0x0, v7;
	vm1 =	veq.s32 v55, $0x109  }
0xeb: {  	v19 =	vadd.s32 v53, v19;
	v48 =	vld [tilespmem:$0x6C10];
	v43 =	vnsel vm1, $0x0, v6;
	vm1 =	veq.s32 v56, $0x109  }
0xec: {  	vm14 =	vnez.u8 v38;
	v50 =	vld [tilespmem:$0x1FFE0];
	v38 =	vnsel vm1, $0x0, v42;
	vm1 =	veq.s32 v58, $0x109  }
0xed: {  	v62 =	vperm.xlane v60, v11;
	v55 =	vld [tilespmem:$0x6C20];
	v53 =	vnsel vm1, $0x0, v4;
	vm1 =	veq.s32 v59, $0x109  }
0xee: {  	v49 =	vadd.s32 v52, v49;
	v58 =	vld [tilespmem:$0x6C30];
	v57 =	vnsel vm1, $0x0, v5;
	vm1 =	veq.s32 v61, $0x109  }
0xef: {  	v47 =	vadd.s32 v62, v60;
	v61 =	vld [tilespmem:$0x6C3D];
	v60 =	vnsel vm1, $0x0, v7;
	vm1 =	veq.s32 v63, $0x109  }
0xf0: {  	v2 =	vsel vm14, v2, v19;
	v63 =	vld [tilespmem:$0x6C80];
	v62 =	vnsel vm1, $0x0, v6;
	vm1 =	veq.s32 v45, $0x109  }
0xf1: {  	v19 =	vld [tilespmem:$0x6C90];
	vm15 =	vnez.u8 v50;
	v17 =	vnsel vm1, $0x0, v42;
	vm1 =	veq.s32 v48, $0x109  }
0xf2: {  	v2 =	vsel vm15, v2, v47;
	v47 =	vld [tilespmem:$0x6CA0];
	v45 =	vnsel vm1, $0x0, v4;
	vm1 =	veq.s32 v55, $0x109  }
0xf3: {  	v56 =	vadd.s32 v28, v29;
	[tilespmem:$0x1FE30] =	vst v43;
	v50 =	vld [tilespmem:$0x6CB0];
	v48 =	vnsel vm1, $0x0, v5;
	vm1 =	veq.s32 v58, $0x109  }
0xf4: {  	v43 =	vadd.s32 v37, v39;
	[tilespmem:$0x1FE40] =	vst v53;
	v55 =	vld [tilespmem:$0x6CBD];
	v53 =	vnsel vm1, $0x0, v7;
	vm1 =	veq.s32 v61, $0x109  }
0xf5: {  	v59 =	vadd.s32 v34, v56;
	[tilespmem:$0x1FE50] =	vst v57;
	v57 =	vld [tilespmem:$0x6D00];
	v56 =	vnsel vm1, $0x0, v6;
	vm1 =	veq.s32 v63, $0x109  }
0xf6: {  	v13 =	vadd.s32 v13, v43;
	v43 =	vld [tilespmem:$0x6D10];
	v29 =	vnsel vm1, $0x0, v42;
	vm1 =	veq.s32 v19, $0x109  }
0xf7: {  	v25 =	vadd.s32 v35, v59;
	[tilespmem:$0x1FE60] =	vst v60;
	v60 =	vld [tilespmem:$0x6D20];
	v35 =	vnsel vm1, $0x0, v4;
	vm1 =	veq.s32 v47, $0x109  }
0xf8: {  	v16 =	vadd.s32 v36, v25;
	v61 =	vld [tilespmem:$0x6D30];
	v36 =	vnsel vm1, $0x0, v5;
	vm1 =	veq.s32 v50, $0x109  }
0xf9: {  	v49 =	vadd.s32 v51, v49;
	v47 =	vld [tilespmem:$0x6D3D];
	v39 =	vnsel vm1, $0x0, v7;
	vm1 =	veq.s32 v55, $0x109  }
0xfa: {  	v13 =	vadd.s32 v40, v13;
	[tilespmem:$0x1FEA0] =	vst v48;
	v48 =	vld [tilespmem:$0x6D80];
	v40 =	vnsel vm1, $0x0, v6;
	vm1 =	veq.s32 v57, $0x109  }
0xfb: {  	v13 =	vadd.s32 v41, v13;
	[tilespmem:$0x1FE70] =	vst v62;
	v62 =	vld [tilespmem:$0x6D90];
	v37 =	vnsel vm1, $0x0, v42;
	vm1 =	veq.s32 v43, $0x109  }
0xfc: {  	v59 =	vperm.xlane v16, v8;
	v63 =	vld [tilespmem:$0x6DA0];
	v41 =	vnsel vm1, $0x0, v4;
	vm1 =	veq.s32 v60, $0x109  }
0xfd: {  	v3 =	vld [tilespmem:$0x6DB0];
	v58 =	vperm.xlane v13, v8;
	v43 =	vnsel vm1, $0x0, v5;
	vm1 =	veq.s32 v61, $0x109  }
0xfe: {  	v34 =	vadd.s32 v59, v16;
	v16 =	vld [tilespmem:$0x6DBD];
	v25 =	vnsel vm1, $0x0, v7;
	vm1 =	veq.s32 v47, $0x109  }
0xff: {  	[tilespmem:$0x1FE90] =	vst v45;
	v13 =	vadd.s32 v58, v13;
	v55 =	vld [tilespmem:$0x6E00];
	v47 =	vnsel vm1, $0x0, v6;
	vm1 =	veq.s32 v48, $0x109  }
0x100: {  	[tilespmem:$0x1FEC0] =	vst v56;
	v45 =	vperm.xlane v13, v9;
	v56 =	vld [tilespmem:$0x6E10];
	v28 =	vnsel vm1, $0x0, v42;
	vm1 =	veq.s32 v62, $0x109  }
0x101: {  	[tilespmem:$0x1FE80] =	vst v17;
	v17 =	vperm.xlane v1, v8;
	v19 =	vld [tilespmem:$0x6E20];
	v26 =	vnsel vm1, $0x0, v4;
	vm1 =	veq.s32 v63, $0x109  }
0x102: {  	v13 =	vadd.s32 v45, v13;
	v44 =	vnsel vm1, $0x0, v5;
	vm1 =	veq.s32 v3, $0x109;
	v3 =	vld [tilespmem:$0x6E30]  }
0x103: {  	v24 =	vld [tilespmem:$0x6E3D];
	v50 =	vperm.xlane v13, v10;
	v45 =	vnsel vm1, $0x0, v7;
	vm1 =	veq.s32 v16, $0x109  }
0x104: {  	v59 =	vld [tilespmem:$0x6E80];
	v1 =	vadd.s32 v17, v1;
	v48 =	vnsel vm1, $0x0, v6;
	vm1 =	veq.s32 v55, $0x109  }
0x105: {  	v13 =	vadd.s32 v50, v13;
	v60 =	vld [tilespmem:$0x6E90];
	v50 =	vnsel vm1, $0x0, v42;
	vm1 =	veq.s32 v56, $0x109  }
0x106: {  	v33 =	vld [tilespmem:$0x6EA0];
	v57 =	vperm.xlane v1, v9;
	v55 =	vnsel vm1, $0x0, v4;
	vm1 =	veq.s32 v19, $0x109  }
0x107: {  	v58 =	vperm.xlane v13, v11;
	v56 =	vnsel vm1, $0x0, v5;
	vm1 =	veq.s32 v3, $0x109;
	v3 =	vld [tilespmem:$0x6EB0]  }
0x108: {  	v12 =	vld [tilespmem:$0x6EBD];
	v1 =	vadd.s32 v57, v1;
	v57 =	vnsel vm1, $0x0, v7;
	vm1 =	veq.s32 v24, $0x109  }
0x109: {  	v0 =	vadd.s32 v58, v13;
	v13 =	vld [tilespmem:$0x6F00];
	v58 =	vnsel vm1, $0x0, v6;
	vm1 =	veq.s32 v59, $0x109  }
0x10a: {  	v46 =	vld [tilespmem:$0x6F10];
	v61 =	vperm.xlane v1, v10;
	v24 =	vnsel vm1, $0x0, v42;
	vm1 =	veq.s32 v60, $0x109  }
0x10b: {  	v21 =	vadd.s32 v18, v21;
	[tilespmem:$0x1FED0] =	vst v2;
	v2 =	vld [tilespmem:$0x6F20];
	v59 =	vnsel vm1, $0x0, v4;
	vm1 =	veq.s32 v33, $0x109  }
0x10c: {  	v1 =	vadd.s32 v61, v1;
	v19 =	vnsel vm1, $0x0, v5;
	vm1 =	veq.s32 v3, $0x109;
	v3 =	vld [tilespmem:$0x6F30]  }
0x10d: {  	v33 =	vadd.s32 v54, v49;
	v60 =	vnsel vm1, $0x0, v7;
	vm1 =	veq.s32 v12, $0x109;
	v12 =	vld [tilespmem:$0x6F3D]  }
0x10e: {  	v16 =	vld [tilespmem:$0x6F80];
	v54 =	vperm.xlane v33, v8;
	v17 =	vnsel vm1, $0x0, v6;
	vm1 =	veq.s32 v13, $0x109  }
0x10f: {  	v62 =	vperm.xlane v1, v11;
	v49 =	vnsel vm1, $0x0, v42;
	vm1 =	veq.s32 v46, $0x109;
	v46 =	vld [tilespmem:$0x6F90]  }
0x110: {  	v33 =	vadd.s32 v54, v33;
	v52 =	vnsel vm1, $0x0, v4;
	vm1 =	veq.s32 v2, $0x109;
	v2 =	vld [tilespmem:$0x6FA0]  }
0x111: {  	[tilespmem:$0x1FEB0] =	vst v53;
	v53 =	vperm.xlane v33, v9;
	v54 =	vnsel vm1, $0x0, v5;
	vm1 =	veq.s32 v3, $0x109;
	v3 =	vld [tilespmem:$0x6FB0]  }
0x112: {  	v63 =	vld [tilespmem:$0x6FBD];
	v62 =	vadd.s32 v62, v1;
	v61 =	vnsel vm1, $0x0, v7;
	vm1 =	veq.s32 v12, $0x109  }
0x113: {  	v53 =	vadd.s32 v53, v33;
	v12 =	vld [tilespmem:$0x7000];
	v51 =	vnsel vm1, $0x0, v6;
	vm1 =	veq.s32 v16, $0x109  }
0x114: {  	v33 =	vld [tilespmem:$0x7010];
	v16 =	vadd.s32 v27, v23;
	v27 =	vnsel vm1, $0x0, v42;
	vm1 =	veq.s32 v46, $0x109  }
0x115: {  	v13 =	vadd.s32 v30, v16;
	v46 =	vnsel vm1, $0x0, v4;
	vm1 =	veq.s32 v2, $0x109;
	v2 =	vld [tilespmem:$0x7020]  }
0x116: {  	v13 =	vadd.s32 v31, v13;
	v16 =	vnsel vm1, $0x0, v5;
	vm1 =	veq.s32 v3, $0x109;
	v3 =	vld [tilespmem:$0x7030]  }
0x117: {  	v1 =	vld [tilespmem:$0x703D];
	v30 =	vadd.s32 v32, v13;
	v15 =	vnsel vm1, $0x0, v7;
	vm1 =	veq.s32 v63, $0x109  }
0x118: {  	v63 =	vperm.xlane v30, v8;
	v14 =	vnsel vm1, $0x0, v6;
	vm1 =	veq.s32 v12, $0x109;
	v12 =	vld [tilespmem:$0x7080]  }
0x119: {  	v22 =	vadd.s32 v22, v21;
	v13 =	vnsel vm1, $0x0, v42;
	vm1 =	veq.s32 v33, $0x109;
	v33 =	vld [tilespmem:$0x7090]  }
0x11a: {  	v63 =	vadd.s32 v63, v30;
	v30 =	vnsel vm1, $0x0, v4;
	vm1 =	veq.s32 v2, $0x109  }
0x11b: {  	v32 =	vperm.xlane v63, v9;
	v18 =	vnsel vm1, $0x0, v5;
	vm1 =	veq.s32 v3, $0x109  }
0x11c: {  	v20 =	vadd.s32 v20, v22;
	v2 =	vld [tilespmem:$0x70A0];
	v21 =	vnsel vm1, $0x0, v7;
	vm1 =	veq.s32 v1, $0x109  }
0x11d: {  	v32 =	vadd.s32 v32, v63;
	v63 =	vld [tilespmem:$0x1FE40];
	v22 =	vnsel vm1, $0x0, v6;
	vm1 =	veq.s32 v12, $0x109  }
0x11e: {  	v12 =	vnsel vm1, $0x0, v42;
	vm1 =	veq.s32 v33, $0x109;
	v33 =	vld [tilespmem:$0x1FE30]  }
0x11f: {  	v31 =	vperm.xlane v53, v10;
	v3 =	vld [tilespmem:$0x70B0];
	_ =	sdelay $0x1  }
0x120: {  	v0 =	vsel vm2, v0, v62;
	v31 =	vadd.s32 v31, v53;
	v23 =	vnsel vm1, $0x0, v4  }
0x121: {  	v62 =	vld [tilespmem:$0x1FE50];
	vm1 =	veq.s32 v2, $0x109;
	v53 =	vadd.s32 v38, v63;
	v63 =	vperm.xlane v32, v10  }
0x122: {  	v29 =	vadd.s32 v29, v35;
	v38 =	vld [tilespmem:$0x1FE60];
	v33 =	vadd.s32 v33, v20;
	v20 =	vnsel vm1, $0x0, v5  }
0x123: {  	vm1 =	veq.s32 v3, $0x109;
	v32 =	vadd.s32 v63, v32;
	v63 =	vld [tilespmem:$0x1FE70];
	v3 =	vperm.xlane v33, v8  }
0x124: {  	v29 =	vadd.s32 v36, v29  }
0x125: {  	v29 =	vadd.s32 v39, v29;
	v3 =	vadd.s32 v3, v33;
	v33 =	vperm.xlane v31, v11  }
0x126: {  	v29 =	vadd.s32 v40, v29;
	v26 =	vadd.s32 v28, v26;
	v53 =	vadd.s32 v62, v53  }
0x127: {  	v31 =	vadd.s32 v33, v31;
	v33 =	vadd.s32 v38, v53;
	v53 =	vperm.xlane v32, v11;
	v38 =	vld [tilespmem:$0x1FE80]  }
0x128: {  	v26 =	vadd.s32 v44, v26;
	v62 =	vperm.xlane v3, v9;
	v33 =	vadd.s32 v63, v33;
	v63 =	vld [tilespmem:$0x1FE90]  }
0x129: {  	v24 =	vadd.s32 v24, v59;
	v0 =	vsel vm3, v0, v31;
	v31 =	vadd.s32 v53, v32;
	v53 =	vld [tilespmem:$0x1FEA0]  }
0x12a: {  	v26 =	vadd.s32 v45, v26;
	v19 =	vadd.s32 v19, v24;
	v1 =	vld [tilespmem:$0x70BD];
	v3 =	vadd.s32 v62, v3  }
0x12b: {  	v19 =	vadd.s32 v60, v19;
	v13 =	vadd.s32 v13, v30;
	v62 =	vperm.xlane v3, v10  }
0x12c: {  	v26 =	vadd.s32 v48, v26;
	v17 =	vadd.s32 v17, v19;
	v13 =	vadd.s32 v18, v13  }
0x12d: {  	v13 =	vadd.s32 v21, v13;
	v3 =	vadd.s32 v62, v3;
	v62 =	vld [tilespmem:$0x1FEB0];
	v63 =	vadd.s32 v38, v63  }
0x12e: {  	v12 =	vadd.s32 v12, v23;
	v2 =	vnsel vm1, $0x0, v7;
	v32 =	vadd.s32 v53, v63;
	v63 =	vld [tilespmem:$0x1FEC0]  }
0x12f: {  	vm1 =	veq.s32 v1, $0x109;
	v12 =	vadd.s32 v20, v12;
	v38 =	vperm.xlane v33, v8  }
0x130: {  	v13 =	vadd.s32 v22, v13;
	v1 =	vnsel vm1, $0x0, v6;
	v2 =	vadd.s32 v2, v12  }
0x131: {  	v0 =	vsel vm4, v0, v31;
	v33 =	vadd.s32 v38, v33;
	v38 =	vperm.xlane v3, v11  }
0x132: {  	v53 =	vadd.s32 v37, v41;
	v37 =	vperm.xlane v17, v8;
	v32 =	vadd.s32 v62, v32  }
0x133: {  	v62 =	vperm.xlane v33, v9;
	v3 =	vadd.s32 v38, v3;
	v32 =	vadd.s32 v63, v32  }
0x134: {  	v0 =	vsel vm5, v0, v3;
	v3 =	vperm.xlane v29, v8;
	v63 =	vperm.xlane v32, v8  }
0x135: {  	v1 =	vadd.s32 v1, v2;
	v33 =	vadd.s32 v62, v33;
	v62 =	vperm.xlane v34, v9  }
0x136: {  	v17 =	vadd.s32 v37, v17;
	v3 =	vadd.s32 v3, v29;
	v31 =	vadd.s32 v63, v32  }
0x137: {  	v63 =	vperm.xlane v33, v10;
	v32 =	vadd.s32 v62, v34;
	v34 =	vadd.s32 v43, v53  }
0x138: {  	v53 =	vadd.s32 v50, v55;
	v40 =	vperm.xlane v31, v9;
	v25 =	vadd.s32 v25, v34  }
0x139: {  	v55 =	vadd.s32 v56, v53;
	v33 =	vadd.s32 v63, v33;
	v63 =	vperm.xlane v32, v10  }
0x13a: {  	v25 =	vadd.s32 v47, v25;
	v28 =	vadd.s32 v57, v55;
	v39 =	vperm.xlane v33, v11  }
0x13b: {  	v31 =	vadd.s32 v40, v31;
	v40 =	vperm.xlane v3, v9;
	v43 =	vperm.xlane v25, v8  }
0x13c: {  	v28 =	vadd.s32 v58, v28;
	v62 =	vperm.xlane v31, v10;
	v32 =	vadd.s32 v63, v32  }
0x13d: {  	v63 =	vperm.xlane v28, v8;
	v33 =	vadd.s32 v39, v33;
	v3 =	vadd.s32 v40, v3  }
0x13e: {  	v25 =	vadd.s32 v43, v25;
	v40 =	vadd.s32 v49, v52;
	v49 =	vperm.xlane v13, v8  }
0x13f: {  	v29 =	vadd.s32 v62, v31;
	v0 =	vsel vm6, v0, v33;
	v31 =	vperm.xlane v3, v10  }
0x140: {  	v47 =	vperm.xlane v25, v9;
	v62 =	vperm.xlane v26, v8;
	v33 =	vadd.s32 v63, v28  }
0x141: {  	v24 =	vadd.s32 v54, v40;
	v41 =	vperm.xlane v29, v11;
	v36 =	vperm.xlane v33, v9  }
0x142: {  	v24 =	vadd.s32 v61, v24;
	v3 =	vadd.s32 v31, v3;
	v25 =	vadd.s32 v47, v25  }
0x143: {  	v26 =	vadd.s32 v62, v26;
	v24 =	vadd.s32 v51, v24;
	v56 =	vperm.xlane v3, v11  }
0x144: {  	v47 =	vadd.s32 v27, v46;
	v29 =	vadd.s32 v41, v29;
	v34 =	vperm.xlane v26, v9  }
0x145: {  	v57 =	vperm.xlane v25, v10;
	v0 =	vsel vm7, v0, v29;
	v3 =	vadd.s32 v56, v3  }
0x146: {  	v16 =	vadd.s32 v16, v47;
	v0 =	vsel vm8, v0, v3;
	v3 =	vadd.s32 v34, v26  }
0x147: {  	v19 =	vadd.s32 v36, v33;
	v15 =	vadd.s32 v15, v16;
	v38 =	vperm.xlane v3, v10  }
0x148: {  	v39 =	vperm.xlane v19, v10;
	v25 =	vadd.s32 v57, v25;
	v14 =	vadd.s32 v14, v15  }
0x149: {  	v35 =	vperm.xlane v25, v11;
	v26 =	vperm.xlane v17, v9;
	v3 =	vadd.s32 v38, v3  }
0x14a: {  	v19 =	vadd.s32 v39, v19;
	v15 =	vperm.xlane v14, v8;
	v41 =	vperm.xlane v3, v11  }
0x14b: {  	v43 =	vperm.xlane v19, v11;
	v25 =	vadd.s32 v35, v25;
	v17 =	vadd.s32 v26, v17  }
0x14c: {  	v0 =	vsel vm9, v0, v25;
	v44 =	vperm.xlane v17, v10;
	v3 =	vadd.s32 v41, v3  }
0x14d: {  	v51 =	vperm.xlane v1, v8;
	v0 =	vsel vm10, v0, v3;
	v3 =	vadd.s32 v43, v19  }
0x14e: {  	v14 =	vadd.s32 v15, v14;
	v0 =	vsel vm11, v0, v3;
	v3 =	vadd.s32 v44, v17  }
0x14f: {  	v13 =	vadd.s32 v49, v13;
	v52 =	vperm.xlane v14, v9;
	v50 =	vperm.xlane v3, v11  }
0x150: {  	v54 =	vperm.xlane v13, v9;
	v1 =	vadd.s32 v51, v1  }
0x151: {  	v55 =	vperm.xlane v1, v9;
	v2 =	vadd.s32 v50, v3;
	v3 =	vadd.s32 v52, v14  }
0x152: {  	v45 =	vperm.xlane v24, v8;
	v13 =	vadd.s32 v54, v13;
	v56 =	vperm.xlane v3, v10  }
0x153: {  	v58 =	vperm.xlane v13, v10;
	v1 =	vadd.s32 v55, v1  }
0x154: {  	v19 =	vadd.s32 v45, v24;
	v59 =	vadd.s32 v56, v3;
	v3 =	vperm.xlane v1, v10  }
0x155: {  	v13 =	vadd.s32 v58, v13;
	v48 =	vperm.xlane v19, v9  }
0x156: {  	v1 =	vadd.s32 v3, v1;
	v3 =	vperm.xlane v13, v11  }
0x157: {  	v12 =	vadd.s32 v48, v19  }
0x158: {  	v53 =	vperm.xlane v12, v10;
	v63 =	vadd.s32 v3, v13;
	v3 =	vld [tilespmem:$0x1FFF0];
	_ =	sdelay $0x1  }
0x159: {  	v12 =	vadd.s32 v53, v12  }
0x15a: {  	v57 =	vperm.xlane v12, v11  }
0x15b: {  	v60 =	vperm.xlane v59, v11  }
0x15c: {  	v0 =	vsel vm12, v0, v2;
	v12 =	vadd.s32 v57, v12;
	vm1 =	vnez.u8 v3;
	v3 =	vld [tilespmem:$0x1FED0]  }
0x15d: {  	v0 =	vsel vm13, v0, v12;
	v2 =	vadd.s32 v60, v59;
	v62 =	vperm.xlane v1, v11  }
0x15e: {  	v61 =	vperm.xlane v32, v11;
	v0 =	vsel vm14, v0, v2  }
0x15f: {  	v0 =	vsel vm15, v0, v63;
	v1 =	vadd.s32 v62, v1  }
0x160: {  	v14 =	vadd.s32 v61, v32;
	v0 =	vsel vm1, v0, v1  }
0x161: {  	p0 =	sne.s32 s10, $0x1;
	[tilespmem:$0x90] =	vst v0;
	v3 =	vsel vm1, v3, v14  }
.Ltmp0:
0x162: {  	[tilespmem:$0x80] =	vst v3;
	(pc) =	sbr.rel @p0 .LBB2_1-.Ltmp0, $4  }
0x163: {  	[hbm4b:s9+s2] =	stream.linear.scatter [tilespmem:s26], [sflag:$0x2], $0x20, $0x38;
	[tilespmem:$0x7100] =	vst v63  }
0x164: {  	_ =	swait.ge [sflag:s11], $0x20  }
0x165: {  	[sflag:s11] =	ssyncset.done $0x0  }
0x166: {  	s10 =	sadd.s32 $0xFFFFFFFF, s10;
	[sflag:s11] =	ssyncadd.s32 $0xFFFFFFE0  }
0x167: {  	_ =	sfence.sel $0x180000  }
0x168: {  	[bflag:$0x0] =	sbarrier.arrive $0xFFFF  }
0x169: {  	p0 =	sne.s32 s0, $0x0;
	_ =	strace $0x90000047  }
0x16a: {  	s0 =	sadd.s32 @!p0 $0x100000, s1;
	[bflag:$0x2] =	sbarrier.arrive $0xFFFF  }
0x16b: {  	[sflag:s0] =	ssyncadd.tile.s32 @!p0 $0x1;
	_ =	shalt  }
.Lfunc_end2:
_tile_overlayer_lowered:
.L_overlay_start_2:
0x16c: {  	(tag) =	ssettag $0x2  }
0x16d: {  	s0 =	rddreg [dreg:$0x0];
	s2 =	stileid.u32  }
0x16e: {  	s1 =	rddreg [dreg:$0x1];
	p0 =	sne.s32 s2, $0x0  }
0x16f: {  	s3 =	rddreg [dreg:$0x2];
	[bflag:$0x3] =	sbarrier.arrive $0xFFFF;
	s2 =	simm.s32 @!p0 $0x1C02  }
0x170: {  	[timem:s3], [sflag:s2] =	dma.local @!p0 [hbm:s0], s1  }
0x171: {  	s0 =	simm.s32 @!p0 $0x2  }
0x172: {  	_ =	swait.ge @!p0 [sflag:s0], s1  }
0x173: {  	s1 =	ssub.s32 @!p0 $0x0, s1;
	[sflag:s0] =	ssyncset.done @!p0 $0x0  }
0x174: {  	[sflag:s0] =	ssyncadd.s32 @!p0 s1  }
0x175: {  	[bflag:$0x3] =	sbarrier.arrive $0xFFFF  }
0x176: {  	_ =	shalt  }

</sc_bundles>
